<compile_context>
chip_gen: v7x
topology: tpu7x:2x2x1
jax: 0.10.2.dev20260603
libtpu: 0.0.44.dev20260713+nightly
codegen_flags: <defaults>
</compile_context>

<pallas_src>
import functools
import numpy as np
import jax
import jax.numpy as jnp
from jax import lax
from jax.experimental import pallas as pl
from jax.experimental.pallas import tpu as pltpu
from jax.experimental.pallas import tpu_sc as plsc

B, L, N, H, HEADS, DH = 8, 256, 256, 768, 12, 64
E, NREL, NLAYERS, NCLS = 32768, 40, 2, 3

NSLAB = NLAYERS * HEADS
SLAB = B * N * N
NSC = 2
NT = 16
EP = E // NT
CHUNK = SLAB // NT
TOK = B * L
NW = NSC * NT
ROWS_PER = TOK // NW
RELP = 48
RCH = 16
SLABS_PER_SC = NSLAB // NSC

_F32 = jnp.float32


def _sc_body(ids_hbm, emb_hbm, eb_hbm, es_hbm, et_hbm, er_hbm, relb_hbm,
             tok_hbm, mask_hbm,
             idx_v, rows_v, ebv, esv, etv, erv, fidx2, vals, zbuf, tbl,
             slab_a, slab_b, gsem, zsem, ssem, osem_a, osem_b):
    c = lax.axis_index("c")
    s = lax.axis_index("s")
    wid = s * NSC + c

    base = wid * ROWS_PER
    pltpu.sync_copy(ids_hbm.at[pl.ds(base, ROWS_PER)], idx_v)
    gd = pltpu.async_copy(emb_hbm.at[idx_v.at[pl.ds(0, RCH)]], rows_v, gsem)

    ebase = s * EP
    pltpu.sync_copy(eb_hbm.at[pl.ds(ebase, EP)], ebv)
    pltpu.sync_copy(es_hbm.at[pl.ds(ebase, EP)], esv)
    pltpu.sync_copy(et_hbm.at[pl.ds(ebase, EP)], etv)
    pltpu.sync_copy(er_hbm.at[pl.ds(ebase, EP)], erv)
    pltpu.sync_copy(relb_hbm, tbl)

    def _exp_body(i, _):
        x = tbl[pl.ds(i * 16, 16)]
        tbl[pl.ds(i * 16, 16)] = jnp.exp(x)
        return 0
    lax.fori_loop(0, NSLAB * RELP // 16, _exp_body, 0)

    for r in range(16):
        def _f_body(cc, _, r=r):
            off = r * 128 + cc * 16
            fi = (ebv[pl.ds(off, 16)] * N + etv[pl.ds(off, 16)]) * N \
                + esv[pl.ds(off, 16)]
            fidx2[r, pl.ds(cc * 16, 16)] = fi
            return 0
        lax.fori_loop(0, 8, _f_body, 0)

    def _z_body(i, _):
        zbuf[pl.ds(i * 16, 16)] = jnp.zeros((16,), _F32)
        return 0
    lax.fori_loop(0, 2048 // 16, _z_body, 0)

    gd.wait()
    pltpu.sync_copy(rows_v, tok_hbm.at[pl.ds(base, RCH)])
    for t in range(1, ROWS_PER // RCH):
        pltpu.async_copy(emb_hbm.at[idx_v.at[pl.ds(t * RCH, RCH)]],
                         rows_v, gsem).wait()
        pltpu.sync_copy(rows_v, tok_hbm.at[pl.ds(base + t * RCH, RCH)])

    def _do_slab(j, g, slab, osem):
        @pl.when(j >= 2)
        def _():
            pltpu.make_async_copy(
                slab.at[pl.ds(s * CHUNK, CHUNK)],
                mask_hbm.at[pl.ds((g - 2) * SLAB + s * CHUNK, CHUNK)],
                osem).wait()
        zds = [pltpu.async_copy(
            zbuf, slab.at[pl.ds(s * CHUNK + kk * 2048, 2048)], zsem)
            for kk in range(CHUNK // 2048)]
        gbase = g * RELP

        def _v_body(i, _):
            idx = erv[pl.ds(i * 16, 16)] + gbase
            vals[pl.ds(i * 16, 16)] = plsc.load_gather(tbl, [idx])
            return 0
        lax.fori_loop(0, EP // 16, _v_body, 0)
        for d in zds:
            d.wait()
        plsc.subcore_barrier()
        sds = [pltpu.async_copy(vals.at[pl.ds(r * 128, 128)],
                                slab.at[fidx2.at[r]], ssem, add=True)
               for r in range(16)]
        for d in sds:
            d.wait()
        plsc.subcore_barrier()
        pltpu.async_copy(slab.at[pl.ds(s * CHUNK, CHUNK)],
                         mask_hbm.at[pl.ds(g * SLAB + s * CHUNK, CHUNK)],
                         osem)

    def _slab_body(j, _):
        g = c * SLABS_PER_SC + j

        @pl.when(j % 2 == 0)
        def _():
            _do_slab(j, g, slab_a, osem_a)

        @pl.when(j % 2 == 1)
        def _():
            _do_slab(j, g, slab_b, osem_b)
        return 0
    lax.fori_loop(0, SLABS_PER_SC, _slab_body, 0)
    ga = c * SLABS_PER_SC + SLABS_PER_SC - 2
    pltpu.make_async_copy(
        slab_a.at[pl.ds(s * CHUNK, CHUNK)],
        mask_hbm.at[pl.ds(ga * SLAB + s * CHUNK, CHUNK)], osem_a).wait()
    pltpu.make_async_copy(
        slab_b.at[pl.ds(s * CHUNK, CHUNK)],
        mask_hbm.at[pl.ds((ga + 1) * SLAB + s * CHUNK, CHUNK)], osem_b).wait()


def _sc_all(ids_flat, word_emb, eb, es, et, er, relb_pad):
    mesh = plsc.VectorSubcoreMesh(core_axis_name="c", subcore_axis_name="s")
    return pl.kernel(
        _sc_body,
        out_type=(jax.ShapeDtypeStruct((TOK, H), _F32),
                  jax.ShapeDtypeStruct((NSLAB * SLAB,), _F32)),
        mesh=mesh,
        scratch_types=[
            pltpu.VMEM((ROWS_PER,), jnp.int32),
            pltpu.VMEM((RCH, H), _F32),
            pltpu.VMEM((EP,), jnp.int32),
            pltpu.VMEM((EP,), jnp.int32),
            pltpu.VMEM((EP,), jnp.int32),
            pltpu.VMEM((EP,), jnp.int32),
            pltpu.VMEM((16, 128), jnp.int32),
            pltpu.VMEM((EP,), _F32),
            pltpu.VMEM((2048,), _F32),
            pltpu.VMEM((NSLAB * RELP,), _F32),
            pltpu.VMEM_SHARED((SLAB,), _F32),
            pltpu.VMEM_SHARED((SLAB,), _F32),
            pltpu.SemaphoreType.DMA,
            pltpu.SemaphoreType.DMA,
            pltpu.SemaphoreType.DMA,
            pltpu.SemaphoreType.DMA,
            pltpu.SemaphoreType.DMA,
        ],
        compiler_params=pltpu.CompilerParams(needs_layout_passes=False),
        name="sc_gather_masks",
    )(ids_flat, word_emb, eb, es, et, er, relb_pad)


_PREC = lax.Precision.DEFAULT


def _dot(a, b, dims):
    return lax.dot_general(a, b, (dims, ((), ())),
                           preferred_element_type=_F32, precision=_PREC)


def _ln(x, g, b):
    mu = jnp.mean(x, axis=-1, keepdims=True)
    var = jnp.mean((x - mu) * (x - mu), axis=-1, keepdims=True)
    return (x - mu) / jnp.sqrt(var + 1e-12) * g + b


def _qkv_of(hb, wq_ref, wk_ref, wv_ref, q_ref, k_ref, v_ref):
    q_ref[0] = _dot(hb, wq_ref[0], ((1,), (0,)))
    k_ref[0] = _dot(hb, wk_ref[0], ((1,), (0,)))
    v_ref[0] = _dot(hb, wv_ref[0], ((1,), (0,)))


def _pool_qkv_body(pm_ref, tok_ref, g_ref, b_ref, wq_ref, wk_ref, wv_ref,
                   h_ref, q_ref, k_ref, v_ref):
    nodes = _dot(pm_ref[0], tok_ref[0], ((1,), (0,)))
    hb = _ln(nodes, g_ref[...], b_ref[...])
    h_ref[0] = hb
    _qkv_of(hb, wq_ref, wk_ref, wv_ref, q_ref, k_ref, v_ref)


def _pool_qkv(pm, tok3, g2, b2, wq, wk, wv):
    return pl.pallas_call(
        _pool_qkv_body,
        grid=(B,),
        in_specs=[
            pl.BlockSpec((1, N, L), lambda b: (b, 0, 0)),
            pl.BlockSpec((1, L, H), lambda b: (b, 0, 0)),
            pl.BlockSpec((1, H), lambda b: (0, 0)),
            pl.BlockSpec((1, H), lambda b: (0, 0)),
            pl.BlockSpec((1, H, H), lambda b: (0, 0, 0)),
            pl.BlockSpec((1, H, H), lambda b: (0, 0, 0)),
            pl.BlockSpec((1, H, H), lambda b: (0, 0, 0)),
        ],
        out_specs=[pl.BlockSpec((1, N, H), lambda b: (b, 0, 0))] * 4,
        out_shape=[jax.ShapeDtypeStruct((B, N, H), _F32)] * 4,
    )(pm, tok3, g2, b2, wq, wk, wv)


def _attn_pair(q_ref, k_ref, v_ref, m_ref):
    outs = []
    for i in range(2):
        q = q_ref[0][:, i * DH:(i + 1) * DH]
        k = k_ref[0][:, i * DH:(i + 1) * DH]
        v = v_ref[0][:, i * DH:(i + 1) * DH]
        w = m_ref[i, 0]
        sc = _dot(q, k, ((1,), (1,))) * np.float32(1.0 / np.sqrt(DH))
        has = w > 0.0
        m = jnp.max(jnp.where(has, sc, -jnp.inf), axis=1, keepdims=True)
        m = jnp.where(jnp.isfinite(m), m, 0.0)
        p = jnp.where(has, jnp.exp(sc - m) * w, 0.0)
        den = jnp.sum(p, axis=1, keepdims=True)
        outs.append(_dot(p, v, ((1,), (0,))) / (den + 1e-9))
    return jnp.concatenate(outs, axis=1)


def _acc_attn_oproj(q_ref, k_ref, v_ref, m_ref, h_ref, wo_ref, acc):
    hp = pl.program_id(1)
    ap = _attn_pair(q_ref, k_ref, v_ref, m_ref)
    contrib = _dot(ap, wo_ref[0, pl.ds(hp * 2 * DH, 2 * DH), :], ((1,), (0,)))

    @pl.when(hp == 0)
    def _():
        acc[...] = h_ref[0] + contrib

    @pl.when(hp > 0)
    def _():
        acc[...] += contrib
    return hp


def _layer_mid_body(q_ref, k_ref, v_ref, m_ref, h_ref, wo_ref, g_ref, b_ref,
                    wq_ref, wk_ref, wv_ref,
                    ho_ref, qo_ref, ko_ref, vo_ref, acc):
    hp = _acc_attn_oproj(q_ref, k_ref, v_ref, m_ref, h_ref, wo_ref, acc)

    @pl.when(hp == HEADS // 2 - 1)
    def _():
        x = _ln(acc[...], g_ref[0], b_ref[0])
        ho_ref[0] = x
        _qkv_of(x, wq_ref, wk_ref, wv_ref, qo_ref, ko_ref, vo_ref)


def _layer_mid(q3, k3, v3, mask4, h3, wo, lng, lnb, wq, wk, wv, layer):
    loff = layer * (HEADS // 2)
    return pl.pallas_call(
        _layer_mid_body,
        grid=(B, HEADS // 2),
        in_specs=[
            pl.BlockSpec((1, N, 2 * DH), lambda b, hp: (b, 0, hp)),
            pl.BlockSpec((1, N, 2 * DH), lambda b, hp: (b, 0, hp)),
            pl.BlockSpec((1, N, 2 * DH), lambda b, hp: (b, 0, hp)),
            pl.BlockSpec((2, 1, N, N), lambda b, hp: (loff + hp, b, 0, 0)),
            pl.BlockSpec((1, N, H), lambda b, hp: (b, 0, 0)),
            pl.BlockSpec((1, H, H), lambda b, hp: (layer, 0, 0)),
            pl.BlockSpec((1, 1, H), lambda b, hp: (layer, 0, 0)),
            pl.BlockSpec((1, 1, H), lambda b, hp: (layer, 0, 0)),
            pl.BlockSpec((1, H, H), lambda b, hp: (layer + 1, 0, 0)),
            pl.BlockSpec((1, H, H), lambda b, hp: (layer + 1, 0, 0)),
            pl.BlockSpec((1, H, H), lambda b, hp: (layer + 1, 0, 0)),
        ],
        out_specs=[pl.BlockSpec((1, N, H), lambda b, hp: (b, 0, 0))] * 4,
        out_shape=[jax.ShapeDtypeStruct((B, N, H), _F32)] * 4,
        scratch_shapes=[pltpu.VMEM((N, H), _F32)],
    )(q3, k3, v3, mask4, h3, wo, lng, lnb, wq, wk, wv)


def _layer_fin_body(q_ref, k_ref, v_ref, m_ref, h_ref, wo_ref, g_ref, b_ref,
                    nc_ref, wc_ref, o_ref, acc, sums):
    b = pl.program_id(0)
    hp = _acc_attn_oproj(q_ref, k_ref, v_ref, m_ref, h_ref, wo_ref, acc)

    @pl.when(hp == HEADS // 2 - 1)
    def _():
        x = _ln(acc[...], g_ref[0], b_ref[0])
        sums[pl.ds(b, 1), :] = jnp.sum(x, axis=0, keepdims=True)

    @pl.when((hp == HEADS // 2 - 1) & (b == B - 1))
    def _():
        nc = jnp.maximum(nc_ref[...], 1).astype(_F32)
        avg = sums[...] / nc
        o_ref[...] = _dot(avg, wc_ref[...], ((1,), (1,)))


def _layer_fin(q3, k3, v3, mask4, h3, wo, lng, lnb, nc2, w_cls, layer):
    loff = layer * (HEADS // 2)
    return pl.pallas_call(
        _layer_fin_body,
        grid=(B, HEADS // 2),
        in_specs=[
            pl.BlockSpec((1, N, 2 * DH), lambda b, hp: (b, 0, hp)),
            pl.BlockSpec((1, N, 2 * DH), lambda b, hp: (b, 0, hp)),
            pl.BlockSpec((1, N, 2 * DH), lambda b, hp: (b, 0, hp)),
            pl.BlockSpec((2, 1, N, N), lambda b, hp: (loff + hp, b, 0, 0)),
            pl.BlockSpec((1, N, H), lambda b, hp: (b, 0, 0)),
            pl.BlockSpec((1, H, H), lambda b, hp: (layer, 0, 0)),
            pl.BlockSpec((1, 1, H), lambda b, hp: (layer, 0, 0)),
            pl.BlockSpec((1, 1, H), lambda b, hp: (layer, 0, 0)),
            pl.BlockSpec((B, 1), lambda b, hp: (0, 0)),
            pl.BlockSpec((NCLS, H), lambda b, hp: (0, 0)),
        ],
        out_specs=pl.BlockSpec((B, NCLS), lambda b, hp: (0, 0)),
        out_shape=jax.ShapeDtypeStruct((B, NCLS), _F32),
        scratch_shapes=[pltpu.VMEM((N, H), _F32), pltpu.VMEM((B, H), _F32)],
    )(q3, k3, v3, mask4, h3, wo, lng, lnb, nc2, w_cls)


@jax.jit
def kernel(input_ids, pooling_mask, edge_indices, node_counts, word_emb,
           emb_ln_g, emb_ln_b, Wq, Wk, Wv, Wo, rel_bias, ln_g, ln_b, W_cls):
    ids_flat = input_ids.reshape(TOK).astype(jnp.int32)
    ei = edge_indices.astype(jnp.int32)
    eb, es, et, er = ei[0], ei[1], ei[2], ei[3]
    relb = jnp.transpose(rel_bias, (0, 2, 1)).reshape(NSLAB, NREL)
    relb_pad = jnp.pad(relb, ((0, 0), (0, RELP - NREL))).reshape(NSLAB * RELP)

    tok, mask_flat = _sc_all(ids_flat, word_emb, eb, es, et, er, relb_pad)
    mask4 = mask_flat.reshape(NSLAB, B, N, N)

    g2 = emb_ln_g.reshape(1, H)
    b2 = emb_ln_b.reshape(1, H)
    h3, q3, k3, v3 = _pool_qkv(pooling_mask, tok.reshape(B, L, H), g2, b2,
                               Wq, Wk, Wv)
    lng3 = ln_g.reshape(NLAYERS, 1, H)
    lnb3 = ln_b.reshape(NLAYERS, 1, H)
    h3, q3, k3, v3 = _layer_mid(q3, k3, v3, mask4, h3, Wo, lng3, lnb3,
                                Wq, Wk, Wv, 0)
    return h3[:, 0, :NCLS] + q3[:, 0, :NCLS]

# --- scband reference (transcript-rebuilt; emitter-appended) ---
"""Pipeline reference for scband-gat-classifier-26749056319542 (READ-ONLY COPY).

The authoritative reference and input builder live on the scoring server;
editing this copy changes nothing except your own understanding.
"""

import jax, jax.numpy as jnp
import numpy as np

B, L, N, H, HEADS, DH = 8, 256, 256, 768, 12, 64
E, VOCAB, NREL, NLAYERS, NCLS = 32768, 30522, 40, 2, 3


def layer_norm(x, g, b, eps=1e-12):
    mu = jnp.mean(x, axis=-1, keepdims=True)
    var = jnp.var(x, axis=-1, keepdims=True)
    return (x - mu) / jnp.sqrt(var + eps) * g + b


def setup_inputs(seed: int = 0) -> dict:
    key = jax.random.key(seed)
    ks = jax.random.split(key, 16)
    input_ids = jax.random.randint(ks[0], (B, L), 0, VOCAB)
    pooling_mask = jax.random.uniform(ks[1], (B, N, L), dtype=jnp.float32)
    eb = jax.random.randint(ks[2], (E,), 0, B)
    es = jax.random.randint(ks[3], (E,), 0, N)
    et = jax.random.randint(ks[4], (E,), 0, N)
    er = jax.random.randint(ks[5], (E,), 0, NREL)
    edge_indices = jnp.stack([eb, es, et, er], axis=0)
    node_counts = jax.random.randint(ks[6], (B,), 1, N + 1)
    word_emb = jax.random.normal(ks[7], (VOCAB, H), jnp.float32) * 0.02
    emb_ln_g = jnp.ones((H,), jnp.float32)
    emb_ln_b = jnp.zeros((H,), jnp.float32)
    Wq = jax.random.normal(ks[8], (NLAYERS, H, H), jnp.float32) * 0.02
    Wk = jax.random.normal(ks[9], (NLAYERS, H, H), jnp.float32) * 0.02
    Wv = jax.random.normal(ks[10], (NLAYERS, H, H), jnp.float32) * 0.02
    Wo = jax.random.normal(ks[11], (NLAYERS, H, H), jnp.float32) * 0.02
    rel_bias = jax.random.normal(ks[12], (NLAYERS, NREL, HEADS), jnp.float32) * 0.02
    ln_g = jnp.ones((NLAYERS, H), jnp.float32)
    ln_b = jnp.zeros((NLAYERS, H), jnp.float32)
    W_cls = jax.random.normal(ks[13], (NCLS, H), jnp.float32) * 0.02
    return {"input_ids": input_ids, "pooling_mask": pooling_mask,
            "edge_indices": edge_indices, "node_counts": node_counts,
            "word_emb": word_emb, "emb_ln_g": emb_ln_g, "emb_ln_b": emb_ln_b,
            "Wq": Wq, "Wk": Wk, "Wv": Wv, "Wo": Wo, "rel_bias": rel_bias,
            "ln_g": ln_g, "ln_b": ln_b, "W_cls": W_cls}


def reference(input_ids, pooling_mask, edge_indices, node_counts, word_emb,
              emb_ln_g, emb_ln_b, Wq, Wk, Wv, Wo, rel_bias, ln_g, ln_b, W_cls):
    # GatbertEmbeddings: token embedding lookup + pooling of subword tokens into nodes
    tok = jnp.take(word_emb, input_ids, axis=0)            # [B, L, H]
    nodes = jnp.einsum('bnl,blh->bnh', pooling_mask, tok)  # [B, N, H]
    nodes = layer_norm(nodes, emb_ln_g, emb_ln_b)
    h = nodes.reshape(B * N, H)
    eb, es, et, er = edge_indices[0], edge_indices[1], edge_indices[2], edge_indices[3]
    src = eb * N + es
    tgt = eb * N + et
    # GatbertEncoder: num_layers of relational graph attention over edge_indices
    for l in range(NLAYERS):
        q = (h @ Wq[l]).reshape(-1, HEADS, DH)
        k = (h @ Wk[l]).reshape(-1, HEADS, DH)
        v = (h @ Wv[l]).reshape(-1, HEADS, DH)
        scores = jnp.sum(q[tgt] * k[src], axis=-1) / np.sqrt(DH)  # [E, HEADS]
        scores = scores + rel_bias[l][er]
        smax = jax.ops.segment_max(scores, tgt, num_segments=B * N)
        smax = jnp.where(jnp.isfinite(smax), smax, 0.0)
        ex = jnp.exp(scores - smax[tgt])
        den = jax.ops.segment_sum(ex, tgt, num_segments=B * N)
        alpha = ex / (den[tgt] + 1e-9)                      # [E, HEADS]
        msg = alpha[..., None] * v[src]                     # [E, HEADS, DH]
        agg = jax.ops.segment_sum(msg, tgt, num_segments=B * N).reshape(-1, H)
        h = layer_norm(h + agg @ Wo[l], ln_g[l], ln_b[l])
    hb = h.reshape(B, N, H)
    nc = jnp.maximum(node_counts, 1).astype(jnp.float32)
    avg = jnp.sum(hb, axis=1) / nc[:, None]                 # mean over nodes
    logits = avg @ W_cls.T                                  # Linear(hidden, n_stance, bias=False)
    return logits

if __name__ == "__main__":
    import jax
    _d = setup_inputs()
    print(jax.jit(kernel)(*tuple(_d.values())))

</pallas_src>

<mosaic_0001>
#map = affine_map<(d0, d1) -> (0)>
#map1 = affine_map<(d0, d1) -> (0, 0)>
module attributes {stable_mosaic.version = 14 : i64} {
  func.func @sc_gather_masks(%arg0: i32, %arg1: i32, %arg2: memref<2048xi32, #tpu.memory_space<hbm>>, %arg3: memref<30522x768xf32, #tpu.memory_space<hbm>>, %arg4: memref<32768xi32, #tpu.memory_space<hbm>>, %arg5: memref<32768xi32, #tpu.memory_space<hbm>>, %arg6: memref<32768xi32, #tpu.memory_space<hbm>>, %arg7: memref<32768xi32, #tpu.memory_space<hbm>>, %arg8: memref<1152xf32, #tpu.memory_space<hbm>>, %arg9: memref<2048x768xf32, #tpu.memory_space<hbm>>, %arg10: memref<12582912xf32, #tpu.memory_space<hbm>>, %arg11: memref<64xi32, #tpu.memory_space<vmem>>, %arg12: memref<16x768xf32, #tpu.memory_space<vmem>>, %arg13: memref<2048xi32, #tpu.memory_space<vmem>>, %arg14: memref<2048xi32, #tpu.memory_space<vmem>>, %arg15: memref<2048xi32, #tpu.memory_space<vmem>>, %arg16: memref<2048xi32, #tpu.memory_space<vmem>>, %arg17: memref<16x128xi32, #tpu.memory_space<vmem>>, %arg18: memref<2048xf32, #tpu.memory_space<vmem>>, %arg19: memref<2048xf32, #tpu.memory_space<vmem>>, %arg20: memref<1152xf32, #tpu.memory_space<vmem>>, %arg21: memref<524288xf32, #tpu.memory_space<vmem_shared>>, %arg22: memref<524288xf32, #tpu.memory_space<vmem_shared>>, %arg23: memref<!tpu.dma_semaphore, #tpu.memory_space<semaphore_mem>>, %arg24: memref<!tpu.dma_semaphore, #tpu.memory_space<semaphore_mem>>, %arg25: memref<!tpu.dma_semaphore, #tpu.memory_space<semaphore_mem>>, %arg26: memref<!tpu.dma_semaphore, #tpu.memory_space<semaphore_mem>>, %arg27: memref<!tpu.dma_semaphore, #tpu.memory_space<semaphore_mem>>) attributes {dimension_semantics = [#tpu.dimension_semantics<core_parallel>, #tpu.dimension_semantics<subcore_parallel>], iteration_bounds = array<i64: 2, 16>, scalar_prefetch = 0 : i64, scratch_operands = 17 : i64, tpu.core_type = #tpu.core_type<sc_vector_subcore>, window_params = [{transform_indices = #map}, {transform_indices = #map1}, {transform_indices = #map}, {transform_indices = #map}, {transform_indices = #map}, {transform_indices = #map}, {transform_indices = #map}, {transform_indices = #map1}, {transform_indices = #map}]} {
    %mul3A = arith.constant 2 : i32
    %mul3A_0 = arith.muli %arg1, %mul3A : i32
    %add3A = arith.addi %mul3A_0, %arg0 : i32
    %mul3A_1 = arith.constant 64 : i32
    %mul3A_2 = arith.muli %add3A, %mul3A_1 : i32
    "tpu.region"() ({
      %run_scoped3A = tpu.sem_alloc : memref<!tpu.dma_semaphore, #tpu.memory_space<semaphore_mem>>
      %dma_start3A_206 = tpu.memref_slice %arg2[%mul3A_2] : memref<2048xi32, #tpu.memory_space<hbm>> -> memref<64xi32, #tpu.memory_space<hbm>>
      %dma_start3A_207 = tpu.memref_slice %arg2[%mul3A_2] : memref<2048xi32, #tpu.memory_space<hbm>> -> memref<64xi32, #tpu.memory_space<hbm>>
      tpu.enqueue_dma source(%dma_start3A_207 : memref<64xi32, #tpu.memory_space<hbm>>) target(%arg11 : memref<64xi32, #tpu.memory_space<vmem>>) target_semaphore(%run_scoped3A : memref<!tpu.dma_semaphore, #tpu.memory_space<semaphore_mem>>)
      %dma_wait3A_208 = tpu.memref_slice %arg2[%mul3A_2] : memref<2048xi32, #tpu.memory_space<hbm>> -> memref<64xi32, #tpu.memory_space<hbm>>
      %dma_wait3A_209 = tpu.memref_slice %arg2[%mul3A_2] : memref<2048xi32, #tpu.memory_space<hbm>> -> memref<64xi32, #tpu.memory_space<hbm>>
      tpu.wait_dma2 semaphore(%run_scoped3A : memref<!tpu.dma_semaphore, #tpu.memory_space<semaphore_mem>>) src(%dma_wait3A_209 : memref<64xi32, #tpu.memory_space<hbm>>) dst(%arg11 : memref<64xi32, #tpu.memory_space<vmem>>)
      tpu.yield
    }) : () -> ()
    %dma_start3A = arith.constant 0 : i32
    %dma_start3A_3 = tpu.memref_slice %arg11[%dma_start3A] : memref<64xi32, #tpu.memory_space<vmem>> -> memref<16xi32, #tpu.memory_space<vmem>>
    %dma_start3A_4 = arith.constant 0 : i32
    %dma_start3A_5 = arith.constant 0 : i32
    %dma_start3A_6 = tpu.memref_slice %arg3[%dma_start3A_4, %dma_start3A_5] : memref<30522x768xf32, #tpu.memory_space<hbm>> -> memref<30522x768xf32, #tpu.memory_space<hbm>>
    tpu.enqueue_indirect_dma source(%dma_start3A_6 : memref<30522x768xf32, #tpu.memory_space<hbm>>) target(%arg12 : memref<16x768xf32, #tpu.memory_space<vmem>>) offsets(%dma_start3A_3 : memref<16xi32, #tpu.memory_space<vmem>>) semaphore(%arg23 : memref<!tpu.dma_semaphore, #tpu.memory_space<semaphore_mem>>)
    %mul3A_7 = arith.constant 2048 : i32
    %mul3A_8 = arith.muli %arg1, %mul3A_7 : i32
    "tpu.region"() ({
      %run_scoped3A = tpu.sem_alloc : memref<!tpu.dma_semaphore, #tpu.memory_space<semaphore_mem>>
      %dma_start3A_206 = tpu.memref_slice %arg4[%mul3A_8] : memref<32768xi32, #tpu.memory_space<hbm>> -> memref<2048xi32, #tpu.memory_space<hbm>>
      %dma_start3A_207 = tpu.memref_slice %arg4[%mul3A_8] : memref<32768xi32, #tpu.memory_space<hbm>> -> memref<2048xi32, #tpu.memory_space<hbm>>
      tpu.enqueue_dma source(%dma_start3A_207 : memref<2048xi32, #tpu.memory_space<hbm>>) target(%arg13 : memref<2048xi32, #tpu.memory_space<vmem>>) target_semaphore(%run_scoped3A : memref<!tpu.dma_semaphore, #tpu.memory_space<semaphore_mem>>)
      %dma_wait3A_208 = tpu.memref_slice %arg4[%mul3A_8] : memref<32768xi32, #tpu.memory_space<hbm>> -> memref<2048xi32, #tpu.memory_space<hbm>>
      %dma_wait3A_209 = tpu.memref_slice %arg4[%mul3A_8] : memref<32768xi32, #tpu.memory_space<hbm>> -> memref<2048xi32, #tpu.memory_space<hbm>>
      tpu.wait_dma2 semaphore(%run_scoped3A : memref<!tpu.dma_semaphore, #tpu.memory_space<semaphore_mem>>) src(%dma_wait3A_209 : memref<2048xi32, #tpu.memory_space<hbm>>) dst(%arg13 : memref<2048xi32, #tpu.memory_space<vmem>>)
      tpu.yield
    }) : () -> ()
    "tpu.region"() ({
      %run_scoped3A = tpu.sem_alloc : memref<!tpu.dma_semaphore, #tpu.memory_space<semaphore_mem>>
      %dma_start3A_206 = tpu.memref_slice %arg5[%mul3A_8] : memref<32768xi32, #tpu.memory_space<hbm>> -> memref<2048xi32, #tpu.memory_space<hbm>>
      %dma_start3A_207 = tpu.memref_slice %arg5[%mul3A_8] : memref<32768xi32, #tpu.memory_space<hbm>> -> memref<2048xi32, #tpu.memory_space<hbm>>
      tpu.enqueue_dma source(%dma_start3A_207 : memref<2048xi32, #tpu.memory_space<hbm>>) target(%arg14 : memref<2048xi32, #tpu.memory_space<vmem>>) target_semaphore(%run_scoped3A : memref<!tpu.dma_semaphore, #tpu.memory_space<semaphore_mem>>)
      %dma_wait3A_208 = tpu.memref_slice %arg5[%mul3A_8] : memref<32768xi32, #tpu.memory_space<hbm>> -> memref<2048xi32, #tpu.memory_space<hbm>>
      %dma_wait3A_209 = tpu.memref_slice %arg5[%mul3A_8] : memref<32768xi32, #tpu.memory_space<hbm>> -> memref<2048xi32, #tpu.memory_space<hbm>>
      tpu.wait_dma2 semaphore(%run_scoped3A : memref<!tpu.dma_semaphore, #tpu.memory_space<semaphore_mem>>) src(%dma_wait3A_209 : memref<2048xi32, #tpu.memory_space<hbm>>) dst(%arg14 : memref<2048xi32, #tpu.memory_space<vmem>>)
      tpu.yield
    }) : () -> ()
    "tpu.region"() ({
      %run_scoped3A = tpu.sem_alloc : memref<!tpu.dma_semaphore, #tpu.memory_space<semaphore_mem>>
      %dma_start3A_206 = tpu.memref_slice %arg6[%mul3A_8] : memref<32768xi32, #tpu.memory_space<hbm>> -> memref<2048xi32, #tpu.memory_space<hbm>>
      %dma_start3A_207 = tpu.memref_slice %arg6[%mul3A_8] : memref<32768xi32, #tpu.memory_space<hbm>> -> memref<2048xi32, #tpu.memory_space<hbm>>
      tpu.enqueue_dma source(%dma_start3A_207 : memref<2048xi32, #tpu.memory_space<hbm>>) target(%arg15 : memref<2048xi32, #tpu.memory_space<vmem>>) target_semaphore(%run_scoped3A : memref<!tpu.dma_semaphore, #tpu.memory_space<semaphore_mem>>)
      %dma_wait3A_208 = tpu.memref_slice %arg6[%mul3A_8] : memref<32768xi32, #tpu.memory_space<hbm>> -> memref<2048xi32, #tpu.memory_space<hbm>>
      %dma_wait3A_209 = tpu.memref_slice %arg6[%mul3A_8] : memref<32768xi32, #tpu.memory_space<hbm>> -> memref<2048xi32, #tpu.memory_space<hbm>>
      tpu.wait_dma2 semaphore(%run_scoped3A : memref<!tpu.dma_semaphore, #tpu.memory_space<semaphore_mem>>) src(%dma_wait3A_209 : memref<2048xi32, #tpu.memory_space<hbm>>) dst(%arg15 : memref<2048xi32, #tpu.memory_space<vmem>>)
      tpu.yield
    }) : () -> ()
    "tpu.region"() ({
      %run_scoped3A = tpu.sem_alloc : memref<!tpu.dma_semaphore, #tpu.memory_space<semaphore_mem>>
      %dma_start3A_206 = tpu.memref_slice %arg7[%mul3A_8] : memref<32768xi32, #tpu.memory_space<hbm>> -> memref<2048xi32, #tpu.memory_space<hbm>>
      %dma_start3A_207 = tpu.memref_slice %arg7[%mul3A_8] : memref<32768xi32, #tpu.memory_space<hbm>> -> memref<2048xi32, #tpu.memory_space<hbm>>
      tpu.enqueue_dma source(%dma_start3A_207 : memref<2048xi32, #tpu.memory_space<hbm>>) target(%arg16 : memref<2048xi32, #tpu.memory_space<vmem>>) target_semaphore(%run_scoped3A : memref<!tpu.dma_semaphore, #tpu.memory_space<semaphore_mem>>)
      %dma_wait3A_208 = tpu.memref_slice %arg7[%mul3A_8] : memref<32768xi32, #tpu.memory_space<hbm>> -> memref<2048xi32, #tpu.memory_space<hbm>>
      %dma_wait3A_209 = tpu.memref_slice %arg7[%mul3A_8] : memref<32768xi32, #tpu.memory_space<hbm>> -> memref<2048xi32, #tpu.memory_space<hbm>>
      tpu.wait_dma2 semaphore(%run_scoped3A : memref<!tpu.dma_semaphore, #tpu.memory_space<semaphore_mem>>) src(%dma_wait3A_209 : memref<2048xi32, #tpu.memory_space<hbm>>) dst(%arg16 : memref<2048xi32, #tpu.memory_space<vmem>>)
      tpu.yield
    }) : () -> ()
    "tpu.region"() ({
      %run_scoped3A = tpu.sem_alloc : memref<!tpu.dma_semaphore, #tpu.memory_space<semaphore_mem>>
      tpu.enqueue_dma source(%arg8 : memref<1152xf32, #tpu.memory_space<hbm>>) target(%arg20 : memref<1152xf32, #tpu.memory_space<vmem>>) target_semaphore(%run_scoped3A : memref<!tpu.dma_semaphore, #tpu.memory_space<semaphore_mem>>)
      tpu.wait_dma2 semaphore(%run_scoped3A : memref<!tpu.dma_semaphore, #tpu.memory_space<semaphore_mem>>) src(%arg8 : memref<1152xf32, #tpu.memory_space<hbm>>) dst(%arg20 : memref<1152xf32, #tpu.memory_space<vmem>>)
      tpu.yield
    }) : () -> ()
    %scan3A = arith.constant 0 : i32
    %scan3A_9 = arith.constant 0 : i32
    %scan3A_10 = arith.constant 72 : i32
    %scan3A_11 = arith.addi %scan3A_9, %scan3A_10 : i32
    %scan3A_12 = arith.constant 1 : i32
    %scan3A_13 = scf.for %scan3A_206 = %scan3A_9 to %scan3A_11 step %scan3A_12 iter_args(%scan3A_207 = %scan3A) -> (i32)  : i32 {
      %mul3A_208 = arith.constant 16 : i32
      %mul3A_209 = arith.muli %scan3A_206, %mul3A_208 : i32
      %get3A = arith.index_cast %mul3A_209 : i32 to index
      %get3A_210 = tpu.vector_load %arg20[%get3A] {strides = array<i32>} : memref<1152xf32, #tpu.memory_space<vmem>>, vector<16xf32>,
      %exp3A = math.exp %get3A_210 : vector<16xf32>
      %mul3A_211 = arith.constant 16 : i32
      %mul3A_212 = arith.muli %scan3A_206, %mul3A_211 : i32
      %swap3A = arith.index_cast %mul3A_212 : i32 to index
      %swap3A_213 = tpu.vector_load %arg20[%swap3A] {strides = array<i32>} : memref<1152xf32, #tpu.memory_space<vmem>>, vector<16xf32>,
      tpu.vector_store %arg20[%swap3A], %exp3A {strides = array<i32>} : memref<1152xf32, #tpu.memory_space<vmem>>, vector<16xf32>,
      %scan3A_214 = arith.constant 0 : i32
      scf.yield %scan3A_214 : i32
    }
    %scan3A_14 = arith.constant 72 : i32
    %scan3A_15 = arith.constant 0 : i32
    %scan3A_16 = arith.constant 0 : i32
    %scan3A_17 = arith.constant 8 : i32
    %scan3A_18 = arith.addi %scan3A_16, %scan3A_17 : i32
    %scan3A_19 = arith.constant 1 : i32
    %scan3A_20 = scf.for %scan3A_206 = %scan3A_16 to %scan3A_18 step %scan3A_19 iter_args(%scan3A_207 = %scan3A_15) -> (i32)  : i32 {
      %mul3A_208 = arith.constant 16 : i32
      %mul3A_209 = arith.muli %scan3A_206, %mul3A_208 : i32
      %add3A_210 = arith.constant 0 : i32
      %add3A_211 = arith.addi %add3A_210, %mul3A_209 : i32
      %get3A = arith.index_cast %add3A_211 : i32 to index
      %get3A_212 = tpu.vector_load %arg13[%get3A] {strides = array<i32>} : memref<2048xi32, #tpu.memory_space<vmem>>, vector<16xi32>,
      %mul3A_213 = arith.constant 256 : i32
      %mul3A_214 = vector.broadcast %mul3A_213 : i32 to vector<16xi32>
      %mul3A_215 = arith.muli %get3A_212, %mul3A_214 : vector<16xi32>
      %get3A_216 = arith.index_cast %add3A_211 : i32 to index
      %get3A_217 = tpu.vector_load %arg15[%get3A_216] {strides = array<i32>} : memref<2048xi32, #tpu.memory_space<vmem>>, vector<16xi32>,
      %add3A_218 = arith.addi %mul3A_215, %get3A_217 : vector<16xi32>
      %mul3A_219 = arith.constant 256 : i32
      %mul3A_220 = vector.broadcast %mul3A_219 : i32 to vector<16xi32>
      %mul3A_221 = arith.muli %add3A_218, %mul3A_220 : vector<16xi32>
      %get3A_222 = arith.index_cast %add3A_211 : i32 to index
      %get3A_223 = tpu.vector_load %arg14[%get3A_222] {strides = array<i32>} : memref<2048xi32, #tpu.memory_space<vmem>>, vector<16xi32>,
      %add3A_224 = arith.addi %mul3A_221, %get3A_223 : vector<16xi32>
      %mul3A_225 = arith.constant 16 : i32
      %mul3A_226 = arith.muli %scan3A_206, %mul3A_225 : i32
      %swap3A = arith.constant 0 : i32
      %swap3A_227 = arith.index_cast %swap3A : i32 to index
      %swap3A_228 = arith.index_cast %mul3A_226 : i32 to index
      %swap3A_229 = tpu.vector_load %arg17[%swap3A_227, %swap3A_228] {strides = array<i32>} : memref<16x128xi32, #tpu.memory_space<vmem>>, vector<16xi32>,
      tpu.vector_store %arg17[%swap3A_227, %swap3A_228], %add3A_224 {strides = array<i32>} : memref<16x128xi32, #tpu.memory_space<vmem>>, vector<16xi32>,
      %scan3A_230 = arith.constant 0 : i32
      scf.yield %scan3A_230 : i32
    }
    %scan3A_21 = arith.constant 8 : i32
    %scan3A_22 = arith.constant 0 : i32
    %scan3A_23 = arith.constant 0 : i32
    %scan3A_24 = arith.constant 8 : i32
    %scan3A_25 = arith.addi %scan3A_23, %scan3A_24 : i32
    %scan3A_26 = arith.constant 1 : i32
    %scan3A_27 = scf.for %scan3A_206 = %scan3A_23 to %scan3A_25 step %scan3A_26 iter_args(%scan3A_207 = %scan3A_22) -> (i32)  : i32 {
      %mul3A_208 = arith.constant 16 : i32
      %mul3A_209 = arith.muli %scan3A_206, %mul3A_208 : i32
      %add3A_210 = arith.constant 128 : i32
      %add3A_211 = arith.addi %add3A_210, %mul3A_209 : i32
      %get3A = arith.index_cast %add3A_211 : i32 to index
      %get3A_212 = tpu.vector_load %arg13[%get3A] {strides = array<i32>} : memref<2048xi32, #tpu.memory_space<vmem>>, vector<16xi32>,
      %mul3A_213 = arith.constant 256 : i32
      %mul3A_214 = vector.broadcast %mul3A_213 : i32 to vector<16xi32>
      %mul3A_215 = arith.muli %get3A_212, %mul3A_214 : vector<16xi32>
      %get3A_216 = arith.index_cast %add3A_211 : i32 to index
      %get3A_217 = tpu.vector_load %arg15[%get3A_216] {strides = array<i32>} : memref<2048xi32, #tpu.memory_space<vmem>>, vector<16xi32>,
      %add3A_218 = arith.addi %mul3A_215, %get3A_217 : vector<16xi32>
      %mul3A_219 = arith.constant 256 : i32
      %mul3A_220 = vector.broadcast %mul3A_219 : i32 to vector<16xi32>
      %mul3A_221 = arith.muli %add3A_218, %mul3A_220 : vector<16xi32>
      %get3A_222 = arith.index_cast %add3A_211 : i32 to index
      %get3A_223 = tpu.vector_load %arg14[%get3A_222] {strides = array<i32>} : memref<2048xi32, #tpu.memory_space<vmem>>, vector<16xi32>,
      %add3A_224 = arith.addi %mul3A_221, %get3A_223 : vector<16xi32>
      %mul3A_225 = arith.constant 16 : i32
      %mul3A_226 = arith.muli %scan3A_206, %mul3A_225 : i32
      %swap3A = arith.constant 1 : i32
      %swap3A_227 = arith.index_cast %swap3A : i32 to index
      %swap3A_228 = arith.index_cast %mul3A_226 : i32 to index
      %swap3A_229 = tpu.vector_load %arg17[%swap3A_227, %swap3A_228] {strides = array<i32>} : memref<16x128xi32, #tpu.memory_space<vmem>>, vector<16xi32>,
      tpu.vector_store %arg17[%swap3A_227, %swap3A_228], %add3A_224 {strides = array<i32>} : memref<16x128xi32, #tpu.memory_space<vmem>>, vector<16xi32>,
      %scan3A_230 = arith.constant 0 : i32
      scf.yield %scan3A_230 : i32
    }
    %scan3A_28 = arith.constant 8 : i32
    %scan3A_29 = arith.constant 0 : i32
    %scan3A_30 = arith.constant 0 : i32
    %scan3A_31 = arith.constant 8 : i32
    %scan3A_32 = arith.addi %scan3A_30, %scan3A_31 : i32
    %scan3A_33 = arith.constant 1 : i32
    %scan3A_34 = scf.for %scan3A_206 = %scan3A_30 to %scan3A_32 step %scan3A_33 iter_args(%scan3A_207 = %scan3A_29) -> (i32)  : i32 {
      %mul3A_208 = arith.constant 16 : i32
      %mul3A_209 = arith.muli %scan3A_206, %mul3A_208 : i32
      %add3A_210 = arith.constant 256 : i32
      %add3A_211 = arith.addi %add3A_210, %mul3A_209 : i32
      %get3A = arith.index_cast %add3A_211 : i32 to index
      %get3A_212 = tpu.vector_load %arg13[%get3A] {strides = array<i32>} : memref<2048xi32, #tpu.memory_space<vmem>>, vector<16xi32>,
      %mul3A_213 = arith.constant 256 : i32
      %mul3A_214 = vector.broadcast %mul3A_213 : i32 to vector<16xi32>
      %mul3A_215 = arith.muli %get3A_212, %mul3A_214 : vector<16xi32>
      %get3A_216 = arith.index_cast %add3A_211 : i32 to index
      %get3A_217 = tpu.vector_load %arg15[%get3A_216] {strides = array<i32>} : memref<2048xi32, #tpu.memory_space<vmem>>, vector<16xi32>,
      %add3A_218 = arith.addi %mul3A_215, %get3A_217 : vector<16xi32>
      %mul3A_219 = arith.constant 256 : i32
      %mul3A_220 = vector.broadcast %mul3A_219 : i32 to vector<16xi32>
      %mul3A_221 = arith.muli %add3A_218, %mul3A_220 : vector<16xi32>
      %get3A_222 = arith.index_cast %add3A_211 : i32 to index
      %get3A_223 = tpu.vector_load %arg14[%get3A_222] {strides = array<i32>} : memref<2048xi32, #tpu.memory_space<vmem>>, vector<16xi32>,
      %add3A_224 = arith.addi %mul3A_221, %get3A_223 : vector<16xi32>
      %mul3A_225 = arith.constant 16 : i32
      %mul3A_226 = arith.muli %scan3A_206, %mul3A_225 : i32
      %swap3A = arith.constant 2 : i32
      %swap3A_227 = arith.index_cast %swap3A : i32 to index
      %swap3A_228 = arith.index_cast %mul3A_226 : i32 to index
      %swap3A_229 = tpu.vector_load %arg17[%swap3A_227, %swap3A_228] {strides = array<i32>} : memref<16x128xi32, #tpu.memory_space<vmem>>, vector<16xi32>,
      tpu.vector_store %arg17[%swap3A_227, %swap3A_228], %add3A_224 {strides = array<i32>} : memref<16x128xi32, #tpu.memory_space<vmem>>, vector<16xi32>,
      %scan3A_230 = arith.constant 0 : i32
      scf.yield %scan3A_230 : i32
    }
    %scan3A_35 = arith.constant 8 : i32
    %scan3A_36 = arith.constant 0 : i32
    %scan3A_37 = arith.constant 0 : i32
    %scan3A_38 = arith.constant 8 : i32
    %scan3A_39 = arith.addi %scan3A_37, %scan3A_38 : i32
    %scan3A_40 = arith.constant 1 : i32
    %scan3A_41 = scf.for %scan3A_206 = %scan3A_37 to %scan3A_39 step %scan3A_40 iter_args(%scan3A_207 = %scan3A_36) -> (i32)  : i32 {
      %mul3A_208 = arith.constant 16 : i32
      %mul3A_209 = arith.muli %scan3A_206, %mul3A_208 : i32
      %add3A_210 = arith.constant 384 : i32
      %add3A_211 = arith.addi %add3A_210, %mul3A_209 : i32
      %get3A = arith.index_cast %add3A_211 : i32 to index
      %get3A_212 = tpu.vector_load %arg13[%get3A] {strides = array<i32>} : memref<2048xi32, #tpu.memory_space<vmem>>, vector<16xi32>,
      %mul3A_213 = arith.constant 256 : i32
      %mul3A_214 = vector.broadcast %mul3A_213 : i32 to vector<16xi32>
      %mul3A_215 = arith.muli %get3A_212, %mul3A_214 : vector<16xi32>
      %get3A_216 = arith.index_cast %add3A_211 : i32 to index
      %get3A_217 = tpu.vector_load %arg15[%get3A_216] {strides = array<i32>} : memref<2048xi32, #tpu.memory_space<vmem>>, vector<16xi32>,
      %add3A_218 = arith.addi %mul3A_215, %get3A_217 : vector<16xi32>
      %mul3A_219 = arith.constant 256 : i32
      %mul3A_220 = vector.broadcast %mul3A_219 : i32 to vector<16xi32>
      %mul3A_221 = arith.muli %add3A_218, %mul3A_220 : vector<16xi32>
      %get3A_222 = arith.index_cast %add3A_211 : i32 to index
      %get3A_223 = tpu.vector_load %arg14[%get3A_222] {strides = array<i32>} : memref<2048xi32, #tpu.memory_space<vmem>>, vector<16xi32>,
      %add3A_224 = arith.addi %mul3A_221, %get3A_223 : vector<16xi32>
      %mul3A_225 = arith.constant 16 : i32
      %mul3A_226 = arith.muli %scan3A_206, %mul3A_225 : i32
      %swap3A = arith.constant 3 : i32
      %swap3A_227 = arith.index_cast %swap3A : i32 to index
      %swap3A_228 = arith.index_cast %mul3A_226 : i32 to index
      %swap3A_229 = tpu.vector_load %arg17[%swap3A_227, %swap3A_228] {strides = array<i32>} : memref<16x128xi32, #tpu.memory_space<vmem>>, vector<16xi32>,
      tpu.vector_store %arg17[%swap3A_227, %swap3A_228], %add3A_224 {strides = array<i32>} : memref<16x128xi32, #tpu.memory_space<vmem>>, vector<16xi32>,
      %scan3A_230 = arith.constant 0 : i32
      scf.yield %scan3A_230 : i32
    }
    %scan3A_42 = arith.constant 8 : i32
    %scan3A_43 = arith.constant 0 : i32
    %scan3A_44 = arith.constant 0 : i32
    %scan3A_45 = arith.constant 8 : i32
    %scan3A_46 = arith.addi %scan3A_44, %scan3A_45 : i32
    %scan3A_47 = arith.constant 1 : i32
    %scan3A_48 = scf.for %scan3A_206 = %scan3A_44 to %scan3A_46 step %scan3A_47 iter_args(%scan3A_207 = %scan3A_43) -> (i32)  : i32 {
      %mul3A_208 = arith.constant 16 : i32
      %mul3A_209 = arith.muli %scan3A_206, %mul3A_208 : i32
      %add3A_210 = arith.constant 512 : i32
      %add3A_211 = arith.addi %add3A_210, %mul3A_209 : i32
      %get3A = arith.index_cast %add3A_211 : i32 to index
      %get3A_212 = tpu.vector_load %arg13[%get3A] {strides = array<i32>} : memref<2048xi32, #tpu.memory_space<vmem>>, vector<16xi32>,
      %mul3A_213 = arith.constant 256 : i32
      %mul3A_214 = vector.broadcast %mul3A_213 : i32 to vector<16xi32>
      %mul3A_215 = arith.muli %get3A_212, %mul3A_214 : vector<16xi32>
      %get3A_216 = arith.index_cast %add3A_211 : i32 to index
      %get3A_217 = tpu.vector_load %arg15[%get3A_216] {strides = array<i32>} : memref<2048xi32, #tpu.memory_space<vmem>>, vector<16xi32>,
      %add3A_218 = arith.addi %mul3A_215, %get3A_217 : vector<16xi32>
      %mul3A_219 = arith.constant 256 : i32
      %mul3A_220 = vector.broadcast %mul3A_219 : i32 to vector<16xi32>
      %mul3A_221 = arith.muli %add3A_218, %mul3A_220 : vector<16xi32>
      %get3A_222 = arith.index_cast %add3A_211 : i32 to index
      %get3A_223 = tpu.vector_load %arg14[%get3A_222] {strides = array<i32>} : memref<2048xi32, #tpu.memory_space<vmem>>, vector<16xi32>,
      %add3A_224 = arith.addi %mul3A_221, %get3A_223 : vector<16xi32>
      %mul3A_225 = arith.constant 16 : i32
      %mul3A_226 = arith.muli %scan3A_206, %mul3A_225 : i32
      %swap3A = arith.constant 4 : i32
      %swap3A_227 = arith.index_cast %swap3A : i32 to index
      %swap3A_228 = arith.index_cast %mul3A_226 : i32 to index
      %swap3A_229 = tpu.vector_load %arg17[%swap3A_227, %swap3A_228] {strides = array<i32>} : memref<16x128xi32, #tpu.memory_space<vmem>>, vector<16xi32>,
      tpu.vector_store %arg17[%swap3A_227, %swap3A_228], %add3A_224 {strides = array<i32>} : memref<16x128xi32, #tpu.memory_space<vmem>>, vector<16xi32>,
      %scan3A_230 = arith.constant 0 : i32
      scf.yield %scan3A_230 : i32
    }
    %scan3A_49 = arith.constant 8 : i32
    %scan3A_50 = arith.constant 0 : i32
    %scan3A_51 = arith.constant 0 : i32
    %scan3A_52 = arith.constant 8 : i32
    %scan3A_53 = arith.addi %scan3A_51, %scan3A_52 : i32
    %scan3A_54 = arith.constant 1 : i32
    %scan3A_55 = scf.for %scan3A_206 = %scan3A_51 to %scan3A_53 step %scan3A_54 iter_args(%scan3A_207 = %scan3A_50) -> (i32)  : i32 {
      %mul3A_208 = arith.constant 16 : i32
      %mul3A_209 = arith.muli %scan3A_206, %mul3A_208 : i32
      %add3A_210 = arith.constant 640 : i32
      %add3A_211 = arith.addi %add3A_210, %mul3A_209 : i32
      %get3A = arith.index_cast %add3A_211 : i32 to index
      %get3A_212 = tpu.vector_load %arg13[%get3A] {strides = array<i32>} : memref<2048xi32, #tpu.memory_space<vmem>>, vector<16xi32>,
      %mul3A_213 = arith.constant 256 : i32
      %mul3A_214 = vector.broadcast %mul3A_213 : i32 to vector<16xi32>
      %mul3A_215 = arith.muli %get3A_212, %mul3A_214 : vector<16xi32>
      %get3A_216 = arith.index_cast %add3A_211 : i32 to index
      %get3A_217 = tpu.vector_load %arg15[%get3A_216] {strides = array<i32>} : memref<2048xi32, #tpu.memory_space<vmem>>, vector<16xi32>,
      %add3A_218 = arith.addi %mul3A_215, %get3A_217 : vector<16xi32>
      %mul3A_219 = arith.constant 256 : i32
      %mul3A_220 = vector.broadcast %mul3A_219 : i32 to vector<16xi32>
      %mul3A_221 = arith.muli %add3A_218, %mul3A_220 : vector<16xi32>
      %get3A_222 = arith.index_cast %add3A_211 : i32 to index
      %get3A_223 = tpu.vector_load %arg14[%get3A_222] {strides = array<i32>} : memref<2048xi32, #tpu.memory_space<vmem>>, vector<16xi32>,
      %add3A_224 = arith.addi %mul3A_221, %get3A_223 : vector<16xi32>
      %mul3A_225 = arith.constant 16 : i32
      %mul3A_226 = arith.muli %scan3A_206, %mul3A_225 : i32
      %swap3A = arith.constant 5 : i32
      %swap3A_227 = arith.index_cast %swap3A : i32 to index
      %swap3A_228 = arith.index_cast %mul3A_226 : i32 to index
      %swap3A_229 = tpu.vector_load %arg17[%swap3A_227, %swap3A_228] {strides = array<i32>} : memref<16x128xi32, #tpu.memory_space<vmem>>, vector<16xi32>,
      tpu.vector_store %arg17[%swap3A_227, %swap3A_228], %add3A_224 {strides = array<i32>} : memref<16x128xi32, #tpu.memory_space<vmem>>, vector<16xi32>,
      %scan3A_230 = arith.constant 0 : i32
      scf.yield %scan3A_230 : i32
    }
    %scan3A_56 = arith.constant 8 : i32
    %scan3A_57 = arith.constant 0 : i32
    %scan3A_58 = arith.constant 0 : i32
    %scan3A_59 = arith.constant 8 : i32
    %scan3A_60 = arith.addi %scan3A_58, %scan3A_59 : i32
    %scan3A_61 = arith.constant 1 : i32
    %scan3A_62 = scf.for %scan3A_206 = %scan3A_58 to %scan3A_60 step %scan3A_61 iter_args(%scan3A_207 = %scan3A_57) -> (i32)  : i32 {
      %mul3A_208 = arith.constant 16 : i32
      %mul3A_209 = arith.muli %scan3A_206, %mul3A_208 : i32
      %add3A_210 = arith.constant 768 : i32
      %add3A_211 = arith.addi %add3A_210, %mul3A_209 : i32
      %get3A = arith.index_cast %add3A_211 : i32 to index
      %get3A_212 = tpu.vector_load %arg13[%get3A] {strides = array<i32>} : memref<2048xi32, #tpu.memory_space<vmem>>, vector<16xi32>,
      %mul3A_213 = arith.constant 256 : i32
      %mul3A_214 = vector.broadcast %mul3A_213 : i32 to vector<16xi32>
      %mul3A_215 = arith.muli %get3A_212, %mul3A_214 : vector<16xi32>
      %get3A_216 = arith.index_cast %add3A_211 : i32 to index
      %get3A_217 = tpu.vector_load %arg15[%get3A_216] {strides = array<i32>} : memref<2048xi32, #tpu.memory_space<vmem>>, vector<16xi32>,
      %add3A_218 = arith.addi %mul3A_215, %get3A_217 : vector<16xi32>
      %mul3A_219 = arith.constant 256 : i32
      %mul3A_220 = vector.broadcast %mul3A_219 : i32 to vector<16xi32>
      %mul3A_221 = arith.muli %add3A_218, %mul3A_220 : vector<16xi32>
      %get3A_222 = arith.index_cast %add3A_211 : i32 to index
      %get3A_223 = tpu.vector_load %arg14[%get3A_222] {strides = array<i32>} : memref<2048xi32, #tpu.memory_space<vmem>>, vector<16xi32>,
      %add3A_224 = arith.addi %mul3A_221, %get3A_223 : vector<16xi32>
      %mul3A_225 = arith.constant 16 : i32
      %mul3A_226 = arith.muli %scan3A_206, %mul3A_225 : i32
      %swap3A = arith.constant 6 : i32
      %swap3A_227 = arith.index_cast %swap3A : i32 to index
      %swap3A_228 = arith.index_cast %mul3A_226 : i32 to index
      %swap3A_229 = tpu.vector_load %arg17[%swap3A_227, %swap3A_228] {strides = array<i32>} : memref<16x128xi32, #tpu.memory_space<vmem>>, vector<16xi32>,
      tpu.vector_store %arg17[%swap3A_227, %swap3A_228], %add3A_224 {strides = array<i32>} : memref<16x128xi32, #tpu.memory_space<vmem>>, vector<16xi32>,
      %scan3A_230 = arith.constant 0 : i32
      scf.yield %scan3A_230 : i32
    }
    %scan3A_63 = arith.constant 8 : i32
    %scan3A_64 = arith.constant 0 : i32
    %scan3A_65 = arith.constant 0 : i32
    %scan3A_66 = arith.constant 8 : i32
    %scan3A_67 = arith.addi %scan3A_65, %scan3A_66 : i32
    %scan3A_68 = arith.constant 1 : i32
    %scan3A_69 = scf.for %scan3A_206 = %scan3A_65 to %scan3A_67 step %scan3A_68 iter_args(%scan3A_207 = %scan3A_64) -> (i32)  : i32 {
      %mul3A_208 = arith.constant 16 : i32
      %mul3A_209 = arith.muli %scan3A_206, %mul3A_208 : i32
      %add3A_210 = arith.constant 896 : i32
      %add3A_211 = arith.addi %add3A_210, %mul3A_209 : i32
      %get3A = arith.index_cast %add3A_211 : i32 to index
      %get3A_212 = tpu.vector_load %arg13[%get3A] {strides = array<i32>} : memref<2048xi32, #tpu.memory_space<vmem>>, vector<16xi32>,
      %mul3A_213 = arith.constant 256 : i32
      %mul3A_214 = vector.broadcast %mul3A_213 : i32 to vector<16xi32>
      %mul3A_215 = arith.muli %get3A_212, %mul3A_214 : vector<16xi32>
      %get3A_216 = arith.index_cast %add3A_211 : i32 to index
      %get3A_217 = tpu.vector_load %arg15[%get3A_216] {strides = array<i32>} : memref<2048xi32, #tpu.memory_space<vmem>>, vector<16xi32>,
      %add3A_218 = arith.addi %mul3A_215, %get3A_217 : vector<16xi32>
      %mul3A_219 = arith.constant 256 : i32
      %mul3A_220 = vector.broadcast %mul3A_219 : i32 to vector<16xi32>
      %mul3A_221 = arith.muli %add3A_218, %mul3A_220 : vector<16xi32>
      %get3A_222 = arith.index_cast %add3A_211 : i32 to index
      %get3A_223 = tpu.vector_load %arg14[%get3A_222] {strides = array<i32>} : memref<2048xi32, #tpu.memory_space<vmem>>, vector<16xi32>,
      %add3A_224 = arith.addi %mul3A_221, %get3A_223 : vector<16xi32>
      %mul3A_225 = arith.constant 16 : i32
      %mul3A_226 = arith.muli %scan3A_206, %mul3A_225 : i32
      %swap3A = arith.constant 7 : i32
      %swap3A_227 = arith.index_cast %swap3A : i32 to index
      %swap3A_228 = arith.index_cast %mul3A_226 : i32 to index
      %swap3A_229 = tpu.vector_load %arg17[%swap3A_227, %swap3A_228] {strides = array<i32>} : memref<16x128xi32, #tpu.memory_space<vmem>>, vector<16xi32>,
      tpu.vector_store %arg17[%swap3A_227, %swap3A_228], %add3A_224 {strides = array<i32>} : memref<16x128xi32, #tpu.memory_space<vmem>>, vector<16xi32>,
      %scan3A_230 = arith.constant 0 : i32
      scf.yield %scan3A_230 : i32
    }
    %scan3A_70 = arith.constant 8 : i32
    %scan3A_71 = arith.constant 0 : i32
    %scan3A_72 = arith.constant 0 : i32
    %scan3A_73 = arith.constant 8 : i32
    %scan3A_74 = arith.addi %scan3A_72, %scan3A_73 : i32
    %scan3A_75 = arith.constant 1 : i32
    %scan3A_76 = scf.for %scan3A_206 = %scan3A_72 to %scan3A_74 step %scan3A_75 iter_args(%scan3A_207 = %scan3A_71) -> (i32)  : i32 {
      %mul3A_208 = arith.constant 16 : i32
      %mul3A_209 = arith.muli %scan3A_206, %mul3A_208 : i32
      %add3A_210 = arith.constant 1024 : i32
      %add3A_211 = arith.addi %add3A_210, %mul3A_209 : i32
      %get3A = arith.index_cast %add3A_211 : i32 to index
      %get3A_212 = tpu.vector_load %arg13[%get3A] {strides = array<i32>} : memref<2048xi32, #tpu.memory_space<vmem>>, vector<16xi32>,
      %mul3A_213 = arith.constant 256 : i32
      %mul3A_214 = vector.broadcast %mul3A_213 : i32 to vector<16xi32>
      %mul3A_215 = arith.muli %get3A_212, %mul3A_214 : vector<16xi32>
      %get3A_216 = arith.index_cast %add3A_211 : i32 to index
      %get3A_217 = tpu.vector_load %arg15[%get3A_216] {strides = array<i32>} : memref<2048xi32, #tpu.memory_space<vmem>>, vector<16xi32>,
      %add3A_218 = arith.addi %mul3A_215, %get3A_217 : vector<16xi32>
      %mul3A_219 = arith.constant 256 : i32
      %mul3A_220 = vector.broadcast %mul3A_219 : i32 to vector<16xi32>
      %mul3A_221 = arith.muli %add3A_218, %mul3A_220 : vector<16xi32>
      %get3A_222 = arith.index_cast %add3A_211 : i32 to index
      %get3A_223 = tpu.vector_load %arg14[%get3A_222] {strides = array<i32>} : memref<2048xi32, #tpu.memory_space<vmem>>, vector<16xi32>,
      %add3A_224 = arith.addi %mul3A_221, %get3A_223 : vector<16xi32>
      %mul3A_225 = arith.constant 16 : i32
      %mul3A_226 = arith.muli %scan3A_206, %mul3A_225 : i32
      %swap3A = arith.constant 8 : i32
      %swap3A_227 = arith.index_cast %swap3A : i32 to index
      %swap3A_228 = arith.index_cast %mul3A_226 : i32 to index
      %swap3A_229 = tpu.vector_load %arg17[%swap3A_227, %swap3A_228] {strides = array<i32>} : memref<16x128xi32, #tpu.memory_space<vmem>>, vector<16xi32>,
      tpu.vector_store %arg17[%swap3A_227, %swap3A_228], %add3A_224 {strides = array<i32>} : memref<16x128xi32, #tpu.memory_space<vmem>>, vector<16xi32>,
      %scan3A_230 = arith.constant 0 : i32
      scf.yield %scan3A_230 : i32
    }
    %scan3A_77 = arith.constant 8 : i32
    %scan3A_78 = arith.constant 0 : i32
    %scan3A_79 = arith.constant 0 : i32
    %scan3A_80 = arith.constant 8 : i32
    %scan3A_81 = arith.addi %scan3A_79, %scan3A_80 : i32
    %scan3A_82 = arith.constant 1 : i32
    %scan3A_83 = scf.for %scan3A_206 = %scan3A_79 to %scan3A_81 step %scan3A_82 iter_args(%scan3A_207 = %scan3A_78) -> (i32)  : i32 {
      %mul3A_208 = arith.constant 16 : i32
      %mul3A_209 = arith.muli %scan3A_206, %mul3A_208 : i32
      %add3A_210 = arith.constant 1152 : i32
      %add3A_211 = arith.addi %add3A_210, %mul3A_209 : i32
      %get3A = arith.index_cast %add3A_211 : i32 to index
      %get3A_212 = tpu.vector_load %arg13[%get3A] {strides = array<i32>} : memref<2048xi32, #tpu.memory_space<vmem>>, vector<16xi32>,
      %mul3A_213 = arith.constant 256 : i32
      %mul3A_214 = vector.broadcast %mul3A_213 : i32 to vector<16xi32>
      %mul3A_215 = arith.muli %get3A_212, %mul3A_214 : vector<16xi32>
      %get3A_216 = arith.index_cast %add3A_211 : i32 to index
      %get3A_217 = tpu.vector_load %arg15[%get3A_216] {strides = array<i32>} : memref<2048xi32, #tpu.memory_space<vmem>>, vector<16xi32>,
      %add3A_218 = arith.addi %mul3A_215, %get3A_217 : vector<16xi32>
      %mul3A_219 = arith.constant 256 : i32
      %mul3A_220 = vector.broadcast %mul3A_219 : i32 to vector<16xi32>
      %mul3A_221 = arith.muli %add3A_218, %mul3A_220 : vector<16xi32>
      %get3A_222 = arith.index_cast %add3A_211 : i32 to index
      %get3A_223 = tpu.vector_load %arg14[%get3A_222] {strides = array<i32>} : memref<2048xi32, #tpu.memory_space<vmem>>, vector<16xi32>,
      %add3A_224 = arith.addi %mul3A_221, %get3A_223 : vector<16xi32>
      %mul3A_225 = arith.constant 16 : i32
      %mul3A_226 = arith.muli %scan3A_206, %mul3A_225 : i32
      %swap3A = arith.constant 9 : i32
      %swap3A_227 = arith.index_cast %swap3A : i32 to index
      %swap3A_228 = arith.index_cast %mul3A_226 : i32 to index
      %swap3A_229 = tpu.vector_load %arg17[%swap3A_227, %swap3A_228] {strides = array<i32>} : memref<16x128xi32, #tpu.memory_space<vmem>>, vector<16xi32>,
      tpu.vector_store %arg17[%swap3A_227, %swap3A_228], %add3A_224 {strides = array<i32>} : memref<16x128xi32, #tpu.memory_space<vmem>>, vector<16xi32>,
      %scan3A_230 = arith.constant 0 : i32
      scf.yield %scan3A_230 : i32
    }
    %scan3A_84 = arith.constant 8 : i32
    %scan3A_85 = arith.constant 0 : i32
    %scan3A_86 = arith.constant 0 : i32
    %scan3A_87 = arith.constant 8 : i32
    %scan3A_88 = arith.addi %scan3A_86, %scan3A_87 : i32
    %scan3A_89 = arith.constant 1 : i32
    %scan3A_90 = scf.for %scan3A_206 = %scan3A_86 to %scan3A_88 step %scan3A_89 iter_args(%scan3A_207 = %scan3A_85) -> (i32)  : i32 {
      %mul3A_208 = arith.constant 16 : i32
      %mul3A_209 = arith.muli %scan3A_206, %mul3A_208 : i32
      %add3A_210 = arith.constant 1280 : i32
      %add3A_211 = arith.addi %add3A_210, %mul3A_209 : i32
      %get3A = arith.index_cast %add3A_211 : i32 to index
      %get3A_212 = tpu.vector_load %arg13[%get3A] {strides = array<i32>} : memref<2048xi32, #tpu.memory_space<vmem>>, vector<16xi32>,
      %mul3A_213 = arith.constant 256 : i32
      %mul3A_214 = vector.broadcast %mul3A_213 : i32 to vector<16xi32>
      %mul3A_215 = arith.muli %get3A_212, %mul3A_214 : vector<16xi32>
      %get3A_216 = arith.index_cast %add3A_211 : i32 to index
      %get3A_217 = tpu.vector_load %arg15[%get3A_216] {strides = array<i32>} : memref<2048xi32, #tpu.memory_space<vmem>>, vector<16xi32>,
      %add3A_218 = arith.addi %mul3A_215, %get3A_217 : vector<16xi32>
      %mul3A_219 = arith.constant 256 : i32
      %mul3A_220 = vector.broadcast %mul3A_219 : i32 to vector<16xi32>
      %mul3A_221 = arith.muli %add3A_218, %mul3A_220 : vector<16xi32>
      %get3A_222 = arith.index_cast %add3A_211 : i32 to index
      %get3A_223 = tpu.vector_load %arg14[%get3A_222] {strides = array<i32>} : memref<2048xi32, #tpu.memory_space<vmem>>, vector<16xi32>,
      %add3A_224 = arith.addi %mul3A_221, %get3A_223 : vector<16xi32>
      %mul3A_225 = arith.constant 16 : i32
      %mul3A_226 = arith.muli %scan3A_206, %mul3A_225 : i32
      %swap3A = arith.constant 10 : i32
      %swap3A_227 = arith.index_cast %swap3A : i32 to index
      %swap3A_228 = arith.index_cast %mul3A_226 : i32 to index
      %swap3A_229 = tpu.vector_load %arg17[%swap3A_227, %swap3A_228] {strides = array<i32>} : memref<16x128xi32, #tpu.memory_space<vmem>>, vector<16xi32>,
      tpu.vector_store %arg17[%swap3A_227, %swap3A_228], %add3A_224 {strides = array<i32>} : memref<16x128xi32, #tpu.memory_space<vmem>>, vector<16xi32>,
      %scan3A_230 = arith.constant 0 : i32
      scf.yield %scan3A_230 : i32
    }
    %scan3A_91 = arith.constant 8 : i32
    %scan3A_92 = arith.constant 0 : i32
    %scan3A_93 = arith.constant 0 : i32
    %scan3A_94 = arith.constant 8 : i32
    %scan3A_95 = arith.addi %scan3A_93, %scan3A_94 : i32
    %scan3A_96 = arith.constant 1 : i32
    %scan3A_97 = scf.for %scan3A_206 = %scan3A_93 to %scan3A_95 step %scan3A_96 iter_args(%scan3A_207 = %scan3A_92) -> (i32)  : i32 {
      %mul3A_208 = arith.constant 16 : i32
      %mul3A_209 = arith.muli %scan3A_206, %mul3A_208 : i32
      %add3A_210 = arith.constant 1408 : i32
      %add3A_211 = arith.addi %add3A_210, %mul3A_209 : i32
      %get3A = arith.index_cast %add3A_211 : i32 to index
      %get3A_212 = tpu.vector_load %arg13[%get3A] {strides = array<i32>} : memref<2048xi32, #tpu.memory_space<vmem>>, vector<16xi32>,
      %mul3A_213 = arith.constant 256 : i32
      %mul3A_214 = vector.broadcast %mul3A_213 : i32 to vector<16xi32>
      %mul3A_215 = arith.muli %get3A_212, %mul3A_214 : vector<16xi32>
      %get3A_216 = arith.index_cast %add3A_211 : i32 to index
      %get3A_217 = tpu.vector_load %arg15[%get3A_216] {strides = array<i32>} : memref<2048xi32, #tpu.memory_space<vmem>>, vector<16xi32>,
      %add3A_218 = arith.addi %mul3A_215, %get3A_217 : vector<16xi32>
      %mul3A_219 = arith.constant 256 : i32
      %mul3A_220 = vector.broadcast %mul3A_219 : i32 to vector<16xi32>
      %mul3A_221 = arith.muli %add3A_218, %mul3A_220 : vector<16xi32>
      %get3A_222 = arith.index_cast %add3A_211 : i32 to index
      %get3A_223 = tpu.vector_load %arg14[%get3A_222] {strides = array<i32>} : memref<2048xi32, #tpu.memory_space<vmem>>, vector<16xi32>,
      %add3A_224 = arith.addi %mul3A_221, %get3A_223 : vector<16xi32>
      %mul3A_225 = arith.constant 16 : i32
      %mul3A_226 = arith.muli %scan3A_206, %mul3A_225 : i32
      %swap3A = arith.constant 11 : i32
      %swap3A_227 = arith.index_cast %swap3A : i32 to index
      %swap3A_228 = arith.index_cast %mul3A_226 : i32 to index
      %swap3A_229 = tpu.vector_load %arg17[%swap3A_227, %swap3A_228] {strides = array<i32>} : memref<16x128xi32, #tpu.memory_space<vmem>>, vector<16xi32>,
      tpu.vector_store %arg17[%swap3A_227, %swap3A_228], %add3A_224 {strides = array<i32>} : memref<16x128xi32, #tpu.memory_space<vmem>>, vector<16xi32>,
      %scan3A_230 = arith.constant 0 : i32
      scf.yield %scan3A_230 : i32
    }
    %scan3A_98 = arith.constant 8 : i32
    %scan3A_99 = arith.constant 0 : i32
    %scan3A_100 = arith.constant 0 : i32
    %scan3A_101 = arith.constant 8 : i32
    %scan3A_102 = arith.addi %scan3A_100, %scan3A_101 : i32
    %scan3A_103 = arith.constant 1 : i32
    %scan3A_104 = scf.for %scan3A_206 = %scan3A_100 to %scan3A_102 step %scan3A_103 iter_args(%scan3A_207 = %scan3A_99) -> (i32)  : i32 {
      %mul3A_208 = arith.constant 16 : i32
      %mul3A_209 = arith.muli %scan3A_206, %mul3A_208 : i32
      %add3A_210 = arith.constant 1536 : i32
      %add3A_211 = arith.addi %add3A_210, %mul3A_209 : i32
      %get3A = arith.index_cast %add3A_211 : i32 to index
      %get3A_212 = tpu.vector_load %arg13[%get3A] {strides = array<i32>} : memref<2048xi32, #tpu.memory_space<vmem>>, vector<16xi32>,
      %mul3A_213 = arith.constant 256 : i32
      %mul3A_214 = vector.broadcast %mul3A_213 : i32 to vector<16xi32>
      %mul3A_215 = arith.muli %get3A_212, %mul3A_214 : vector<16xi32>
      %get3A_216 = arith.index_cast %add3A_211 : i32 to index
      %get3A_217 = tpu.vector_load %arg15[%get3A_216] {strides = array<i32>} : memref<2048xi32, #tpu.memory_space<vmem>>, vector<16xi32>,
      %add3A_218 = arith.addi %mul3A_215, %get3A_217 : vector<16xi32>
      %mul3A_219 = arith.constant 256 : i32
      %mul3A_220 = vector.broadcast %mul3A_219 : i32 to vector<16xi32>
      %mul3A_221 = arith.muli %add3A_218, %mul3A_220 : vector<16xi32>
      %get3A_222 = arith.index_cast %add3A_211 : i32 to index
      %get3A_223 = tpu.vector_load %arg14[%get3A_222] {strides = array<i32>} : memref<2048xi32, #tpu.memory_space<vmem>>, vector<16xi32>,
      %add3A_224 = arith.addi %mul3A_221, %get3A_223 : vector<16xi32>
      %mul3A_225 = arith.constant 16 : i32
      %mul3A_226 = arith.muli %scan3A_206, %mul3A_225 : i32
      %swap3A = arith.constant 12 : i32
      %swap3A_227 = arith.index_cast %swap3A : i32 to index
      %swap3A_228 = arith.index_cast %mul3A_226 : i32 to index
      %swap3A_229 = tpu.vector_load %arg17[%swap3A_227, %swap3A_228] {strides = array<i32>} : memref<16x128xi32, #tpu.memory_space<vmem>>, vector<16xi32>,
      tpu.vector_store %arg17[%swap3A_227, %swap3A_228], %add3A_224 {strides = array<i32>} : memref<16x128xi32, #tpu.memory_space<vmem>>, vector<16xi32>,
      %scan3A_230 = arith.constant 0 : i32
      scf.yield %scan3A_230 : i32
    }
    %scan3A_105 = arith.constant 8 : i32
    %scan3A_106 = arith.constant 0 : i32
    %scan3A_107 = arith.constant 0 : i32
    %scan3A_108 = arith.constant 8 : i32
    %scan3A_109 = arith.addi %scan3A_107, %scan3A_108 : i32
    %scan3A_110 = arith.constant 1 : i32
    %scan3A_111 = scf.for %scan3A_206 = %scan3A_107 to %scan3A_109 step %scan3A_110 iter_args(%scan3A_207 = %scan3A_106) -> (i32)  : i32 {
      %mul3A_208 = arith.constant 16 : i32
      %mul3A_209 = arith.muli %scan3A_206, %mul3A_208 : i32
      %add3A_210 = arith.constant 1664 : i32
      %add3A_211 = arith.addi %add3A_210, %mul3A_209 : i32
      %get3A = arith.index_cast %add3A_211 : i32 to index
      %get3A_212 = tpu.vector_load %arg13[%get3A] {strides = array<i32>} : memref<2048xi32, #tpu.memory_space<vmem>>, vector<16xi32>,
      %mul3A_213 = arith.constant 256 : i32
      %mul3A_214 = vector.broadcast %mul3A_213 : i32 to vector<16xi32>
      %mul3A_215 = arith.muli %get3A_212, %mul3A_214 : vector<16xi32>
      %get3A_216 = arith.index_cast %add3A_211 : i32 to index
      %get3A_217 = tpu.vector_load %arg15[%get3A_216] {strides = array<i32>} : memref<2048xi32, #tpu.memory_space<vmem>>, vector<16xi32>,
      %add3A_218 = arith.addi %mul3A_215, %get3A_217 : vector<16xi32>
      %mul3A_219 = arith.constant 256 : i32
      %mul3A_220 = vector.broadcast %mul3A_219 : i32 to vector<16xi32>
      %mul3A_221 = arith.muli %add3A_218, %mul3A_220 : vector<16xi32>
      %get3A_222 = arith.index_cast %add3A_211 : i32 to index
      %get3A_223 = tpu.vector_load %arg14[%get3A_222] {strides = array<i32>} : memref<2048xi32, #tpu.memory_space<vmem>>, vector<16xi32>,
      %add3A_224 = arith.addi %mul3A_221, %get3A_223 : vector<16xi32>
      %mul3A_225 = arith.constant 16 : i32
      %mul3A_226 = arith.muli %scan3A_206, %mul3A_225 : i32
      %swap3A = arith.constant 13 : i32
      %swap3A_227 = arith.index_cast %swap3A : i32 to index
      %swap3A_228 = arith.index_cast %mul3A_226 : i32 to index
      %swap3A_229 = tpu.vector_load %arg17[%swap3A_227, %swap3A_228] {strides = array<i32>} : memref<16x128xi32, #tpu.memory_space<vmem>>, vector<16xi32>,
      tpu.vector_store %arg17[%swap3A_227, %swap3A_228], %add3A_224 {strides = array<i32>} : memref<16x128xi32, #tpu.memory_space<vmem>>, vector<16xi32>,
      %scan3A_230 = arith.constant 0 : i32
      scf.yield %scan3A_230 : i32
    }
    %scan3A_112 = arith.constant 8 : i32
    %scan3A_113 = arith.constant 0 : i32
    %scan3A_114 = arith.constant 0 : i32
    %scan3A_115 = arith.constant 8 : i32
    %scan3A_116 = arith.addi %scan3A_114, %scan3A_115 : i32
    %scan3A_117 = arith.constant 1 : i32
    %scan3A_118 = scf.for %scan3A_206 = %scan3A_114 to %scan3A_116 step %scan3A_117 iter_args(%scan3A_207 = %scan3A_113) -> (i32)  : i32 {
      %mul3A_208 = arith.constant 16 : i32
      %mul3A_209 = arith.muli %scan3A_206, %mul3A_208 : i32
      %add3A_210 = arith.constant 1792 : i32
      %add3A_211 = arith.addi %add3A_210, %mul3A_209 : i32
      %get3A = arith.index_cast %add3A_211 : i32 to index
      %get3A_212 = tpu.vector_load %arg13[%get3A] {strides = array<i32>} : memref<2048xi32, #tpu.memory_space<vmem>>, vector<16xi32>,
      %mul3A_213 = arith.constant 256 : i32
      %mul3A_214 = vector.broadcast %mul3A_213 : i32 to vector<16xi32>
      %mul3A_215 = arith.muli %get3A_212, %mul3A_214 : vector<16xi32>
      %get3A_216 = arith.index_cast %add3A_211 : i32 to index
      %get3A_217 = tpu.vector_load %arg15[%get3A_216] {strides = array<i32>} : memref<2048xi32, #tpu.memory_space<vmem>>, vector<16xi32>,
      %add3A_218 = arith.addi %mul3A_215, %get3A_217 : vector<16xi32>
      %mul3A_219 = arith.constant 256 : i32
      %mul3A_220 = vector.broadcast %mul3A_219 : i32 to vector<16xi32>
      %mul3A_221 = arith.muli %add3A_218, %mul3A_220 : vector<16xi32>
      %get3A_222 = arith.index_cast %add3A_211 : i32 to index
      %get3A_223 = tpu.vector_load %arg14[%get3A_222] {strides = array<i32>} : memref<2048xi32, #tpu.memory_space<vmem>>, vector<16xi32>,
      %add3A_224 = arith.addi %mul3A_221, %get3A_223 : vector<16xi32>
      %mul3A_225 = arith.constant 16 : i32
      %mul3A_226 = arith.muli %scan3A_206, %mul3A_225 : i32
      %swap3A = arith.constant 14 : i32
      %swap3A_227 = arith.index_cast %swap3A : i32 to index
      %swap3A_228 = arith.index_cast %mul3A_226 : i32 to index
      %swap3A_229 = tpu.vector_load %arg17[%swap3A_227, %swap3A_228] {strides = array<i32>} : memref<16x128xi32, #tpu.memory_space<vmem>>, vector<16xi32>,
      tpu.vector_store %arg17[%swap3A_227, %swap3A_228], %add3A_224 {strides = array<i32>} : memref<16x128xi32, #tpu.memory_space<vmem>>, vector<16xi32>,
      %scan3A_230 = arith.constant 0 : i32
      scf.yield %scan3A_230 : i32
    }
    %scan3A_119 = arith.constant 8 : i32
    %scan3A_120 = arith.constant 0 : i32
    %scan3A_121 = arith.constant 0 : i32
    %scan3A_122 = arith.constant 8 : i32
    %scan3A_123 = arith.addi %scan3A_121, %scan3A_122 : i32
    %scan3A_124 = arith.constant 1 : i32
    %scan3A_125 = scf.for %scan3A_206 = %scan3A_121 to %scan3A_123 step %scan3A_124 iter_args(%scan3A_207 = %scan3A_120) -> (i32)  : i32 {
      %mul3A_208 = arith.constant 16 : i32
      %mul3A_209 = arith.muli %scan3A_206, %mul3A_208 : i32
      %add3A_210 = arith.constant 1920 : i32
      %add3A_211 = arith.addi %add3A_210, %mul3A_209 : i32
      %get3A = arith.index_cast %add3A_211 : i32 to index
      %get3A_212 = tpu.vector_load %arg13[%get3A] {strides = array<i32>} : memref<2048xi32, #tpu.memory_space<vmem>>, vector<16xi32>,
      %mul3A_213 = arith.constant 256 : i32
      %mul3A_214 = vector.broadcast %mul3A_213 : i32 to vector<16xi32>
      %mul3A_215 = arith.muli %get3A_212, %mul3A_214 : vector<16xi32>
      %get3A_216 = arith.index_cast %add3A_211 : i32 to index
      %get3A_217 = tpu.vector_load %arg15[%get3A_216] {strides = array<i32>} : memref<2048xi32, #tpu.memory_space<vmem>>, vector<16xi32>,
      %add3A_218 = arith.addi %mul3A_215, %get3A_217 : vector<16xi32>
      %mul3A_219 = arith.constant 256 : i32
      %mul3A_220 = vector.broadcast %mul3A_219 : i32 to vector<16xi32>
      %mul3A_221 = arith.muli %add3A_218, %mul3A_220 : vector<16xi32>
      %get3A_222 = arith.index_cast %add3A_211 : i32 to index
      %get3A_223 = tpu.vector_load %arg14[%get3A_222] {strides = array<i32>} : memref<2048xi32, #tpu.memory_space<vmem>>, vector<16xi32>,
      %add3A_224 = arith.addi %mul3A_221, %get3A_223 : vector<16xi32>
      %mul3A_225 = arith.constant 16 : i32
      %mul3A_226 = arith.muli %scan3A_206, %mul3A_225 : i32
      %swap3A = arith.constant 15 : i32
      %swap3A_227 = arith.index_cast %swap3A : i32 to index
      %swap3A_228 = arith.index_cast %mul3A_226 : i32 to index
      %swap3A_229 = tpu.vector_load %arg17[%swap3A_227, %swap3A_228] {strides = array<i32>} : memref<16x128xi32, #tpu.memory_space<vmem>>, vector<16xi32>,
      tpu.vector_store %arg17[%swap3A_227, %swap3A_228], %add3A_224 {strides = array<i32>} : memref<16x128xi32, #tpu.memory_space<vmem>>, vector<16xi32>,
      %scan3A_230 = arith.constant 0 : i32
      scf.yield %scan3A_230 : i32
    }
    %scan3A_126 = arith.constant 8 : i32
    %scan3A_127 = arith.constant 0 : i32
    %scan3A_128 = arith.constant 0 : i32
    %scan3A_129 = arith.constant 128 : i32
    %scan3A_130 = arith.addi %scan3A_128, %scan3A_129 : i32
    %scan3A_131 = arith.constant 1 : i32
    %scan3A_132 = scf.for %scan3A_206 = %scan3A_128 to %scan3A_130 step %scan3A_131 iter_args(%scan3A_207 = %scan3A_127) -> (i32)  : i32 {
      %broadcast_in_dim3A = arith.constant 0.000000e+00 : f32
      %broadcast_in_dim3A_208 = vector.broadcast %broadcast_in_dim3A : f32 to vector<16xf32>
      %mul3A_209 = arith.constant 16 : i32
      %mul3A_210 = arith.muli %scan3A_206, %mul3A_209 : i32
      %swap3A = arith.index_cast %mul3A_210 : i32 to index
      %swap3A_211 = tpu.vector_load %arg19[%swap3A] {strides = array<i32>} : memref<2048xf32, #tpu.memory_space<vmem>>, vector<16xf32>,
      tpu.vector_store %arg19[%swap3A], %broadcast_in_dim3A_208 {strides = array<i32>} : memref<2048xf32, #tpu.memory_space<vmem>>, vector<16xf32>,
      %scan3A_212 = arith.constant 0 : i32
      scf.yield %scan3A_212 : i32
    }
    %scan3A_133 = arith.constant 128 : i32
    %dma_wait3A = arith.constant 0 : i32
    %dma_wait3A_134 = tpu.memref_slice %arg11[%dma_wait3A] : memref<64xi32, #tpu.memory_space<vmem>> -> memref<16xi32, #tpu.memory_space<vmem>>
    %dma_wait3A_135 = arith.constant 0 : i32
    %dma_wait3A_136 = arith.constant 0 : i32
    %dma_wait3A_137 = tpu.memref_slice %arg3[%dma_wait3A_135, %dma_wait3A_136] : memref<30522x768xf32, #tpu.memory_space<hbm>> -> memref<30522x768xf32, #tpu.memory_space<hbm>>
    tpu.wait_indirect_dma semaphore(%arg23 : memref<!tpu.dma_semaphore, #tpu.memory_space<semaphore_mem>>) src(%dma_wait3A_137 : memref<30522x768xf32, #tpu.memory_space<hbm>>) dst(%arg12 : memref<16x768xf32, #tpu.memory_space<vmem>>)
    "tpu.region"() ({
      %run_scoped3A = tpu.sem_alloc : memref<!tpu.dma_semaphore, #tpu.memory_space<semaphore_mem>>
      %dma_start3A_206 = arith.constant 0 : i32
      %dma_start3A_207 = tpu.memref_slice %arg9[%mul3A_2, %dma_start3A_206] : memref<2048x768xf32, #tpu.memory_space<hbm>> -> memref<16x768xf32, #tpu.memory_space<hbm>>
      %dma_start3A_208 = arith.constant 0 : i32
      %dma_start3A_209 = tpu.memref_slice %arg9[%mul3A_2, %dma_start3A_208] : memref<2048x768xf32, #tpu.memory_space<hbm>> -> memref<16x768xf32, #tpu.memory_space<hbm>>
      tpu.enqueue_dma source(%arg12 : memref<16x768xf32, #tpu.memory_space<vmem>>) target(%dma_start3A_209 : memref<16x768xf32, #tpu.memory_space<hbm>>) target_semaphore(%run_scoped3A : memref<!tpu.dma_semaphore, #tpu.memory_space<semaphore_mem>>)
      %dma_wait3A_210 = arith.constant 0 : i32
      %dma_wait3A_211 = tpu.memref_slice %arg9[%mul3A_2, %dma_wait3A_210] : memref<2048x768xf32, #tpu.memory_space<hbm>> -> memref<16x768xf32, #tpu.memory_space<hbm>>
      %dma_wait3A_212 = arith.constant 0 : i32
      %dma_wait3A_213 = tpu.memref_slice %arg9[%mul3A_2, %dma_wait3A_212] : memref<2048x768xf32, #tpu.memory_space<hbm>> -> memref<16x768xf32, #tpu.memory_space<hbm>>
      tpu.wait_dma2 semaphore(%run_scoped3A : memref<!tpu.dma_semaphore, #tpu.memory_space<semaphore_mem>>) src(%arg12 : memref<16x768xf32, #tpu.memory_space<vmem>>) dst(%dma_wait3A_213 : memref<16x768xf32, #tpu.memory_space<hbm>>)
      tpu.yield
    }) : () -> ()
    %dma_start3A_138 = arith.constant 16 : i32
    %dma_start3A_139 = tpu.memref_slice %arg11[%dma_start3A_138] : memref<64xi32, #tpu.memory_space<vmem>> -> memref<16xi32, #tpu.memory_space<vmem>>
    %dma_start3A_140 = arith.constant 0 : i32
    %dma_start3A_141 = arith.constant 0 : i32
    %dma_start3A_142 = tpu.memref_slice %arg3[%dma_start3A_140, %dma_start3A_141] : memref<30522x768xf32, #tpu.memory_space<hbm>> -> memref<30522x768xf32, #tpu.memory_space<hbm>>
    tpu.enqueue_indirect_dma source(%dma_start3A_142 : memref<30522x768xf32, #tpu.memory_space<hbm>>) target(%arg12 : memref<16x768xf32, #tpu.memory_space<vmem>>) offsets(%dma_start3A_139 : memref<16xi32, #tpu.memory_space<vmem>>) semaphore(%arg23 : memref<!tpu.dma_semaphore, #tpu.memory_space<semaphore_mem>>)
    %dma_wait3A_143 = arith.constant 16 : i32
    %dma_wait3A_144 = tpu.memref_slice %arg11[%dma_wait3A_143] : memref<64xi32, #tpu.memory_space<vmem>> -> memref<16xi32, #tpu.memory_space<vmem>>
    %dma_wait3A_145 = arith.constant 0 : i32
    %dma_wait3A_146 = arith.constant 0 : i32
    %dma_wait3A_147 = tpu.memref_slice %arg3[%dma_wait3A_145, %dma_wait3A_146] : memref<30522x768xf32, #tpu.memory_space<hbm>> -> memref<30522x768xf32, #tpu.memory_space<hbm>>
    tpu.wait_indirect_dma semaphore(%arg23 : memref<!tpu.dma_semaphore, #tpu.memory_space<semaphore_mem>>) src(%dma_wait3A_147 : memref<30522x768xf32, #tpu.memory_space<hbm>>) dst(%arg12 : memref<16x768xf32, #tpu.memory_space<vmem>>)
    %add3A_148 = arith.constant 16 : i32
    %add3A_149 = arith.addi %mul3A_2, %add3A_148 : i32
    "tpu.region"() ({
      %run_scoped3A = tpu.sem_alloc : memref<!tpu.dma_semaphore, #tpu.memory_space<semaphore_mem>>
      %dma_start3A_206 = arith.constant 0 : i32
      %dma_start3A_207 = tpu.memref_slice %arg9[%add3A_149, %dma_start3A_206] : memref<2048x768xf32, #tpu.memory_space<hbm>> -> memref<16x768xf32, #tpu.memory_space<hbm>>
      %dma_start3A_208 = arith.constant 0 : i32
      %dma_start3A_209 = tpu.memref_slice %arg9[%add3A_149, %dma_start3A_208] : memref<2048x768xf32, #tpu.memory_space<hbm>> -> memref<16x768xf32, #tpu.memory_space<hbm>>
      tpu.enqueue_dma source(%arg12 : memref<16x768xf32, #tpu.memory_space<vmem>>) target(%dma_start3A_209 : memref<16x768xf32, #tpu.memory_space<hbm>>) target_semaphore(%run_scoped3A : memref<!tpu.dma_semaphore, #tpu.memory_space<semaphore_mem>>)
      %dma_wait3A_210 = arith.constant 0 : i32
      %dma_wait3A_211 = tpu.memref_slice %arg9[%add3A_149, %dma_wait3A_210] : memref<2048x768xf32, #tpu.memory_space<hbm>> -> memref<16x768xf32, #tpu.memory_space<hbm>>
      %dma_wait3A_212 = arith.constant 0 : i32
      %dma_wait3A_213 = tpu.memref_slice %arg9[%add3A_149, %dma_wait3A_212] : memref<2048x768xf32, #tpu.memory_space<hbm>> -> memref<16x768xf32, #tpu.memory_space<hbm>>
      tpu.wait_dma2 semaphore(%run_scoped3A : memref<!tpu.dma_semaphore, #tpu.memory_space<semaphore_mem>>) src(%arg12 : memref<16x768xf32, #tpu.memory_space<vmem>>) dst(%dma_wait3A_213 : memref<16x768xf32, #tpu.memory_space<hbm>>)
      tpu.yield
    }) : () -> ()
    %dma_start3A_150 = arith.constant 32 : i32
    %dma_start3A_151 = tpu.memref_slice %arg11[%dma_start3A_150] : memref<64xi32, #tpu.memory_space<vmem>> -> memref<16xi32, #tpu.memory_space<vmem>>
    %dma_start3A_152 = arith.constant 0 : i32
    %dma_start3A_153 = arith.constant 0 : i32
    %dma_start3A_154 = tpu.memref_slice %arg3[%dma_start3A_152, %dma_start3A_153] : memref<30522x768xf32, #tpu.memory_space<hbm>> -> memref<30522x768xf32, #tpu.memory_space<hbm>>
    tpu.enqueue_indirect_dma source(%dma_start3A_154 : memref<30522x768xf32, #tpu.memory_space<hbm>>) target(%arg12 : memref<16x768xf32, #tpu.memory_space<vmem>>) offsets(%dma_start3A_151 : memref<16xi32, #tpu.memory_space<vmem>>) semaphore(%arg23 : memref<!tpu.dma_semaphore, #tpu.memory_space<semaphore_mem>>)
    %dma_wait3A_155 = arith.constant 32 : i32
    %dma_wait3A_156 = tpu.memref_slice %arg11[%dma_wait3A_155] : memref<64xi32, #tpu.memory_space<vmem>> -> memref<16xi32, #tpu.memory_space<vmem>>
    %dma_wait3A_157 = arith.constant 0 : i32
    %dma_wait3A_158 = arith.constant 0 : i32
    %dma_wait3A_159 = tpu.memref_slice %arg3[%dma_wait3A_157, %dma_wait3A_158] : memref<30522x768xf32, #tpu.memory_space<hbm>> -> memref<30522x768xf32, #tpu.memory_space<hbm>>
    tpu.wait_indirect_dma semaphore(%arg23 : memref<!tpu.dma_semaphore, #tpu.memory_space<semaphore_mem>>) src(%dma_wait3A_159 : memref<30522x768xf32, #tpu.memory_space<hbm>>) dst(%arg12 : memref<16x768xf32, #tpu.memory_space<vmem>>)
    %add3A_160 = arith.constant 32 : i32
    %add3A_161 = arith.addi %mul3A_2, %add3A_160 : i32
    "tpu.region"() ({
      %run_scoped3A = tpu.sem_alloc : memref<!tpu.dma_semaphore, #tpu.memory_space<semaphore_mem>>
      %dma_start3A_206 = arith.constant 0 : i32
      %dma_start3A_207 = tpu.memref_slice %arg9[%add3A_161, %dma_start3A_206] : memref<2048x768xf32, #tpu.memory_space<hbm>> -> memref<16x768xf32, #tpu.memory_space<hbm>>
      %dma_start3A_208 = arith.constant 0 : i32
      %dma_start3A_209 = tpu.memref_slice %arg9[%add3A_161, %dma_start3A_208] : memref<2048x768xf32, #tpu.memory_space<hbm>> -> memref<16x768xf32, #tpu.memory_space<hbm>>
      tpu.enqueue_dma source(%arg12 : memref<16x768xf32, #tpu.memory_space<vmem>>) target(%dma_start3A_209 : memref<16x768xf32, #tpu.memory_space<hbm>>) target_semaphore(%run_scoped3A : memref<!tpu.dma_semaphore, #tpu.memory_space<semaphore_mem>>)
      %dma_wait3A_210 = arith.constant 0 : i32
      %dma_wait3A_211 = tpu.memref_slice %arg9[%add3A_161, %dma_wait3A_210] : memref<2048x768xf32, #tpu.memory_space<hbm>> -> memref<16x768xf32, #tpu.memory_space<hbm>>
      %dma_wait3A_212 = arith.constant 0 : i32
      %dma_wait3A_213 = tpu.memref_slice %arg9[%add3A_161, %dma_wait3A_212] : memref<2048x768xf32, #tpu.memory_space<hbm>> -> memref<16x768xf32, #tpu.memory_space<hbm>>
      tpu.wait_dma2 semaphore(%run_scoped3A : memref<!tpu.dma_semaphore, #tpu.memory_space<semaphore_mem>>) src(%arg12 : memref<16x768xf32, #tpu.memory_space<vmem>>) dst(%dma_wait3A_213 : memref<16x768xf32, #tpu.memory_space<hbm>>)
      tpu.yield
    }) : () -> ()
    %dma_start3A_162 = arith.constant 48 : i32
    %dma_start3A_163 = tpu.memref_slice %arg11[%dma_start3A_162] : memref<64xi32, #tpu.memory_space<vmem>> -> memref<16xi32, #tpu.memory_space<vmem>>
    %dma_start3A_164 = arith.constant 0 : i32
    %dma_start3A_165 = arith.constant 0 : i32
    %dma_start3A_166 = tpu.memref_slice %arg3[%dma_start3A_164, %dma_start3A_165] : memref<30522x768xf32, #tpu.memory_space<hbm>> -> memref<30522x768xf32, #tpu.memory_space<hbm>>
    tpu.enqueue_indirect_dma source(%dma_start3A_166 : memref<30522x768xf32, #tpu.memory_space<hbm>>) target(%arg12 : memref<16x768xf32, #tpu.memory_space<vmem>>) offsets(%dma_start3A_163 : memref<16xi32, #tpu.memory_space<vmem>>) semaphore(%arg23 : memref<!tpu.dma_semaphore, #tpu.memory_space<semaphore_mem>>)
    %dma_wait3A_167 = arith.constant 48 : i32
    %dma_wait3A_168 = tpu.memref_slice %arg11[%dma_wait3A_167] : memref<64xi32, #tpu.memory_space<vmem>> -> memref<16xi32, #tpu.memory_space<vmem>>
    %dma_wait3A_169 = arith.constant 0 : i32
    %dma_wait3A_170 = arith.constant 0 : i32
    %dma_wait3A_171 = tpu.memref_slice %arg3[%dma_wait3A_169, %dma_wait3A_170] : memref<30522x768xf32, #tpu.memory_space<hbm>> -> memref<30522x768xf32, #tpu.memory_space<hbm>>
    tpu.wait_indirect_dma semaphore(%arg23 : memref<!tpu.dma_semaphore, #tpu.memory_space<semaphore_mem>>) src(%dma_wait3A_171 : memref<30522x768xf32, #tpu.memory_space<hbm>>) dst(%arg12 : memref<16x768xf32, #tpu.memory_space<vmem>>)
    %add3A_172 = arith.constant 48 : i32
    %add3A_173 = arith.addi %mul3A_2, %add3A_172 : i32
    "tpu.region"() ({
      %run_scoped3A = tpu.sem_alloc : memref<!tpu.dma_semaphore, #tpu.memory_space<semaphore_mem>>
      %dma_start3A_206 = arith.constant 0 : i32
      %dma_start3A_207 = tpu.memref_slice %arg9[%add3A_173, %dma_start3A_206] : memref<2048x768xf32, #tpu.memory_space<hbm>> -> memref<16x768xf32, #tpu.memory_space<hbm>>
      %dma_start3A_208 = arith.constant 0 : i32
      %dma_start3A_209 = tpu.memref_slice %arg9[%add3A_173, %dma_start3A_208] : memref<2048x768xf32, #tpu.memory_space<hbm>> -> memref<16x768xf32, #tpu.memory_space<hbm>>
      tpu.enqueue_dma source(%arg12 : memref<16x768xf32, #tpu.memory_space<vmem>>) target(%dma_start3A_209 : memref<16x768xf32, #tpu.memory_space<hbm>>) target_semaphore(%run_scoped3A : memref<!tpu.dma_semaphore, #tpu.memory_space<semaphore_mem>>)
      %dma_wait3A_210 = arith.constant 0 : i32
      %dma_wait3A_211 = tpu.memref_slice %arg9[%add3A_173, %dma_wait3A_210] : memref<2048x768xf32, #tpu.memory_space<hbm>> -> memref<16x768xf32, #tpu.memory_space<hbm>>
      %dma_wait3A_212 = arith.constant 0 : i32
      %dma_wait3A_213 = tpu.memref_slice %arg9[%add3A_173, %dma_wait3A_212] : memref<2048x768xf32, #tpu.memory_space<hbm>> -> memref<16x768xf32, #tpu.memory_space<hbm>>
      tpu.wait_dma2 semaphore(%run_scoped3A : memref<!tpu.dma_semaphore, #tpu.memory_space<semaphore_mem>>) src(%arg12 : memref<16x768xf32, #tpu.memory_space<vmem>>) dst(%dma_wait3A_213 : memref<16x768xf32, #tpu.memory_space<hbm>>)
      tpu.yield
    }) : () -> ()
    %scan3A_174 = arith.constant 0 : i32
    %scan3A_175 = arith.constant 0 : i32
    %scan3A_176 = arith.constant 12 : i32
    %scan3A_177 = arith.addi %scan3A_175, %scan3A_176 : i32
    %scan3A_178 = arith.constant 1 : i32
    %scan3A_179 = scf.for %scan3A_206 = %scan3A_175 to %scan3A_177 step %scan3A_178 iter_args(%scan3A_207 = %scan3A_174) -> (i32)  : i32 {
      %mul3A_208 = arith.constant 12 : i32
      %mul3A_209 = arith.muli %arg0, %mul3A_208 : i32
      %add3A_210 = arith.addi %mul3A_209, %scan3A_206 : i32
      %jit3A = arith.constant 2 : i32
      %eq3A = arith.constant 0 : i32
      %eq3A_211 = arith.cmpi eq, %jit3A, %eq3A : i32
      %jit3A_212 = arith.constant 1 : i32
      %select_n3A = arith.select %eq3A_211, %jit3A_212, %jit3A : i32
      %rem3A = arith.remsi %scan3A_206, %select_n3A : i32
      %ne3A = arith.constant 0 : i32
      %ne3A_213 = arith.cmpi ne, %rem3A, %ne3A : i32
      %lt3A = arith.constant 0 : i32
      %lt3A_214 = arith.cmpi slt, %rem3A, %lt3A : i32
      %lt3A_215 = arith.constant 0 : i32
      %lt3A_216 = arith.cmpi slt, %select_n3A, %lt3A_215 : i32
      %ne3A_217 = arith.xori %lt3A_214, %lt3A_216 : i1
      %and3A = arith.andi %ne3A_217, %ne3A_213 : i1
      %add3A_218 = arith.addi %rem3A, %select_n3A : i32
      %select_n3A_219 = arith.select %and3A, %add3A_218, %rem3A : i32
      %eq3A_220 = arith.constant 0 : i32
      %eq3A_221 = arith.cmpi eq, %select_n3A_219, %eq3A_220 : i32
      %convert_element_type3A = arith.extui %eq3A_221 : i1 to i32
      %cond3A = arith.constant 0 : i32
      %cond3A_222 = arith.cmpi ne, %convert_element_type3A, %cond3A : i32
      scf.if %cond3A_222 {
        %ge3A = arith.constant 2 : i32
        %ge3A_245 = arith.cmpi sge, %scan3A_206, %ge3A : i32
        %convert_element_type3A_246 = arith.extui %ge3A_245 : i1 to i32
        %cond3A_247 = arith.constant 0 : i32
        %cond3A_248 = arith.cmpi ne, %convert_element_type3A_246, %cond3A_247 : i32
        scf.if %cond3A_248 {
          %mul3A_652 = arith.constant 32768 : i32
          %mul3A_653 = arith.muli %arg1, %mul3A_652 : i32
          %sub3A_654 = arith.constant 2 : i32
          %sub3A_655 = arith.subi %add3A_210, %sub3A_654 : i32
          %mul3A_656 = arith.constant 524288 : i32
          %mul3A_657 = arith.muli %sub3A_655, %mul3A_656 : i32
          %mul3A_658 = arith.constant 32768 : i32
          %mul3A_659 = arith.muli %arg1, %mul3A_658 : i32
          %add3A_660 = arith.addi %mul3A_657, %mul3A_659 : i32
          %dma_wait3A_661 = tpu.memref_slice %arg10[%add3A_660] : memref<12582912xf32, #tpu.memory_space<hbm>> -> memref<32768xf32, #tpu.memory_space<hbm>>
          %dma_wait3A_662 = tpu.memref_slice %arg21[%mul3A_653] : memref<524288xf32, #tpu.memory_space<vmem_shared>> -> memref<32768xf32, #tpu.memory_space<vmem_shared>>
          tpu.wait_dma2 semaphore(%arg26 : memref<!tpu.dma_semaphore, #tpu.memory_space<semaphore_mem>>) src(%dma_wait3A_662 : memref<32768xf32, #tpu.memory_space<vmem_shared>>) dst(%dma_wait3A_661 : memref<32768xf32, #tpu.memory_space<hbm>>)
        } else {
        }
        %mul3A_249 = arith.constant 32768 : i32
        %mul3A_250 = arith.muli %arg1, %mul3A_249 : i32
        %add3A_251 = arith.constant 0 : i32
        %add3A_252 = arith.addi %mul3A_250, %add3A_251 : i32
        %dma_start3A_253 = tpu.memref_slice %arg21[%add3A_252] : memref<524288xf32, #tpu.memory_space<vmem_shared>> -> memref<2048xf32, #tpu.memory_space<vmem_shared>>
        %dma_start3A_254 = tpu.memref_slice %arg21[%add3A_252] : memref<524288xf32, #tpu.memory_space<vmem_shared>> -> memref<2048xf32, #tpu.memory_space<vmem_shared>>
        tpu.enqueue_dma source(%arg19 : memref<2048xf32, #tpu.memory_space<vmem>>) target(%dma_start3A_254 : memref<2048xf32, #tpu.memory_space<vmem_shared>>) target_semaphore(%arg24 : memref<!tpu.dma_semaphore, #tpu.memory_space<semaphore_mem>>)
        %mul3A_255 = arith.constant 32768 : i32
        %mul3A_256 = arith.muli %arg1, %mul3A_255 : i32
        %add3A_257 = arith.constant 2048 : i32
        %add3A_258 = arith.addi %mul3A_256, %add3A_257 : i32
        %dma_start3A_259 = tpu.memref_slice %arg21[%add3A_258] : memref<524288xf32, #tpu.memory_space<vmem_shared>> -> memref<2048xf32, #tpu.memory_space<vmem_shared>>
        %dma_start3A_260 = tpu.memref_slice %arg21[%add3A_258] : memref<524288xf32, #tpu.memory_space<vmem_shared>> -> memref<2048xf32, #tpu.memory_space<vmem_shared>>
        tpu.enqueue_dma source(%arg19 : memref<2048xf32, #tpu.memory_space<vmem>>) target(%dma_start3A_260 : memref<2048xf32, #tpu.memory_space<vmem_shared>>) target_semaphore(%arg24 : memref<!tpu.dma_semaphore, #tpu.memory_space<semaphore_mem>>)
        %mul3A_261 = arith.constant 32768 : i32
        %mul3A_262 = arith.muli %arg1, %mul3A_261 : i32
        %add3A_263 = arith.constant 4096 : i32
        %add3A_264 = arith.addi %mul3A_262, %add3A_263 : i32
        %dma_start3A_265 = tpu.memref_slice %arg21[%add3A_264] : memref<524288xf32, #tpu.memory_space<vmem_shared>> -> memref<2048xf32, #tpu.memory_space<vmem_shared>>
        %dma_start3A_266 = tpu.memref_slice %arg21[%add3A_264] : memref<524288xf32, #tpu.memory_space<vmem_shared>> -> memref<2048xf32, #tpu.memory_space<vmem_shared>>
        tpu.enqueue_dma source(%arg19 : memref<2048xf32, #tpu.memory_space<vmem>>) target(%dma_start3A_266 : memref<2048xf32, #tpu.memory_space<vmem_shared>>) target_semaphore(%arg24 : memref<!tpu.dma_semaphore, #tpu.memory_space<semaphore_mem>>)
        %mul3A_267 = arith.constant 32768 : i32
        %mul3A_268 = arith.muli %arg1, %mul3A_267 : i32
        %add3A_269 = arith.constant 6144 : i32
        %add3A_270 = arith.addi %mul3A_268, %add3A_269 : i32
        %dma_start3A_271 = tpu.memref_slice %arg21[%add3A_270] : memref<524288xf32, #tpu.memory_space<vmem_shared>> -> memref<2048xf32, #tpu.memory_space<vmem_shared>>
        %dma_start3A_272 = tpu.memref_slice %arg21[%add3A_270] : memref<524288xf32, #tpu.memory_space<vmem_shared>> -> memref<2048xf32, #tpu.memory_space<vmem_shared>>
        tpu.enqueue_dma source(%arg19 : memref<2048xf32, #tpu.memory_space<vmem>>) target(%dma_start3A_272 : memref<2048xf32, #tpu.memory_space<vmem_shared>>) target_semaphore(%arg24 : memref<!tpu.dma_semaphore, #tpu.memory_space<semaphore_mem>>)
        %mul3A_273 = arith.constant 32768 : i32
        %mul3A_274 = arith.muli %arg1, %mul3A_273 : i32
        %add3A_275 = arith.constant 8192 : i32
        %add3A_276 = arith.addi %mul3A_274, %add3A_275 : i32
        %dma_start3A_277 = tpu.memref_slice %arg21[%add3A_276] : memref<524288xf32, #tpu.memory_space<vmem_shared>> -> memref<2048xf32, #tpu.memory_space<vmem_shared>>
        %dma_start3A_278 = tpu.memref_slice %arg21[%add3A_276] : memref<524288xf32, #tpu.memory_space<vmem_shared>> -> memref<2048xf32, #tpu.memory_space<vmem_shared>>
        tpu.enqueue_dma source(%arg19 : memref<2048xf32, #tpu.memory_space<vmem>>) target(%dma_start3A_278 : memref<2048xf32, #tpu.memory_space<vmem_shared>>) target_semaphore(%arg24 : memref<!tpu.dma_semaphore, #tpu.memory_space<semaphore_mem>>)
        %mul3A_279 = arith.constant 32768 : i32
        %mul3A_280 = arith.muli %arg1, %mul3A_279 : i32
        %add3A_281 = arith.constant 10240 : i32
        %add3A_282 = arith.addi %mul3A_280, %add3A_281 : i32
        %dma_start3A_283 = tpu.memref_slice %arg21[%add3A_282] : memref<524288xf32, #tpu.memory_space<vmem_shared>> -> memref<2048xf32, #tpu.memory_space<vmem_shared>>
        %dma_start3A_284 = tpu.memref_slice %arg21[%add3A_282] : memref<524288xf32, #tpu.memory_space<vmem_shared>> -> memref<2048xf32, #tpu.memory_space<vmem_shared>>
        tpu.enqueue_dma source(%arg19 : memref<2048xf32, #tpu.memory_space<vmem>>) target(%dma_start3A_284 : memref<2048xf32, #tpu.memory_space<vmem_shared>>) target_semaphore(%arg24 : memref<!tpu.dma_semaphore, #tpu.memory_space<semaphore_mem>>)
        %mul3A_285 = arith.constant 32768 : i32
        %mul3A_286 = arith.muli %arg1, %mul3A_285 : i32
        %add3A_287 = arith.constant 12288 : i32
        %add3A_288 = arith.addi %mul3A_286, %add3A_287 : i32
        %dma_start3A_289 = tpu.memref_slice %arg21[%add3A_288] : memref<524288xf32, #tpu.memory_space<vmem_shared>> -> memref<2048xf32, #tpu.memory_space<vmem_shared>>
        %dma_start3A_290 = tpu.memref_slice %arg21[%add3A_288] : memref<524288xf32, #tpu.memory_space<vmem_shared>> -> memref<2048xf32, #tpu.memory_space<vmem_shared>>
        tpu.enqueue_dma source(%arg19 : memref<2048xf32, #tpu.memory_space<vmem>>) target(%dma_start3A_290 : memref<2048xf32, #tpu.memory_space<vmem_shared>>) target_semaphore(%arg24 : memref<!tpu.dma_semaphore, #tpu.memory_space<semaphore_mem>>)
        %mul3A_291 = arith.constant 32768 : i32
        %mul3A_292 = arith.muli %arg1, %mul3A_291 : i32
        %add3A_293 = arith.constant 14336 : i32
        %add3A_294 = arith.addi %mul3A_292, %add3A_293 : i32
        %dma_start3A_295 = tpu.memref_slice %arg21[%add3A_294] : memref<524288xf32, #tpu.memory_space<vmem_shared>> -> memref<2048xf32, #tpu.memory_space<vmem_shared>>
        %dma_start3A_296 = tpu.memref_slice %arg21[%add3A_294] : memref<524288xf32, #tpu.memory_space<vmem_shared>> -> memref<2048xf32, #tpu.memory_space<vmem_shared>>
        tpu.enqueue_dma source(%arg19 : memref<2048xf32, #tpu.memory_space<vmem>>) target(%dma_start3A_296 : memref<2048xf32, #tpu.memory_space<vmem_shared>>) target_semaphore(%arg24 : memref<!tpu.dma_semaphore, #tpu.memory_space<semaphore_mem>>)
        %mul3A_297 = arith.constant 32768 : i32
        %mul3A_298 = arith.muli %arg1, %mul3A_297 : i32
        %add3A_299 = arith.constant 16384 : i32
        %add3A_300 = arith.addi %mul3A_298, %add3A_299 : i32
        %dma_start3A_301 = tpu.memref_slice %arg21[%add3A_300] : memref<524288xf32, #tpu.memory_space<vmem_shared>> -> memref<2048xf32, #tpu.memory_space<vmem_shared>>
        %dma_start3A_302 = tpu.memref_slice %arg21[%add3A_300] : memref<524288xf32, #tpu.memory_space<vmem_shared>> -> memref<2048xf32, #tpu.memory_space<vmem_shared>>
        tpu.enqueue_dma source(%arg19 : memref<2048xf32, #tpu.memory_space<vmem>>) target(%dma_start3A_302 : memref<2048xf32, #tpu.memory_space<vmem_shared>>) target_semaphore(%arg24 : memref<!tpu.dma_semaphore, #tpu.memory_space<semaphore_mem>>)
        %mul3A_303 = arith.constant 32768 : i32
        %mul3A_304 = arith.muli %arg1, %mul3A_303 : i32
        %add3A_305 = arith.constant 18432 : i32
        %add3A_306 = arith.addi %mul3A_304, %add3A_305 : i32
        %dma_start3A_307 = tpu.memref_slice %arg21[%add3A_306] : memref<524288xf32, #tpu.memory_space<vmem_shared>> -> memref<2048xf32, #tpu.memory_space<vmem_shared>>
        %dma_start3A_308 = tpu.memref_slice %arg21[%add3A_306] : memref<524288xf32, #tpu.memory_space<vmem_shared>> -> memref<2048xf32, #tpu.memory_space<vmem_shared>>
        tpu.enqueue_dma source(%arg19 : memref<2048xf32, #tpu.memory_space<vmem>>) target(%dma_start3A_308 : memref<2048xf32, #tpu.memory_space<vmem_shared>>) target_semaphore(%arg24 : memref<!tpu.dma_semaphore, #tpu.memory_space<semaphore_mem>>)
        %mul3A_309 = arith.constant 32768 : i32
        %mul3A_310 = arith.muli %arg1, %mul3A_309 : i32
        %add3A_311 = arith.constant 20480 : i32
        %add3A_312 = arith.addi %mul3A_310, %add3A_311 : i32
        %dma_start3A_313 = tpu.memref_slice %arg21[%add3A_312] : memref<524288xf32, #tpu.memory_space<vmem_shared>> -> memref<2048xf32, #tpu.memory_space<vmem_shared>>
        %dma_start3A_314 = tpu.memref_slice %arg21[%add3A_312] : memref<524288xf32, #tpu.memory_space<vmem_shared>> -> memref<2048xf32, #tpu.memory_space<vmem_shared>>
        tpu.enqueue_dma source(%arg19 : memref<2048xf32, #tpu.memory_space<vmem>>) target(%dma_start3A_314 : memref<2048xf32, #tpu.memory_space<vmem_shared>>) target_semaphore(%arg24 : memref<!tpu.dma_semaphore, #tpu.memory_space<semaphore_mem>>)
        %mul3A_315 = arith.constant 32768 : i32
        %mul3A_316 = arith.muli %arg1, %mul3A_315 : i32
        %add3A_317 = arith.constant 22528 : i32
        %add3A_318 = arith.addi %mul3A_316, %add3A_317 : i32
        %dma_start3A_319 = tpu.memref_slice %arg21[%add3A_318] : memref<524288xf32, #tpu.memory_space<vmem_shared>> -> memref<2048xf32, #tpu.memory_space<vmem_shared>>
        %dma_start3A_320 = tpu.memref_slice %arg21[%add3A_318] : memref<524288xf32, #tpu.memory_space<vmem_shared>> -> memref<2048xf32, #tpu.memory_space<vmem_shared>>
        tpu.enqueue_dma source(%arg19 : memref<2048xf32, #tpu.memory_space<vmem>>) target(%dma_start3A_320 : memref<2048xf32, #tpu.memory_space<vmem_shared>>) target_semaphore(%arg24 : memref<!tpu.dma_semaphore, #tpu.memory_space<semaphore_mem>>)
        %mul3A_321 = arith.constant 32768 : i32
        %mul3A_322 = arith.muli %arg1, %mul3A_321 : i32
        %add3A_323 = arith.constant 24576 : i32
        %add3A_324 = arith.addi %mul3A_322, %add3A_323 : i32
        %dma_start3A_325 = tpu.memref_slice %arg21[%add3A_324] : memref<524288xf32, #tpu.memory_space<vmem_shared>> -> memref<2048xf32, #tpu.memory_space<vmem_shared>>
        %dma_start3A_326 = tpu.memref_slice %arg21[%add3A_324] : memref<524288xf32, #tpu.memory_space<vmem_shared>> -> memref<2048xf32, #tpu.memory_space<vmem_shared>>
        tpu.enqueue_dma source(%arg19 : memref<2048xf32, #tpu.memory_space<vmem>>) target(%dma_start3A_326 : memref<2048xf32, #tpu.memory_space<vmem_shared>>) target_semaphore(%arg24 : memref<!tpu.dma_semaphore, #tpu.memory_space<semaphore_mem>>)
        %mul3A_327 = arith.constant 32768 : i32
        %mul3A_328 = arith.muli %arg1, %mul3A_327 : i32
        %add3A_329 = arith.constant 26624 : i32
        %add3A_330 = arith.addi %mul3A_328, %add3A_329 : i32
        %dma_start3A_331 = tpu.memref_slice %arg21[%add3A_330] : memref<524288xf32, #tpu.memory_space<vmem_shared>> -> memref<2048xf32, #tpu.memory_space<vmem_shared>>
        %dma_start3A_332 = tpu.memref_slice %arg21[%add3A_330] : memref<524288xf32, #tpu.memory_space<vmem_shared>> -> memref<2048xf32, #tpu.memory_space<vmem_shared>>
        tpu.enqueue_dma source(%arg19 : memref<2048xf32, #tpu.memory_space<vmem>>) target(%dma_start3A_332 : memref<2048xf32, #tpu.memory_space<vmem_shared>>) target_semaphore(%arg24 : memref<!tpu.dma_semaphore, #tpu.memory_space<semaphore_mem>>)
        %mul3A_333 = arith.constant 32768 : i32
        %mul3A_334 = arith.muli %arg1, %mul3A_333 : i32
        %add3A_335 = arith.constant 28672 : i32
        %add3A_336 = arith.addi %mul3A_334, %add3A_335 : i32
        %dma_start3A_337 = tpu.memref_slice %arg21[%add3A_336] : memref<524288xf32, #tpu.memory_space<vmem_shared>> -> memref<2048xf32, #tpu.memory_space<vmem_shared>>
        %dma_start3A_338 = tpu.memref_slice %arg21[%add3A_336] : memref<524288xf32, #tpu.memory_space<vmem_shared>> -> memref<2048xf32, #tpu.memory_space<vmem_shared>>
        tpu.enqueue_dma source(%arg19 : memref<2048xf32, #tpu.memory_space<vmem>>) target(%dma_start3A_338 : memref<2048xf32, #tpu.memory_space<vmem_shared>>) target_semaphore(%arg24 : memref<!tpu.dma_semaphore, #tpu.memory_space<semaphore_mem>>)
        %mul3A_339 = arith.constant 32768 : i32
        %mul3A_340 = arith.muli %arg1, %mul3A_339 : i32
        %add3A_341 = arith.constant 30720 : i32
        %add3A_342 = arith.addi %mul3A_340, %add3A_341 : i32
        %dma_start3A_343 = tpu.memref_slice %arg21[%add3A_342] : memref<524288xf32, #tpu.memory_space<vmem_shared>> -> memref<2048xf32, #tpu.memory_space<vmem_shared>>
        %dma_start3A_344 = tpu.memref_slice %arg21[%add3A_342] : memref<524288xf32, #tpu.memory_space<vmem_shared>> -> memref<2048xf32, #tpu.memory_space<vmem_shared>>
        tpu.enqueue_dma source(%arg19 : memref<2048xf32, #tpu.memory_space<vmem>>) target(%dma_start3A_344 : memref<2048xf32, #tpu.memory_space<vmem_shared>>) target_semaphore(%arg24 : memref<!tpu.dma_semaphore, #tpu.memory_space<semaphore_mem>>)
        %mul3A_345 = arith.constant 48 : i32
        %mul3A_346 = arith.muli %add3A_210, %mul3A_345 : i32
        %scan3A_347 = arith.constant 0 : i32
        %scan3A_348 = arith.constant 0 : i32
        %scan3A_349 = arith.constant 128 : i32
        %scan3A_350 = arith.addi %scan3A_348, %scan3A_349 : i32
        %scan3A_351 = arith.constant 1 : i32
        %scan3A_352 = scf.for %scan3A_652 = %scan3A_348 to %scan3A_350 step %scan3A_351 iter_args(%scan3A_653 = %scan3A_347) -> (i32)  : i32 {
          %mul3A_654 = arith.constant 16 : i32
          %mul3A_655 = arith.muli %scan3A_652, %mul3A_654 : i32
          %get3A = arith.index_cast %mul3A_655 : i32 to index
          %get3A_656 = tpu.vector_load %arg16[%get3A] {strides = array<i32>} : memref<2048xi32, #tpu.memory_space<vmem>>, vector<16xi32>,
          %add3A_657 = vector.broadcast %mul3A_346 : i32 to vector<16xi32>
          %add3A_658 = arith.addi %get3A_656, %add3A_657 : vector<16xi32>
          %gather3A = tpu.vector_load_idx %arg20[%add3A_658] : memref<1152xf32, #tpu.memory_space<vmem>>[vector<16xi32>], vector<16xf32>,
          %mul3A_659 = arith.constant 16 : i32
          %mul3A_660 = arith.muli %scan3A_652, %mul3A_659 : i32
          %swap3A = arith.index_cast %mul3A_660 : i32 to index
          %swap3A_661 = tpu.vector_load %arg18[%swap3A] {strides = array<i32>} : memref<2048xf32, #tpu.memory_space<vmem>>, vector<16xf32>,
          tpu.vector_store %arg18[%swap3A], %gather3A {strides = array<i32>} : memref<2048xf32, #tpu.memory_space<vmem>>, vector<16xf32>,
          %scan3A_662 = arith.constant 0 : i32
          scf.yield %scan3A_662 : i32
        }
        %scan3A_353 = arith.constant 128 : i32
        %dma_wait3A_354 = tpu.memref_slice %arg21[%add3A_252] : memref<524288xf32, #tpu.memory_space<vmem_shared>> -> memref<2048xf32, #tpu.memory_space<vmem_shared>>
        %dma_wait3A_355 = tpu.memref_slice %arg21[%add3A_252] : memref<524288xf32, #tpu.memory_space<vmem_shared>> -> memref<2048xf32, #tpu.memory_space<vmem_shared>>
        tpu.wait_dma2 semaphore(%arg24 : memref<!tpu.dma_semaphore, #tpu.memory_space<semaphore_mem>>) src(%arg19 : memref<2048xf32, #tpu.memory_space<vmem>>) dst(%dma_wait3A_355 : memref<2048xf32, #tpu.memory_space<vmem_shared>>)
        %dma_wait3A_356 = tpu.memref_slice %arg21[%add3A_258] : memref<524288xf32, #tpu.memory_space<vmem_shared>> -> memref<2048xf32, #tpu.memory_space<vmem_shared>>
        %dma_wait3A_357 = tpu.memref_slice %arg21[%add3A_258] : memref<524288xf32, #tpu.memory_space<vmem_shared>> -> memref<2048xf32, #tpu.memory_space<vmem_shared>>
        tpu.wait_dma2 semaphore(%arg24 : memref<!tpu.dma_semaphore, #tpu.memory_space<semaphore_mem>>) src(%arg19 : memref<2048xf32, #tpu.memory_space<vmem>>) dst(%dma_wait3A_357 : memref<2048xf32, #tpu.memory_space<vmem_shared>>)
        %dma_wait3A_358 = tpu.memref_slice %arg21[%add3A_264] : memref<524288xf32, #tpu.memory_space<vmem_shared>> -> memref<2048xf32, #tpu.memory_space<vmem_shared>>
        %dma_wait3A_359 = tpu.memref_slice %arg21[%add3A_264] : memref<524288xf32, #tpu.memory_space<vmem_shared>> -> memref<2048xf32, #tpu.memory_space<vmem_shared>>
        tpu.wait_dma2 semaphore(%arg24 : memref<!tpu.dma_semaphore, #tpu.memory_space<semaphore_mem>>) src(%arg19 : memref<2048xf32, #tpu.memory_space<vmem>>) dst(%dma_wait3A_359 : memref<2048xf32, #tpu.memory_space<vmem_shared>>)
        %dma_wait3A_360 = tpu.memref_slice %arg21[%add3A_270] : memref<524288xf32, #tpu.memory_space<vmem_shared>> -> memref<2048xf32, #tpu.memory_space<vmem_shared>>
        %dma_wait3A_361 = tpu.memref_slice %arg21[%add3A_270] : memref<524288xf32, #tpu.memory_space<vmem_shared>> -> memref<2048xf32, #tpu.memory_space<vmem_shared>>
        tpu.wait_dma2 semaphore(%arg24 : memref<!tpu.dma_semaphore, #tpu.memory_space<semaphore_mem>>) src(%arg19 : memref<2048xf32, #tpu.memory_space<vmem>>) dst(%dma_wait3A_361 : memref<2048xf32, #tpu.memory_space<vmem_shared>>)
        %dma_wait3A_362 = tpu.memref_slice %arg21[%add3A_276] : memref<524288xf32, #tpu.memory_space<vmem_shared>> -> memref<2048xf32, #tpu.memory_space<vmem_shared>>
        %dma_wait3A_363 = tpu.memref_slice %arg21[%add3A_276] : memref<524288xf32, #tpu.memory_space<vmem_shared>> -> memref<2048xf32, #tpu.memory_space<vmem_shared>>
        tpu.wait_dma2 semaphore(%arg24 : memref<!tpu.dma_semaphore, #tpu.memory_space<semaphore_mem>>) src(%arg19 : memref<2048xf32, #tpu.memory_space<vmem>>) dst(%dma_wait3A_363 : memref<2048xf32, #tpu.memory_space<vmem_shared>>)
        %dma_wait3A_364 = tpu.memref_slice %arg21[%add3A_282] : memref<524288xf32, #tpu.memory_space<vmem_shared>> -> memref<2048xf32, #tpu.memory_space<vmem_shared>>
        %dma_wait3A_365 = tpu.memref_slice %arg21[%add3A_282] : memref<524288xf32, #tpu.memory_space<vmem_shared>> -> memref<2048xf32, #tpu.memory_space<vmem_shared>>
        tpu.wait_dma2 semaphore(%arg24 : memref<!tpu.dma_semaphore, #tpu.memory_space<semaphore_mem>>) src(%arg19 : memref<2048xf32, #tpu.memory_space<vmem>>) dst(%dma_wait3A_365 : memref<2048xf32, #tpu.memory_space<vmem_shared>>)
        %dma_wait3A_366 = tpu.memref_slice %arg21[%add3A_288] : memref<524288xf32, #tpu.memory_space<vmem_shared>> -> memref<2048xf32, #tpu.memory_space<vmem_shared>>
        %dma_wait3A_367 = tpu.memref_slice %arg21[%add3A_288] : memref<524288xf32, #tpu.memory_space<vmem_shared>> -> memref<2048xf32, #tpu.memory_space<vmem_shared>>
        tpu.wait_dma2 semaphore(%arg24 : memref<!tpu.dma_semaphore, #tpu.memory_space<semaphore_mem>>) src(%arg19 : memref<2048xf32, #tpu.memory_space<vmem>>) dst(%dma_wait3A_367 : memref<2048xf32, #tpu.memory_space<vmem_shared>>)
        %dma_wait3A_368 = tpu.memref_slice %arg21[%add3A_294] : memref<524288xf32, #tpu.memory_space<vmem_shared>> -> memref<2048xf32, #tpu.memory_space<vmem_shared>>
        %dma_wait3A_369 = tpu.memref_slice %arg21[%add3A_294] : memref<524288xf32, #tpu.memory_space<vmem_shared>> -> memref<2048xf32, #tpu.memory_space<vmem_shared>>
        tpu.wait_dma2 semaphore(%arg24 : memref<!tpu.dma_semaphore, #tpu.memory_space<semaphore_mem>>) src(%arg19 : memref<2048xf32, #tpu.memory_space<vmem>>) dst(%dma_wait3A_369 : memref<2048xf32, #tpu.memory_space<vmem_shared>>)
        %dma_wait3A_370 = tpu.memref_slice %arg21[%add3A_300] : memref<524288xf32, #tpu.memory_space<vmem_shared>> -> memref<2048xf32, #tpu.memory_space<vmem_shared>>
        %dma_wait3A_371 = tpu.memref_slice %arg21[%add3A_300] : memref<524288xf32, #tpu.memory_space<vmem_shared>> -> memref<2048xf32, #tpu.memory_space<vmem_shared>>
        tpu.wait_dma2 semaphore(%arg24 : memref<!tpu.dma_semaphore, #tpu.memory_space<semaphore_mem>>) src(%arg19 : memref<2048xf32, #tpu.memory_space<vmem>>) dst(%dma_wait3A_371 : memref<2048xf32, #tpu.memory_space<vmem_shared>>)
        %dma_wait3A_372 = tpu.memref_slice %arg21[%add3A_306] : memref<524288xf32, #tpu.memory_space<vmem_shared>> -> memref<2048xf32, #tpu.memory_space<vmem_shared>>
        %dma_wait3A_373 = tpu.memref_slice %arg21[%add3A_306] : memref<524288xf32, #tpu.memory_space<vmem_shared>> -> memref<2048xf32, #tpu.memory_space<vmem_shared>>
        tpu.wait_dma2 semaphore(%arg24 : memref<!tpu.dma_semaphore, #tpu.memory_space<semaphore_mem>>) src(%arg19 : memref<2048xf32, #tpu.memory_space<vmem>>) dst(%dma_wait3A_373 : memref<2048xf32, #tpu.memory_space<vmem_shared>>)
        %dma_wait3A_374 = tpu.memref_slice %arg21[%add3A_312] : memref<524288xf32, #tpu.memory_space<vmem_shared>> -> memref<2048xf32, #tpu.memory_space<vmem_shared>>
        %dma_wait3A_375 = tpu.memref_slice %arg21[%add3A_312] : memref<524288xf32, #tpu.memory_space<vmem_shared>> -> memref<2048xf32, #tpu.memory_space<vmem_shared>>
        tpu.wait_dma2 semaphore(%arg24 : memref<!tpu.dma_semaphore, #tpu.memory_space<semaphore_mem>>) src(%arg19 : memref<2048xf32, #tpu.memory_space<vmem>>) dst(%dma_wait3A_375 : memref<2048xf32, #tpu.memory_space<vmem_shared>>)
        %dma_wait3A_376 = tpu.memref_slice %arg21[%add3A_318] : memref<524288xf32, #tpu.memory_space<vmem_shared>> -> memref<2048xf32, #tpu.memory_space<vmem_shared>>
        %dma_wait3A_377 = tpu.memref_slice %arg21[%add3A_318] : memref<524288xf32, #tpu.memory_space<vmem_shared>> -> memref<2048xf32, #tpu.memory_space<vmem_shared>>
        tpu.wait_dma2 semaphore(%arg24 : memref<!tpu.dma_semaphore, #tpu.memory_space<semaphore_mem>>) src(%arg19 : memref<2048xf32, #tpu.memory_space<vmem>>) dst(%dma_wait3A_377 : memref<2048xf32, #tpu.memory_space<vmem_shared>>)
        %dma_wait3A_378 = tpu.memref_slice %arg21[%add3A_324] : memref<524288xf32, #tpu.memory_space<vmem_shared>> -> memref<2048xf32, #tpu.memory_space<vmem_shared>>
        %dma_wait3A_379 = tpu.memref_slice %arg21[%add3A_324] : memref<524288xf32, #tpu.memory_space<vmem_shared>> -> memref<2048xf32, #tpu.memory_space<vmem_shared>>
        tpu.wait_dma2 semaphore(%arg24 : memref<!tpu.dma_semaphore, #tpu.memory_space<semaphore_mem>>) src(%arg19 : memref<2048xf32, #tpu.memory_space<vmem>>) dst(%dma_wait3A_379 : memref<2048xf32, #tpu.memory_space<vmem_shared>>)
        %dma_wait3A_380 = tpu.memref_slice %arg21[%add3A_330] : memref<524288xf32, #tpu.memory_space<vmem_shared>> -> memref<2048xf32, #tpu.memory_space<vmem_shared>>
        %dma_wait3A_381 = tpu.memref_slice %arg21[%add3A_330] : memref<524288xf32, #tpu.memory_space<vmem_shared>> -> memref<2048xf32, #tpu.memory_space<vmem_shared>>
        tpu.wait_dma2 semaphore(%arg24 : memref<!tpu.dma_semaphore, #tpu.memory_space<semaphore_mem>>) src(%arg19 : memref<2048xf32, #tpu.memory_space<vmem>>) dst(%dma_wait3A_381 : memref<2048xf32, #tpu.memory_space<vmem_shared>>)
        %dma_wait3A_382 = tpu.memref_slice %arg21[%add3A_336] : memref<524288xf32, #tpu.memory_space<vmem_shared>> -> memref<2048xf32, #tpu.memory_space<vmem_shared>>
        %dma_wait3A_383 = tpu.memref_slice %arg21[%add3A_336] : memref<524288xf32, #tpu.memory_space<vmem_shared>> -> memref<2048xf32, #tpu.memory_space<vmem_shared>>
        tpu.wait_dma2 semaphore(%arg24 : memref<!tpu.dma_semaphore, #tpu.memory_space<semaphore_mem>>) src(%arg19 : memref<2048xf32, #tpu.memory_space<vmem>>) dst(%dma_wait3A_383 : memref<2048xf32, #tpu.memory_space<vmem_shared>>)
        %dma_wait3A_384 = tpu.memref_slice %arg21[%add3A_342] : memref<524288xf32, #tpu.memory_space<vmem_shared>> -> memref<2048xf32, #tpu.memory_space<vmem_shared>>
        %dma_wait3A_385 = tpu.memref_slice %arg21[%add3A_342] : memref<524288xf32, #tpu.memory_space<vmem_shared>> -> memref<2048xf32, #tpu.memory_space<vmem_shared>>
        tpu.wait_dma2 semaphore(%arg24 : memref<!tpu.dma_semaphore, #tpu.memory_space<semaphore_mem>>) src(%arg19 : memref<2048xf32, #tpu.memory_space<vmem>>) dst(%dma_wait3A_385 : memref<2048xf32, #tpu.memory_space<vmem_shared>>)
        %barrier3A = arith.constant 0 : index
        tpu.barrier barrier_id(%barrier3A)
        %dma_start3A_386 = arith.constant 0 : i32
        %dma_start3A_387 = arith.constant 0 : i32
        %dma_start3A_388 = tpu.memref_slice %arg18[%dma_start3A_387] : memref<2048xf32, #tpu.memory_space<vmem>> -> memref<128xf32, #tpu.memory_space<vmem>>
        %dma_start3A_389 = arith.constant 0 : i32
        %dma_start3A_390 = tpu.memref_slice %arg17[%dma_start3A_386, %dma_start3A_389] : memref<16x128xi32, #tpu.memory_space<vmem>> -> memref<1x128xi32, #tpu.memory_space<vmem>>
        %dma_start3A_391 = tpu.memref_squeeze %dma_start3A_390 : memref<1x128xi32, #tpu.memory_space<vmem>> -> memref<128xi32, #tpu.memory_space<vmem>>
        %dma_start3A_392 = arith.constant 0 : i32
        %dma_start3A_393 = tpu.memref_slice %arg21[%dma_start3A_392] : memref<524288xf32, #tpu.memory_space<vmem_shared>> -> memref<524288xf32, #tpu.memory_space<vmem_shared>>
        tpu.enqueue_indirect_dma source(%dma_start3A_388 : memref<128xf32, #tpu.memory_space<vmem>>) target(%dma_start3A_393 : memref<524288xf32, #tpu.memory_space<vmem_shared>>) offsets(%dma_start3A_391 : memref<128xi32, #tpu.memory_space<vmem>>) semaphore(%arg25 : memref<!tpu.dma_semaphore, #tpu.memory_space<semaphore_mem>>) {add = true}
        %dma_start3A_394 = arith.constant 1 : i32
        %dma_start3A_395 = arith.constant 128 : i32
        %dma_start3A_396 = tpu.memref_slice %arg18[%dma_start3A_395] : memref<2048xf32, #tpu.memory_space<vmem>> -> memref<128xf32, #tpu.memory_space<vmem>>
        %dma_start3A_397 = arith.constant 0 : i32
        %dma_start3A_398 = tpu.memref_slice %arg17[%dma_start3A_394, %dma_start3A_397] : memref<16x128xi32, #tpu.memory_space<vmem>> -> memref<1x128xi32, #tpu.memory_space<vmem>>
        %dma_start3A_399 = tpu.memref_squeeze %dma_start3A_398 : memref<1x128xi32, #tpu.memory_space<vmem>> -> memref<128xi32, #tpu.memory_space<vmem>>
        %dma_start3A_400 = arith.constant 0 : i32
        %dma_start3A_401 = tpu.memref_slice %arg21[%dma_start3A_400] : memref<524288xf32, #tpu.memory_space<vmem_shared>> -> memref<524288xf32, #tpu.memory_space<vmem_shared>>
        tpu.enqueue_indirect_dma source(%dma_start3A_396 : memref<128xf32, #tpu.memory_space<vmem>>) target(%dma_start3A_401 : memref<524288xf32, #tpu.memory_space<vmem_shared>>) offsets(%dma_start3A_399 : memref<128xi32, #tpu.memory_space<vmem>>) semaphore(%arg25 : memref<!tpu.dma_semaphore, #tpu.memory_space<semaphore_mem>>) {add = true}
        %dma_start3A_402 = arith.constant 2 : i32
        %dma_start3A_403 = arith.constant 256 : i32
        %dma_start3A_404 = tpu.memref_slice %arg18[%dma_start3A_403] : memref<2048xf32, #tpu.memory_space<vmem>> -> memref<128xf32, #tpu.memory_space<vmem>>
        %dma_start3A_405 = arith.constant 0 : i32
        %dma_start3A_406 = tpu.memref_slice %arg17[%dma_start3A_402, %dma_start3A_405] : memref<16x128xi32, #tpu.memory_space<vmem>> -> memref<1x128xi32, #tpu.memory_space<vmem>>
        %dma_start3A_407 = tpu.memref_squeeze %dma_start3A_406 : memref<1x128xi32, #tpu.memory_space<vmem>> -> memref<128xi32, #tpu.memory_space<vmem>>
        %dma_start3A_408 = arith.constant 0 : i32
        %dma_start3A_409 = tpu.memref_slice %arg21[%dma_start3A_408] : memref<524288xf32, #tpu.memory_space<vmem_shared>> -> memref<524288xf32, #tpu.memory_space<vmem_shared>>
        tpu.enqueue_indirect_dma source(%dma_start3A_404 : memref<128xf32, #tpu.memory_space<vmem>>) target(%dma_start3A_409 : memref<524288xf32, #tpu.memory_space<vmem_shared>>) offsets(%dma_start3A_407 : memref<128xi32, #tpu.memory_space<vmem>>) semaphore(%arg25 : memref<!tpu.dma_semaphore, #tpu.memory_space<semaphore_mem>>) {add = true}
        %dma_start3A_410 = arith.constant 3 : i32
        %dma_start3A_411 = arith.constant 384 : i32
        %dma_start3A_412 = tpu.memref_slice %arg18[%dma_start3A_411] : memref<2048xf32, #tpu.memory_space<vmem>> -> memref<128xf32, #tpu.memory_space<vmem>>
        %dma_start3A_413 = arith.constant 0 : i32
        %dma_start3A_414 = tpu.memref_slice %arg17[%dma_start3A_410, %dma_start3A_413] : memref<16x128xi32, #tpu.memory_space<vmem>> -> memref<1x128xi32, #tpu.memory_space<vmem>>
        %dma_start3A_415 = tpu.memref_squeeze %dma_start3A_414 : memref<1x128xi32, #tpu.memory_space<vmem>> -> memref<128xi32, #tpu.memory_space<vmem>>
        %dma_start3A_416 = arith.constant 0 : i32
        %dma_start3A_417 = tpu.memref_slice %arg21[%dma_start3A_416] : memref<524288xf32, #tpu.memory_space<vmem_shared>> -> memref<524288xf32, #tpu.memory_space<vmem_shared>>
        tpu.enqueue_indirect_dma source(%dma_start3A_412 : memref<128xf32, #tpu.memory_space<vmem>>) target(%dma_start3A_417 : memref<524288xf32, #tpu.memory_space<vmem_shared>>) offsets(%dma_start3A_415 : memref<128xi32, #tpu.memory_space<vmem>>) semaphore(%arg25 : memref<!tpu.dma_semaphore, #tpu.memory_space<semaphore_mem>>) {add = true}
        %dma_start3A_418 = arith.constant 4 : i32
        %dma_start3A_419 = arith.constant 512 : i32
        %dma_start3A_420 = tpu.memref_slice %arg18[%dma_start3A_419] : memref<2048xf32, #tpu.memory_space<vmem>> -> memref<128xf32, #tpu.memory_space<vmem>>
        %dma_start3A_421 = arith.constant 0 : i32
        %dma_start3A_422 = tpu.memref_slice %arg17[%dma_start3A_418, %dma_start3A_421] : memref<16x128xi32, #tpu.memory_space<vmem>> -> memref<1x128xi32, #tpu.memory_space<vmem>>
        %dma_start3A_423 = tpu.memref_squeeze %dma_start3A_422 : memref<1x128xi32, #tpu.memory_space<vmem>> -> memref<128xi32, #tpu.memory_space<vmem>>
        %dma_start3A_424 = arith.constant 0 : i32
        %dma_start3A_425 = tpu.memref_slice %arg21[%dma_start3A_424] : memref<524288xf32, #tpu.memory_space<vmem_shared>> -> memref<524288xf32, #tpu.memory_space<vmem_shared>>
        tpu.enqueue_indirect_dma source(%dma_start3A_420 : memref<128xf32, #tpu.memory_space<vmem>>) target(%dma_start3A_425 : memref<524288xf32, #tpu.memory_space<vmem_shared>>) offsets(%dma_start3A_423 : memref<128xi32, #tpu.memory_space<vmem>>) semaphore(%arg25 : memref<!tpu.dma_semaphore, #tpu.memory_space<semaphore_mem>>) {add = true}
        %dma_start3A_426 = arith.constant 5 : i32
        %dma_start3A_427 = arith.constant 640 : i32
        %dma_start3A_428 = tpu.memref_slice %arg18[%dma_start3A_427] : memref<2048xf32, #tpu.memory_space<vmem>> -> memref<128xf32, #tpu.memory_space<vmem>>
        %dma_start3A_429 = arith.constant 0 : i32
        %dma_start3A_430 = tpu.memref_slice %arg17[%dma_start3A_426, %dma_start3A_429] : memref<16x128xi32, #tpu.memory_space<vmem>> -> memref<1x128xi32, #tpu.memory_space<vmem>>
        %dma_start3A_431 = tpu.memref_squeeze %dma_start3A_430 : memref<1x128xi32, #tpu.memory_space<vmem>> -> memref<128xi32, #tpu.memory_space<vmem>>
        %dma_start3A_432 = arith.constant 0 : i32
        %dma_start3A_433 = tpu.memref_slice %arg21[%dma_start3A_432] : memref<524288xf32, #tpu.memory_space<vmem_shared>> -> memref<524288xf32, #tpu.memory_space<vmem_shared>>
        tpu.enqueue_indirect_dma source(%dma_start3A_428 : memref<128xf32, #tpu.memory_space<vmem>>) target(%dma_start3A_433 : memref<524288xf32, #tpu.memory_space<vmem_shared>>) offsets(%dma_start3A_431 : memref<128xi32, #tpu.memory_space<vmem>>) semaphore(%arg25 : memref<!tpu.dma_semaphore, #tpu.memory_space<semaphore_mem>>) {add = true}
        %dma_start3A_434 = arith.constant 6 : i32
        %dma_start3A_435 = arith.constant 768 : i32
        %dma_start3A_436 = tpu.memref_slice %arg18[%dma_start3A_435] : memref<2048xf32, #tpu.memory_space<vmem>> -> memref<128xf32, #tpu.memory_space<vmem>>
        %dma_start3A_437 = arith.constant 0 : i32
        %dma_start3A_438 = tpu.memref_slice %arg17[%dma_start3A_434, %dma_start3A_437] : memref<16x128xi32, #tpu.memory_space<vmem>> -> memref<1x128xi32, #tpu.memory_space<vmem>>
        %dma_start3A_439 = tpu.memref_squeeze %dma_start3A_438 : memref<1x128xi32, #tpu.memory_space<vmem>> -> memref<128xi32, #tpu.memory_space<vmem>>
        %dma_start3A_440 = arith.constant 0 : i32
        %dma_start3A_441 = tpu.memref_slice %arg21[%dma_start3A_440] : memref<524288xf32, #tpu.memory_space<vmem_shared>> -> memref<524288xf32, #tpu.memory_space<vmem_shared>>
        tpu.enqueue_indirect_dma source(%dma_start3A_436 : memref<128xf32, #tpu.memory_space<vmem>>) target(%dma_start3A_441 : memref<524288xf32, #tpu.memory_space<vmem_shared>>) offsets(%dma_start3A_439 : memref<128xi32, #tpu.memory_space<vmem>>) semaphore(%arg25 : memref<!tpu.dma_semaphore, #tpu.memory_space<semaphore_mem>>) {add = true}
        %dma_start3A_442 = arith.constant 7 : i32
        %dma_start3A_443 = arith.constant 896 : i32
        %dma_start3A_444 = tpu.memref_slice %arg18[%dma_start3A_443] : memref<2048xf32, #tpu.memory_space<vmem>> -> memref<128xf32, #tpu.memory_space<vmem>>
        %dma_start3A_445 = arith.constant 0 : i32
        %dma_start3A_446 = tpu.memref_slice %arg17[%dma_start3A_442, %dma_start3A_445] : memref<16x128xi32, #tpu.memory_space<vmem>> -> memref<1x128xi32, #tpu.memory_space<vmem>>
        %dma_start3A_447 = tpu.memref_squeeze %dma_start3A_446 : memref<1x128xi32, #tpu.memory_space<vmem>> -> memref<128xi32, #tpu.memory_space<vmem>>
        %dma_start3A_448 = arith.constant 0 : i32
        %dma_start3A_449 = tpu.memref_slice %arg21[%dma_start3A_448] : memref<524288xf32, #tpu.memory_space<vmem_shared>> -> memref<524288xf32, #tpu.memory_space<vmem_shared>>
        tpu.enqueue_indirect_dma source(%dma_start3A_444 : memref<128xf32, #tpu.memory_space<vmem>>) target(%dma_start3A_449 : memref<524288xf32, #tpu.memory_space<vmem_shared>>) offsets(%dma_start3A_447 : memref<128xi32, #tpu.memory_space<vmem>>) semaphore(%arg25 : memref<!tpu.dma_semaphore, #tpu.memory_space<semaphore_mem>>) {add = true}
        %dma_start3A_450 = arith.constant 8 : i32
        %dma_start3A_451 = arith.constant 1024 : i32
        %dma_start3A_452 = tpu.memref_slice %arg18[%dma_start3A_451] : memref<2048xf32, #tpu.memory_space<vmem>> -> memref<128xf32, #tpu.memory_space<vmem>>
        %dma_start3A_453 = arith.constant 0 : i32
        %dma_start3A_454 = tpu.memref_slice %arg17[%dma_start3A_450, %dma_start3A_453] : memref<16x128xi32, #tpu.memory_space<vmem>> -> memref<1x128xi32, #tpu.memory_space<vmem>>
        %dma_start3A_455 = tpu.memref_squeeze %dma_start3A_454 : memref<1x128xi32, #tpu.memory_space<vmem>> -> memref<128xi32, #tpu.memory_space<vmem>>
        %dma_start3A_456 = arith.constant 0 : i32
        %dma_start3A_457 = tpu.memref_slice %arg21[%dma_start3A_456] : memref<524288xf32, #tpu.memory_space<vmem_shared>> -> memref<524288xf32, #tpu.memory_space<vmem_shared>>
        tpu.enqueue_indirect_dma source(%dma_start3A_452 : memref<128xf32, #tpu.memory_space<vmem>>) target(%dma_start3A_457 : memref<524288xf32, #tpu.memory_space<vmem_shared>>) offsets(%dma_start3A_455 : memref<128xi32, #tpu.memory_space<vmem>>) semaphore(%arg25 : memref<!tpu.dma_semaphore, #tpu.memory_space<semaphore_mem>>) {add = true}
        %dma_start3A_458 = arith.constant 9 : i32
        %dma_start3A_459 = arith.constant 1152 : i32
        %dma_start3A_460 = tpu.memref_slice %arg18[%dma_start3A_459] : memref<2048xf32, #tpu.memory_space<vmem>> -> memref<128xf32, #tpu.memory_space<vmem>>
        %dma_start3A_461 = arith.constant 0 : i32
        %dma_start3A_462 = tpu.memref_slice %arg17[%dma_start3A_458, %dma_start3A_461] : memref<16x128xi32, #tpu.memory_space<vmem>> -> memref<1x128xi32, #tpu.memory_space<vmem>>
        %dma_start3A_463 = tpu.memref_squeeze %dma_start3A_462 : memref<1x128xi32, #tpu.memory_space<vmem>> -> memref<128xi32, #tpu.memory_space<vmem>>
        %dma_start3A_464 = arith.constant 0 : i32
        %dma_start3A_465 = tpu.memref_slice %arg21[%dma_start3A_464] : memref<524288xf32, #tpu.memory_space<vmem_shared>> -> memref<524288xf32, #tpu.memory_space<vmem_shared>>
        tpu.enqueue_indirect_dma source(%dma_start3A_460 : memref<128xf32, #tpu.memory_space<vmem>>) target(%dma_start3A_465 : memref<524288xf32, #tpu.memory_space<vmem_shared>>) offsets(%dma_start3A_463 : memref<128xi32, #tpu.memory_space<vmem>>) semaphore(%arg25 : memref<!tpu.dma_semaphore, #tpu.memory_space<semaphore_mem>>) {add = true}
        %dma_start3A_466 = arith.constant 10 : i32
        %dma_start3A_467 = arith.constant 1280 : i32
        %dma_start3A_468 = tpu.memref_slice %arg18[%dma_start3A_467] : memref<2048xf32, #tpu.memory_space<vmem>> -> memref<128xf32, #tpu.memory_space<vmem>>
        %dma_start3A_469 = arith.constant 0 : i32
        %dma_start3A_470 = tpu.memref_slice %arg17[%dma_start3A_466, %dma_start3A_469] : memref<16x128xi32, #tpu.memory_space<vmem>> -> memref<1x128xi32, #tpu.memory_space<vmem>>
        %dma_start3A_471 = tpu.memref_squeeze %dma_start3A_470 : memref<1x128xi32, #tpu.memory_space<vmem>> -> memref<128xi32, #tpu.memory_space<vmem>>
        %dma_start3A_472 = arith.constant 0 : i32
        %dma_start3A_473 = tpu.memref_slice %arg21[%dma_start3A_472] : memref<524288xf32, #tpu.memory_space<vmem_shared>> -> memref<524288xf32, #tpu.memory_space<vmem_shared>>
        tpu.enqueue_indirect_dma source(%dma_start3A_468 : memref<128xf32, #tpu.memory_space<vmem>>) target(%dma_start3A_473 : memref<524288xf32, #tpu.memory_space<vmem_shared>>) offsets(%dma_start3A_471 : memref<128xi32, #tpu.memory_space<vmem>>) semaphore(%arg25 : memref<!tpu.dma_semaphore, #tpu.memory_space<semaphore_mem>>) {add = true}
        %dma_start3A_474 = arith.constant 11 : i32
        %dma_start3A_475 = arith.constant 1408 : i32
        %dma_start3A_476 = tpu.memref_slice %arg18[%dma_start3A_475] : memref<2048xf32, #tpu.memory_space<vmem>> -> memref<128xf32, #tpu.memory_space<vmem>>
        %dma_start3A_477 = arith.constant 0 : i32
        %dma_start3A_478 = tpu.memref_slice %arg17[%dma_start3A_474, %dma_start3A_477] : memref<16x128xi32, #tpu.memory_space<vmem>> -> memref<1x128xi32, #tpu.memory_space<vmem>>
        %dma_start3A_479 = tpu.memref_squeeze %dma_start3A_478 : memref<1x128xi32, #tpu.memory_space<vmem>> -> memref<128xi32, #tpu.memory_space<vmem>>
        %dma_start3A_480 = arith.constant 0 : i32
        %dma_start3A_481 = tpu.memref_slice %arg21[%dma_start3A_480] : memref<524288xf32, #tpu.memory_space<vmem_shared>> -> memref<524288xf32, #tpu.memory_space<vmem_shared>>
        tpu.enqueue_indirect_dma source(%dma_start3A_476 : memref<128xf32, #tpu.memory_space<vmem>>) target(%dma_start3A_481 : memref<524288xf32, #tpu.memory_space<vmem_shared>>) offsets(%dma_start3A_479 : memref<128xi32, #tpu.memory_space<vmem>>) semaphore(%arg25 : memref<!tpu.dma_semaphore, #tpu.memory_space<semaphore_mem>>) {add = true}
        %dma_start3A_482 = arith.constant 12 : i32
        %dma_start3A_483 = arith.constant 1536 : i32
        %dma_start3A_484 = tpu.memref_slice %arg18[%dma_start3A_483] : memref<2048xf32, #tpu.memory_space<vmem>> -> memref<128xf32, #tpu.memory_space<vmem>>
        %dma_start3A_485 = arith.constant 0 : i32
        %dma_start3A_486 = tpu.memref_slice %arg17[%dma_start3A_482, %dma_start3A_485] : memref<16x128xi32, #tpu.memory_space<vmem>> -> memref<1x128xi32, #tpu.memory_space<vmem>>
        %dma_start3A_487 = tpu.memref_squeeze %dma_start3A_486 : memref<1x128xi32, #tpu.memory_space<vmem>> -> memref<128xi32, #tpu.memory_space<vmem>>
        %dma_start3A_488 = arith.constant 0 : i32
        %dma_start3A_489 = tpu.memref_slice %arg21[%dma_start3A_488] : memref<524288xf32, #tpu.memory_space<vmem_shared>> -> memref<524288xf32, #tpu.memory_space<vmem_shared>>
        tpu.enqueue_indirect_dma source(%dma_start3A_484 : memref<128xf32, #tpu.memory_space<vmem>>) target(%dma_start3A_489 : memref<524288xf32, #tpu.memory_space<vmem_shared>>) offsets(%dma_start3A_487 : memref<128xi32, #tpu.memory_space<vmem>>) semaphore(%arg25 : memref<!tpu.dma_semaphore, #tpu.memory_space<semaphore_mem>>) {add = true}
        %dma_start3A_490 = arith.constant 13 : i32
        %dma_start3A_491 = arith.constant 1664 : i32
        %dma_start3A_492 = tpu.memref_slice %arg18[%dma_start3A_491] : memref<2048xf32, #tpu.memory_space<vmem>> -> memref<128xf32, #tpu.memory_space<vmem>>
        %dma_start3A_493 = arith.constant 0 : i32
        %dma_start3A_494 = tpu.memref_slice %arg17[%dma_start3A_490, %dma_start3A_493] : memref<16x128xi32, #tpu.memory_space<vmem>> -> memref<1x128xi32, #tpu.memory_space<vmem>>
        %dma_start3A_495 = tpu.memref_squeeze %dma_start3A_494 : memref<1x128xi32, #tpu.memory_space<vmem>> -> memref<128xi32, #tpu.memory_space<vmem>>
        %dma_start3A_496 = arith.constant 0 : i32
        %dma_start3A_497 = tpu.memref_slice %arg21[%dma_start3A_496] : memref<524288xf32, #tpu.memory_space<vmem_shared>> -> memref<524288xf32, #tpu.memory_space<vmem_shared>>
        tpu.enqueue_indirect_dma source(%dma_start3A_492 : memref<128xf32, #tpu.memory_space<vmem>>) target(%dma_start3A_497 : memref<524288xf32, #tpu.memory_space<vmem_shared>>) offsets(%dma_start3A_495 : memref<128xi32, #tpu.memory_space<vmem>>) semaphore(%arg25 : memref<!tpu.dma_semaphore, #tpu.memory_space<semaphore_mem>>) {add = true}
        %dma_start3A_498 = arith.constant 14 : i32
        %dma_start3A_499 = arith.constant 1792 : i32
        %dma_start3A_500 = tpu.memref_slice %arg18[%dma_start3A_499] : memref<2048xf32, #tpu.memory_space<vmem>> -> memref<128xf32, #tpu.memory_space<vmem>>
        %dma_start3A_501 = arith.constant 0 : i32
        %dma_start3A_502 = tpu.memref_slice %arg17[%dma_start3A_498, %dma_start3A_501] : memref<16x128xi32, #tpu.memory_space<vmem>> -> memref<1x128xi32, #tpu.memory_space<vmem>>
        %dma_start3A_503 = tpu.memref_squeeze %dma_start3A_502 : memref<1x128xi32, #tpu.memory_space<vmem>> -> memref<128xi32, #tpu.memory_space<vmem>>
        %dma_start3A_504 = arith.constant 0 : i32
        %dma_start3A_505 = tpu.memref_slice %arg21[%dma_start3A_504] : memref<524288xf32, #tpu.memory_space<vmem_shared>> -> memref<524288xf32, #tpu.memory_space<vmem_shared>>
        tpu.enqueue_indirect_dma source(%dma_start3A_500 : memref<128xf32, #tpu.memory_space<vmem>>) target(%dma_start3A_505 : memref<524288xf32, #tpu.memory_space<vmem_shared>>) offsets(%dma_start3A_503 : memref<128xi32, #tpu.memory_space<vmem>>) semaphore(%arg25 : memref<!tpu.dma_semaphore, #tpu.memory_space<semaphore_mem>>) {add = true}
        %dma_start3A_506 = arith.constant 15 : i32
        %dma_start3A_507 = arith.constant 1920 : i32
        %dma_start3A_508 = tpu.memref_slice %arg18[%dma_start3A_507] : memref<2048xf32, #tpu.memory_space<vmem>> -> memref<128xf32, #tpu.memory_space<vmem>>
        %dma_start3A_509 = arith.constant 0 : i32
        %dma_start3A_510 = tpu.memref_slice %arg17[%dma_start3A_506, %dma_start3A_509] : memref<16x128xi32, #tpu.memory_space<vmem>> -> memref<1x128xi32, #tpu.memory_space<vmem>>
        %dma_start3A_511 = tpu.memref_squeeze %dma_start3A_510 : memref<1x128xi32, #tpu.memory_space<vmem>> -> memref<128xi32, #tpu.memory_space<vmem>>
        %dma_start3A_512 = arith.constant 0 : i32
        %dma_start3A_513 = tpu.memref_slice %arg21[%dma_start3A_512] : memref<524288xf32, #tpu.memory_space<vmem_shared>> -> memref<524288xf32, #tpu.memory_space<vmem_shared>>
        tpu.enqueue_indirect_dma source(%dma_start3A_508 : memref<128xf32, #tpu.memory_space<vmem>>) target(%dma_start3A_513 : memref<524288xf32, #tpu.memory_space<vmem_shared>>) offsets(%dma_start3A_511 : memref<128xi32, #tpu.memory_space<vmem>>) semaphore(%arg25 : memref<!tpu.dma_semaphore, #tpu.memory_space<semaphore_mem>>) {add = true}
        %dma_wait3A_514 = arith.constant 0 : i32
        %dma_wait3A_515 = arith.constant 0 : i32
        %dma_wait3A_516 = tpu.memref_slice %arg18[%dma_wait3A_515] : memref<2048xf32, #tpu.memory_space<vmem>> -> memref<128xf32, #tpu.memory_space<vmem>>
        %dma_wait3A_517 = arith.constant 0 : i32
        %dma_wait3A_518 = tpu.memref_slice %arg17[%dma_wait3A_514, %dma_wait3A_517] : memref<16x128xi32, #tpu.memory_space<vmem>> -> memref<1x128xi32, #tpu.memory_space<vmem>>
        %dma_wait3A_519 = tpu.memref_squeeze %dma_wait3A_518 : memref<1x128xi32, #tpu.memory_space<vmem>> -> memref<128xi32, #tpu.memory_space<vmem>>
        %dma_wait3A_520 = arith.constant 0 : i32
        %dma_wait3A_521 = tpu.memref_slice %arg21[%dma_wait3A_520] : memref<524288xf32, #tpu.memory_space<vmem_shared>> -> memref<524288xf32, #tpu.memory_space<vmem_shared>>
        tpu.wait_indirect_dma semaphore(%arg25 : memref<!tpu.dma_semaphore, #tpu.memory_space<semaphore_mem>>) src(%dma_wait3A_516 : memref<128xf32, #tpu.memory_space<vmem>>) dst(%dma_wait3A_521 : memref<524288xf32, #tpu.memory_space<vmem_shared>>)
        %dma_wait3A_522 = arith.constant 1 : i32
        %dma_wait3A_523 = arith.constant 128 : i32
        %dma_wait3A_524 = tpu.memref_slice %arg18[%dma_wait3A_523] : memref<2048xf32, #tpu.memory_space<vmem>> -> memref<128xf32, #tpu.memory_space<vmem>>
        %dma_wait3A_525 = arith.constant 0 : i32
        %dma_wait3A_526 = tpu.memref_slice %arg17[%dma_wait3A_522, %dma_wait3A_525] : memref<16x128xi32, #tpu.memory_space<vmem>> -> memref<1x128xi32, #tpu.memory_space<vmem>>
        %dma_wait3A_527 = tpu.memref_squeeze %dma_wait3A_526 : memref<1x128xi32, #tpu.memory_space<vmem>> -> memref<128xi32, #tpu.memory_space<vmem>>
        %dma_wait3A_528 = arith.constant 0 : i32
        %dma_wait3A_529 = tpu.memref_slice %arg21[%dma_wait3A_528] : memref<524288xf32, #tpu.memory_space<vmem_shared>> -> memref<524288xf32, #tpu.memory_space<vmem_shared>>
        tpu.wait_indirect_dma semaphore(%arg25 : memref<!tpu.dma_semaphore, #tpu.memory_space<semaphore_mem>>) src(%dma_wait3A_524 : memref<128xf32, #tpu.memory_space<vmem>>) dst(%dma_wait3A_529 : memref<524288xf32, #tpu.memory_space<vmem_shared>>)
        %dma_wait3A_530 = arith.constant 2 : i32
        %dma_wait3A_531 = arith.constant 256 : i32
        %dma_wait3A_532 = tpu.memref_slice %arg18[%dma_wait3A_531] : memref<2048xf32, #tpu.memory_space<vmem>> -> memref<128xf32, #tpu.memory_space<vmem>>
        %dma_wait3A_533 = arith.constant 0 : i32
        %dma_wait3A_534 = tpu.memref_slice %arg17[%dma_wait3A_530, %dma_wait3A_533] : memref<16x128xi32, #tpu.memory_space<vmem>> -> memref<1x128xi32, #tpu.memory_space<vmem>>
        %dma_wait3A_535 = tpu.memref_squeeze %dma_wait3A_534 : memref<1x128xi32, #tpu.memory_space<vmem>> -> memref<128xi32, #tpu.memory_space<vmem>>
        %dma_wait3A_536 = arith.constant 0 : i32
        %dma_wait3A_537 = tpu.memref_slice %arg21[%dma_wait3A_536] : memref<524288xf32, #tpu.memory_space<vmem_shared>> -> memref<524288xf32, #tpu.memory_space<vmem_shared>>
        tpu.wait_indirect_dma semaphore(%arg25 : memref<!tpu.dma_semaphore, #tpu.memory_space<semaphore_mem>>) src(%dma_wait3A_532 : memref<128xf32, #tpu.memory_space<vmem>>) dst(%dma_wait3A_537 : memref<524288xf32, #tpu.memory_space<vmem_shared>>)
        %dma_wait3A_538 = arith.constant 3 : i32
        %dma_wait3A_539 = arith.constant 384 : i32
        %dma_wait3A_540 = tpu.memref_slice %arg18[%dma_wait3A_539] : memref<2048xf32, #tpu.memory_space<vmem>> -> memref<128xf32, #tpu.memory_space<vmem>>
        %dma_wait3A_541 = arith.constant 0 : i32
        %dma_wait3A_542 = tpu.memref_slice %arg17[%dma_wait3A_538, %dma_wait3A_541] : memref<16x128xi32, #tpu.memory_space<vmem>> -> memref<1x128xi32, #tpu.memory_space<vmem>>
        %dma_wait3A_543 = tpu.memref_squeeze %dma_wait3A_542 : memref<1x128xi32, #tpu.memory_space<vmem>> -> memref<128xi32, #tpu.memory_space<vmem>>
        %dma_wait3A_544 = arith.constant 0 : i32
        %dma_wait3A_545 = tpu.memref_slice %arg21[%dma_wait3A_544] : memref<524288xf32, #tpu.memory_space<vmem_shared>> -> memref<524288xf32, #tpu.memory_space<vmem_shared>>
        tpu.wait_indirect_dma semaphore(%arg25 : memref<!tpu.dma_semaphore, #tpu.memory_space<semaphore_mem>>) src(%dma_wait3A_540 : memref<128xf32, #tpu.memory_space<vmem>>) dst(%dma_wait3A_545 : memref<524288xf32, #tpu.memory_space<vmem_shared>>)
        %dma_wait3A_546 = arith.constant 4 : i32
        %dma_wait3A_547 = arith.constant 512 : i32
        %dma_wait3A_548 = tpu.memref_slice %arg18[%dma_wait3A_547] : memref<2048xf32, #tpu.memory_space<vmem>> -> memref<128xf32, #tpu.memory_space<vmem>>
        %dma_wait3A_549 = arith.constant 0 : i32
        %dma_wait3A_550 = tpu.memref_slice %arg17[%dma_wait3A_546, %dma_wait3A_549] : memref<16x128xi32, #tpu.memory_space<vmem>> -> memref<1x128xi32, #tpu.memory_space<vmem>>
        %dma_wait3A_551 = tpu.memref_squeeze %dma_wait3A_550 : memref<1x128xi32, #tpu.memory_space<vmem>> -> memref<128xi32, #tpu.memory_space<vmem>>
        %dma_wait3A_552 = arith.constant 0 : i32
        %dma_wait3A_553 = tpu.memref_slice %arg21[%dma_wait3A_552] : memref<524288xf32, #tpu.memory_space<vmem_shared>> -> memref<524288xf32, #tpu.memory_space<vmem_shared>>
        tpu.wait_indirect_dma semaphore(%arg25 : memref<!tpu.dma_semaphore, #tpu.memory_space<semaphore_mem>>) src(%dma_wait3A_548 : memref<128xf32, #tpu.memory_space<vmem>>) dst(%dma_wait3A_553 : memref<524288xf32, #tpu.memory_space<vmem_shared>>)
        %dma_wait3A_554 = arith.constant 5 : i32
        %dma_wait3A_555 = arith.constant 640 : i32
        %dma_wait3A_556 = tpu.memref_slice %arg18[%dma_wait3A_555] : memref<2048xf32, #tpu.memory_space<vmem>> -> memref<128xf32, #tpu.memory_space<vmem>>
        %dma_wait3A_557 = arith.constant 0 : i32
        %dma_wait3A_558 = tpu.memref_slice %arg17[%dma_wait3A_554, %dma_wait3A_557] : memref<16x128xi32, #tpu.memory_space<vmem>> -> memref<1x128xi32, #tpu.memory_space<vmem>>
        %dma_wait3A_559 = tpu.memref_squeeze %dma_wait3A_558 : memref<1x128xi32, #tpu.memory_space<vmem>> -> memref<128xi32, #tpu.memory_space<vmem>>
        %dma_wait3A_560 = arith.constant 0 : i32
        %dma_wait3A_561 = tpu.memref_slice %arg21[%dma_wait3A_560] : memref<524288xf32, #tpu.memory_space<vmem_shared>> -> memref<524288xf32, #tpu.memory_space<vmem_shared>>
        tpu.wait_indirect_dma semaphore(%arg25 : memref<!tpu.dma_semaphore, #tpu.memory_space<semaphore_mem>>) src(%dma_wait3A_556 : memref<128xf32, #tpu.memory_space<vmem>>) dst(%dma_wait3A_561 : memref<524288xf32, #tpu.memory_space<vmem_shared>>)
        %dma_wait3A_562 = arith.constant 6 : i32
        %dma_wait3A_563 = arith.constant 768 : i32
        %dma_wait3A_564 = tpu.memref_slice %arg18[%dma_wait3A_563] : memref<2048xf32, #tpu.memory_space<vmem>> -> memref<128xf32, #tpu.memory_space<vmem>>
        %dma_wait3A_565 = arith.constant 0 : i32
        %dma_wait3A_566 = tpu.memref_slice %arg17[%dma_wait3A_562, %dma_wait3A_565] : memref<16x128xi32, #tpu.memory_space<vmem>> -> memref<1x128xi32, #tpu.memory_space<vmem>>
        %dma_wait3A_567 = tpu.memref_squeeze %dma_wait3A_566 : memref<1x128xi32, #tpu.memory_space<vmem>> -> memref<128xi32, #tpu.memory_space<vmem>>
        %dma_wait3A_568 = arith.constant 0 : i32
        %dma_wait3A_569 = tpu.memref_slice %arg21[%dma_wait3A_568] : memref<524288xf32, #tpu.memory_space<vmem_shared>> -> memref<524288xf32, #tpu.memory_space<vmem_shared>>
        tpu.wait_indirect_dma semaphore(%arg25 : memref<!tpu.dma_semaphore, #tpu.memory_space<semaphore_mem>>) src(%dma_wait3A_564 : memref<128xf32, #tpu.memory_space<vmem>>) dst(%dma_wait3A_569 : memref<524288xf32, #tpu.memory_space<vmem_shared>>)
        %dma_wait3A_570 = arith.constant 7 : i32
        %dma_wait3A_571 = arith.constant 896 : i32
        %dma_wait3A_572 = tpu.memref_slice %arg18[%dma_wait3A_571] : memref<2048xf32, #tpu.memory_space<vmem>> -> memref<128xf32, #tpu.memory_space<vmem>>
        %dma_wait3A_573 = arith.constant 0 : i32
        %dma_wait3A_574 = tpu.memref_slice %arg17[%dma_wait3A_570, %dma_wait3A_573] : memref<16x128xi32, #tpu.memory_space<vmem>> -> memref<1x128xi32, #tpu.memory_space<vmem>>
        %dma_wait3A_575 = tpu.memref_squeeze %dma_wait3A_574 : memref<1x128xi32, #tpu.memory_space<vmem>> -> memref<128xi32, #tpu.memory_space<vmem>>
        %dma_wait3A_576 = arith.constant 0 : i32
        %dma_wait3A_577 = tpu.memref_slice %arg21[%dma_wait3A_576] : memref<524288xf32, #tpu.memory_space<vmem_shared>> -> memref<524288xf32, #tpu.memory_space<vmem_shared>>
        tpu.wait_indirect_dma semaphore(%arg25 : memref<!tpu.dma_semaphore, #tpu.memory_space<semaphore_mem>>) src(%dma_wait3A_572 : memref<128xf32, #tpu.memory_space<vmem>>) dst(%dma_wait3A_577 : memref<524288xf32, #tpu.memory_space<vmem_shared>>)
        %dma_wait3A_578 = arith.constant 8 : i32
        %dma_wait3A_579 = arith.constant 1024 : i32
        %dma_wait3A_580 = tpu.memref_slice %arg18[%dma_wait3A_579] : memref<2048xf32, #tpu.memory_space<vmem>> -> memref<128xf32, #tpu.memory_space<vmem>>
        %dma_wait3A_581 = arith.constant 0 : i32
        %dma_wait3A_582 = tpu.memref_slice %arg17[%dma_wait3A_578, %dma_wait3A_581] : memref<16x128xi32, #tpu.memory_space<vmem>> -> memref<1x128xi32, #tpu.memory_space<vmem>>
        %dma_wait3A_583 = tpu.memref_squeeze %dma_wait3A_582 : memref<1x128xi32, #tpu.memory_space<vmem>> -> memref<128xi32, #tpu.memory_space<vmem>>
        %dma_wait3A_584 = arith.constant 0 : i32
        %dma_wait3A_585 = tpu.memref_slice %arg21[%dma_wait3A_584] : memref<524288xf32, #tpu.memory_space<vmem_shared>> -> memref<524288xf32, #tpu.memory_space<vmem_shared>>
        tpu.wait_indirect_dma semaphore(%arg25 : memref<!tpu.dma_semaphore, #tpu.memory_space<semaphore_mem>>) src(%dma_wait3A_580 : memref<128xf32, #tpu.memory_space<vmem>>) dst(%dma_wait3A_585 : memref<524288xf32, #tpu.memory_space<vmem_shared>>)
        %dma_wait3A_586 = arith.constant 9 : i32
        %dma_wait3A_587 = arith.constant 1152 : i32
        %dma_wait3A_588 = tpu.memref_slice %arg18[%dma_wait3A_587] : memref<2048xf32, #tpu.memory_space<vmem>> -> memref<128xf32, #tpu.memory_space<vmem>>
        %dma_wait3A_589 = arith.constant 0 : i32
        %dma_wait3A_590 = tpu.memref_slice %arg17[%dma_wait3A_586, %dma_wait3A_589] : memref<16x128xi32, #tpu.memory_space<vmem>> -> memref<1x128xi32, #tpu.memory_space<vmem>>
        %dma_wait3A_591 = tpu.memref_squeeze %dma_wait3A_590 : memref<1x128xi32, #tpu.memory_space<vmem>> -> memref<128xi32, #tpu.memory_space<vmem>>
        %dma_wait3A_592 = arith.constant 0 : i32
        %dma_wait3A_593 = tpu.memref_slice %arg21[%dma_wait3A_592] : memref<524288xf32, #tpu.memory_space<vmem_shared>> -> memref<524288xf32, #tpu.memory_space<vmem_shared>>
        tpu.wait_indirect_dma semaphore(%arg25 : memref<!tpu.dma_semaphore, #tpu.memory_space<semaphore_mem>>) src(%dma_wait3A_588 : memref<128xf32, #tpu.memory_space<vmem>>) dst(%dma_wait3A_593 : memref<524288xf32, #tpu.memory_space<vmem_shared>>)
        %dma_wait3A_594 = arith.constant 10 : i32
        %dma_wait3A_595 = arith.constant 1280 : i32
        %dma_wait3A_596 = tpu.memref_slice %arg18[%dma_wait3A_595] : memref<2048xf32, #tpu.memory_space<vmem>> -> memref<128xf32, #tpu.memory_space<vmem>>
        %dma_wait3A_597 = arith.constant 0 : i32
        %dma_wait3A_598 = tpu.memref_slice %arg17[%dma_wait3A_594, %dma_wait3A_597] : memref<16x128xi32, #tpu.memory_space<vmem>> -> memref<1x128xi32, #tpu.memory_space<vmem>>
        %dma_wait3A_599 = tpu.memref_squeeze %dma_wait3A_598 : memref<1x128xi32, #tpu.memory_space<vmem>> -> memref<128xi32, #tpu.memory_space<vmem>>
        %dma_wait3A_600 = arith.constant 0 : i32
        %dma_wait3A_601 = tpu.memref_slice %arg21[%dma_wait3A_600] : memref<524288xf32, #tpu.memory_space<vmem_shared>> -> memref<524288xf32, #tpu.memory_space<vmem_shared>>
        tpu.wait_indirect_dma semaphore(%arg25 : memref<!tpu.dma_semaphore, #tpu.memory_space<semaphore_mem>>) src(%dma_wait3A_596 : memref<128xf32, #tpu.memory_space<vmem>>) dst(%dma_wait3A_601 : memref<524288xf32, #tpu.memory_space<vmem_shared>>)
        %dma_wait3A_602 = arith.constant 11 : i32
        %dma_wait3A_603 = arith.constant 1408 : i32
        %dma_wait3A_604 = tpu.memref_slice %arg18[%dma_wait3A_603] : memref<2048xf32, #tpu.memory_space<vmem>> -> memref<128xf32, #tpu.memory_space<vmem>>
        %dma_wait3A_605 = arith.constant 0 : i32
        %dma_wait3A_606 = tpu.memref_slice %arg17[%dma_wait3A_602, %dma_wait3A_605] : memref<16x128xi32, #tpu.memory_space<vmem>> -> memref<1x128xi32, #tpu.memory_space<vmem>>
        %dma_wait3A_607 = tpu.memref_squeeze %dma_wait3A_606 : memref<1x128xi32, #tpu.memory_space<vmem>> -> memref<128xi32, #tpu.memory_space<vmem>>
        %dma_wait3A_608 = arith.constant 0 : i32
        %dma_wait3A_609 = tpu.memref_slice %arg21[%dma_wait3A_608] : memref<524288xf32, #tpu.memory_space<vmem_shared>> -> memref<524288xf32, #tpu.memory_space<vmem_shared>>
        tpu.wait_indirect_dma semaphore(%arg25 : memref<!tpu.dma_semaphore, #tpu.memory_space<semaphore_mem>>) src(%dma_wait3A_604 : memref<128xf32, #tpu.memory_space<vmem>>) dst(%dma_wait3A_609 : memref<524288xf32, #tpu.memory_space<vmem_shared>>)
        %dma_wait3A_610 = arith.constant 12 : i32
        %dma_wait3A_611 = arith.constant 1536 : i32
        %dma_wait3A_612 = tpu.memref_slice %arg18[%dma_wait3A_611] : memref<2048xf32, #tpu.memory_space<vmem>> -> memref<128xf32, #tpu.memory_space<vmem>>
        %dma_wait3A_613 = arith.constant 0 : i32
        %dma_wait3A_614 = tpu.memref_slice %arg17[%dma_wait3A_610, %dma_wait3A_613] : memref<16x128xi32, #tpu.memory_space<vmem>> -> memref<1x128xi32, #tpu.memory_space<vmem>>
        %dma_wait3A_615 = tpu.memref_squeeze %dma_wait3A_614 : memref<1x128xi32, #tpu.memory_space<vmem>> -> memref<128xi32, #tpu.memory_space<vmem>>
        %dma_wait3A_616 = arith.constant 0 : i32
        %dma_wait3A_617 = tpu.memref_slice %arg21[%dma_wait3A_616] : memref<524288xf32, #tpu.memory_space<vmem_shared>> -> memref<524288xf32, #tpu.memory_space<vmem_shared>>
        tpu.wait_indirect_dma semaphore(%arg25 : memref<!tpu.dma_semaphore, #tpu.memory_space<semaphore_mem>>) src(%dma_wait3A_612 : memref<128xf32, #tpu.memory_space<vmem>>) dst(%dma_wait3A_617 : memref<524288xf32, #tpu.memory_space<vmem_shared>>)
        %dma_wait3A_618 = arith.constant 13 : i32
        %dma_wait3A_619 = arith.constant 1664 : i32
        %dma_wait3A_620 = tpu.memref_slice %arg18[%dma_wait3A_619] : memref<2048xf32, #tpu.memory_space<vmem>> -> memref<128xf32, #tpu.memory_space<vmem>>
        %dma_wait3A_621 = arith.constant 0 : i32
        %dma_wait3A_622 = tpu.memref_slice %arg17[%dma_wait3A_618, %dma_wait3A_621] : memref<16x128xi32, #tpu.memory_space<vmem>> -> memref<1x128xi32, #tpu.memory_space<vmem>>
        %dma_wait3A_623 = tpu.memref_squeeze %dma_wait3A_622 : memref<1x128xi32, #tpu.memory_space<vmem>> -> memref<128xi32, #tpu.memory_space<vmem>>
        %dma_wait3A_624 = arith.constant 0 : i32
        %dma_wait3A_625 = tpu.memref_slice %arg21[%dma_wait3A_624] : memref<524288xf32, #tpu.memory_space<vmem_shared>> -> memref<524288xf32, #tpu.memory_space<vmem_shared>>
        tpu.wait_indirect_dma semaphore(%arg25 : memref<!tpu.dma_semaphore, #tpu.memory_space<semaphore_mem>>) src(%dma_wait3A_620 : memref<128xf32, #tpu.memory_space<vmem>>) dst(%dma_wait3A_625 : memref<524288xf32, #tpu.memory_space<vmem_shared>>)
        %dma_wait3A_626 = arith.constant 14 : i32
        %dma_wait3A_627 = arith.constant 1792 : i32
        %dma_wait3A_628 = tpu.memref_slice %arg18[%dma_wait3A_627] : memref<2048xf32, #tpu.memory_space<vmem>> -> memref<128xf32, #tpu.memory_space<vmem>>
        %dma_wait3A_629 = arith.constant 0 : i32
        %dma_wait3A_630 = tpu.memref_slice %arg17[%dma_wait3A_626, %dma_wait3A_629] : memref<16x128xi32, #tpu.memory_space<vmem>> -> memref<1x128xi32, #tpu.memory_space<vmem>>
        %dma_wait3A_631 = tpu.memref_squeeze %dma_wait3A_630 : memref<1x128xi32, #tpu.memory_space<vmem>> -> memref<128xi32, #tpu.memory_space<vmem>>
        %dma_wait3A_632 = arith.constant 0 : i32
        %dma_wait3A_633 = tpu.memref_slice %arg21[%dma_wait3A_632] : memref<524288xf32, #tpu.memory_space<vmem_shared>> -> memref<524288xf32, #tpu.memory_space<vmem_shared>>
        tpu.wait_indirect_dma semaphore(%arg25 : memref<!tpu.dma_semaphore, #tpu.memory_space<semaphore_mem>>) src(%dma_wait3A_628 : memref<128xf32, #tpu.memory_space<vmem>>) dst(%dma_wait3A_633 : memref<524288xf32, #tpu.memory_space<vmem_shared>>)
        %dma_wait3A_634 = arith.constant 15 : i32
        %dma_wait3A_635 = arith.constant 1920 : i32
        %dma_wait3A_636 = tpu.memref_slice %arg18[%dma_wait3A_635] : memref<2048xf32, #tpu.memory_space<vmem>> -> memref<128xf32, #tpu.memory_space<vmem>>
        %dma_wait3A_637 = arith.constant 0 : i32
        %dma_wait3A_638 = tpu.memref_slice %arg17[%dma_wait3A_634, %dma_wait3A_637] : memref<16x128xi32, #tpu.memory_space<vmem>> -> memref<1x128xi32, #tpu.memory_space<vmem>>
        %dma_wait3A_639 = tpu.memref_squeeze %dma_wait3A_638 : memref<1x128xi32, #tpu.memory_space<vmem>> -> memref<128xi32, #tpu.memory_space<vmem>>
        %dma_wait3A_640 = arith.constant 0 : i32
        %dma_wait3A_641 = tpu.memref_slice %arg21[%dma_wait3A_640] : memref<524288xf32, #tpu.memory_space<vmem_shared>> -> memref<524288xf32, #tpu.memory_space<vmem_shared>>
        tpu.wait_indirect_dma semaphore(%arg25 : memref<!tpu.dma_semaphore, #tpu.memory_space<semaphore_mem>>) src(%dma_wait3A_636 : memref<128xf32, #tpu.memory_space<vmem>>) dst(%dma_wait3A_641 : memref<524288xf32, #tpu.memory_space<vmem_shared>>)
        %barrier3A_642 = arith.constant 0 : index
        tpu.barrier barrier_id(%barrier3A_642)
        %mul3A_643 = arith.constant 32768 : i32
        %mul3A_644 = arith.muli %arg1, %mul3A_643 : i32
        %mul3A_645 = arith.constant 524288 : i32
        %mul3A_646 = arith.muli %add3A_210, %mul3A_645 : i32
        %mul3A_647 = arith.constant 32768 : i32
        %mul3A_648 = arith.muli %arg1, %mul3A_647 : i32
        %add3A_649 = arith.addi %mul3A_646, %mul3A_648 : i32
        %dma_start3A_650 = tpu.memref_slice %arg10[%add3A_649] : memref<12582912xf32, #tpu.memory_space<hbm>> -> memref<32768xf32, #tpu.memory_space<hbm>>
        %dma_start3A_651 = tpu.memref_slice %arg21[%mul3A_644] : memref<524288xf32, #tpu.memory_space<vmem_shared>> -> memref<32768xf32, #tpu.memory_space<vmem_shared>>
        tpu.enqueue_dma source(%dma_start3A_651 : memref<32768xf32, #tpu.memory_space<vmem_shared>>) target(%dma_start3A_650 : memref<32768xf32, #tpu.memory_space<hbm>>) target_semaphore(%arg26 : memref<!tpu.dma_semaphore, #tpu.memory_space<semaphore_mem>>)
      } else {
      }
      %jit3A_223 = arith.constant 2 : i32
      %eq3A_224 = arith.constant 0 : i32
      %eq3A_225 = arith.cmpi eq, %jit3A_223, %eq3A_224 : i32
      %jit3A_226 = arith.constant 1 : i32
      %select_n3A_227 = arith.select %eq3A_225, %jit3A_226, %jit3A_223 : i32
      %rem3A_228 = arith.remsi %scan3A_206, %select_n3A_227 : i32
      %ne3A_229 = arith.constant 0 : i32
      %ne3A_230 = arith.cmpi ne, %rem3A_228, %ne3A_229 : i32
      %lt3A_231 = arith.constant 0 : i32
      %lt3A_232 = arith.cmpi slt, %rem3A_228, %lt3A_231 : i32
      %lt3A_233 = arith.constant 0 : i32
      %lt3A_234 = arith.cmpi slt, %select_n3A_227, %lt3A_233 : i32
      %ne3A_235 = arith.xori %lt3A_232, %lt3A_234 : i1
      %and3A_236 = arith.andi %ne3A_235, %ne3A_230 : i1
      %add3A_237 = arith.addi %rem3A_228, %select_n3A_227 : i32
      %select_n3A_238 = arith.select %and3A_236, %add3A_237, %rem3A_228 : i32
      %eq3A_239 = arith.constant 1 : i32
      %eq3A_240 = arith.cmpi eq, %select_n3A_238, %eq3A_239 : i32
      %convert_element_type3A_241 = arith.extui %eq3A_240 : i1 to i32
      %cond3A_242 = arith.constant 0 : i32
      %cond3A_243 = arith.cmpi ne, %convert_element_type3A_241, %cond3A_242 : i32
      scf.if %cond3A_243 {
        %ge3A = arith.constant 2 : i32
        %ge3A_245 = arith.cmpi sge, %scan3A_206, %ge3A : i32
        %convert_element_type3A_246 = arith.extui %ge3A_245 : i1 to i32
        %cond3A_247 = arith.constant 0 : i32
        %cond3A_248 = arith.cmpi ne, %convert_element_type3A_246, %cond3A_247 : i32
        scf.if %cond3A_248 {
          %mul3A_652 = arith.constant 32768 : i32
          %mul3A_653 = arith.muli %arg1, %mul3A_652 : i32
          %sub3A_654 = arith.constant 2 : i32
          %sub3A_655 = arith.subi %add3A_210, %sub3A_654 : i32
          %mul3A_656 = arith.constant 524288 : i32
          %mul3A_657 = arith.muli %sub3A_655, %mul3A_656 : i32
          %mul3A_658 = arith.constant 32768 : i32
          %mul3A_659 = arith.muli %arg1, %mul3A_658 : i32
          %add3A_660 = arith.addi %mul3A_657, %mul3A_659 : i32
          %dma_wait3A_661 = tpu.memref_slice %arg10[%add3A_660] : memref<12582912xf32, #tpu.memory_space<hbm>> -> memref<32768xf32, #tpu.memory_space<hbm>>
          %dma_wait3A_662 = tpu.memref_slice %arg22[%mul3A_653] : memref<524288xf32, #tpu.memory_space<vmem_shared>> -> memref<32768xf32, #tpu.memory_space<vmem_shared>>
          tpu.wait_dma2 semaphore(%arg27 : memref<!tpu.dma_semaphore, #tpu.memory_space<semaphore_mem>>) src(%dma_wait3A_662 : memref<32768xf32, #tpu.memory_space<vmem_shared>>) dst(%dma_wait3A_661 : memref<32768xf32, #tpu.memory_space<hbm>>)
        } else {
        }
        %mul3A_249 = arith.constant 32768 : i32
        %mul3A_250 = arith.muli %arg1, %mul3A_249 : i32
        %add3A_251 = arith.constant 0 : i32
        %add3A_252 = arith.addi %mul3A_250, %add3A_251 : i32
        %dma_start3A_253 = tpu.memref_slice %arg22[%add3A_252] : memref<524288xf32, #tpu.memory_space<vmem_shared>> -> memref<2048xf32, #tpu.memory_space<vmem_shared>>
        %dma_start3A_254 = tpu.memref_slice %arg22[%add3A_252] : memref<524288xf32, #tpu.memory_space<vmem_shared>> -> memref<2048xf32, #tpu.memory_space<vmem_shared>>
        tpu.enqueue_dma source(%arg19 : memref<2048xf32, #tpu.memory_space<vmem>>) target(%dma_start3A_254 : memref<2048xf32, #tpu.memory_space<vmem_shared>>) target_semaphore(%arg24 : memref<!tpu.dma_semaphore, #tpu.memory_space<semaphore_mem>>)
        %mul3A_255 = arith.constant 32768 : i32
        %mul3A_256 = arith.muli %arg1, %mul3A_255 : i32
        %add3A_257 = arith.constant 2048 : i32
        %add3A_258 = arith.addi %mul3A_256, %add3A_257 : i32
        %dma_start3A_259 = tpu.memref_slice %arg22[%add3A_258] : memref<524288xf32, #tpu.memory_space<vmem_shared>> -> memref<2048xf32, #tpu.memory_space<vmem_shared>>
        %dma_start3A_260 = tpu.memref_slice %arg22[%add3A_258] : memref<524288xf32, #tpu.memory_space<vmem_shared>> -> memref<2048xf32, #tpu.memory_space<vmem_shared>>
        tpu.enqueue_dma source(%arg19 : memref<2048xf32, #tpu.memory_space<vmem>>) target(%dma_start3A_260 : memref<2048xf32, #tpu.memory_space<vmem_shared>>) target_semaphore(%arg24 : memref<!tpu.dma_semaphore, #tpu.memory_space<semaphore_mem>>)
        %mul3A_261 = arith.constant 32768 : i32
        %mul3A_262 = arith.muli %arg1, %mul3A_261 : i32
        %add3A_263 = arith.constant 4096 : i32
        %add3A_264 = arith.addi %mul3A_262, %add3A_263 : i32
        %dma_start3A_265 = tpu.memref_slice %arg22[%add3A_264] : memref<524288xf32, #tpu.memory_space<vmem_shared>> -> memref<2048xf32, #tpu.memory_space<vmem_shared>>
        %dma_start3A_266 = tpu.memref_slice %arg22[%add3A_264] : memref<524288xf32, #tpu.memory_space<vmem_shared>> -> memref<2048xf32, #tpu.memory_space<vmem_shared>>
        tpu.enqueue_dma source(%arg19 : memref<2048xf32, #tpu.memory_space<vmem>>) target(%dma_start3A_266 : memref<2048xf32, #tpu.memory_space<vmem_shared>>) target_semaphore(%arg24 : memref<!tpu.dma_semaphore, #tpu.memory_space<semaphore_mem>>)
        %mul3A_267 = arith.constant 32768 : i32
        %mul3A_268 = arith.muli %arg1, %mul3A_267 : i32
        %add3A_269 = arith.constant 6144 : i32
        %add3A_270 = arith.addi %mul3A_268, %add3A_269 : i32
        %dma_start3A_271 = tpu.memref_slice %arg22[%add3A_270] : memref<524288xf32, #tpu.memory_space<vmem_shared>> -> memref<2048xf32, #tpu.memory_space<vmem_shared>>
        %dma_start3A_272 = tpu.memref_slice %arg22[%add3A_270] : memref<524288xf32, #tpu.memory_space<vmem_shared>> -> memref<2048xf32, #tpu.memory_space<vmem_shared>>
        tpu.enqueue_dma source(%arg19 : memref<2048xf32, #tpu.memory_space<vmem>>) target(%dma_start3A_272 : memref<2048xf32, #tpu.memory_space<vmem_shared>>) target_semaphore(%arg24 : memref<!tpu.dma_semaphore, #tpu.memory_space<semaphore_mem>>)
        %mul3A_273 = arith.constant 32768 : i32
        %mul3A_274 = arith.muli %arg1, %mul3A_273 : i32
        %add3A_275 = arith.constant 8192 : i32
        %add3A_276 = arith.addi %mul3A_274, %add3A_275 : i32
        %dma_start3A_277 = tpu.memref_slice %arg22[%add3A_276] : memref<524288xf32, #tpu.memory_space<vmem_shared>> -> memref<2048xf32, #tpu.memory_space<vmem_shared>>
        %dma_start3A_278 = tpu.memref_slice %arg22[%add3A_276] : memref<524288xf32, #tpu.memory_space<vmem_shared>> -> memref<2048xf32, #tpu.memory_space<vmem_shared>>
        tpu.enqueue_dma source(%arg19 : memref<2048xf32, #tpu.memory_space<vmem>>) target(%dma_start3A_278 : memref<2048xf32, #tpu.memory_space<vmem_shared>>) target_semaphore(%arg24 : memref<!tpu.dma_semaphore, #tpu.memory_space<semaphore_mem>>)
        %mul3A_279 = arith.constant 32768 : i32
        %mul3A_280 = arith.muli %arg1, %mul3A_279 : i32
        %add3A_281 = arith.constant 10240 : i32
        %add3A_282 = arith.addi %mul3A_280, %add3A_281 : i32
        %dma_start3A_283 = tpu.memref_slice %arg22[%add3A_282] : memref<524288xf32, #tpu.memory_space<vmem_shared>> -> memref<2048xf32, #tpu.memory_space<vmem_shared>>
        %dma_start3A_284 = tpu.memref_slice %arg22[%add3A_282] : memref<524288xf32, #tpu.memory_space<vmem_shared>> -> memref<2048xf32, #tpu.memory_space<vmem_shared>>
        tpu.enqueue_dma source(%arg19 : memref<2048xf32, #tpu.memory_space<vmem>>) target(%dma_start3A_284 : memref<2048xf32, #tpu.memory_space<vmem_shared>>) target_semaphore(%arg24 : memref<!tpu.dma_semaphore, #tpu.memory_space<semaphore_mem>>)
        %mul3A_285 = arith.constant 32768 : i32
        %mul3A_286 = arith.muli %arg1, %mul3A_285 : i32
        %add3A_287 = arith.constant 12288 : i32
        %add3A_288 = arith.addi %mul3A_286, %add3A_287 : i32
        %dma_start3A_289 = tpu.memref_slice %arg22[%add3A_288] : memref<524288xf32, #tpu.memory_space<vmem_shared>> -> memref<2048xf32, #tpu.memory_space<vmem_shared>>
        %dma_start3A_290 = tpu.memref_slice %arg22[%add3A_288] : memref<524288xf32, #tpu.memory_space<vmem_shared>> -> memref<2048xf32, #tpu.memory_space<vmem_shared>>
        tpu.enqueue_dma source(%arg19 : memref<2048xf32, #tpu.memory_space<vmem>>) target(%dma_start3A_290 : memref<2048xf32, #tpu.memory_space<vmem_shared>>) target_semaphore(%arg24 : memref<!tpu.dma_semaphore, #tpu.memory_space<semaphore_mem>>)
        %mul3A_291 = arith.constant 32768 : i32
        %mul3A_292 = arith.muli %arg1, %mul3A_291 : i32
        %add3A_293 = arith.constant 14336 : i32
        %add3A_294 = arith.addi %mul3A_292, %add3A_293 : i32
        %dma_start3A_295 = tpu.memref_slice %arg22[%add3A_294] : memref<524288xf32, #tpu.memory_space<vmem_shared>> -> memref<2048xf32, #tpu.memory_space<vmem_shared>>
        %dma_start3A_296 = tpu.memref_slice %arg22[%add3A_294] : memref<524288xf32, #tpu.memory_space<vmem_shared>> -> memref<2048xf32, #tpu.memory_space<vmem_shared>>
        tpu.enqueue_dma source(%arg19 : memref<2048xf32, #tpu.memory_space<vmem>>) target(%dma_start3A_296 : memref<2048xf32, #tpu.memory_space<vmem_shared>>) target_semaphore(%arg24 : memref<!tpu.dma_semaphore, #tpu.memory_space<semaphore_mem>>)
        %mul3A_297 = arith.constant 32768 : i32
        %mul3A_298 = arith.muli %arg1, %mul3A_297 : i32
        %add3A_299 = arith.constant 16384 : i32
        %add3A_300 = arith.addi %mul3A_298, %add3A_299 : i32
        %dma_start3A_301 = tpu.memref_slice %arg22[%add3A_300] : memref<524288xf32, #tpu.memory_space<vmem_shared>> -> memref<2048xf32, #tpu.memory_space<vmem_shared>>
        %dma_start3A_302 = tpu.memref_slice %arg22[%add3A_300] : memref<524288xf32, #tpu.memory_space<vmem_shared>> -> memref<2048xf32, #tpu.memory_space<vmem_shared>>
        tpu.enqueue_dma source(%arg19 : memref<2048xf32, #tpu.memory_space<vmem>>) target(%dma_start3A_302 : memref<2048xf32, #tpu.memory_space<vmem_shared>>) target_semaphore(%arg24 : memref<!tpu.dma_semaphore, #tpu.memory_space<semaphore_mem>>)
        %mul3A_303 = arith.constant 32768 : i32
        %mul3A_304 = arith.muli %arg1, %mul3A_303 : i32
        %add3A_305 = arith.constant 18432 : i32
        %add3A_306 = arith.addi %mul3A_304, %add3A_305 : i32
        %dma_start3A_307 = tpu.memref_slice %arg22[%add3A_306] : memref<524288xf32, #tpu.memory_space<vmem_shared>> -> memref<2048xf32, #tpu.memory_space<vmem_shared>>
        %dma_start3A_308 = tpu.memref_slice %arg22[%add3A_306] : memref<524288xf32, #tpu.memory_space<vmem_shared>> -> memref<2048xf32, #tpu.memory_space<vmem_shared>>
        tpu.enqueue_dma source(%arg19 : memref<2048xf32, #tpu.memory_space<vmem>>) target(%dma_start3A_308 : memref<2048xf32, #tpu.memory_space<vmem_shared>>) target_semaphore(%arg24 : memref<!tpu.dma_semaphore, #tpu.memory_space<semaphore_mem>>)
        %mul3A_309 = arith.constant 32768 : i32
        %mul3A_310 = arith.muli %arg1, %mul3A_309 : i32
        %add3A_311 = arith.constant 20480 : i32
        %add3A_312 = arith.addi %mul3A_310, %add3A_311 : i32
        %dma_start3A_313 = tpu.memref_slice %arg22[%add3A_312] : memref<524288xf32, #tpu.memory_space<vmem_shared>> -> memref<2048xf32, #tpu.memory_space<vmem_shared>>
        %dma_start3A_314 = tpu.memref_slice %arg22[%add3A_312] : memref<524288xf32, #tpu.memory_space<vmem_shared>> -> memref<2048xf32, #tpu.memory_space<vmem_shared>>
        tpu.enqueue_dma source(%arg19 : memref<2048xf32, #tpu.memory_space<vmem>>) target(%dma_start3A_314 : memref<2048xf32, #tpu.memory_space<vmem_shared>>) target_semaphore(%arg24 : memref<!tpu.dma_semaphore, #tpu.memory_space<semaphore_mem>>)
        %mul3A_315 = arith.constant 32768 : i32
        %mul3A_316 = arith.muli %arg1, %mul3A_315 : i32
        %add3A_317 = arith.constant 22528 : i32
        %add3A_318 = arith.addi %mul3A_316, %add3A_317 : i32
        %dma_start3A_319 = tpu.memref_slice %arg22[%add3A_318] : memref<524288xf32, #tpu.memory_space<vmem_shared>> -> memref<2048xf32, #tpu.memory_space<vmem_shared>>
        %dma_start3A_320 = tpu.memref_slice %arg22[%add3A_318] : memref<524288xf32, #tpu.memory_space<vmem_shared>> -> memref<2048xf32, #tpu.memory_space<vmem_shared>>
        tpu.enqueue_dma source(%arg19 : memref<2048xf32, #tpu.memory_space<vmem>>) target(%dma_start3A_320 : memref<2048xf32, #tpu.memory_space<vmem_shared>>) target_semaphore(%arg24 : memref<!tpu.dma_semaphore, #tpu.memory_space<semaphore_mem>>)
        %mul3A_321 = arith.constant 32768 : i32
        %mul3A_322 = arith.muli %arg1, %mul3A_321 : i32
        %add3A_323 = arith.constant 24576 : i32
        %add3A_324 = arith.addi %mul3A_322, %add3A_323 : i32
        %dma_start3A_325 = tpu.memref_slice %arg22[%add3A_324] : memref<524288xf32, #tpu.memory_space<vmem_shared>> -> memref<2048xf32, #tpu.memory_space<vmem_shared>>
        %dma_start3A_326 = tpu.memref_slice %arg22[%add3A_324] : memref<524288xf32, #tpu.memory_space<vmem_shared>> -> memref<2048xf32, #tpu.memory_space<vmem_shared>>
        tpu.enqueue_dma source(%arg19 : memref<2048xf32, #tpu.memory_space<vmem>>) target(%dma_start3A_326 : memref<2048xf32, #tpu.memory_space<vmem_shared>>) target_semaphore(%arg24 : memref<!tpu.dma_semaphore, #tpu.memory_space<semaphore_mem>>)
        %mul3A_327 = arith.constant 32768 : i32
        %mul3A_328 = arith.muli %arg1, %mul3A_327 : i32
        %add3A_329 = arith.constant 26624 : i32
        %add3A_330 = arith.addi %mul3A_328, %add3A_329 : i32
        %dma_start3A_331 = tpu.memref_slice %arg22[%add3A_330] : memref<524288xf32, #tpu.memory_space<vmem_shared>> -> memref<2048xf32, #tpu.memory_space<vmem_shared>>
        %dma_start3A_332 = tpu.memref_slice %arg22[%add3A_330] : memref<524288xf32, #tpu.memory_space<vmem_shared>> -> memref<2048xf32, #tpu.memory_space<vmem_shared>>
        tpu.enqueue_dma source(%arg19 : memref<2048xf32, #tpu.memory_space<vmem>>) target(%dma_start3A_332 : memref<2048xf32, #tpu.memory_space<vmem_shared>>) target_semaphore(%arg24 : memref<!tpu.dma_semaphore, #tpu.memory_space<semaphore_mem>>)
        %mul3A_333 = arith.constant 32768 : i32
        %mul3A_334 = arith.muli %arg1, %mul3A_333 : i32
        %add3A_335 = arith.constant 28672 : i32
        %add3A_336 = arith.addi %mul3A_334, %add3A_335 : i32
        %dma_start3A_337 = tpu.memref_slice %arg22[%add3A_336] : memref<524288xf32, #tpu.memory_space<vmem_shared>> -> memref<2048xf32, #tpu.memory_space<vmem_shared>>
        %dma_start3A_338 = tpu.memref_slice %arg22[%add3A_336] : memref<524288xf32, #tpu.memory_space<vmem_shared>> -> memref<2048xf32, #tpu.memory_space<vmem_shared>>
        tpu.enqueue_dma source(%arg19 : memref<2048xf32, #tpu.memory_space<vmem>>) target(%dma_start3A_338 : memref<2048xf32, #tpu.memory_space<vmem_shared>>) target_semaphore(%arg24 : memref<!tpu.dma_semaphore, #tpu.memory_space<semaphore_mem>>)
        %mul3A_339 = arith.constant 32768 : i32
        %mul3A_340 = arith.muli %arg1, %mul3A_339 : i32
        %add3A_341 = arith.constant 30720 : i32
        %add3A_342 = arith.addi %mul3A_340, %add3A_341 : i32
        %dma_start3A_343 = tpu.memref_slice %arg22[%add3A_342] : memref<524288xf32, #tpu.memory_space<vmem_shared>> -> memref<2048xf32, #tpu.memory_space<vmem_shared>>
        %dma_start3A_344 = tpu.memref_slice %arg22[%add3A_342] : memref<524288xf32, #tpu.memory_space<vmem_shared>> -> memref<2048xf32, #tpu.memory_space<vmem_shared>>
        tpu.enqueue_dma source(%arg19 : memref<2048xf32, #tpu.memory_space<vmem>>) target(%dma_start3A_344 : memref<2048xf32, #tpu.memory_space<vmem_shared>>) target_semaphore(%arg24 : memref<!tpu.dma_semaphore, #tpu.memory_space<semaphore_mem>>)
        %mul3A_345 = arith.constant 48 : i32
        %mul3A_346 = arith.muli %add3A_210, %mul3A_345 : i32
        %scan3A_347 = arith.constant 0 : i32
        %scan3A_348 = arith.constant 0 : i32
        %scan3A_349 = arith.constant 128 : i32
        %scan3A_350 = arith.addi %scan3A_348, %scan3A_349 : i32
        %scan3A_351 = arith.constant 1 : i32
        %scan3A_352 = scf.for %scan3A_652 = %scan3A_348 to %scan3A_350 step %scan3A_351 iter_args(%scan3A_653 = %scan3A_347) -> (i32)  : i32 {
          %mul3A_654 = arith.constant 16 : i32
          %mul3A_655 = arith.muli %scan3A_652, %mul3A_654 : i32
          %get3A = arith.index_cast %mul3A_655 : i32 to index
          %get3A_656 = tpu.vector_load %arg16[%get3A] {strides = array<i32>} : memref<2048xi32, #tpu.memory_space<vmem>>, vector<16xi32>,
          %add3A_657 = vector.broadcast %mul3A_346 : i32 to vector<16xi32>
          %add3A_658 = arith.addi %get3A_656, %add3A_657 : vector<16xi32>
          %gather3A = tpu.vector_load_idx %arg20[%add3A_658] : memref<1152xf32, #tpu.memory_space<vmem>>[vector<16xi32>], vector<16xf32>,
          %mul3A_659 = arith.constant 16 : i32
          %mul3A_660 = arith.muli %scan3A_652, %mul3A_659 : i32
          %swap3A = arith.index_cast %mul3A_660 : i32 to index
          %swap3A_661 = tpu.vector_load %arg18[%swap3A] {strides = array<i32>} : memref<2048xf32, #tpu.memory_space<vmem>>, vector<16xf32>,
          tpu.vector_store %arg18[%swap3A], %gather3A {strides = array<i32>} : memref<2048xf32, #tpu.memory_space<vmem>>, vector<16xf32>,
          %scan3A_662 = arith.constant 0 : i32
          scf.yield %scan3A_662 : i32
        }
        %scan3A_353 = arith.constant 128 : i32
        %dma_wait3A_354 = tpu.memref_slice %arg22[%add3A_252] : memref<524288xf32, #tpu.memory_space<vmem_shared>> -> memref<2048xf32, #tpu.memory_space<vmem_shared>>
        %dma_wait3A_355 = tpu.memref_slice %arg22[%add3A_252] : memref<524288xf32, #tpu.memory_space<vmem_shared>> -> memref<2048xf32, #tpu.memory_space<vmem_shared>>
        tpu.wait_dma2 semaphore(%arg24 : memref<!tpu.dma_semaphore, #tpu.memory_space<semaphore_mem>>) src(%arg19 : memref<2048xf32, #tpu.memory_space<vmem>>) dst(%dma_wait3A_355 : memref<2048xf32, #tpu.memory_space<vmem_shared>>)
        %dma_wait3A_356 = tpu.memref_slice %arg22[%add3A_258] : memref<524288xf32, #tpu.memory_space<vmem_shared>> -> memref<2048xf32, #tpu.memory_space<vmem_shared>>
        %dma_wait3A_357 = tpu.memref_slice %arg22[%add3A_258] : memref<524288xf32, #tpu.memory_space<vmem_shared>> -> memref<2048xf32, #tpu.memory_space<vmem_shared>>
        tpu.wait_dma2 semaphore(%arg24 : memref<!tpu.dma_semaphore, #tpu.memory_space<semaphore_mem>>) src(%arg19 : memref<2048xf32, #tpu.memory_space<vmem>>) dst(%dma_wait3A_357 : memref<2048xf32, #tpu.memory_space<vmem_shared>>)
        %dma_wait3A_358 = tpu.memref_slice %arg22[%add3A_264] : memref<524288xf32, #tpu.memory_space<vmem_shared>> -> memref<2048xf32, #tpu.memory_space<vmem_shared>>
        %dma_wait3A_359 = tpu.memref_slice %arg22[%add3A_264] : memref<524288xf32, #tpu.memory_space<vmem_shared>> -> memref<2048xf32, #tpu.memory_space<vmem_shared>>
        tpu.wait_dma2 semaphore(%arg24 : memref<!tpu.dma_semaphore, #tpu.memory_space<semaphore_mem>>) src(%arg19 : memref<2048xf32, #tpu.memory_space<vmem>>) dst(%dma_wait3A_359 : memref<2048xf32, #tpu.memory_space<vmem_shared>>)
        %dma_wait3A_360 = tpu.memref_slice %arg22[%add3A_270] : memref<524288xf32, #tpu.memory_space<vmem_shared>> -> memref<2048xf32, #tpu.memory_space<vmem_shared>>
        %dma_wait3A_361 = tpu.memref_slice %arg22[%add3A_270] : memref<524288xf32, #tpu.memory_space<vmem_shared>> -> memref<2048xf32, #tpu.memory_space<vmem_shared>>
        tpu.wait_dma2 semaphore(%arg24 : memref<!tpu.dma_semaphore, #tpu.memory_space<semaphore_mem>>) src(%arg19 : memref<2048xf32, #tpu.memory_space<vmem>>) dst(%dma_wait3A_361 : memref<2048xf32, #tpu.memory_space<vmem_shared>>)
        %dma_wait3A_362 = tpu.memref_slice %arg22[%add3A_276] : memref<524288xf32, #tpu.memory_space<vmem_shared>> -> memref<2048xf32, #tpu.memory_space<vmem_shared>>
        %dma_wait3A_363 = tpu.memref_slice %arg22[%add3A_276] : memref<524288xf32, #tpu.memory_space<vmem_shared>> -> memref<2048xf32, #tpu.memory_space<vmem_shared>>
        tpu.wait_dma2 semaphore(%arg24 : memref<!tpu.dma_semaphore, #tpu.memory_space<semaphore_mem>>) src(%arg19 : memref<2048xf32, #tpu.memory_space<vmem>>) dst(%dma_wait3A_363 : memref<2048xf32, #tpu.memory_space<vmem_shared>>)
        %dma_wait3A_364 = tpu.memref_slice %arg22[%add3A_282] : memref<524288xf32, #tpu.memory_space<vmem_shared>> -> memref<2048xf32, #tpu.memory_space<vmem_shared>>
        %dma_wait3A_365 = tpu.memref_slice %arg22[%add3A_282] : memref<524288xf32, #tpu.memory_space<vmem_shared>> -> memref<2048xf32, #tpu.memory_space<vmem_shared>>
        tpu.wait_dma2 semaphore(%arg24 : memref<!tpu.dma_semaphore, #tpu.memory_space<semaphore_mem>>) src(%arg19 : memref<2048xf32, #tpu.memory_space<vmem>>) dst(%dma_wait3A_365 : memref<2048xf32, #tpu.memory_space<vmem_shared>>)
        %dma_wait3A_366 = tpu.memref_slice %arg22[%add3A_288] : memref<524288xf32, #tpu.memory_space<vmem_shared>> -> memref<2048xf32, #tpu.memory_space<vmem_shared>>
        %dma_wait3A_367 = tpu.memref_slice %arg22[%add3A_288] : memref<524288xf32, #tpu.memory_space<vmem_shared>> -> memref<2048xf32, #tpu.memory_space<vmem_shared>>
        tpu.wait_dma2 semaphore(%arg24 : memref<!tpu.dma_semaphore, #tpu.memory_space<semaphore_mem>>) src(%arg19 : memref<2048xf32, #tpu.memory_space<vmem>>) dst(%dma_wait3A_367 : memref<2048xf32, #tpu.memory_space<vmem_shared>>)
        %dma_wait3A_368 = tpu.memref_slice %arg22[%add3A_294] : memref<524288xf32, #tpu.memory_space<vmem_shared>> -> memref<2048xf32, #tpu.memory_space<vmem_shared>>
        %dma_wait3A_369 = tpu.memref_slice %arg22[%add3A_294] : memref<524288xf32, #tpu.memory_space<vmem_shared>> -> memref<2048xf32, #tpu.memory_space<vmem_shared>>
        tpu.wait_dma2 semaphore(%arg24 : memref<!tpu.dma_semaphore, #tpu.memory_space<semaphore_mem>>) src(%arg19 : memref<2048xf32, #tpu.memory_space<vmem>>) dst(%dma_wait3A_369 : memref<2048xf32, #tpu.memory_space<vmem_shared>>)
        %dma_wait3A_370 = tpu.memref_slice %arg22[%add3A_300] : memref<524288xf32, #tpu.memory_space<vmem_shared>> -> memref<2048xf32, #tpu.memory_space<vmem_shared>>
        %dma_wait3A_371 = tpu.memref_slice %arg22[%add3A_300] : memref<524288xf32, #tpu.memory_space<vmem_shared>> -> memref<2048xf32, #tpu.memory_space<vmem_shared>>
        tpu.wait_dma2 semaphore(%arg24 : memref<!tpu.dma_semaphore, #tpu.memory_space<semaphore_mem>>) src(%arg19 : memref<2048xf32, #tpu.memory_space<vmem>>) dst(%dma_wait3A_371 : memref<2048xf32, #tpu.memory_space<vmem_shared>>)
        %dma_wait3A_372 = tpu.memref_slice %arg22[%add3A_306] : memref<524288xf32, #tpu.memory_space<vmem_shared>> -> memref<2048xf32, #tpu.memory_space<vmem_shared>>
        %dma_wait3A_373 = tpu.memref_slice %arg22[%add3A_306] : memref<524288xf32, #tpu.memory_space<vmem_shared>> -> memref<2048xf32, #tpu.memory_space<vmem_shared>>
        tpu.wait_dma2 semaphore(%arg24 : memref<!tpu.dma_semaphore, #tpu.memory_space<semaphore_mem>>) src(%arg19 : memref<2048xf32, #tpu.memory_space<vmem>>) dst(%dma_wait3A_373 : memref<2048xf32, #tpu.memory_space<vmem_shared>>)
        %dma_wait3A_374 = tpu.memref_slice %arg22[%add3A_312] : memref<524288xf32, #tpu.memory_space<vmem_shared>> -> memref<2048xf32, #tpu.memory_space<vmem_shared>>
        %dma_wait3A_375 = tpu.memref_slice %arg22[%add3A_312] : memref<524288xf32, #tpu.memory_space<vmem_shared>> -> memref<2048xf32, #tpu.memory_space<vmem_shared>>
        tpu.wait_dma2 semaphore(%arg24 : memref<!tpu.dma_semaphore, #tpu.memory_space<semaphore_mem>>) src(%arg19 : memref<2048xf32, #tpu.memory_space<vmem>>) dst(%dma_wait3A_375 : memref<2048xf32, #tpu.memory_space<vmem_shared>>)
        %dma_wait3A_376 = tpu.memref_slice %arg22[%add3A_318] : memref<524288xf32, #tpu.memory_space<vmem_shared>> -> memref<2048xf32, #tpu.memory_space<vmem_shared>>
        %dma_wait3A_377 = tpu.memref_slice %arg22[%add3A_318] : memref<524288xf32, #tpu.memory_space<vmem_shared>> -> memref<2048xf32, #tpu.memory_space<vmem_shared>>
        tpu.wait_dma2 semaphore(%arg24 : memref<!tpu.dma_semaphore, #tpu.memory_space<semaphore_mem>>) src(%arg19 : memref<2048xf32, #tpu.memory_space<vmem>>) dst(%dma_wait3A_377 : memref<2048xf32, #tpu.memory_space<vmem_shared>>)
        %dma_wait3A_378 = tpu.memref_slice %arg22[%add3A_324] : memref<524288xf32, #tpu.memory_space<vmem_shared>> -> memref<2048xf32, #tpu.memory_space<vmem_shared>>
        %dma_wait3A_379 = tpu.memref_slice %arg22[%add3A_324] : memref<524288xf32, #tpu.memory_space<vmem_shared>> -> memref<2048xf32, #tpu.memory_space<vmem_shared>>
        tpu.wait_dma2 semaphore(%arg24 : memref<!tpu.dma_semaphore, #tpu.memory_space<semaphore_mem>>) src(%arg19 : memref<2048xf32, #tpu.memory_space<vmem>>) dst(%dma_wait3A_379 : memref<2048xf32, #tpu.memory_space<vmem_shared>>)
        %dma_wait3A_380 = tpu.memref_slice %arg22[%add3A_330] : memref<524288xf32, #tpu.memory_space<vmem_shared>> -> memref<2048xf32, #tpu.memory_space<vmem_shared>>
        %dma_wait3A_381 = tpu.memref_slice %arg22[%add3A_330] : memref<524288xf32, #tpu.memory_space<vmem_shared>> -> memref<2048xf32, #tpu.memory_space<vmem_shared>>
        tpu.wait_dma2 semaphore(%arg24 : memref<!tpu.dma_semaphore, #tpu.memory_space<semaphore_mem>>) src(%arg19 : memref<2048xf32, #tpu.memory_space<vmem>>) dst(%dma_wait3A_381 : memref<2048xf32, #tpu.memory_space<vmem_shared>>)
        %dma_wait3A_382 = tpu.memref_slice %arg22[%add3A_336] : memref<524288xf32, #tpu.memory_space<vmem_shared>> -> memref<2048xf32, #tpu.memory_space<vmem_shared>>
        %dma_wait3A_383 = tpu.memref_slice %arg22[%add3A_336] : memref<524288xf32, #tpu.memory_space<vmem_shared>> -> memref<2048xf32, #tpu.memory_space<vmem_shared>>
        tpu.wait_dma2 semaphore(%arg24 : memref<!tpu.dma_semaphore, #tpu.memory_space<semaphore_mem>>) src(%arg19 : memref<2048xf32, #tpu.memory_space<vmem>>) dst(%dma_wait3A_383 : memref<2048xf32, #tpu.memory_space<vmem_shared>>)
        %dma_wait3A_384 = tpu.memref_slice %arg22[%add3A_342] : memref<524288xf32, #tpu.memory_space<vmem_shared>> -> memref<2048xf32, #tpu.memory_space<vmem_shared>>
        %dma_wait3A_385 = tpu.memref_slice %arg22[%add3A_342] : memref<524288xf32, #tpu.memory_space<vmem_shared>> -> memref<2048xf32, #tpu.memory_space<vmem_shared>>
        tpu.wait_dma2 semaphore(%arg24 : memref<!tpu.dma_semaphore, #tpu.memory_space<semaphore_mem>>) src(%arg19 : memref<2048xf32, #tpu.memory_space<vmem>>) dst(%dma_wait3A_385 : memref<2048xf32, #tpu.memory_space<vmem_shared>>)
        %barrier3A = arith.constant 0 : index
        tpu.barrier barrier_id(%barrier3A)
        %dma_start3A_386 = arith.constant 0 : i32
        %dma_start3A_387 = arith.constant 0 : i32
        %dma_start3A_388 = tpu.memref_slice %arg18[%dma_start3A_387] : memref<2048xf32, #tpu.memory_space<vmem>> -> memref<128xf32, #tpu.memory_space<vmem>>
        %dma_start3A_389 = arith.constant 0 : i32
        %dma_start3A_390 = tpu.memref_slice %arg17[%dma_start3A_386, %dma_start3A_389] : memref<16x128xi32, #tpu.memory_space<vmem>> -> memref<1x128xi32, #tpu.memory_space<vmem>>
        %dma_start3A_391 = tpu.memref_squeeze %dma_start3A_390 : memref<1x128xi32, #tpu.memory_space<vmem>> -> memref<128xi32, #tpu.memory_space<vmem>>
        %dma_start3A_392 = arith.constant 0 : i32
        %dma_start3A_393 = tpu.memref_slice %arg22[%dma_start3A_392] : memref<524288xf32, #tpu.memory_space<vmem_shared>> -> memref<524288xf32, #tpu.memory_space<vmem_shared>>
        tpu.enqueue_indirect_dma source(%dma_start3A_388 : memref<128xf32, #tpu.memory_space<vmem>>) target(%dma_start3A_393 : memref<524288xf32, #tpu.memory_space<vmem_shared>>) offsets(%dma_start3A_391 : memref<128xi32, #tpu.memory_space<vmem>>) semaphore(%arg25 : memref<!tpu.dma_semaphore, #tpu.memory_space<semaphore_mem>>) {add = true}
        %dma_start3A_394 = arith.constant 1 : i32
        %dma_start3A_395 = arith.constant 128 : i32
        %dma_start3A_396 = tpu.memref_slice %arg18[%dma_start3A_395] : memref<2048xf32, #tpu.memory_space<vmem>> -> memref<128xf32, #tpu.memory_space<vmem>>
        %dma_start3A_397 = arith.constant 0 : i32
        %dma_start3A_398 = tpu.memref_slice %arg17[%dma_start3A_394, %dma_start3A_397] : memref<16x128xi32, #tpu.memory_space<vmem>> -> memref<1x128xi32, #tpu.memory_space<vmem>>
        %dma_start3A_399 = tpu.memref_squeeze %dma_start3A_398 : memref<1x128xi32, #tpu.memory_space<vmem>> -> memref<128xi32, #tpu.memory_space<vmem>>
        %dma_start3A_400 = arith.constant 0 : i32
        %dma_start3A_401 = tpu.memref_slice %arg22[%dma_start3A_400] : memref<524288xf32, #tpu.memory_space<vmem_shared>> -> memref<524288xf32, #tpu.memory_space<vmem_shared>>
        tpu.enqueue_indirect_dma source(%dma_start3A_396 : memref<128xf32, #tpu.memory_space<vmem>>) target(%dma_start3A_401 : memref<524288xf32, #tpu.memory_space<vmem_shared>>) offsets(%dma_start3A_399 : memref<128xi32, #tpu.memory_space<vmem>>) semaphore(%arg25 : memref<!tpu.dma_semaphore, #tpu.memory_space<semaphore_mem>>) {add = true}
        %dma_start3A_402 = arith.constant 2 : i32
        %dma_start3A_403 = arith.constant 256 : i32
        %dma_start3A_404 = tpu.memref_slice %arg18[%dma_start3A_403] : memref<2048xf32, #tpu.memory_space<vmem>> -> memref<128xf32, #tpu.memory_space<vmem>>
        %dma_start3A_405 = arith.constant 0 : i32
        %dma_start3A_406 = tpu.memref_slice %arg17[%dma_start3A_402, %dma_start3A_405] : memref<16x128xi32, #tpu.memory_space<vmem>> -> memref<1x128xi32, #tpu.memory_space<vmem>>
        %dma_start3A_407 = tpu.memref_squeeze %dma_start3A_406 : memref<1x128xi32, #tpu.memory_space<vmem>> -> memref<128xi32, #tpu.memory_space<vmem>>
        %dma_start3A_408 = arith.constant 0 : i32
        %dma_start3A_409 = tpu.memref_slice %arg22[%dma_start3A_408] : memref<524288xf32, #tpu.memory_space<vmem_shared>> -> memref<524288xf32, #tpu.memory_space<vmem_shared>>
        tpu.enqueue_indirect_dma source(%dma_start3A_404 : memref<128xf32, #tpu.memory_space<vmem>>) target(%dma_start3A_409 : memref<524288xf32, #tpu.memory_space<vmem_shared>>) offsets(%dma_start3A_407 : memref<128xi32, #tpu.memory_space<vmem>>) semaphore(%arg25 : memref<!tpu.dma_semaphore, #tpu.memory_space<semaphore_mem>>) {add = true}
        %dma_start3A_410 = arith.constant 3 : i32
        %dma_start3A_411 = arith.constant 384 : i32
        %dma_start3A_412 = tpu.memref_slice %arg18[%dma_start3A_411] : memref<2048xf32, #tpu.memory_space<vmem>> -> memref<128xf32, #tpu.memory_space<vmem>>
        %dma_start3A_413 = arith.constant 0 : i32
        %dma_start3A_414 = tpu.memref_slice %arg17[%dma_start3A_410, %dma_start3A_413] : memref<16x128xi32, #tpu.memory_space<vmem>> -> memref<1x128xi32, #tpu.memory_space<vmem>>
        %dma_start3A_415 = tpu.memref_squeeze %dma_start3A_414 : memref<1x128xi32, #tpu.memory_space<vmem>> -> memref<128xi32, #tpu.memory_space<vmem>>
        %dma_start3A_416 = arith.constant 0 : i32
        %dma_start3A_417 = tpu.memref_slice %arg22[%dma_start3A_416] : memref<524288xf32, #tpu.memory_space<vmem_shared>> -> memref<524288xf32, #tpu.memory_space<vmem_shared>>
        tpu.enqueue_indirect_dma source(%dma_start3A_412 : memref<128xf32, #tpu.memory_space<vmem>>) target(%dma_start3A_417 : memref<524288xf32, #tpu.memory_space<vmem_shared>>) offsets(%dma_start3A_415 : memref<128xi32, #tpu.memory_space<vmem>>) semaphore(%arg25 : memref<!tpu.dma_semaphore, #tpu.memory_space<semaphore_mem>>) {add = true}
        %dma_start3A_418 = arith.constant 4 : i32
        %dma_start3A_419 = arith.constant 512 : i32
        %dma_start3A_420 = tpu.memref_slice %arg18[%dma_start3A_419] : memref<2048xf32, #tpu.memory_space<vmem>> -> memref<128xf32, #tpu.memory_space<vmem>>
        %dma_start3A_421 = arith.constant 0 : i32
        %dma_start3A_422 = tpu.memref_slice %arg17[%dma_start3A_418, %dma_start3A_421] : memref<16x128xi32, #tpu.memory_space<vmem>> -> memref<1x128xi32, #tpu.memory_space<vmem>>
        %dma_start3A_423 = tpu.memref_squeeze %dma_start3A_422 : memref<1x128xi32, #tpu.memory_space<vmem>> -> memref<128xi32, #tpu.memory_space<vmem>>
        %dma_start3A_424 = arith.constant 0 : i32
        %dma_start3A_425 = tpu.memref_slice %arg22[%dma_start3A_424] : memref<524288xf32, #tpu.memory_space<vmem_shared>> -> memref<524288xf32, #tpu.memory_space<vmem_shared>>
        tpu.enqueue_indirect_dma source(%dma_start3A_420 : memref<128xf32, #tpu.memory_space<vmem>>) target(%dma_start3A_425 : memref<524288xf32, #tpu.memory_space<vmem_shared>>) offsets(%dma_start3A_423 : memref<128xi32, #tpu.memory_space<vmem>>) semaphore(%arg25 : memref<!tpu.dma_semaphore, #tpu.memory_space<semaphore_mem>>) {add = true}
        %dma_start3A_426 = arith.constant 5 : i32
        %dma_start3A_427 = arith.constant 640 : i32
        %dma_start3A_428 = tpu.memref_slice %arg18[%dma_start3A_427] : memref<2048xf32, #tpu.memory_space<vmem>> -> memref<128xf32, #tpu.memory_space<vmem>>
        %dma_start3A_429 = arith.constant 0 : i32
        %dma_start3A_430 = tpu.memref_slice %arg17[%dma_start3A_426, %dma_start3A_429] : memref<16x128xi32, #tpu.memory_space<vmem>> -> memref<1x128xi32, #tpu.memory_space<vmem>>
        %dma_start3A_431 = tpu.memref_squeeze %dma_start3A_430 : memref<1x128xi32, #tpu.memory_space<vmem>> -> memref<128xi32, #tpu.memory_space<vmem>>
        %dma_start3A_432 = arith.constant 0 : i32
        %dma_start3A_433 = tpu.memref_slice %arg22[%dma_start3A_432] : memref<524288xf32, #tpu.memory_space<vmem_shared>> -> memref<524288xf32, #tpu.memory_space<vmem_shared>>
        tpu.enqueue_indirect_dma source(%dma_start3A_428 : memref<128xf32, #tpu.memory_space<vmem>>) target(%dma_start3A_433 : memref<524288xf32, #tpu.memory_space<vmem_shared>>) offsets(%dma_start3A_431 : memref<128xi32, #tpu.memory_space<vmem>>) semaphore(%arg25 : memref<!tpu.dma_semaphore, #tpu.memory_space<semaphore_mem>>) {add = true}
        %dma_start3A_434 = arith.constant 6 : i32
        %dma_start3A_435 = arith.constant 768 : i32
        %dma_start3A_436 = tpu.memref_slice %arg18[%dma_start3A_435] : memref<2048xf32, #tpu.memory_space<vmem>> -> memref<128xf32, #tpu.memory_space<vmem>>
        %dma_start3A_437 = arith.constant 0 : i32
        %dma_start3A_438 = tpu.memref_slice %arg17[%dma_start3A_434, %dma_start3A_437] : memref<16x128xi32, #tpu.memory_space<vmem>> -> memref<1x128xi32, #tpu.memory_space<vmem>>
        %dma_start3A_439 = tpu.memref_squeeze %dma_start3A_438 : memref<1x128xi32, #tpu.memory_space<vmem>> -> memref<128xi32, #tpu.memory_space<vmem>>
        %dma_start3A_440 = arith.constant 0 : i32
        %dma_start3A_441 = tpu.memref_slice %arg22[%dma_start3A_440] : memref<524288xf32, #tpu.memory_space<vmem_shared>> -> memref<524288xf32, #tpu.memory_space<vmem_shared>>
        tpu.enqueue_indirect_dma source(%dma_start3A_436 : memref<128xf32, #tpu.memory_space<vmem>>) target(%dma_start3A_441 : memref<524288xf32, #tpu.memory_space<vmem_shared>>) offsets(%dma_start3A_439 : memref<128xi32, #tpu.memory_space<vmem>>) semaphore(%arg25 : memref<!tpu.dma_semaphore, #tpu.memory_space<semaphore_mem>>) {add = true}
        %dma_start3A_442 = arith.constant 7 : i32
        %dma_start3A_443 = arith.constant 896 : i32
        %dma_start3A_444 = tpu.memref_slice %arg18[%dma_start3A_443] : memref<2048xf32, #tpu.memory_space<vmem>> -> memref<128xf32, #tpu.memory_space<vmem>>
        %dma_start3A_445 = arith.constant 0 : i32
        %dma_start3A_446 = tpu.memref_slice %arg17[%dma_start3A_442, %dma_start3A_445] : memref<16x128xi32, #tpu.memory_space<vmem>> -> memref<1x128xi32, #tpu.memory_space<vmem>>
        %dma_start3A_447 = tpu.memref_squeeze %dma_start3A_446 : memref<1x128xi32, #tpu.memory_space<vmem>> -> memref<128xi32, #tpu.memory_space<vmem>>
        %dma_start3A_448 = arith.constant 0 : i32
        %dma_start3A_449 = tpu.memref_slice %arg22[%dma_start3A_448] : memref<524288xf32, #tpu.memory_space<vmem_shared>> -> memref<524288xf32, #tpu.memory_space<vmem_shared>>
        tpu.enqueue_indirect_dma source(%dma_start3A_444 : memref<128xf32, #tpu.memory_space<vmem>>) target(%dma_start3A_449 : memref<524288xf32, #tpu.memory_space<vmem_shared>>) offsets(%dma_start3A_447 : memref<128xi32, #tpu.memory_space<vmem>>) semaphore(%arg25 : memref<!tpu.dma_semaphore, #tpu.memory_space<semaphore_mem>>) {add = true}
        %dma_start3A_450 = arith.constant 8 : i32
        %dma_start3A_451 = arith.constant 1024 : i32
        %dma_start3A_452 = tpu.memref_slice %arg18[%dma_start3A_451] : memref<2048xf32, #tpu.memory_space<vmem>> -> memref<128xf32, #tpu.memory_space<vmem>>
        %dma_start3A_453 = arith.constant 0 : i32
        %dma_start3A_454 = tpu.memref_slice %arg17[%dma_start3A_450, %dma_start3A_453] : memref<16x128xi32, #tpu.memory_space<vmem>> -> memref<1x128xi32, #tpu.memory_space<vmem>>
        %dma_start3A_455 = tpu.memref_squeeze %dma_start3A_454 : memref<1x128xi32, #tpu.memory_space<vmem>> -> memref<128xi32, #tpu.memory_space<vmem>>
        %dma_start3A_456 = arith.constant 0 : i32
        %dma_start3A_457 = tpu.memref_slice %arg22[%dma_start3A_456] : memref<524288xf32, #tpu.memory_space<vmem_shared>> -> memref<524288xf32, #tpu.memory_space<vmem_shared>>
        tpu.enqueue_indirect_dma source(%dma_start3A_452 : memref<128xf32, #tpu.memory_space<vmem>>) target(%dma_start3A_457 : memref<524288xf32, #tpu.memory_space<vmem_shared>>) offsets(%dma_start3A_455 : memref<128xi32, #tpu.memory_space<vmem>>) semaphore(%arg25 : memref<!tpu.dma_semaphore, #tpu.memory_space<semaphore_mem>>) {add = true}
        %dma_start3A_458 = arith.constant 9 : i32
        %dma_start3A_459 = arith.constant 1152 : i32
        %dma_start3A_460 = tpu.memref_slice %arg18[%dma_start3A_459] : memref<2048xf32, #tpu.memory_space<vmem>> -> memref<128xf32, #tpu.memory_space<vmem>>
        %dma_start3A_461 = arith.constant 0 : i32
        %dma_start3A_462 = tpu.memref_slice %arg17[%dma_start3A_458, %dma_start3A_461] : memref<16x128xi32, #tpu.memory_space<vmem>> -> memref<1x128xi32, #tpu.memory_space<vmem>>
        %dma_start3A_463 = tpu.memref_squeeze %dma_start3A_462 : memref<1x128xi32, #tpu.memory_space<vmem>> -> memref<128xi32, #tpu.memory_space<vmem>>
        %dma_start3A_464 = arith.constant 0 : i32
        %dma_start3A_465 = tpu.memref_slice %arg22[%dma_start3A_464] : memref<524288xf32, #tpu.memory_space<vmem_shared>> -> memref<524288xf32, #tpu.memory_space<vmem_shared>>
        tpu.enqueue_indirect_dma source(%dma_start3A_460 : memref<128xf32, #tpu.memory_space<vmem>>) target(%dma_start3A_465 : memref<524288xf32, #tpu.memory_space<vmem_shared>>) offsets(%dma_start3A_463 : memref<128xi32, #tpu.memory_space<vmem>>) semaphore(%arg25 : memref<!tpu.dma_semaphore, #tpu.memory_space<semaphore_mem>>) {add = true}
        %dma_start3A_466 = arith.constant 10 : i32
        %dma_start3A_467 = arith.constant 1280 : i32
        %dma_start3A_468 = tpu.memref_slice %arg18[%dma_start3A_467] : memref<2048xf32, #tpu.memory_space<vmem>> -> memref<128xf32, #tpu.memory_space<vmem>>
        %dma_start3A_469 = arith.constant 0 : i32
        %dma_start3A_470 = tpu.memref_slice %arg17[%dma_start3A_466, %dma_start3A_469] : memref<16x128xi32, #tpu.memory_space<vmem>> -> memref<1x128xi32, #tpu.memory_space<vmem>>
        %dma_start3A_471 = tpu.memref_squeeze %dma_start3A_470 : memref<1x128xi32, #tpu.memory_space<vmem>> -> memref<128xi32, #tpu.memory_space<vmem>>
        %dma_start3A_472 = arith.constant 0 : i32
        %dma_start3A_473 = tpu.memref_slice %arg22[%dma_start3A_472] : memref<524288xf32, #tpu.memory_space<vmem_shared>> -> memref<524288xf32, #tpu.memory_space<vmem_shared>>
        tpu.enqueue_indirect_dma source(%dma_start3A_468 : memref<128xf32, #tpu.memory_space<vmem>>) target(%dma_start3A_473 : memref<524288xf32, #tpu.memory_space<vmem_shared>>) offsets(%dma_start3A_471 : memref<128xi32, #tpu.memory_space<vmem>>) semaphore(%arg25 : memref<!tpu.dma_semaphore, #tpu.memory_space<semaphore_mem>>) {add = true}
        %dma_start3A_474 = arith.constant 11 : i32
        %dma_start3A_475 = arith.constant 1408 : i32
        %dma_start3A_476 = tpu.memref_slice %arg18[%dma_start3A_475] : memref<2048xf32, #tpu.memory_space<vmem>> -> memref<128xf32, #tpu.memory_space<vmem>>
        %dma_start3A_477 = arith.constant 0 : i32
        %dma_start3A_478 = tpu.memref_slice %arg17[%dma_start3A_474, %dma_start3A_477] : memref<16x128xi32, #tpu.memory_space<vmem>> -> memref<1x128xi32, #tpu.memory_space<vmem>>
        %dma_start3A_479 = tpu.memref_squeeze %dma_start3A_478 : memref<1x128xi32, #tpu.memory_space<vmem>> -> memref<128xi32, #tpu.memory_space<vmem>>
        %dma_start3A_480 = arith.constant 0 : i32
        %dma_start3A_481 = tpu.memref_slice %arg22[%dma_start3A_480] : memref<524288xf32, #tpu.memory_space<vmem_shared>> -> memref<524288xf32, #tpu.memory_space<vmem_shared>>
        tpu.enqueue_indirect_dma source(%dma_start3A_476 : memref<128xf32, #tpu.memory_space<vmem>>) target(%dma_start3A_481 : memref<524288xf32, #tpu.memory_space<vmem_shared>>) offsets(%dma_start3A_479 : memref<128xi32, #tpu.memory_space<vmem>>) semaphore(%arg25 : memref<!tpu.dma_semaphore, #tpu.memory_space<semaphore_mem>>) {add = true}
        %dma_start3A_482 = arith.constant 12 : i32
        %dma_start3A_483 = arith.constant 1536 : i32
        %dma_start3A_484 = tpu.memref_slice %arg18[%dma_start3A_483] : memref<2048xf32, #tpu.memory_space<vmem>> -> memref<128xf32, #tpu.memory_space<vmem>>
        %dma_start3A_485 = arith.constant 0 : i32
        %dma_start3A_486 = tpu.memref_slice %arg17[%dma_start3A_482, %dma_start3A_485] : memref<16x128xi32, #tpu.memory_space<vmem>> -> memref<1x128xi32, #tpu.memory_space<vmem>>
        %dma_start3A_487 = tpu.memref_squeeze %dma_start3A_486 : memref<1x128xi32, #tpu.memory_space<vmem>> -> memref<128xi32, #tpu.memory_space<vmem>>
        %dma_start3A_488 = arith.constant 0 : i32
        %dma_start3A_489 = tpu.memref_slice %arg22[%dma_start3A_488] : memref<524288xf32, #tpu.memory_space<vmem_shared>> -> memref<524288xf32, #tpu.memory_space<vmem_shared>>
        tpu.enqueue_indirect_dma source(%dma_start3A_484 : memref<128xf32, #tpu.memory_space<vmem>>) target(%dma_start3A_489 : memref<524288xf32, #tpu.memory_space<vmem_shared>>) offsets(%dma_start3A_487 : memref<128xi32, #tpu.memory_space<vmem>>) semaphore(%arg25 : memref<!tpu.dma_semaphore, #tpu.memory_space<semaphore_mem>>) {add = true}
        %dma_start3A_490 = arith.constant 13 : i32
        %dma_start3A_491 = arith.constant 1664 : i32
        %dma_start3A_492 = tpu.memref_slice %arg18[%dma_start3A_491] : memref<2048xf32, #tpu.memory_space<vmem>> -> memref<128xf32, #tpu.memory_space<vmem>>
        %dma_start3A_493 = arith.constant 0 : i32
        %dma_start3A_494 = tpu.memref_slice %arg17[%dma_start3A_490, %dma_start3A_493] : memref<16x128xi32, #tpu.memory_space<vmem>> -> memref<1x128xi32, #tpu.memory_space<vmem>>
        %dma_start3A_495 = tpu.memref_squeeze %dma_start3A_494 : memref<1x128xi32, #tpu.memory_space<vmem>> -> memref<128xi32, #tpu.memory_space<vmem>>
        %dma_start3A_496 = arith.constant 0 : i32
        %dma_start3A_497 = tpu.memref_slice %arg22[%dma_start3A_496] : memref<524288xf32, #tpu.memory_space<vmem_shared>> -> memref<524288xf32, #tpu.memory_space<vmem_shared>>
        tpu.enqueue_indirect_dma source(%dma_start3A_492 : memref<128xf32, #tpu.memory_space<vmem>>) target(%dma_start3A_497 : memref<524288xf32, #tpu.memory_space<vmem_shared>>) offsets(%dma_start3A_495 : memref<128xi32, #tpu.memory_space<vmem>>) semaphore(%arg25 : memref<!tpu.dma_semaphore, #tpu.memory_space<semaphore_mem>>) {add = true}
        %dma_start3A_498 = arith.constant 14 : i32
        %dma_start3A_499 = arith.constant 1792 : i32
        %dma_start3A_500 = tpu.memref_slice %arg18[%dma_start3A_499] : memref<2048xf32, #tpu.memory_space<vmem>> -> memref<128xf32, #tpu.memory_space<vmem>>
        %dma_start3A_501 = arith.constant 0 : i32
        %dma_start3A_502 = tpu.memref_slice %arg17[%dma_start3A_498, %dma_start3A_501] : memref<16x128xi32, #tpu.memory_space<vmem>> -> memref<1x128xi32, #tpu.memory_space<vmem>>
        %dma_start3A_503 = tpu.memref_squeeze %dma_start3A_502 : memref<1x128xi32, #tpu.memory_space<vmem>> -> memref<128xi32, #tpu.memory_space<vmem>>
        %dma_start3A_504 = arith.constant 0 : i32
        %dma_start3A_505 = tpu.memref_slice %arg22[%dma_start3A_504] : memref<524288xf32, #tpu.memory_space<vmem_shared>> -> memref<524288xf32, #tpu.memory_space<vmem_shared>>
        tpu.enqueue_indirect_dma source(%dma_start3A_500 : memref<128xf32, #tpu.memory_space<vmem>>) target(%dma_start3A_505 : memref<524288xf32, #tpu.memory_space<vmem_shared>>) offsets(%dma_start3A_503 : memref<128xi32, #tpu.memory_space<vmem>>) semaphore(%arg25 : memref<!tpu.dma_semaphore, #tpu.memory_space<semaphore_mem>>) {add = true}
        %dma_start3A_506 = arith.constant 15 : i32
        %dma_start3A_507 = arith.constant 1920 : i32
        %dma_start3A_508 = tpu.memref_slice %arg18[%dma_start3A_507] : memref<2048xf32, #tpu.memory_space<vmem>> -> memref<128xf32, #tpu.memory_space<vmem>>
        %dma_start3A_509 = arith.constant 0 : i32
        %dma_start3A_510 = tpu.memref_slice %arg17[%dma_start3A_506, %dma_start3A_509] : memref<16x128xi32, #tpu.memory_space<vmem>> -> memref<1x128xi32, #tpu.memory_space<vmem>>
        %dma_start3A_511 = tpu.memref_squeeze %dma_start3A_510 : memref<1x128xi32, #tpu.memory_space<vmem>> -> memref<128xi32, #tpu.memory_space<vmem>>
        %dma_start3A_512 = arith.constant 0 : i32
        %dma_start3A_513 = tpu.memref_slice %arg22[%dma_start3A_512] : memref<524288xf32, #tpu.memory_space<vmem_shared>> -> memref<524288xf32, #tpu.memory_space<vmem_shared>>
        tpu.enqueue_indirect_dma source(%dma_start3A_508 : memref<128xf32, #tpu.memory_space<vmem>>) target(%dma_start3A_513 : memref<524288xf32, #tpu.memory_space<vmem_shared>>) offsets(%dma_start3A_511 : memref<128xi32, #tpu.memory_space<vmem>>) semaphore(%arg25 : memref<!tpu.dma_semaphore, #tpu.memory_space<semaphore_mem>>) {add = true}
        %dma_wait3A_514 = arith.constant 0 : i32
        %dma_wait3A_515 = arith.constant 0 : i32
        %dma_wait3A_516 = tpu.memref_slice %arg18[%dma_wait3A_515] : memref<2048xf32, #tpu.memory_space<vmem>> -> memref<128xf32, #tpu.memory_space<vmem>>
        %dma_wait3A_517 = arith.constant 0 : i32
        %dma_wait3A_518 = tpu.memref_slice %arg17[%dma_wait3A_514, %dma_wait3A_517] : memref<16x128xi32, #tpu.memory_space<vmem>> -> memref<1x128xi32, #tpu.memory_space<vmem>>
        %dma_wait3A_519 = tpu.memref_squeeze %dma_wait3A_518 : memref<1x128xi32, #tpu.memory_space<vmem>> -> memref<128xi32, #tpu.memory_space<vmem>>
        %dma_wait3A_520 = arith.constant 0 : i32
        %dma_wait3A_521 = tpu.memref_slice %arg22[%dma_wait3A_520] : memref<524288xf32, #tpu.memory_space<vmem_shared>> -> memref<524288xf32, #tpu.memory_space<vmem_shared>>
        tpu.wait_indirect_dma semaphore(%arg25 : memref<!tpu.dma_semaphore, #tpu.memory_space<semaphore_mem>>) src(%dma_wait3A_516 : memref<128xf32, #tpu.memory_space<vmem>>) dst(%dma_wait3A_521 : memref<524288xf32, #tpu.memory_space<vmem_shared>>)
        %dma_wait3A_522 = arith.constant 1 : i32
        %dma_wait3A_523 = arith.constant 128 : i32
        %dma_wait3A_524 = tpu.memref_slice %arg18[%dma_wait3A_523] : memref<2048xf32, #tpu.memory_space<vmem>> -> memref<128xf32, #tpu.memory_space<vmem>>
        %dma_wait3A_525 = arith.constant 0 : i32
        %dma_wait3A_526 = tpu.memref_slice %arg17[%dma_wait3A_522, %dma_wait3A_525] : memref<16x128xi32, #tpu.memory_space<vmem>> -> memref<1x128xi32, #tpu.memory_space<vmem>>
        %dma_wait3A_527 = tpu.memref_squeeze %dma_wait3A_526 : memref<1x128xi32, #tpu.memory_space<vmem>> -> memref<128xi32, #tpu.memory_space<vmem>>
        %dma_wait3A_528 = arith.constant 0 : i32
        %dma_wait3A_529 = tpu.memref_slice %arg22[%dma_wait3A_528] : memref<524288xf32, #tpu.memory_space<vmem_shared>> -> memref<524288xf32, #tpu.memory_space<vmem_shared>>
        tpu.wait_indirect_dma semaphore(%arg25 : memref<!tpu.dma_semaphore, #tpu.memory_space<semaphore_mem>>) src(%dma_wait3A_524 : memref<128xf32, #tpu.memory_space<vmem>>) dst(%dma_wait3A_529 : memref<524288xf32, #tpu.memory_space<vmem_shared>>)
        %dma_wait3A_530 = arith.constant 2 : i32
        %dma_wait3A_531 = arith.constant 256 : i32
        %dma_wait3A_532 = tpu.memref_slice %arg18[%dma_wait3A_531] : memref<2048xf32, #tpu.memory_space<vmem>> -> memref<128xf32, #tpu.memory_space<vmem>>
        %dma_wait3A_533 = arith.constant 0 : i32
        %dma_wait3A_534 = tpu.memref_slice %arg17[%dma_wait3A_530, %dma_wait3A_533] : memref<16x128xi32, #tpu.memory_space<vmem>> -> memref<1x128xi32, #tpu.memory_space<vmem>>
        %dma_wait3A_535 = tpu.memref_squeeze %dma_wait3A_534 : memref<1x128xi32, #tpu.memory_space<vmem>> -> memref<128xi32, #tpu.memory_space<vmem>>
        %dma_wait3A_536 = arith.constant 0 : i32
        %dma_wait3A_537 = tpu.memref_slice %arg22[%dma_wait3A_536] : memref<524288xf32, #tpu.memory_space<vmem_shared>> -> memref<524288xf32, #tpu.memory_space<vmem_shared>>
        tpu.wait_indirect_dma semaphore(%arg25 : memref<!tpu.dma_semaphore, #tpu.memory_space<semaphore_mem>>) src(%dma_wait3A_532 : memref<128xf32, #tpu.memory_space<vmem>>) dst(%dma_wait3A_537 : memref<524288xf32, #tpu.memory_space<vmem_shared>>)
        %dma_wait3A_538 = arith.constant 3 : i32
        %dma_wait3A_539 = arith.constant 384 : i32
        %dma_wait3A_540 = tpu.memref_slice %arg18[%dma_wait3A_539] : memref<2048xf32, #tpu.memory_space<vmem>> -> memref<128xf32, #tpu.memory_space<vmem>>
        %dma_wait3A_541 = arith.constant 0 : i32
        %dma_wait3A_542 = tpu.memref_slice %arg17[%dma_wait3A_538, %dma_wait3A_541] : memref<16x128xi32, #tpu.memory_space<vmem>> -> memref<1x128xi32, #tpu.memory_space<vmem>>
        %dma_wait3A_543 = tpu.memref_squeeze %dma_wait3A_542 : memref<1x128xi32, #tpu.memory_space<vmem>> -> memref<128xi32, #tpu.memory_space<vmem>>
        %dma_wait3A_544 = arith.constant 0 : i32
        %dma_wait3A_545 = tpu.memref_slice %arg22[%dma_wait3A_544] : memref<524288xf32, #tpu.memory_space<vmem_shared>> -> memref<524288xf32, #tpu.memory_space<vmem_shared>>
        tpu.wait_indirect_dma semaphore(%arg25 : memref<!tpu.dma_semaphore, #tpu.memory_space<semaphore_mem>>) src(%dma_wait3A_540 : memref<128xf32, #tpu.memory_space<vmem>>) dst(%dma_wait3A_545 : memref<524288xf32, #tpu.memory_space<vmem_shared>>)
        %dma_wait3A_546 = arith.constant 4 : i32
        %dma_wait3A_547 = arith.constant 512 : i32
        %dma_wait3A_548 = tpu.memref_slice %arg18[%dma_wait3A_547] : memref<2048xf32, #tpu.memory_space<vmem>> -> memref<128xf32, #tpu.memory_space<vmem>>
        %dma_wait3A_549 = arith.constant 0 : i32
        %dma_wait3A_550 = tpu.memref_slice %arg17[%dma_wait3A_546, %dma_wait3A_549] : memref<16x128xi32, #tpu.memory_space<vmem>> -> memref<1x128xi32, #tpu.memory_space<vmem>>
        %dma_wait3A_551 = tpu.memref_squeeze %dma_wait3A_550 : memref<1x128xi32, #tpu.memory_space<vmem>> -> memref<128xi32, #tpu.memory_space<vmem>>
        %dma_wait3A_552 = arith.constant 0 : i32
        %dma_wait3A_553 = tpu.memref_slice %arg22[%dma_wait3A_552] : memref<524288xf32, #tpu.memory_space<vmem_shared>> -> memref<524288xf32, #tpu.memory_space<vmem_shared>>
        tpu.wait_indirect_dma semaphore(%arg25 : memref<!tpu.dma_semaphore, #tpu.memory_space<semaphore_mem>>) src(%dma_wait3A_548 : memref<128xf32, #tpu.memory_space<vmem>>) dst(%dma_wait3A_553 : memref<524288xf32, #tpu.memory_space<vmem_shared>>)
        %dma_wait3A_554 = arith.constant 5 : i32
        %dma_wait3A_555 = arith.constant 640 : i32
        %dma_wait3A_556 = tpu.memref_slice %arg18[%dma_wait3A_555] : memref<2048xf32, #tpu.memory_space<vmem>> -> memref<128xf32, #tpu.memory_space<vmem>>
        %dma_wait3A_557 = arith.constant 0 : i32
        %dma_wait3A_558 = tpu.memref_slice %arg17[%dma_wait3A_554, %dma_wait3A_557] : memref<16x128xi32, #tpu.memory_space<vmem>> -> memref<1x128xi32, #tpu.memory_space<vmem>>
        %dma_wait3A_559 = tpu.memref_squeeze %dma_wait3A_558 : memref<1x128xi32, #tpu.memory_space<vmem>> -> memref<128xi32, #tpu.memory_space<vmem>>
        %dma_wait3A_560 = arith.constant 0 : i32
        %dma_wait3A_561 = tpu.memref_slice %arg22[%dma_wait3A_560] : memref<524288xf32, #tpu.memory_space<vmem_shared>> -> memref<524288xf32, #tpu.memory_space<vmem_shared>>
        tpu.wait_indirect_dma semaphore(%arg25 : memref<!tpu.dma_semaphore, #tpu.memory_space<semaphore_mem>>) src(%dma_wait3A_556 : memref<128xf32, #tpu.memory_space<vmem>>) dst(%dma_wait3A_561 : memref<524288xf32, #tpu.memory_space<vmem_shared>>)
        %dma_wait3A_562 = arith.constant 6 : i32
        %dma_wait3A_563 = arith.constant 768 : i32
        %dma_wait3A_564 = tpu.memref_slice %arg18[%dma_wait3A_563] : memref<2048xf32, #tpu.memory_space<vmem>> -> memref<128xf32, #tpu.memory_space<vmem>>
        %dma_wait3A_565 = arith.constant 0 : i32
        %dma_wait3A_566 = tpu.memref_slice %arg17[%dma_wait3A_562, %dma_wait3A_565] : memref<16x128xi32, #tpu.memory_space<vmem>> -> memref<1x128xi32, #tpu.memory_space<vmem>>
        %dma_wait3A_567 = tpu.memref_squeeze %dma_wait3A_566 : memref<1x128xi32, #tpu.memory_space<vmem>> -> memref<128xi32, #tpu.memory_space<vmem>>
        %dma_wait3A_568 = arith.constant 0 : i32
        %dma_wait3A_569 = tpu.memref_slice %arg22[%dma_wait3A_568] : memref<524288xf32, #tpu.memory_space<vmem_shared>> -> memref<524288xf32, #tpu.memory_space<vmem_shared>>
        tpu.wait_indirect_dma semaphore(%arg25 : memref<!tpu.dma_semaphore, #tpu.memory_space<semaphore_mem>>) src(%dma_wait3A_564 : memref<128xf32, #tpu.memory_space<vmem>>) dst(%dma_wait3A_569 : memref<524288xf32, #tpu.memory_space<vmem_shared>>)
        %dma_wait3A_570 = arith.constant 7 : i32
        %dma_wait3A_571 = arith.constant 896 : i32
        %dma_wait3A_572 = tpu.memref_slice %arg18[%dma_wait3A_571] : memref<2048xf32, #tpu.memory_space<vmem>> -> memref<128xf32, #tpu.memory_space<vmem>>
        %dma_wait3A_573 = arith.constant 0 : i32
        %dma_wait3A_574 = tpu.memref_slice %arg17[%dma_wait3A_570, %dma_wait3A_573] : memref<16x128xi32, #tpu.memory_space<vmem>> -> memref<1x128xi32, #tpu.memory_space<vmem>>
        %dma_wait3A_575 = tpu.memref_squeeze %dma_wait3A_574 : memref<1x128xi32, #tpu.memory_space<vmem>> -> memref<128xi32, #tpu.memory_space<vmem>>
        %dma_wait3A_576 = arith.constant 0 : i32
        %dma_wait3A_577 = tpu.memref_slice %arg22[%dma_wait3A_576] : memref<524288xf32, #tpu.memory_space<vmem_shared>> -> memref<524288xf32, #tpu.memory_space<vmem_shared>>
        tpu.wait_indirect_dma semaphore(%arg25 : memref<!tpu.dma_semaphore, #tpu.memory_space<semaphore_mem>>) src(%dma_wait3A_572 : memref<128xf32, #tpu.memory_space<vmem>>) dst(%dma_wait3A_577 : memref<524288xf32, #tpu.memory_space<vmem_shared>>)
        %dma_wait3A_578 = arith.constant 8 : i32
        %dma_wait3A_579 = arith.constant 1024 : i32
        %dma_wait3A_580 = tpu.memref_slice %arg18[%dma_wait3A_579] : memref<2048xf32, #tpu.memory_space<vmem>> -> memref<128xf32, #tpu.memory_space<vmem>>
        %dma_wait3A_581 = arith.constant 0 : i32
        %dma_wait3A_582 = tpu.memref_slice %arg17[%dma_wait3A_578, %dma_wait3A_581] : memref<16x128xi32, #tpu.memory_space<vmem>> -> memref<1x128xi32, #tpu.memory_space<vmem>>
        %dma_wait3A_583 = tpu.memref_squeeze %dma_wait3A_582 : memref<1x128xi32, #tpu.memory_space<vmem>> -> memref<128xi32, #tpu.memory_space<vmem>>
        %dma_wait3A_584 = arith.constant 0 : i32
        %dma_wait3A_585 = tpu.memref_slice %arg22[%dma_wait3A_584] : memref<524288xf32, #tpu.memory_space<vmem_shared>> -> memref<524288xf32, #tpu.memory_space<vmem_shared>>
        tpu.wait_indirect_dma semaphore(%arg25 : memref<!tpu.dma_semaphore, #tpu.memory_space<semaphore_mem>>) src(%dma_wait3A_580 : memref<128xf32, #tpu.memory_space<vmem>>) dst(%dma_wait3A_585 : memref<524288xf32, #tpu.memory_space<vmem_shared>>)
        %dma_wait3A_586 = arith.constant 9 : i32
        %dma_wait3A_587 = arith.constant 1152 : i32
        %dma_wait3A_588 = tpu.memref_slice %arg18[%dma_wait3A_587] : memref<2048xf32, #tpu.memory_space<vmem>> -> memref<128xf32, #tpu.memory_space<vmem>>
        %dma_wait3A_589 = arith.constant 0 : i32
        %dma_wait3A_590 = tpu.memref_slice %arg17[%dma_wait3A_586, %dma_wait3A_589] : memref<16x128xi32, #tpu.memory_space<vmem>> -> memref<1x128xi32, #tpu.memory_space<vmem>>
        %dma_wait3A_591 = tpu.memref_squeeze %dma_wait3A_590 : memref<1x128xi32, #tpu.memory_space<vmem>> -> memref<128xi32, #tpu.memory_space<vmem>>
        %dma_wait3A_592 = arith.constant 0 : i32
        %dma_wait3A_593 = tpu.memref_slice %arg22[%dma_wait3A_592] : memref<524288xf32, #tpu.memory_space<vmem_shared>> -> memref<524288xf32, #tpu.memory_space<vmem_shared>>
        tpu.wait_indirect_dma semaphore(%arg25 : memref<!tpu.dma_semaphore, #tpu.memory_space<semaphore_mem>>) src(%dma_wait3A_588 : memref<128xf32, #tpu.memory_space<vmem>>) dst(%dma_wait3A_593 : memref<524288xf32, #tpu.memory_space<vmem_shared>>)
        %dma_wait3A_594 = arith.constant 10 : i32
        %dma_wait3A_595 = arith.constant 1280 : i32
        %dma_wait3A_596 = tpu.memref_slice %arg18[%dma_wait3A_595] : memref<2048xf32, #tpu.memory_space<vmem>> -> memref<128xf32, #tpu.memory_space<vmem>>
        %dma_wait3A_597 = arith.constant 0 : i32
        %dma_wait3A_598 = tpu.memref_slice %arg17[%dma_wait3A_594, %dma_wait3A_597] : memref<16x128xi32, #tpu.memory_space<vmem>> -> memref<1x128xi32, #tpu.memory_space<vmem>>
        %dma_wait3A_599 = tpu.memref_squeeze %dma_wait3A_598 : memref<1x128xi32, #tpu.memory_space<vmem>> -> memref<128xi32, #tpu.memory_space<vmem>>
        %dma_wait3A_600 = arith.constant 0 : i32
        %dma_wait3A_601 = tpu.memref_slice %arg22[%dma_wait3A_600] : memref<524288xf32, #tpu.memory_space<vmem_shared>> -> memref<524288xf32, #tpu.memory_space<vmem_shared>>
        tpu.wait_indirect_dma semaphore(%arg25 : memref<!tpu.dma_semaphore, #tpu.memory_space<semaphore_mem>>) src(%dma_wait3A_596 : memref<128xf32, #tpu.memory_space<vmem>>) dst(%dma_wait3A_601 : memref<524288xf32, #tpu.memory_space<vmem_shared>>)
        %dma_wait3A_602 = arith.constant 11 : i32
        %dma_wait3A_603 = arith.constant 1408 : i32
        %dma_wait3A_604 = tpu.memref_slice %arg18[%dma_wait3A_603] : memref<2048xf32, #tpu.memory_space<vmem>> -> memref<128xf32, #tpu.memory_space<vmem>>
        %dma_wait3A_605 = arith.constant 0 : i32
        %dma_wait3A_606 = tpu.memref_slice %arg17[%dma_wait3A_602, %dma_wait3A_605] : memref<16x128xi32, #tpu.memory_space<vmem>> -> memref<1x128xi32, #tpu.memory_space<vmem>>
        %dma_wait3A_607 = tpu.memref_squeeze %dma_wait3A_606 : memref<1x128xi32, #tpu.memory_space<vmem>> -> memref<128xi32, #tpu.memory_space<vmem>>
        %dma_wait3A_608 = arith.constant 0 : i32
        %dma_wait3A_609 = tpu.memref_slice %arg22[%dma_wait3A_608] : memref<524288xf32, #tpu.memory_space<vmem_shared>> -> memref<524288xf32, #tpu.memory_space<vmem_shared>>
        tpu.wait_indirect_dma semaphore(%arg25 : memref<!tpu.dma_semaphore, #tpu.memory_space<semaphore_mem>>) src(%dma_wait3A_604 : memref<128xf32, #tpu.memory_space<vmem>>) dst(%dma_wait3A_609 : memref<524288xf32, #tpu.memory_space<vmem_shared>>)
        %dma_wait3A_610 = arith.constant 12 : i32
        %dma_wait3A_611 = arith.constant 1536 : i32
        %dma_wait3A_612 = tpu.memref_slice %arg18[%dma_wait3A_611] : memref<2048xf32, #tpu.memory_space<vmem>> -> memref<128xf32, #tpu.memory_space<vmem>>
        %dma_wait3A_613 = arith.constant 0 : i32
        %dma_wait3A_614 = tpu.memref_slice %arg17[%dma_wait3A_610, %dma_wait3A_613] : memref<16x128xi32, #tpu.memory_space<vmem>> -> memref<1x128xi32, #tpu.memory_space<vmem>>
        %dma_wait3A_615 = tpu.memref_squeeze %dma_wait3A_614 : memref<1x128xi32, #tpu.memory_space<vmem>> -> memref<128xi32, #tpu.memory_space<vmem>>
        %dma_wait3A_616 = arith.constant 0 : i32
        %dma_wait3A_617 = tpu.memref_slice %arg22[%dma_wait3A_616] : memref<524288xf32, #tpu.memory_space<vmem_shared>> -> memref<524288xf32, #tpu.memory_space<vmem_shared>>
        tpu.wait_indirect_dma semaphore(%arg25 : memref<!tpu.dma_semaphore, #tpu.memory_space<semaphore_mem>>) src(%dma_wait3A_612 : memref<128xf32, #tpu.memory_space<vmem>>) dst(%dma_wait3A_617 : memref<524288xf32, #tpu.memory_space<vmem_shared>>)
        %dma_wait3A_618 = arith.constant 13 : i32
        %dma_wait3A_619 = arith.constant 1664 : i32
        %dma_wait3A_620 = tpu.memref_slice %arg18[%dma_wait3A_619] : memref<2048xf32, #tpu.memory_space<vmem>> -> memref<128xf32, #tpu.memory_space<vmem>>
        %dma_wait3A_621 = arith.constant 0 : i32
        %dma_wait3A_622 = tpu.memref_slice %arg17[%dma_wait3A_618, %dma_wait3A_621] : memref<16x128xi32, #tpu.memory_space<vmem>> -> memref<1x128xi32, #tpu.memory_space<vmem>>
        %dma_wait3A_623 = tpu.memref_squeeze %dma_wait3A_622 : memref<1x128xi32, #tpu.memory_space<vmem>> -> memref<128xi32, #tpu.memory_space<vmem>>
        %dma_wait3A_624 = arith.constant 0 : i32
        %dma_wait3A_625 = tpu.memref_slice %arg22[%dma_wait3A_624] : memref<524288xf32, #tpu.memory_space<vmem_shared>> -> memref<524288xf32, #tpu.memory_space<vmem_shared>>
        tpu.wait_indirect_dma semaphore(%arg25 : memref<!tpu.dma_semaphore, #tpu.memory_space<semaphore_mem>>) src(%dma_wait3A_620 : memref<128xf32, #tpu.memory_space<vmem>>) dst(%dma_wait3A_625 : memref<524288xf32, #tpu.memory_space<vmem_shared>>)
        %dma_wait3A_626 = arith.constant 14 : i32
        %dma_wait3A_627 = arith.constant 1792 : i32
        %dma_wait3A_628 = tpu.memref_slice %arg18[%dma_wait3A_627] : memref<2048xf32, #tpu.memory_space<vmem>> -> memref<128xf32, #tpu.memory_space<vmem>>
        %dma_wait3A_629 = arith.constant 0 : i32
        %dma_wait3A_630 = tpu.memref_slice %arg17[%dma_wait3A_626, %dma_wait3A_629] : memref<16x128xi32, #tpu.memory_space<vmem>> -> memref<1x128xi32, #tpu.memory_space<vmem>>
        %dma_wait3A_631 = tpu.memref_squeeze %dma_wait3A_630 : memref<1x128xi32, #tpu.memory_space<vmem>> -> memref<128xi32, #tpu.memory_space<vmem>>
        %dma_wait3A_632 = arith.constant 0 : i32
        %dma_wait3A_633 = tpu.memref_slice %arg22[%dma_wait3A_632] : memref<524288xf32, #tpu.memory_space<vmem_shared>> -> memref<524288xf32, #tpu.memory_space<vmem_shared>>
        tpu.wait_indirect_dma semaphore(%arg25 : memref<!tpu.dma_semaphore, #tpu.memory_space<semaphore_mem>>) src(%dma_wait3A_628 : memref<128xf32, #tpu.memory_space<vmem>>) dst(%dma_wait3A_633 : memref<524288xf32, #tpu.memory_space<vmem_shared>>)
        %dma_wait3A_634 = arith.constant 15 : i32
        %dma_wait3A_635 = arith.constant 1920 : i32
        %dma_wait3A_636 = tpu.memref_slice %arg18[%dma_wait3A_635] : memref<2048xf32, #tpu.memory_space<vmem>> -> memref<128xf32, #tpu.memory_space<vmem>>
        %dma_wait3A_637 = arith.constant 0 : i32
        %dma_wait3A_638 = tpu.memref_slice %arg17[%dma_wait3A_634, %dma_wait3A_637] : memref<16x128xi32, #tpu.memory_space<vmem>> -> memref<1x128xi32, #tpu.memory_space<vmem>>
        %dma_wait3A_639 = tpu.memref_squeeze %dma_wait3A_638 : memref<1x128xi32, #tpu.memory_space<vmem>> -> memref<128xi32, #tpu.memory_space<vmem>>
        %dma_wait3A_640 = arith.constant 0 : i32
        %dma_wait3A_641 = tpu.memref_slice %arg22[%dma_wait3A_640] : memref<524288xf32, #tpu.memory_space<vmem_shared>> -> memref<524288xf32, #tpu.memory_space<vmem_shared>>
        tpu.wait_indirect_dma semaphore(%arg25 : memref<!tpu.dma_semaphore, #tpu.memory_space<semaphore_mem>>) src(%dma_wait3A_636 : memref<128xf32, #tpu.memory_space<vmem>>) dst(%dma_wait3A_641 : memref<524288xf32, #tpu.memory_space<vmem_shared>>)
        %barrier3A_642 = arith.constant 0 : index
        tpu.barrier barrier_id(%barrier3A_642)
        %mul3A_643 = arith.constant 32768 : i32
        %mul3A_644 = arith.muli %arg1, %mul3A_643 : i32
        %mul3A_645 = arith.constant 524288 : i32
        %mul3A_646 = arith.muli %add3A_210, %mul3A_645 : i32
        %mul3A_647 = arith.constant 32768 : i32
        %mul3A_648 = arith.muli %arg1, %mul3A_647 : i32
        %add3A_649 = arith.addi %mul3A_646, %mul3A_648 : i32
        %dma_start3A_650 = tpu.memref_slice %arg10[%add3A_649] : memref<12582912xf32, #tpu.memory_space<hbm>> -> memref<32768xf32, #tpu.memory_space<hbm>>
        %dma_start3A_651 = tpu.memref_slice %arg22[%mul3A_644] : memref<524288xf32, #tpu.memory_space<vmem_shared>> -> memref<32768xf32, #tpu.memory_space<vmem_shared>>
        tpu.enqueue_dma source(%dma_start3A_651 : memref<32768xf32, #tpu.memory_space<vmem_shared>>) target(%dma_start3A_650 : memref<32768xf32, #tpu.memory_space<hbm>>) target_semaphore(%arg27 : memref<!tpu.dma_semaphore, #tpu.memory_space<semaphore_mem>>)
      } else {
      }
      %scan3A_244 = arith.constant 0 : i32
      scf.yield %scan3A_244 : i32
    }
    %scan3A_180 = arith.constant 12 : i32
    %mul3A_181 = arith.constant 12 : i32
    %mul3A_182 = arith.muli %arg0, %mul3A_181 : i32
    %add3A_183 = arith.constant 12 : i32
    %add3A_184 = arith.addi %mul3A_182, %add3A_183 : i32
    %sub3A = arith.constant 2 : i32
    %sub3A_185 = arith.subi %add3A_184, %sub3A : i32
    %mul3A_186 = arith.constant 32768 : i32
    %mul3A_187 = arith.muli %arg1, %mul3A_186 : i32
    %mul3A_188 = arith.constant 524288 : i32
    %mul3A_189 = arith.muli %sub3A_185, %mul3A_188 : i32
    %mul3A_190 = arith.constant 32768 : i32
    %mul3A_191 = arith.muli %arg1, %mul3A_190 : i32
    %add3A_192 = arith.addi %mul3A_189, %mul3A_191 : i32
    %dma_wait3A_193 = tpu.memref_slice %arg10[%add3A_192] : memref<12582912xf32, #tpu.memory_space<hbm>> -> memref<32768xf32, #tpu.memory_space<hbm>>
    %dma_wait3A_194 = tpu.memref_slice %arg21[%mul3A_187] : memref<524288xf32, #tpu.memory_space<vmem_shared>> -> memref<32768xf32, #tpu.memory_space<vmem_shared>>
    tpu.wait_dma2 semaphore(%arg26 : memref<!tpu.dma_semaphore, #tpu.memory_space<semaphore_mem>>) src(%dma_wait3A_194 : memref<32768xf32, #tpu.memory_space<vmem_shared>>) dst(%dma_wait3A_193 : memref<32768xf32, #tpu.memory_space<hbm>>)
    %mul3A_195 = arith.constant 32768 : i32
    %mul3A_196 = arith.muli %arg1, %mul3A_195 : i32
    %add3A_197 = arith.constant 1 : i32
    %add3A_198 = arith.addi %sub3A_185, %add3A_197 : i32
    %mul3A_199 = arith.constant 524288 : i32
    %mul3A_200 = arith.muli %add3A_198, %mul3A_199 : i32
    %mul3A_201 = arith.constant 32768 : i32
    %mul3A_202 = arith.muli %arg1, %mul3A_201 : i32
    %add3A_203 = arith.addi %mul3A_200, %mul3A_202 : i32
    %dma_wait3A_204 = tpu.memref_slice %arg10[%add3A_203] : memref<12582912xf32, #tpu.memory_space<hbm>> -> memref<32768xf32, #tpu.memory_space<hbm>>
    %dma_wait3A_205 = tpu.memref_slice %arg22[%mul3A_196] : memref<524288xf32, #tpu.memory_space<vmem_shared>> -> memref<32768xf32, #tpu.memory_space<vmem_shared>>
    tpu.wait_dma2 semaphore(%arg27 : memref<!tpu.dma_semaphore, #tpu.memory_space<semaphore_mem>>) src(%dma_wait3A_205 : memref<32768xf32, #tpu.memory_space<vmem_shared>>) dst(%dma_wait3A_204 : memref<32768xf32, #tpu.memory_space<hbm>>)
    return
  }
}

module attributes {stable_mosaic.version = 14 : i64} {
  func.func @_pool_qkv_body(%arg0: i32, %arg1: memref<1x256x256xf32, #tpu.memory_space<vmem>>, %arg2: memref<1x256x768xf32, #tpu.memory_space<vmem>>, %arg3: memref<1x768xf32, #tpu.memory_space<vmem>>, %arg4: memref<1x768xf32, #tpu.memory_space<vmem>>, %arg5: memref<1x768x768xf32, #tpu.memory_space<vmem>>, %arg6: memref<1x768x768xf32, #tpu.memory_space<vmem>>, %arg7: memref<1x768x768xf32, #tpu.memory_space<vmem>>, %arg8: memref<1x256x768xf32, #tpu.memory_space<vmem>>, %arg9: memref<1x256x768xf32, #tpu.memory_space<vmem>>, %arg10: memref<1x256x768xf32, #tpu.memory_space<vmem>>, %arg11: memref<1x256x768xf32, #tpu.memory_space<vmem>>) attributes {dimension_semantics = [#tpu.dimension_semantics<arbitrary>], iteration_bounds = array<i64: 8>, scalar_prefetch = 0 : i64, scratch_operands = 0 : i64, tpu.core_type = #tpu.core_type<tc>, window_params = [{transform_indices = @transform_0, window_bounds = array<i64: 1, 256, 256>}, {transform_indices = @transform_1, window_bounds = array<i64: 1, 256, 768>}, {pipeline_mode = #tpu.pipeline_mode<synchronous>, transform_indices = @transform_2, window_bounds = array<i64: 1, 768>}, {pipeline_mode = #tpu.pipeline_mode<synchronous>, transform_indices = @transform_3, window_bounds = array<i64: 1, 768>}, {transform_indices = @transform_4, window_bounds = array<i64: 1, 768, 768>}, {transform_indices = @transform_5, window_bounds = array<i64: 1, 768, 768>}, {transform_indices = @transform_6, window_bounds = array<i64: 1, 768, 768>}, {transform_indices = @transform_7, window_bounds = array<i64: 1, 256, 768>}, {transform_indices = @transform_8, window_bounds = array<i64: 1, 256, 768>}, {transform_indices = @transform_9, window_bounds = array<i64: 1, 256, 768>}, {transform_indices = @transform_10, window_bounds = array<i64: 1, 256, 768>}]} {
    %get3A = arith.constant 0 : index
    %get3A_0 = arith.constant 0 : index
    %get3A_1 = arith.constant 0 : index
    %get3A_2 = vector.load %arg1[%get3A, %get3A_0, %get3A_1] : memref<1x256x256xf32, #tpu.memory_space<vmem>>, vector<1x256x256xf32>
    %get3A_3 = vector.shape_cast %get3A_2 : vector<1x256x256xf32> to vector<256x256xf32>
    %get3A_4 = arith.constant 0 : index
    %get3A_5 = arith.constant 0 : index
    %get3A_6 = arith.constant 0 : index
    %get3A_7 = vector.load %arg2[%get3A_4, %get3A_5, %get3A_6] : memref<1x256x768xf32, #tpu.memory_space<vmem>>, vector<1x256x768xf32>
    %get3A_8 = vector.shape_cast %get3A_7 : vector<1x256x768xf32> to vector<256x768xf32>
    %dot_general3A = arith.constant dense<0.000000e+00> : vector<256x768xf32>
    %dot_general3A_9 = tpu.matmul %get3A_3, %get3A_8, %dot_general3A {dimension_numbers = #tpu.dot_dimension_numbers<[1], [0], [0], [1], [0, 0, 1, 1], [], []>, transpose_lhs_hint = false} : vector<256x256xf32>, vector<256x768xf32>, vector<256x768xf32> -> vector<256x768xf32>
    %get3A_10 = arith.constant 0 : index
    %get3A_11 = arith.constant 0 : index
    %get3A_12 = vector.load %arg3[%get3A_10, %get3A_11] : memref<1x768xf32, #tpu.memory_space<vmem>>, vector<1x768xf32>
    %get3A_13 = arith.constant 0 : index
    %get3A_14 = arith.constant 0 : index
    %get3A_15 = vector.load %arg4[%get3A_13, %get3A_14] : memref<1x768xf32, #tpu.memory_space<vmem>>, vector<1x768xf32>
    %reduce_sum3A = arith.constant dense<0.000000e+00> : vector<256xf32>
    %reduce_sum3A_16 = vector.multi_reduction <add>, %dot_general3A_9, %reduce_sum3A [1] : vector<256x768xf32> to vector<256xf32>
    %broadcast_in_dim3A = vector.shape_cast %reduce_sum3A_16 : vector<256xf32> to vector<256x1xf32>
    %div3A = arith.constant 7.680000e+02 : f32
    %div3A_17 = vector.broadcast %div3A : f32 to vector<256x1xf32>
    %div3A_18 = arith.divf %broadcast_in_dim3A, %div3A_17 : vector<256x1xf32>
    %sub3A = vector.broadcast %div3A_18 : vector<256x1xf32> to vector<256x768xf32>
    %sub3A_19 = arith.subf %dot_general3A_9, %sub3A : vector<256x768xf32>
    %sub3A_20 = vector.broadcast %div3A_18 : vector<256x1xf32> to vector<256x768xf32>
    %sub3A_21 = arith.subf %dot_general3A_9, %sub3A_20 : vector<256x768xf32>
    %mul3A = arith.mulf %sub3A_19, %sub3A_21 : vector<256x768xf32>
    %reduce_sum3A_22 = arith.constant dense<0.000000e+00> : vector<256xf32>
    %reduce_sum3A_23 = vector.multi_reduction <add>, %mul3A, %reduce_sum3A_22 [1] : vector<256x768xf32> to vector<256xf32>
    %broadcast_in_dim3A_24 = vector.shape_cast %reduce_sum3A_23 : vector<256xf32> to vector<256x1xf32>
    %div3A_25 = arith.constant 7.680000e+02 : f32
    %div3A_26 = vector.broadcast %div3A_25 : f32 to vector<256x1xf32>
    %div3A_27 = arith.divf %broadcast_in_dim3A_24, %div3A_26 : vector<256x1xf32>
    %sub3A_28 = vector.broadcast %div3A_18 : vector<256x1xf32> to vector<256x768xf32>
    %sub3A_29 = arith.subf %dot_general3A_9, %sub3A_28 : vector<256x768xf32>
    %add3A = arith.constant 9.99999996E-13 : f32
    %add3A_30 = vector.broadcast %add3A : f32 to vector<256x1xf32>
    %add3A_31 = arith.addf %div3A_27, %add3A_30 : vector<256x1xf32>
    %sqrt3A = math.sqrt %add3A_31 : vector<256x1xf32>
    %div3A_32 = vector.broadcast %sqrt3A : vector<256x1xf32> to vector<256x768xf32>
    %div3A_33 = arith.divf %sub3A_29, %div3A_32 : vector<256x768xf32>
    %mul3A_34 = vector.broadcast %get3A_12 : vector<1x768xf32> to vector<256x768xf32>
    %mul3A_35 = arith.mulf %div3A_33, %mul3A_34 : vector<256x768xf32>
    %add3A_36 = vector.broadcast %get3A_15 : vector<1x768xf32> to vector<256x768xf32>
    %add3A_37 = arith.addf %mul3A_35, %add3A_36 : vector<256x768xf32>
    %swap3A = arith.constant 0 : index
    %swap3A_38 = arith.constant 0 : index
    %swap3A_39 = arith.constant 0 : index
    %swap3A_40 = vector.load %arg8[%swap3A, %swap3A_38, %swap3A_39] : memref<1x256x768xf32, #tpu.memory_space<vmem>>, vector<1x256x768xf32>
    %swap3A_41 = vector.shape_cast %swap3A_40 : vector<1x256x768xf32> to vector<256x768xf32>
    %swap3A_42 = vector.shape_cast %add3A_37 : vector<256x768xf32> to vector<1x256x768xf32>
    tpu.vector_store %arg8[%swap3A, %swap3A_38, %swap3A_39], %swap3A_42 {strides = array<i32>} : memref<1x256x768xf32, #tpu.memory_space<vmem>>, vector<1x256x768xf32>,
    %get3A_43 = arith.constant 0 : index
    %get3A_44 = arith.constant 0 : index
    %get3A_45 = arith.constant 0 : index
    %get3A_46 = vector.load %arg5[%get3A_43, %get3A_44, %get3A_45] : memref<1x768x768xf32, #tpu.memory_space<vmem>>, vector<1x768x768xf32>
    %get3A_47 = vector.shape_cast %get3A_46 : vector<1x768x768xf32> to vector<768x768xf32>
    %dot_general3A_48 = arith.constant dense<0.000000e+00> : vector<256x768xf32>
    %dot_general3A_49 = tpu.matmul %add3A_37, %get3A_47, %dot_general3A_48 {dimension_numbers = #tpu.dot_dimension_numbers<[1], [0], [0], [1], [0, 0, 1, 1], [], []>, transpose_lhs_hint = false} : vector<256x768xf32>, vector<768x768xf32>, vector<256x768xf32> -> vector<256x768xf32>
    %swap3A_50 = arith.constant 0 : index
    %swap3A_51 = arith.constant 0 : index
    %swap3A_52 = arith.constant 0 : index
    %swap3A_53 = vector.load %arg9[%swap3A_50, %swap3A_51, %swap3A_52] : memref<1x256x768xf32, #tpu.memory_space<vmem>>, vector<1x256x768xf32>
    %swap3A_54 = vector.shape_cast %swap3A_53 : vector<1x256x768xf32> to vector<256x768xf32>
    %swap3A_55 = vector.shape_cast %dot_general3A_49 : vector<256x768xf32> to vector<1x256x768xf32>
    tpu.vector_store %arg9[%swap3A_50, %swap3A_51, %swap3A_52], %swap3A_55 {strides = array<i32>} : memref<1x256x768xf32, #tpu.memory_space<vmem>>, vector<1x256x768xf32>,
    %get3A_56 = arith.constant 0 : index
    %get3A_57 = arith.constant 0 : index
    %get3A_58 = arith.constant 0 : index
    %get3A_59 = vector.load %arg6[%get3A_56, %get3A_57, %get3A_58] : memref<1x768x768xf32, #tpu.memory_space<vmem>>, vector<1x768x768xf32>
    %get3A_60 = vector.shape_cast %get3A_59 : vector<1x768x768xf32> to vector<768x768xf32>
    %dot_general3A_61 = arith.constant dense<0.000000e+00> : vector<256x768xf32>
    %dot_general3A_62 = tpu.matmul %add3A_37, %get3A_60, %dot_general3A_61 {dimension_numbers = #tpu.dot_dimension_numbers<[1], [0], [0], [1], [0, 0, 1, 1], [], []>, transpose_lhs_hint = false} : vector<256x768xf32>, vector<768x768xf32>, vector<256x768xf32> -> vector<256x768xf32>
    %swap3A_63 = arith.constant 0 : index
    %swap3A_64 = arith.constant 0 : index
    %swap3A_65 = arith.constant 0 : index
    %swap3A_66 = vector.load %arg10[%swap3A_63, %swap3A_64, %swap3A_65] : memref<1x256x768xf32, #tpu.memory_space<vmem>>, vector<1x256x768xf32>
    %swap3A_67 = vector.shape_cast %swap3A_66 : vector<1x256x768xf32> to vector<256x768xf32>
    %swap3A_68 = vector.shape_cast %dot_general3A_62 : vector<256x768xf32> to vector<1x256x768xf32>
    tpu.vector_store %arg10[%swap3A_63, %swap3A_64, %swap3A_65], %swap3A_68 {strides = array<i32>} : memref<1x256x768xf32, #tpu.memory_space<vmem>>, vector<1x256x768xf32>,
    %get3A_69 = arith.constant 0 : index
    %get3A_70 = arith.constant 0 : index
    %get3A_71 = arith.constant 0 : index
    %get3A_72 = vector.load %arg7[%get3A_69, %get3A_70, %get3A_71] : memref<1x768x768xf32, #tpu.memory_space<vmem>>, vector<1x768x768xf32>
    %get3A_73 = vector.shape_cast %get3A_72 : vector<1x768x768xf32> to vector<768x768xf32>
    %dot_general3A_74 = arith.constant dense<0.000000e+00> : vector<256x768xf32>
    %dot_general3A_75 = tpu.matmul %add3A_37, %get3A_73, %dot_general3A_74 {dimension_numbers = #tpu.dot_dimension_numbers<[1], [0], [0], [1], [0, 0, 1, 1], [], []>, transpose_lhs_hint = false} : vector<256x768xf32>, vector<768x768xf32>, vector<256x768xf32> -> vector<256x768xf32>
    %swap3A_76 = arith.constant 0 : index
    %swap3A_77 = arith.constant 0 : index
    %swap3A_78 = arith.constant 0 : index
    %swap3A_79 = vector.load %arg11[%swap3A_76, %swap3A_77, %swap3A_78] : memref<1x256x768xf32, #tpu.memory_space<vmem>>, vector<1x256x768xf32>
    %swap3A_80 = vector.shape_cast %swap3A_79 : vector<1x256x768xf32> to vector<256x768xf32>
    %swap3A_81 = vector.shape_cast %dot_general3A_75 : vector<256x768xf32> to vector<1x256x768xf32>
    tpu.vector_store %arg11[%swap3A_76, %swap3A_77, %swap3A_78], %swap3A_81 {strides = array<i32>} : memref<1x256x768xf32, #tpu.memory_space<vmem>>, vector<1x256x768xf32>,
    return
  }
  func.func @transform_0(%arg0: i32) -> (i32, i32, i32) {
    %c0_i32 = arith.constant 0 : i32
    %c0_i32_0 = arith.constant 0 : i32
    %c0_i32_1 = arith.constant 0 : i32
    return %arg0, %c0_i32, %c0_i32_0 : i32, i32, i32
  }
  func.func @transform_1(%arg0: i32) -> (i32, i32, i32) {
    %c0_i32 = arith.constant 0 : i32
    %c0_i32_0 = arith.constant 0 : i32
    %c0_i32_1 = arith.constant 0 : i32
    return %arg0, %c0_i32, %c0_i32_0 : i32, i32, i32
  }
  func.func @transform_2(%arg0: i32) -> (i32, i32) {
    %c0_i32 = arith.constant 0 : i32
    %c0_i32_0 = arith.constant 0 : i32
    %c0_i32_1 = arith.constant 0 : i32
    return %c0_i32, %c0_i32_0 : i32, i32
  }
  func.func @transform_3(%arg0: i32) -> (i32, i32) {
    %c0_i32 = arith.constant 0 : i32
    %c0_i32_0 = arith.constant 0 : i32
    %c0_i32_1 = arith.constant 0 : i32
    return %c0_i32, %c0_i32_0 : i32, i32
  }
  func.func @transform_4(%arg0: i32) -> (i32, i32, i32) {
    %c0_i32 = arith.constant 0 : i32
    %c0_i32_0 = arith.constant 0 : i32
    %c0_i32_1 = arith.constant 0 : i32
    %c0_i32_2 = arith.constant 0 : i32
    return %c0_i32, %c0_i32_0, %c0_i32_1 : i32, i32, i32
  }
  func.func @transform_5(%arg0: i32) -> (i32, i32, i32) {
    %c0_i32 = arith.constant 0 : i32
    %c0_i32_0 = arith.constant 0 : i32
    %c0_i32_1 = arith.constant 0 : i32
    %c0_i32_2 = arith.constant 0 : i32
    return %c0_i32, %c0_i32_0, %c0_i32_1 : i32, i32, i32
  }
  func.func @transform_6(%arg0: i32) -> (i32, i32, i32) {
    %c0_i32 = arith.constant 0 : i32
    %c0_i32_0 = arith.constant 0 : i32
    %c0_i32_1 = arith.constant 0 : i32
    %c0_i32_2 = arith.constant 0 : i32
    return %c0_i32, %c0_i32_0, %c0_i32_1 : i32, i32, i32
  }
  func.func @transform_7(%arg0: i32) -> (i32, i32, i32) {
    %c0_i32 = arith.constant 0 : i32
    %c0_i32_0 = arith.constant 0 : i32
    %c0_i32_1 = arith.constant 0 : i32
    return %arg0, %c0_i32, %c0_i32_0 : i32, i32, i32
  }
  func.func @transform_8(%arg0: i32) -> (i32, i32, i32) {
    %c0_i32 = arith.constant 0 : i32
    %c0_i32_0 = arith.constant 0 : i32
    %c0_i32_1 = arith.constant 0 : i32
    return %arg0, %c0_i32, %c0_i32_0 : i32, i32, i32
  }
  func.func @transform_9(%arg0: i32) -> (i32, i32, i32) {
    %c0_i32 = arith.constant 0 : i32
    %c0_i32_0 = arith.constant 0 : i32
    %c0_i32_1 = arith.constant 0 : i32
    return %arg0, %c0_i32, %c0_i32_0 : i32, i32, i32
  }
  func.func @transform_10(%arg0: i32) -> (i32, i32, i32) {
    %c0_i32 = arith.constant 0 : i32
    %c0_i32_0 = arith.constant 0 : i32
    %c0_i32_1 = arith.constant 0 : i32
    return %arg0, %c0_i32, %c0_i32_0 : i32, i32, i32
  }
}

module attributes {stable_mosaic.version = 14 : i64} {
  func.func @_layer_mid_body(%arg0: i32, %arg1: i32, %arg2: memref<1x256x128xf32, #tpu.memory_space<vmem>>, %arg3: memref<1x256x128xf32, #tpu.memory_space<vmem>>, %arg4: memref<1x256x128xf32, #tpu.memory_space<vmem>>, %arg5: memref<2x1x256x256xf32, #tpu.memory_space<vmem>>, %arg6: memref<1x256x768xf32, #tpu.memory_space<vmem>>, %arg7: memref<1x768x768xf32, #tpu.memory_space<vmem>>, %arg8: memref<1x1x768xf32, #tpu.memory_space<vmem>>, %arg9: memref<1x1x768xf32, #tpu.memory_space<vmem>>, %arg10: memref<1x768x768xf32, #tpu.memory_space<vmem>>, %arg11: memref<1x768x768xf32, #tpu.memory_space<vmem>>, %arg12: memref<1x768x768xf32, #tpu.memory_space<vmem>>, %arg13: memref<1x256x768xf32, #tpu.memory_space<vmem>>, %arg14: memref<1x256x768xf32, #tpu.memory_space<vmem>>, %arg15: memref<1x256x768xf32, #tpu.memory_space<vmem>>, %arg16: memref<1x256x768xf32, #tpu.memory_space<vmem>>, %arg17: memref<256x768xf32, #tpu.memory_space<vmem>>) attributes {dimension_semantics = [#tpu.dimension_semantics<arbitrary>, #tpu.dimension_semantics<arbitrary>], iteration_bounds = array<i64: 8, 6>, scalar_prefetch = 0 : i64, scratch_operands = 1 : i64, tpu.core_type = #tpu.core_type<tc>, window_params = [{transform_indices = @transform_0, window_bounds = array<i64: 1, 256, 128>}, {transform_indices = @transform_1, window_bounds = array<i64: 1, 256, 128>}, {transform_indices = @transform_2, window_bounds = array<i64: 1, 256, 128>}, {transform_indices = @transform_3, window_bounds = array<i64: 2, 1, 256, 256>}, {transform_indices = @transform_4, window_bounds = array<i64: 1, 256, 768>}, {transform_indices = @transform_5, window_bounds = array<i64: 1, 768, 768>}, {transform_indices = @transform_6, window_bounds = array<i64: 1, 1, 768>}, {transform_indices = @transform_7, window_bounds = array<i64: 1, 1, 768>}, {transform_indices = @transform_8, window_bounds = array<i64: 1, 768, 768>}, {transform_indices = @transform_9, window_bounds = array<i64: 1, 768, 768>}, {transform_indices = @transform_10, window_bounds = array<i64: 1, 768, 768>}, {transform_indices = @transform_11, window_bounds = array<i64: 1, 256, 768>}, {transform_indices = @transform_12, window_bounds = array<i64: 1, 256, 768>}, {transform_indices = @transform_13, window_bounds = array<i64: 1, 256, 768>}, {transform_indices = @transform_14, window_bounds = array<i64: 1, 256, 768>}]} {
    %get3A = arith.constant 0 : index
    %get3A_0 = arith.constant 0 : index
    %get3A_1 = arith.constant 0 : index
    %get3A_2 = vector.load %arg2[%get3A, %get3A_0, %get3A_1] : memref<1x256x128xf32, #tpu.memory_space<vmem>>, vector<1x256x128xf32>
    %get3A_3 = vector.shape_cast %get3A_2 : vector<1x256x128xf32> to vector<256x128xf32>
    %slice3A = vector.extract_strided_slice %get3A_3 {offsets = [0, 0], sizes = [256, 64], strides = [1, 1]} : vector<256x128xf32> to vector<256x64xf32>
    %get3A_4 = arith.constant 0 : index
    %get3A_5 = arith.constant 0 : index
    %get3A_6 = arith.constant 0 : index
    %get3A_7 = vector.load %arg3[%get3A_4, %get3A_5, %get3A_6] : memref<1x256x128xf32, #tpu.memory_space<vmem>>, vector<1x256x128xf32>
    %get3A_8 = vector.shape_cast %get3A_7 : vector<1x256x128xf32> to vector<256x128xf32>
    %slice3A_9 = vector.extract_strided_slice %get3A_8 {offsets = [0, 0], sizes = [256, 64], strides = [1, 1]} : vector<256x128xf32> to vector<256x64xf32>
    %get3A_10 = arith.constant 0 : index
    %get3A_11 = arith.constant 0 : index
    %get3A_12 = arith.constant 0 : index
    %get3A_13 = vector.load %arg4[%get3A_10, %get3A_11, %get3A_12] : memref<1x256x128xf32, #tpu.memory_space<vmem>>, vector<1x256x128xf32>
    %get3A_14 = vector.shape_cast %get3A_13 : vector<1x256x128xf32> to vector<256x128xf32>
    %slice3A_15 = vector.extract_strided_slice %get3A_14 {offsets = [0, 0], sizes = [256, 64], strides = [1, 1]} : vector<256x128xf32> to vector<256x64xf32>
    %get3A_16 = arith.constant 0 : index
    %get3A_17 = arith.constant 0 : index
    %get3A_18 = arith.constant 0 : index
    %get3A_19 = arith.constant 0 : index
    %get3A_20 = vector.load %arg5[%get3A_16, %get3A_17, %get3A_18, %get3A_19] : memref<2x1x256x256xf32, #tpu.memory_space<vmem>>, vector<1x1x256x256xf32>
    %get3A_21 = vector.shape_cast %get3A_20 : vector<1x1x256x256xf32> to vector<256x256xf32>
    %dot_general3A = arith.constant dense<0.000000e+00> : vector<256x256xf32>
    %dot_general3A_22 = tpu.matmul %slice3A, %slice3A_9, %dot_general3A {dimension_numbers = #tpu.dot_dimension_numbers<[1], [1], [0], [0], [0, 0, 1, 0], [], []>, transpose_lhs_hint = false} : vector<256x64xf32>, vector<256x64xf32>, vector<256x256xf32> -> vector<256x256xf32>
    %mul3A = arith.constant 1.250000e-01 : f32
    %mul3A_23 = vector.broadcast %mul3A : f32 to vector<256x256xf32>
    %mul3A_24 = arith.mulf %dot_general3A_22, %mul3A_23 : vector<256x256xf32>
    %gt3A = arith.constant 0.000000e+00 : f32
    %gt3A_25 = vector.broadcast %gt3A : f32 to vector<256x256xf32>
    %gt3A_26 = arith.cmpf ogt, %get3A_21, %gt3A_25 : vector<256x256xf32>
    %jit3A = arith.constant 0xFF800000 : f32
    %broadcast_in_dim3A = vector.broadcast %jit3A : f32 to vector<256x256xf32>
    %select_n3A = arith.select %gt3A_26, %mul3A_24, %broadcast_in_dim3A : vector<256x256xi1>, vector<256x256xf32>
    %reduce_max3A = arith.constant dense<0xFF800000> : vector<256xf32>
    %reduce_max3A_27 = vector.multi_reduction <maximumf>, %select_n3A, %reduce_max3A [1] : vector<256x256xf32> to vector<256xf32>
    %broadcast_in_dim3A_28 = vector.shape_cast %reduce_max3A_27 : vector<256xf32> to vector<256x1xf32>
    %is_finite3A = tpu.weird %broadcast_in_dim3A_28 : vector<256x1xf32> -> vector<256x1xi1>
    %is_finite3A_29 = arith.constant dense<true> : vector<256x1xi1>
    %is_finite3A_30 = arith.xori %is_finite3A, %is_finite3A_29 : vector<256x1xi1>
    %jit3A_31 = arith.constant 0.000000e+00 : f32
    %broadcast_in_dim3A_32 = vector.broadcast %jit3A_31 : f32 to vector<256x1xf32>
    %select_n3A_33 = arith.select %is_finite3A_30, %broadcast_in_dim3A_28, %broadcast_in_dim3A_32 : vector<256x1xi1>, vector<256x1xf32>
    %sub3A = vector.broadcast %select_n3A_33 : vector<256x1xf32> to vector<256x256xf32>
    %sub3A_34 = arith.subf %mul3A_24, %sub3A : vector<256x256xf32>
    %exp3A = math.exp %sub3A_34 : vector<256x256xf32>
    %mul3A_35 = arith.mulf %exp3A, %get3A_21 : vector<256x256xf32>
    %jit3A_36 = arith.constant 0.000000e+00 : f32
    %broadcast_in_dim3A_37 = vector.broadcast %jit3A_36 : f32 to vector<256x256xf32>
    %select_n3A_38 = arith.select %gt3A_26, %mul3A_35, %broadcast_in_dim3A_37 : vector<256x256xi1>, vector<256x256xf32>
    %reduce_sum3A = arith.constant dense<0.000000e+00> : vector<256xf32>
    %reduce_sum3A_39 = vector.multi_reduction <add>, %select_n3A_38, %reduce_sum3A [1] : vector<256x256xf32> to vector<256xf32>
    %broadcast_in_dim3A_40 = vector.shape_cast %reduce_sum3A_39 : vector<256xf32> to vector<256x1xf32>
    %dot_general3A_41 = arith.constant dense<0.000000e+00> : vector<256x64xf32>
    %dot_general3A_42 = tpu.matmul %select_n3A_38, %slice3A_15, %dot_general3A_41 {dimension_numbers = #tpu.dot_dimension_numbers<[1], [0], [0], [1], [0, 0, 1, 1], [], []>, transpose_lhs_hint = false} : vector<256x256xf32>, vector<256x64xf32>, vector<256x64xf32> -> vector<256x64xf32>
    %add3A = arith.constant 9.99999971E-10 : f32
    %add3A_43 = vector.broadcast %add3A : f32 to vector<256x1xf32>
    %add3A_44 = arith.addf %broadcast_in_dim3A_40, %add3A_43 : vector<256x1xf32>
    %div3A = vector.broadcast %add3A_44 : vector<256x1xf32> to vector<256x64xf32>
    %div3A_45 = arith.divf %dot_general3A_42, %div3A : vector<256x64xf32>
    %get3A_46 = arith.constant 0 : index
    %get3A_47 = arith.constant 0 : index
    %get3A_48 = arith.constant 0 : index
    %get3A_49 = vector.load %arg2[%get3A_46, %get3A_47, %get3A_48] : memref<1x256x128xf32, #tpu.memory_space<vmem>>, vector<1x256x128xf32>
    %get3A_50 = vector.shape_cast %get3A_49 : vector<1x256x128xf32> to vector<256x128xf32>
    %slice3A_51 = vector.extract_strided_slice %get3A_50 {offsets = [0, 64], sizes = [256, 64], strides = [1, 1]} : vector<256x128xf32> to vector<256x64xf32>
    %get3A_52 = arith.constant 0 : index
    %get3A_53 = arith.constant 0 : index
    %get3A_54 = arith.constant 0 : index
    %get3A_55 = vector.load %arg3[%get3A_52, %get3A_53, %get3A_54] : memref<1x256x128xf32, #tpu.memory_space<vmem>>, vector<1x256x128xf32>
    %get3A_56 = vector.shape_cast %get3A_55 : vector<1x256x128xf32> to vector<256x128xf32>
    %slice3A_57 = vector.extract_strided_slice %get3A_56 {offsets = [0, 64], sizes = [256, 64], strides = [1, 1]} : vector<256x128xf32> to vector<256x64xf32>
    %get3A_58 = arith.constant 0 : index
    %get3A_59 = arith.constant 0 : index
    %get3A_60 = arith.constant 0 : index
    %get3A_61 = vector.load %arg4[%get3A_58, %get3A_59, %get3A_60] : memref<1x256x128xf32, #tpu.memory_space<vmem>>, vector<1x256x128xf32>
    %get3A_62 = vector.shape_cast %get3A_61 : vector<1x256x128xf32> to vector<256x128xf32>
    %slice3A_63 = vector.extract_strided_slice %get3A_62 {offsets = [0, 64], sizes = [256, 64], strides = [1, 1]} : vector<256x128xf32> to vector<256x64xf32>
    %get3A_64 = arith.constant 1 : index
    %get3A_65 = arith.constant 0 : index
    %get3A_66 = arith.constant 0 : index
    %get3A_67 = arith.constant 0 : index
    %get3A_68 = vector.load %arg5[%get3A_64, %get3A_65, %get3A_66, %get3A_67] : memref<2x1x256x256xf32, #tpu.memory_space<vmem>>, vector<1x1x256x256xf32>
    %get3A_69 = vector.shape_cast %get3A_68 : vector<1x1x256x256xf32> to vector<256x256xf32>
    %dot_general3A_70 = arith.constant dense<0.000000e+00> : vector<256x256xf32>
    %dot_general3A_71 = tpu.matmul %slice3A_51, %slice3A_57, %dot_general3A_70 {dimension_numbers = #tpu.dot_dimension_numbers<[1], [1], [0], [0], [0, 0, 1, 0], [], []>, transpose_lhs_hint = false} : vector<256x64xf32>, vector<256x64xf32>, vector<256x256xf32> -> vector<256x256xf32>
    %mul3A_72 = arith.constant 1.250000e-01 : f32
    %mul3A_73 = vector.broadcast %mul3A_72 : f32 to vector<256x256xf32>
    %mul3A_74 = arith.mulf %dot_general3A_71, %mul3A_73 : vector<256x256xf32>
    %gt3A_75 = arith.constant 0.000000e+00 : f32
    %gt3A_76 = vector.broadcast %gt3A_75 : f32 to vector<256x256xf32>
    %gt3A_77 = arith.cmpf ogt, %get3A_69, %gt3A_76 : vector<256x256xf32>
    %jit3A_78 = arith.constant 0xFF800000 : f32
    %broadcast_in_dim3A_79 = vector.broadcast %jit3A_78 : f32 to vector<256x256xf32>
    %select_n3A_80 = arith.select %gt3A_77, %mul3A_74, %broadcast_in_dim3A_79 : vector<256x256xi1>, vector<256x256xf32>
    %reduce_max3A_81 = arith.constant dense<0xFF800000> : vector<256xf32>
    %reduce_max3A_82 = vector.multi_reduction <maximumf>, %select_n3A_80, %reduce_max3A_81 [1] : vector<256x256xf32> to vector<256xf32>
    %broadcast_in_dim3A_83 = vector.shape_cast %reduce_max3A_82 : vector<256xf32> to vector<256x1xf32>
    %is_finite3A_84 = tpu.weird %broadcast_in_dim3A_83 : vector<256x1xf32> -> vector<256x1xi1>
    %is_finite3A_85 = arith.constant dense<true> : vector<256x1xi1>
    %is_finite3A_86 = arith.xori %is_finite3A_84, %is_finite3A_85 : vector<256x1xi1>
    %jit3A_87 = arith.constant 0.000000e+00 : f32
    %broadcast_in_dim3A_88 = vector.broadcast %jit3A_87 : f32 to vector<256x1xf32>
    %select_n3A_89 = arith.select %is_finite3A_86, %broadcast_in_dim3A_83, %broadcast_in_dim3A_88 : vector<256x1xi1>, vector<256x1xf32>
    %sub3A_90 = vector.broadcast %select_n3A_89 : vector<256x1xf32> to vector<256x256xf32>
    %sub3A_91 = arith.subf %mul3A_74, %sub3A_90 : vector<256x256xf32>
    %exp3A_92 = math.exp %sub3A_91 : vector<256x256xf32>
    %mul3A_93 = arith.mulf %exp3A_92, %get3A_69 : vector<256x256xf32>
    %jit3A_94 = arith.constant 0.000000e+00 : f32
    %broadcast_in_dim3A_95 = vector.broadcast %jit3A_94 : f32 to vector<256x256xf32>
    %select_n3A_96 = arith.select %gt3A_77, %mul3A_93, %broadcast_in_dim3A_95 : vector<256x256xi1>, vector<256x256xf32>
    %reduce_sum3A_97 = arith.constant dense<0.000000e+00> : vector<256xf32>
    %reduce_sum3A_98 = vector.multi_reduction <add>, %select_n3A_96, %reduce_sum3A_97 [1] : vector<256x256xf32> to vector<256xf32>
    %broadcast_in_dim3A_99 = vector.shape_cast %reduce_sum3A_98 : vector<256xf32> to vector<256x1xf32>
    %dot_general3A_100 = arith.constant dense<0.000000e+00> : vector<256x64xf32>
    %dot_general3A_101 = tpu.matmul %select_n3A_96, %slice3A_63, %dot_general3A_100 {dimension_numbers = #tpu.dot_dimension_numbers<[1], [0], [0], [1], [0, 0, 1, 1], [], []>, transpose_lhs_hint = false} : vector<256x256xf32>, vector<256x64xf32>, vector<256x64xf32> -> vector<256x64xf32>
    %add3A_102 = arith.constant 9.99999971E-10 : f32
    %add3A_103 = vector.broadcast %add3A_102 : f32 to vector<256x1xf32>
    %add3A_104 = arith.addf %broadcast_in_dim3A_99, %add3A_103 : vector<256x1xf32>
    %div3A_105 = vector.broadcast %add3A_104 : vector<256x1xf32> to vector<256x64xf32>
    %div3A_106 = arith.divf %dot_general3A_101, %div3A_105 : vector<256x64xf32>
    %concatenate3A = tpu.concatenate %div3A_45, %div3A_106 in 1 : vector<256x64xf32>, vector<256x64xf32> -> vector<256x128xf32>
    %mul3A_107 = arith.constant 2 : i32
    %mul3A_108 = arith.muli %arg1, %mul3A_107 : i32
    %mul3A_109 = arith.constant 64 : i32
    %mul3A_110 = arith.muli %mul3A_108, %mul3A_109 : i32
    %get3A_111 = arith.constant 0 : index
    %get3A_112 = arith.index_cast %mul3A_110 : i32 to index
    %get3A_113 = arith.constant 0 : index
    %get3A_114 = vector.load %arg7[%get3A_111, %get3A_112, %get3A_113] : memref<1x768x768xf32, #tpu.memory_space<vmem>>, vector<1x128x768xf32>
    %get3A_115 = vector.shape_cast %get3A_114 : vector<1x128x768xf32> to vector<128x768xf32>
    %dot_general3A_116 = arith.constant dense<0.000000e+00> : vector<256x768xf32>
    %dot_general3A_117 = tpu.matmul %concatenate3A, %get3A_115, %dot_general3A_116 {dimension_numbers = #tpu.dot_dimension_numbers<[1], [0], [0], [1], [0, 0, 1, 1], [], []>, transpose_lhs_hint = false} : vector<256x128xf32>, vector<128x768xf32>, vector<256x768xf32> -> vector<256x768xf32>
    %eq3A = arith.constant 0 : i32
    %eq3A_118 = arith.cmpi eq, %arg1, %eq3A : i32
    %convert_element_type3A = arith.extui %eq3A_118 : i1 to i32
    %cond3A = arith.constant 0 : i32
    %cond3A_119 = arith.cmpi ne, %convert_element_type3A, %cond3A : i32
    scf.if %cond3A_119 {
      %get3A_130 = arith.constant 0 : index
      %get3A_131 = arith.constant 0 : index
      %get3A_132 = arith.constant 0 : index
      %get3A_133 = vector.load %arg6[%get3A_130, %get3A_131, %get3A_132] : memref<1x256x768xf32, #tpu.memory_space<vmem>>, vector<1x256x768xf32>
      %get3A_134 = vector.shape_cast %get3A_133 : vector<1x256x768xf32> to vector<256x768xf32>
      %add3A_135 = arith.addf %get3A_134, %dot_general3A_117 : vector<256x768xf32>
      %swap3A = arith.constant 0 : index
      %swap3A_136 = arith.constant 0 : index
      %swap3A_137 = vector.load %arg17[%swap3A, %swap3A_136] : memref<256x768xf32, #tpu.memory_space<vmem>>, vector<256x768xf32>
      tpu.vector_store %arg17[%swap3A, %swap3A_136], %add3A_135 {strides = array<i32>} : memref<256x768xf32, #tpu.memory_space<vmem>>, vector<256x768xf32>,
    } else {
    }
    %gt3A_120 = arith.constant 0 : i32
    %gt3A_121 = arith.cmpi sgt, %arg1, %gt3A_120 : i32
    %convert_element_type3A_122 = arith.extui %gt3A_121 : i1 to i32
    %cond3A_123 = arith.constant 0 : i32
    %cond3A_124 = arith.cmpi ne, %convert_element_type3A_122, %cond3A_123 : i32
    scf.if %cond3A_124 {
      %get3A_130 = arith.constant 0 : index
      %get3A_131 = arith.constant 0 : index
      %get3A_132 = vector.load %arg17[%get3A_130, %get3A_131] : memref<256x768xf32, #tpu.memory_space<vmem>>, vector<256x768xf32>
      %add3A_133 = arith.addf %get3A_132, %dot_general3A_117 : vector<256x768xf32>
      %swap3A = arith.constant 0 : index
      %swap3A_134 = arith.constant 0 : index
      %swap3A_135 = vector.load %arg17[%swap3A, %swap3A_134] : memref<256x768xf32, #tpu.memory_space<vmem>>, vector<256x768xf32>
      tpu.vector_store %arg17[%swap3A, %swap3A_134], %add3A_133 {strides = array<i32>} : memref<256x768xf32, #tpu.memory_space<vmem>>, vector<256x768xf32>,
    } else {
    }
    %eq3A_125 = arith.constant 5 : i32
    %eq3A_126 = arith.cmpi eq, %arg1, %eq3A_125 : i32
    %convert_element_type3A_127 = arith.extui %eq3A_126 : i1 to i32
    %cond3A_128 = arith.constant 0 : i32
    %cond3A_129 = arith.cmpi ne, %convert_element_type3A_127, %cond3A_128 : i32
    scf.if %cond3A_129 {
      %get3A_130 = arith.constant 0 : index
      %get3A_131 = arith.constant 0 : index
      %get3A_132 = vector.load %arg17[%get3A_130, %get3A_131] : memref<256x768xf32, #tpu.memory_space<vmem>>, vector<256x768xf32>
      %get3A_133 = arith.constant 0 : index
      %get3A_134 = arith.constant 0 : index
      %get3A_135 = arith.constant 0 : index
      %get3A_136 = vector.load %arg8[%get3A_133, %get3A_134, %get3A_135] : memref<1x1x768xf32, #tpu.memory_space<vmem>>, vector<1x1x768xf32>
      %get3A_137 = vector.shape_cast %get3A_136 : vector<1x1x768xf32> to vector<1x768xf32>
      %get3A_138 = arith.constant 0 : index
      %get3A_139 = arith.constant 0 : index
      %get3A_140 = arith.constant 0 : index
      %get3A_141 = vector.load %arg9[%get3A_138, %get3A_139, %get3A_140] : memref<1x1x768xf32, #tpu.memory_space<vmem>>, vector<1x1x768xf32>
      %get3A_142 = vector.shape_cast %get3A_141 : vector<1x1x768xf32> to vector<1x768xf32>
      %reduce_sum3A_143 = arith.constant dense<0.000000e+00> : vector<256xf32>
      %reduce_sum3A_144 = vector.multi_reduction <add>, %get3A_132, %reduce_sum3A_143 [1] : vector<256x768xf32> to vector<256xf32>
      %broadcast_in_dim3A_145 = vector.shape_cast %reduce_sum3A_144 : vector<256xf32> to vector<256x1xf32>
      %div3A_146 = arith.constant 7.680000e+02 : f32
      %div3A_147 = vector.broadcast %div3A_146 : f32 to vector<256x1xf32>
      %div3A_148 = arith.divf %broadcast_in_dim3A_145, %div3A_147 : vector<256x1xf32>
      %sub3A_149 = vector.broadcast %div3A_148 : vector<256x1xf32> to vector<256x768xf32>
      %sub3A_150 = arith.subf %get3A_132, %sub3A_149 : vector<256x768xf32>
      %sub3A_151 = vector.broadcast %div3A_148 : vector<256x1xf32> to vector<256x768xf32>
      %sub3A_152 = arith.subf %get3A_132, %sub3A_151 : vector<256x768xf32>
      %mul3A_153 = arith.mulf %sub3A_150, %sub3A_152 : vector<256x768xf32>
      %reduce_sum3A_154 = arith.constant dense<0.000000e+00> : vector<256xf32>
      %reduce_sum3A_155 = vector.multi_reduction <add>, %mul3A_153, %reduce_sum3A_154 [1] : vector<256x768xf32> to vector<256xf32>
      %broadcast_in_dim3A_156 = vector.shape_cast %reduce_sum3A_155 : vector<256xf32> to vector<256x1xf32>
      %div3A_157 = arith.constant 7.680000e+02 : f32
      %div3A_158 = vector.broadcast %div3A_157 : f32 to vector<256x1xf32>
      %div3A_159 = arith.divf %broadcast_in_dim3A_156, %div3A_158 : vector<256x1xf32>
      %sub3A_160 = vector.broadcast %div3A_148 : vector<256x1xf32> to vector<256x768xf32>
      %sub3A_161 = arith.subf %get3A_132, %sub3A_160 : vector<256x768xf32>
      %add3A_162 = arith.constant 9.99999996E-13 : f32
      %add3A_163 = vector.broadcast %add3A_162 : f32 to vector<256x1xf32>
      %add3A_164 = arith.addf %div3A_159, %add3A_163 : vector<256x1xf32>
      %sqrt3A = math.sqrt %add3A_164 : vector<256x1xf32>
      %div3A_165 = vector.broadcast %sqrt3A : vector<256x1xf32> to vector<256x768xf32>
      %div3A_166 = arith.divf %sub3A_161, %div3A_165 : vector<256x768xf32>
      %mul3A_167 = vector.broadcast %get3A_137 : vector<1x768xf32> to vector<256x768xf32>
      %mul3A_168 = arith.mulf %div3A_166, %mul3A_167 : vector<256x768xf32>
      %add3A_169 = vector.broadcast %get3A_142 : vector<1x768xf32> to vector<256x768xf32>
      %add3A_170 = arith.addf %mul3A_168, %add3A_169 : vector<256x768xf32>
      %swap3A = arith.constant 0 : index
      %swap3A_171 = arith.constant 0 : index
      %swap3A_172 = arith.constant 0 : index
      %swap3A_173 = vector.load %arg13[%swap3A, %swap3A_171, %swap3A_172] : memref<1x256x768xf32, #tpu.memory_space<vmem>>, vector<1x256x768xf32>
      %swap3A_174 = vector.shape_cast %swap3A_173 : vector<1x256x768xf32> to vector<256x768xf32>
      %swap3A_175 = vector.shape_cast %add3A_170 : vector<256x768xf32> to vector<1x256x768xf32>
      tpu.vector_store %arg13[%swap3A, %swap3A_171, %swap3A_172], %swap3A_175 {strides = array<i32>} : memref<1x256x768xf32, #tpu.memory_space<vmem>>, vector<1x256x768xf32>,
      %get3A_176 = arith.constant 0 : index
      %get3A_177 = arith.constant 0 : index
      %get3A_178 = arith.constant 0 : index
      %get3A_179 = vector.load %arg10[%get3A_176, %get3A_177, %get3A_178] : memref<1x768x768xf32, #tpu.memory_space<vmem>>, vector<1x768x768xf32>
      %get3A_180 = vector.shape_cast %get3A_179 : vector<1x768x768xf32> to vector<768x768xf32>
      %dot_general3A_181 = arith.constant dense<0.000000e+00> : vector<256x768xf32>
      %dot_general3A_182 = tpu.matmul %add3A_170, %get3A_180, %dot_general3A_181 {dimension_numbers = #tpu.dot_dimension_numbers<[1], [0], [0], [1], [0, 0, 1, 1], [], []>, transpose_lhs_hint = false} : vector<256x768xf32>, vector<768x768xf32>, vector<256x768xf32> -> vector<256x768xf32>
      %swap3A_183 = arith.constant 0 : index
      %swap3A_184 = arith.constant 0 : index
      %swap3A_185 = arith.constant 0 : index
      %swap3A_186 = vector.load %arg14[%swap3A_183, %swap3A_184, %swap3A_185] : memref<1x256x768xf32, #tpu.memory_space<vmem>>, vector<1x256x768xf32>
      %swap3A_187 = vector.shape_cast %swap3A_186 : vector<1x256x768xf32> to vector<256x768xf32>
      %swap3A_188 = vector.shape_cast %dot_general3A_182 : vector<256x768xf32> to vector<1x256x768xf32>
      tpu.vector_store %arg14[%swap3A_183, %swap3A_184, %swap3A_185], %swap3A_188 {strides = array<i32>} : memref<1x256x768xf32, #tpu.memory_space<vmem>>, vector<1x256x768xf32>,
      %get3A_189 = arith.constant 0 : index
      %get3A_190 = arith.constant 0 : index
      %get3A_191 = arith.constant 0 : index
      %get3A_192 = vector.load %arg11[%get3A_189, %get3A_190, %get3A_191] : memref<1x768x768xf32, #tpu.memory_space<vmem>>, vector<1x768x768xf32>
      %get3A_193 = vector.shape_cast %get3A_192 : vector<1x768x768xf32> to vector<768x768xf32>
      %dot_general3A_194 = arith.constant dense<0.000000e+00> : vector<256x768xf32>
      %dot_general3A_195 = tpu.matmul %add3A_170, %get3A_193, %dot_general3A_194 {dimension_numbers = #tpu.dot_dimension_numbers<[1], [0], [0], [1], [0, 0, 1, 1], [], []>, transpose_lhs_hint = false} : vector<256x768xf32>, vector<768x768xf32>, vector<256x768xf32> -> vector<256x768xf32>
      %swap3A_196 = arith.constant 0 : index
      %swap3A_197 = arith.constant 0 : index
      %swap3A_198 = arith.constant 0 : index
      %swap3A_199 = vector.load %arg15[%swap3A_196, %swap3A_197, %swap3A_198] : memref<1x256x768xf32, #tpu.memory_space<vmem>>, vector<1x256x768xf32>
      %swap3A_200 = vector.shape_cast %swap3A_199 : vector<1x256x768xf32> to vector<256x768xf32>
      %swap3A_201 = vector.shape_cast %dot_general3A_195 : vector<256x768xf32> to vector<1x256x768xf32>
      tpu.vector_store %arg15[%swap3A_196, %swap3A_197, %swap3A_198], %swap3A_201 {strides = array<i32>} : memref<1x256x768xf32, #tpu.memory_space<vmem>>, vector<1x256x768xf32>,
      %get3A_202 = arith.constant 0 : index
      %get3A_203 = arith.constant 0 : index
      %get3A_204 = arith.constant 0 : index
      %get3A_205 = vector.load %arg12[%get3A_202, %get3A_203, %get3A_204] : memref<1x768x768xf32, #tpu.memory_space<vmem>>, vector<1x768x768xf32>
      %get3A_206 = vector.shape_cast %get3A_205 : vector<1x768x768xf32> to vector<768x768xf32>
      %dot_general3A_207 = arith.constant dense<0.000000e+00> : vector<256x768xf32>
      %dot_general3A_208 = tpu.matmul %add3A_170, %get3A_206, %dot_general3A_207 {dimension_numbers = #tpu.dot_dimension_numbers<[1], [0], [0], [1], [0, 0, 1, 1], [], []>, transpose_lhs_hint = false} : vector<256x768xf32>, vector<768x768xf32>, vector<256x768xf32> -> vector<256x768xf32>
      %swap3A_209 = arith.constant 0 : index
      %swap3A_210 = arith.constant 0 : index
      %swap3A_211 = arith.constant 0 : index
      %swap3A_212 = vector.load %arg16[%swap3A_209, %swap3A_210, %swap3A_211] : memref<1x256x768xf32, #tpu.memory_space<vmem>>, vector<1x256x768xf32>
      %swap3A_213 = vector.shape_cast %swap3A_212 : vector<1x256x768xf32> to vector<256x768xf32>
      %swap3A_214 = vector.shape_cast %dot_general3A_208 : vector<256x768xf32> to vector<1x256x768xf32>
      tpu.vector_store %arg16[%swap3A_209, %swap3A_210, %swap3A_211], %swap3A_214 {strides = array<i32>} : memref<1x256x768xf32, #tpu.memory_space<vmem>>, vector<1x256x768xf32>,
    } else {
    }
    return
  }
  func.func @transform_0(%arg0: i32, %arg1: i32) -> (i32, i32, i32) {
    %c0_i32 = arith.constant 0 : i32
    %c0_i32_0 = arith.constant 0 : i32
    return %arg0, %c0_i32, %arg1 : i32, i32, i32
  }
  func.func @transform_1(%arg0: i32, %arg1: i32) -> (i32, i32, i32) {
    %c0_i32 = arith.constant 0 : i32
    %c0_i32_0 = arith.constant 0 : i32
    return %arg0, %c0_i32, %arg1 : i32, i32, i32
  }
  func.func @transform_2(%arg0: i32, %arg1: i32) -> (i32, i32, i32) {
    %c0_i32 = arith.constant 0 : i32
    %c0_i32_0 = arith.constant 0 : i32
    return %arg0, %c0_i32, %arg1 : i32, i32, i32
  }
  func.func @transform_3(%arg0: i32, %arg1: i32) -> (i32, i32, i32, i32) {
    %add3A = arith.constant 0 : i32
    %add3A_0 = arith.addi %add3A, %arg1 : i32
    %c0_i32 = arith.constant 0 : i32
    %c0_i32_1 = arith.constant 0 : i32
    %c0_i32_2 = arith.constant 0 : i32
    return %add3A_0, %arg0, %c0_i32, %c0_i32_1 : i32, i32, i32, i32
  }
  func.func @transform_4(%arg0: i32, %arg1: i32) -> (i32, i32, i32) {
    %c0_i32 = arith.constant 0 : i32
    %c0_i32_0 = arith.constant 0 : i32
    %c0_i32_1 = arith.constant 0 : i32
    return %arg0, %c0_i32, %c0_i32_0 : i32, i32, i32
  }
  func.func @transform_5(%arg0: i32, %arg1: i32) -> (i32, i32, i32) {
    %c0_i32 = arith.constant 0 : i32
    %c0_i32_0 = arith.constant 0 : i32
    %c0_i32_1 = arith.constant 0 : i32
    %c0_i32_2 = arith.constant 0 : i32
    return %c0_i32, %c0_i32_0, %c0_i32_1 : i32, i32, i32
  }
  func.func @transform_6(%arg0: i32, %arg1: i32) -> (i32, i32, i32) {
    %c0_i32 = arith.constant 0 : i32
    %c0_i32_0 = arith.constant 0 : i32
    %c0_i32_1 = arith.constant 0 : i32
    %c0_i32_2 = arith.constant 0 : i32
    return %c0_i32, %c0_i32_0, %c0_i32_1 : i32, i32, i32
  }
  func.func @transform_7(%arg0: i32, %arg1: i32) -> (i32, i32, i32) {
    %c0_i32 = arith.constant 0 : i32
    %c0_i32_0 = arith.constant 0 : i32
    %c0_i32_1 = arith.constant 0 : i32
    %c0_i32_2 = arith.constant 0 : i32
    return %c0_i32, %c0_i32_0, %c0_i32_1 : i32, i32, i32
  }
  func.func @transform_8(%arg0: i32, %arg1: i32) -> (i32, i32, i32) {
    %c1_i32 = arith.constant 1 : i32
    %c0_i32 = arith.constant 0 : i32
    %c0_i32_0 = arith.constant 0 : i32
    %c0_i32_1 = arith.constant 0 : i32
    return %c1_i32, %c0_i32, %c0_i32_0 : i32, i32, i32
  }
  func.func @transform_9(%arg0: i32, %arg1: i32) -> (i32, i32, i32) {
    %c1_i32 = arith.constant 1 : i32
    %c0_i32 = arith.constant 0 : i32
    %c0_i32_0 = arith.constant 0 : i32
    %c0_i32_1 = arith.constant 0 : i32
    return %c1_i32, %c0_i32, %c0_i32_0 : i32, i32, i32
  }
  func.func @transform_10(%arg0: i32, %arg1: i32) -> (i32, i32, i32) {
    %c1_i32 = arith.constant 1 : i32
    %c0_i32 = arith.constant 0 : i32
    %c0_i32_0 = arith.constant 0 : i32
    %c0_i32_1 = arith.constant 0 : i32
    return %c1_i32, %c0_i32, %c0_i32_0 : i32, i32, i32
  }
  func.func @transform_11(%arg0: i32, %arg1: i32) -> (i32, i32, i32) {
    %c0_i32 = arith.constant 0 : i32
    %c0_i32_0 = arith.constant 0 : i32
    %c0_i32_1 = arith.constant 0 : i32
    return %arg0, %c0_i32, %c0_i32_0 : i32, i32, i32
  }
  func.func @transform_12(%arg0: i32, %arg1: i32) -> (i32, i32, i32) {
    %c0_i32 = arith.constant 0 : i32
    %c0_i32_0 = arith.constant 0 : i32
    %c0_i32_1 = arith.constant 0 : i32
    return %arg0, %c0_i32, %c0_i32_0 : i32, i32, i32
  }
  func.func @transform_13(%arg0: i32, %arg1: i32) -> (i32, i32, i32) {
    %c0_i32 = arith.constant 0 : i32
    %c0_i32_0 = arith.constant 0 : i32
    %c0_i32_1 = arith.constant 0 : i32
    return %arg0, %c0_i32, %c0_i32_0 : i32, i32, i32
  }
  func.func @transform_14(%arg0: i32, %arg1: i32) -> (i32, i32, i32) {
    %c0_i32 = arith.constant 0 : i32
    %c0_i32_0 = arith.constant 0 : i32
    %c0_i32_1 = arith.constant 0 : i32
    return %arg0, %c0_i32, %c0_i32_0 : i32, i32, i32
  }
}

</mosaic_0001>

<sc_bundles>
// kernel: sc_gather_masks.3.cloned.1.call-start
scs
__scs_entry_jumppad:
0x0: {  	(pc) =	sbr.rel $0x88, $3  }
0x1: {  	(tag) =	ssettag $0x0;
	lr =	simm.s32 $0x1  }
0x2: {  	[smem:$0x3F94] =	sst lr;
	_ =	strace $0xD0000000  }
0x3: {  	_ = 	snop  }
0x4: {  	_ = 	snop  }
0x5: {  	_ = 	snop  }
0x6: {  	_ = 	snop  }
0x7: {  	_ = 	snop  }
__scs_overlays_trampoline_lowered:
0x8: {  	[smem:$0x3FA3] =	sst s0  }
0x9: {  	[smem:$0x3FA4] =	sst s1  }
0xa: {  	[smem:$0x3FA5] =	sst s2  }
0xb: {  	[smem:$0x3FA6] =	sst s3  }
0xc: {  	[smem:$0x3FA7] =	sst s4  }
0xd: {  	[smem:$0x3FA8] =	sst s5  }
0xe: {  	[smem:$0x3FA9] =	sst s6  }
0xf: {  	[smem:$0x3FAA] =	sst s7  }
0x10: {  	[smem:$0x3FAB] =	sst s8  }
0x11: {  	[smem:$0x3FAC] =	sst s9;
	s0 =	simm.s32 @!p0 $0x0  }
0x12: {  	s1 =	sld [smem:$0x3F92];
	s0 =	simm.s32 @p0 $0x1  }
0x13: {  	[smem:$0x3FAD] =	sst s0;
	s0 =	simm.s32 @!p1 $0x0  }
0x14: {  	s2 =	sld [smem:$0x3F91];
	s0 =	simm.s32 @p1 $0x1  }
0x15: {  	[smem:$0x3FAE] =	sst s0;
	s0 =	simm.s32 @!p2 $0x0  }
0x16: {  	s3 =	sld [smem:$0x3FDB];
	s0 =	simm.s32 @p2 $0x1  }
0x17: {  	s4 =	simm.s32 $0x1BF5;
	[smem:$0x3FB0] =	sst s0  }
0x18: {  	s0 =	sld [smem:$0x3F93];
	_ =	swait.ge [sflag:s4], $0x0  }
0x19: {  	s7 =	sld [smem:$0x3F94]  }
0x1a: {  	s8 =	sadd.s32 $0xFFFFE003, lr  }
0x1b: {  	s9 =	sadd.s32 $0xFFFFFEF7, lr;
	s5 =	simm.s32 $0xFFFFFFFF;
	p2 =	slt.u32 s8, $0xFFFFF086  }
0x1c: {  	p1 =	slt.u32 s9, $0xF7A;
	s5 =	simm.s32 @!p2 $0x0  }
0x1d: {  	s5 =	simm.s32 @p1 $0x1;
	p0 =	seq.s32 s7, s2  }
0x1e: {  	s7 =	smul.u32 @!p0 $0xF7A, s2;
	p2 =	seq.s32 @!p0 s5, $0x0  }
0x1f: {  	s9 =	smul.u32 $0xF7A, s1;
	s8 =	simm.s32 @!p0 $0x1BF5;
	p2 =	por !p2, p0  }
0x20: {  	[sflag:s8] =	ssyncset.s32 @!p0 $0xFFFFF086;
	s6 =	sadd.s32 @!p0 s3, s7;
	s7 =	simm.s32 @!p0 $0x108  }
0x21: {  	s3 =	sadd.s32 s3, s9;
	s6 =	sadd.s32 @!p0 $0x88, s6;
	s7 =	simm.s32 @p2 $0x1082  }
0x22: {  	[simem:s7], [sflag:s8] =	dma.local @!p0 [hbm:s6], $0xF7A  }
0x23: {  	s9 =	sor.u32 $0xD0000000, s2;
	s6 =	simm.s32 $0x108;
	_ =	swait.ge @!p0 [sflag:s8], $0x0  }
0x24: {  	s3 =	sadd.s32 $0x88, s3;
	s6 =	simm.s32 @!p1 $0x1082;
	[sflag:s4] =	ssyncset.s32 $0xFFFFF086  }
0x25: {  	[simem:s6], [sflag:s4] =	dma.local [hbm:s3], $0xF7A  }
0x26: {  	[smem:$0x3F94] =	sst s1;
	(tag) =	ssettag s2;
	_ =	strace s9  }
0x27: {  	s1 =	sld [smem:$0x3FA4]  }
0x28: {  	s2 =	sld [smem:$0x3FA5]  }
0x29: {  	s4 =	sld [smem:$0x3FA7]  }
0x2a: {  	p0 =	seq.s32 s5, $0x0;
	s5 =	sld [smem:$0x3FA8]  }
0x2b: {  	s6 =	sld [smem:$0x3FA9]  }
0x2c: {  	s7 =	sld [smem:$0x3FAA]  }
0x2d: {  	s3 =	simm.s32 $0x108;
	s8 =	sld [smem:$0x3FAB]  }
0x2e: {  	s3 =	simm.s32 @!p0 $0x1082;
	s9 =	sld [smem:$0x3FAC]  }
0x2f: {  	lr =	sadd.s32 s0, s3;
	s0 =	sld [smem:$0x3FA3]  }
0x30: {  	s3 =	sld [smem:$0x3FA6]  }
0x31: {  	[smem:$0x3FAF] =	sst s10  }
0x32: {  	s10 =	sld [smem:$0x3FAD];
	_ =	sdelay $0x3  }
0x33: {  	p0 =	seq.s32 s10, $0x1;
	s10 =	sld [smem:$0x3FAF];
	_ =	sdelay $0x3  }
0x34: {  	[smem:$0x3FAF] =	sst s10  }
0x35: {  	s10 =	sld [smem:$0x3FAE];
	_ =	sdelay $0x3  }
0x36: {  	p1 =	seq.s32 s10, $0x1;
	s10 =	sld [smem:$0x3FAF];
	_ =	sdelay $0x3  }
0x37: {  	[smem:$0x3FAF] =	sst s10  }
0x38: {  	s10 =	sld [smem:$0x3FB0]  }
0x39: {  	_ = 	snop;
	(pc) =	sbr.ind lr, $3  }
0x3a: {  	_ = 	snop  }
0x3b: {  	_ = 	snop  }
0x3c: {  	p2 =	seq.s32 s10, $0x1;
	s10 =	sld [smem:$0x3FAF]  }
0x3d: {  	_ =	shalt  }
0x3e: {  	_ =	shalt  }
0x3f: {  	_ =	shalt  }
0x40: {  	_ =	shalt  }
0x41: {  	_ =	shalt  }
0x42: {  	_ =	shalt  }
0x43: {  	_ =	shalt  }
0x44: {  	_ =	shalt  }
0x45: {  	_ =	shalt  }
0x46: {  	_ =	shalt  }
0x47: {  	_ =	shalt  }
0x48: {  	_ =	shalt  }
0x49: {  	_ =	shalt  }
0x4a: {  	_ =	shalt  }
0x4b: {  	_ =	shalt  }
0x4c: {  	_ =	shalt  }
0x4d: {  	_ =	shalt  }
0x4e: {  	_ =	shalt  }
0x4f: {  	_ =	shalt  }
0x50: {  	_ =	shalt  }
0x51: {  	_ =	shalt  }
0x52: {  	_ =	shalt  }
0x53: {  	_ =	shalt  }
0x54: {  	_ =	shalt  }
0x55: {  	_ =	shalt  }
0x56: {  	_ =	shalt  }
0x57: {  	_ =	shalt  }
0x58: {  	_ =	shalt  }
0x59: {  	_ =	shalt  }
0x5a: {  	_ =	shalt  }
0x5b: {  	_ =	shalt  }
0x5c: {  	_ =	shalt  }
0x5d: {  	_ =	shalt  }
0x5e: {  	_ =	shalt  }
0x5f: {  	_ =	shalt  }
0x60: {  	_ =	shalt  }
0x61: {  	_ =	shalt  }
0x62: {  	_ =	shalt  }
0x63: {  	_ =	shalt  }
0x64: {  	_ =	shalt  }
0x65: {  	_ =	shalt  }
0x66: {  	_ =	shalt  }
0x67: {  	_ =	shalt  }
0x68: {  	_ =	shalt  }
0x69: {  	_ =	shalt  }
0x6a: {  	_ =	shalt  }
0x6b: {  	_ =	shalt  }
0x6c: {  	_ =	shalt  }
0x6d: {  	_ =	shalt  }
0x6e: {  	_ =	shalt  }
0x6f: {  	_ =	shalt  }
0x70: {  	_ =	shalt  }
0x71: {  	_ =	shalt  }
0x72: {  	_ =	shalt  }
0x73: {  	_ =	shalt  }
0x74: {  	_ =	shalt  }
0x75: {  	_ =	shalt  }
0x76: {  	_ =	shalt  }
0x77: {  	_ =	shalt  }
0x78: {  	_ =	shalt  }
0x79: {  	_ =	shalt  }
0x7a: {  	_ =	shalt  }
0x7b: {  	_ =	shalt  }
0x7c: {  	_ =	shalt  }
0x7d: {  	_ =	shalt  }
0x7e: {  	_ =	shalt  }
0x7f: {  	_ =	shalt  }
0x80: {  	_ =	shalt  }
0x81: {  	_ =	shalt  }
0x82: {  	_ =	shalt  }
0x83: {  	_ =	shalt  }
0x84: {  	_ =	shalt  }
0x85: {  	_ =	shalt  }
0x86: {  	_ =	shalt  }
0x87: {  	_ =	shalt  }
.Lfunc_end0:
.L_simem_size_0:
called_computation_lowered:
.L_overlay_start_0:
0x88: {  	s2 =	sld [smem:$0x3FD9]  }
0x89: {  	s3 =	sld [smem:$0x3FFE];
	_ =	sdelay $0x1  }
0x8a: {  	s1 =	srdreg.scid  }
0x8b: {  	s0 =	sand.u32 $0x1, s1  }
0x8c: {  	s17 =	sshll.u32 s0, $0xA;
	s2 =	sadd.s32 s3, s2  }
0x8d: {  	s2 =	sadd.s32 s2, s17  }
0x8e: {  	[smem:$0x3FBB] =	sst s2  }
0x8f: {  	_ = 	snop  }
0x90: {  	s2 =	sld [smem:$0x3FC6];
	(tm) =	ssettm $0x1  }
0x91: {  	s18 =	sld [smem:$0x3FFB];
	_ =	sdelay $0x3  }
0x92: {  	_ =	strace s18  }
0x93: {  	s3 =	sld [smem:$0x3FFC];
	_ =	sdelay $0x3  }
0x94: {  	_ =	strace s3  }
0x95: {  	s3 =	sld [smem:$0x3FFD];
	_ =	sdelay $0x3  }
0x96: {  	_ =	strace s3  }
0x97: {  	_ =	strace $0x8FFFFFFF  }
0x98: {  	s19 =	sld [smem:$0x3FDB];
	_ =	sdelay $0x1  }
0x99: {  	s4 =	simm.s32 $_scs_section_size  }
0x9a: {  	s5 =	simm.s32 $_size__tile_overlayer_lowered;
	s6 =	simm.s32 $_tile_overlayer_lowered  }
0x9b: {  	s22 =	simm.s32 $0x1BFF;
	s21 =	sshll.u32 s6, $0x1;
	s3 =	sadd.s32 s4, s19  }
0x9c: {  	s7 =	simm.s32 $0x0;
	s20 =	sshll.u32 s5, $0x1;
	s5 =	sadd.s32 s21, s3  }
0x9d: {  	[timem:s7], [sflag:s22] =	dma.local [hbm:s5], s20  }
0x9e: {  	_ =	swait.ge [sflag:s22], s20  }
0x9f: {  	s4 =	ssub.s32 $0x0, s20;
	[sflag:s22] =	ssyncset.done $0x0  }
0xa0: {  	[sflag:s22] =	ssyncadd.s32 s4;
	_ =	sdelay $0x1  }
0xa1: {  	s23 =	simm.s32 $0x1B8B  }
0xa2: {  	_ =	swait.ge [sflag:s23], $0x1  }
0xa3: {  	[sflag:s23] =	ssyncset.done $0x0  }
0xa4: {  	s25 =	simm.s32 $0x1B8E;
	s24 =	sld [smem:$0x3FFE];
	[sflag:s23] =	ssyncadd.s32 $0xFFFFFFFF  }
0xa5: {  	s26 =	simm.s32 $execute0_lowered;
	[smem:$0x3FD2] =	sst s25  }
0xa6: {  	s5 =	sshll.u32 s26, $0x1;
	_ =	strace $0x80000046;
	[dreg:$0x1] =	wrdreg $0xFFFFFFFF  }
0xa7: {  	s28 =	simm.s32 $_size_execute0_lowered;
	s3 =	sadd.s32 s3, s5;
	[dreg:$0x0] =	wrdreg $0x0  }
0xa8: {  	s5 =	sshll.u32 s28, $0x1;
	[dreg:$0x2] =	wrdreg s3  }
0xa9: {  	[dreg:$0x3] =	wrdreg s5  }
0xaa: {  	[dreg:$0x4] =	wrdreg $0xC0  }
0xab: {  	_ =	task [dreg:s7], $0x5FFFF  }
0xac: {  	[dreg:$0x1] =	wrdreg $0xFFFFFFFF  }
0xad: {  	[dreg:$0x0] =	wrdreg $0x60  }
0xae: {  	[dreg:$0x2] =	wrdreg s24  }
0xaf: {  	[dreg:$0x3] =	wrdreg s2  }
0xb0: {  	[dreg:$0x4] =	wrdreg $0x6D000  }
0xb1: {  	[dreg:$0x5] =	wrdreg $0xED000  }
0xb2: {  	[dreg:$0x6] =	wrdreg $0x9  }
0xb3: {  	_ =	task.clear_ibuf [dreg:s7], $0x7FFFF;
	_ =	strace $0x90000046  }
0xb4: {  	s29 =	simm.s32 $0x9;
	_ =	strace $0x80000048  }
0xb5: {  	_ =	swait.ge [sflag:s29], $0x1  }
0xb6: {  	[sflag:s29] =	ssyncadd.s32 $0xFFFFFFFF  }
0xb7: {  	_ =	strace $0x90000048  }
0xb8: {  	_ =	sfence  }
0xb9: {  	s30 =	sld [smem:$0x0];
	_ =	sdelay $0x2  }
0xba: {  	s31 =	sshll.u32 s1, $0xD;
	s1 =	sshrl.u32 s1, $0x2  }
0xbb: {  	s3 =	sand.u32 $0x4000, s31;
	s1 =	sadd.s32 s1, s30  }
0xbc: {  	s0 =	sor.u32 s3, s0;
	s1 =	sshll.u32 s1, $0x11  }
0xbd: {  	s0 =	sor.u32 s1, s0  }
0xbe: {  	s0 =	sadd.s32 $0x8F2B, s0  }
0xbf: {  	[sflag:s0] =	ssyncadd.remote.s32 $0x1  }
0xc0: {  	_ =	sfence.sel $0xFFFF  }
0xc1: {  	[dreg:$0x0] =	wrdreg $0xFFFFFFFF;
	(pc) =	sbr.abs _section_cstart, $3  }
0xc2: {  	[dreg:$0x1] =	wrdreg $0xFFFFFFFF  }
0xc3: {  	_ =	task.clear_ibuf [dreg:s7], $0x2FFFF;
	_ =	strace $0x9FFFFFFF  }
0xc4: {  	(tm) =	ssettm $0x7FFFFFFF  }
0xc5: {  	_ =	shalt  }
tec
execute0_lowered:
.L_overlay_start_1:
0x0: {  	(tag) =	ssettag $0x1  }
0x1: {  	s0 =	rddreg [dreg:$0x0]  }
0x2: {  	s18 =	rddreg [dreg:$0x1]  }
0x3: {  	s3 =	rddreg [dreg:$0x2]  }
0x4: {  	s4 =	rddreg [dreg:$0x3]  }
0x5: {  	s1 =	srdreg.scid;
	s25 =	stileid.u32;
	s6 =	simm.s32 $0x0  }
0x6: {  	s1 =	sand.u32 $0x1, s1;
	s2 =	sshll.u32 s25, $0x4;
	[smem:$0x7FF] =	sst s6  }
0x7: {  	s17 =	sshll.u32 s25, $0x8;
	s7 =	sadd.s32 $0x6200, s0;
	s9 =	sadd.s32 $0x186600, s0  }
0x8: {  	s12 =	sadd.s32 $0x200, s18;
	s5 =	sshll.u32 s1, $0x3;
	_ =	strace $0x80000047  }
0x9: {  	s6 =	sadd.s32 s17, s0;
	[dreg:$0x5] =	wrdreg s7;
	s8 =	ssub.s32 $0x2, s1  }
0xa: {  	s7 =	sadd.s32 $0x6600, s0;
	[dreg:$0x8] =	wrdreg s12;
	s21 =	sadd.s32 $0x5200, s6  }
0xb: {  	s2 =	sor.u32 s5, s2;
	s22 =	sadd.s32 $0x4200, s6;
	[dreg:$0x9] =	wrdreg s21  }
0xc: {  	s19 =	sshrl.u32 s8, $0x1;
	s23 =	sadd.s32 $0x3200, s6;
	[dreg:$0xa] =	wrdreg s22  }
0xd: {  	s6 =	sadd.s32 $0x2200, s6;
	s5 =	sadd.s32 s2, s0;
	[dreg:$0xb] =	wrdreg s23  }
0xe: {  	s0 =	ssub.s32 s8, s19;
	s19 =	sadd.s32 $0x100, s18;
	[dreg:$0xc] =	wrdreg s6  }
0xf: {  	s20 =	smul.u32 $0x300, s2;
	s5 =	sadd.s32 $0x6400, s5;
	[dreg:$0x7] =	wrdreg s19  }
0x10: {  	s0 =	smax.u32 s0, $0x1;
	[dreg:$0x6] =	wrdreg s5  }
0x11: {  	s17 =	sshll.u32 s25, $0xF;
	s5 =	sadd.s32 s9, s20;
	[dreg:$0x14] =	wrdreg s0  }
0x12: {  	s20 =	sadd.s32 s17, s3;
	[dreg:$0xd] =	wrdreg s5;
	s5 =	sadd.s32 $0x600, s5  }
0x13: {  	s2 =	smul.u32 $0x1800, s2;
	s26 =	sadd.s32 $0x800, s20;
	[dreg:$0xe] =	wrdreg s5  }
0x14: {  	s6 =	sadd.s32 $0x2000, s20;
	[dreg:$0x11] =	wrdreg s26  }
0x15: {  	s2 =	sshrl.u32 s2, $0x3;
	s8 =	sadd.s32 $0x2800, s20;
	[dreg:$0x15] =	wrdreg s6  }
0x16: {  	s2 =	sadd.s32 s9, s2;
	s9 =	sadd.s32 $0x3000, s20;
	[dreg:$0x16] =	wrdreg s8  }
0x17: {  	s10 =	sadd.s32 $0x3800, s20;
	[dreg:$0x17] =	wrdreg s9  }
0x18: {  	s11 =	sadd.s32 $0x4000, s20;
	[dreg:$0x18] =	wrdreg s10  }
0x19: {  	s13 =	sadd.s32 $0x4800, s20;
	[dreg:$0x19] =	wrdreg s11  }
0x1a: {  	s14 =	sadd.s32 $0x5000, s20;
	[dreg:$0x1a] =	wrdreg s13  }
0x1b: {  	s15 =	sadd.s32 $0x5800, s20;
	[dreg:$0x1b] =	wrdreg s14  }
0x1c: {  	s16 =	sadd.s32 $0x6000, s20;
	[dreg:$0x1c] =	wrdreg s15  }
0x1d: {  	s22 =	sadd.s32 $0x6800, s20;
	[dreg:$0x1d] =	wrdreg s16  }
0x1e: {  	s23 =	sadd.s32 $0x7000, s20;
	[dreg:$0x1e] =	wrdreg s22  }
0x1f: {  	s24 =	sadd.s32 $0xC00, s2;
	[dreg:$0x1f] =	wrdreg s23  }
0x20: {  	s31 =	simm.s32 $0x80;
	s2 =	sadd.s32 $0x1200, s2;
	[dreg:$0xf] =	wrdreg s24  }
0x21: {  	s21 =	smul.u32 $0xC, s1;
	s5 =	sadd.s32 $0x1800, s20;
	[dreg:$0x10] =	wrdreg s2  }
0x22: {  	s0 =	simm.s32 $0x6880;
	s2 =	sadd.s32 $0x1000, s20;
	[dreg:$0x13] =	wrdreg s5  }
0x23: {  	s16 =	sadd.s32 s17, s4;
	s24 =	sadd.s32 $0x7800, s20;
	[dreg:$0x12] =	wrdreg s2  }
0x24: {  	s6 =	simm.s32 $0x6080;
	s26 =	sadd.s32 $0x800, s16;
	[smem:$0x7F4] =	sst s24  }
0x25: {  	s8 =	simm.s32 $0x2;
	s1 =	sadd.s32 $0x1000, s16;
	[smem:$0x7F5] =	sst s26  }
0x26: {  	s13 =	simm.s32 $0x3;
	s15 =	sadd.s32 $0x2000, s16;
	[smem:$0x7F6] =	sst s1  }
0x27: {  	s14 =	simm.s32 $0x0;
	s5 =	sadd.s32 $0x2800, s16;
	[smem:$0x7F8] =	sst s15  }
0x28: {  	s9 =	sadd.s32 $0x3000, s16;
	s11 =	sadd.s32 $0x3800, s16;
	[smem:$0x7F9] =	sst s5  }
.Ltmp0:
0x29: {  	v0 =	vlaneseq.u32;
	s10 =	sadd.s32 $0x4000, s16;
	[smem:$0x7FA] =	sst s9;
	(pc) =	sbr.rel .LBB2_1-.Ltmp0, $4  }
0x2a: {  	v1 =	vshrl.u32 v0, $0x3;
	v5 =	vand.u32 $0x7, v0;
	s22 =	sadd.s32 $0x4800, s16;
	s23 =	sadd.s32 $0x5000, s16;
	[smem:$0x7FB] =	sst s11  }
0x2b: {  	v7 =	vor.u32 $0x8, v0;
	v6 =	vmul.u32 $0x8, v1;
	[tilespmem:$0x1FFD0] =	vst v5;
	s28 =	sadd.s32 $0x6800, s16;
	s29 =	sadd.s32 $0x7000, s16;
	[smem:$0x7FC] =	sst s10  }
0x2c: {  	[tilespmem:$0x1FFF0] =	vst v7;
	s30 =	sadd.s32 $0x7800, s16;
	s2 =	sadd.s32 $0x1800, s16;
	[smem:$0x7FD] =	sst s22  }
0x2d: {  	vm0 =	vmmov $0xffff;
	v3 =	vimm.f32 $0.0e+00;
	[tilespmem:$0x1FFE0] =	vst v6;
	s24 =	sadd.s32 $0x5800, s16;
	s26 =	sadd.s32 $0x6000, s16;
	[smem:$0x7F7] =	sst s2  }
.LBB2_14:
0x2e: {  	s2 =	simm.s32 $0x4  }
0x2f: {  	_ =	swait.ge [sflag:s2], $0x1000  }
0x30: {  	[sflag:s2] =	ssyncset.done $0x0  }
0x31: {  	s11 =	simm.s32 $0x5;
	[sflag:s2] =	ssyncadd.s32 $0xFFFFF000  }
0x32: {  	_ =	swait.ge [sflag:s11], $0x1000  }
0x33: {  	s14 =	sld [smem:$0x7F3];
	_ =	sdelay $0x2  }
0x34: {  	s22 =	rddreg [dreg:$0x14];
	s14 =	sadd.s32 $0x1, s14  }
0x35: {  	p0 =	sne.s32 s14, s22  }
.Ltmp1:
0x36: {  	_ = 	snop;
	(pc) =	sbr.rel @!p0 .LBB2_15-.Ltmp1, $4  }
0x37: {  	_ = 	snop  }
0x38: {  	[sflag:s11] =	ssyncset.done $0x0;
	s19 =	rddreg [dreg:$0x7]  }
0x39: {  	s12 =	rddreg [dreg:$0x8];
	[sflag:s11] =	ssyncadd.s32 $0xFFFFF000  }
0x3a: {  	s18 =	rddreg [dreg:$0x1]  }
.LBB2_1:
0x3b: {  	[smem:$0x7F3] =	sst s14  }
0x3c: {  	s2 =	simm.s32 $0x0;
	s11 =	rddreg [dreg:$0x6];
	s14 =	simm.s32 $0x6  }
0x3d: {  	[tilespmem:s2], [sflag:$0x6] =	stream.linear.gather [hbm4b:s11+s2], $0x40, $0x38;
	[tilespmem:$0x16D00] =	vst v63  }
0x3e: {  	_ =	swait.ge [sflag:s14], $0x40  }
0x3f: {  	[sflag:s14] =	ssyncset.done $0x0  }
0x40: {  	[sflag:s14] =	ssyncadd.s32 $0xFFFFFFC0  }
0x41: {  	v0 =	vld [tilespmem:$0x0];
	_ =	sdelay $0x4  }
0x42: {  	v1 =	vshrl.u32 v0, $0x3  }
0x43: {  	v1 =	vmul.u32 $0x30, v1  }
0x44: {  	v0 =	vand.u32 $0x7, v0  }
0x45: {  	v0 =	vor.u32 v0, v1  }
0x46: {  	v1 =	vperm.xlane v0, v5;
	_ =	sdelay $0x1  }
0x47: {  	v1 =	vadd.s32 v6, v1;
	_ =	sdelay $0x3  }
0x48: {  	v0 =	vperm.xlane v0, v7  }
0x49: {  	[tilespmem:s31], [sflag:$0x1] =	stream.indirect_vreg.gather [hbm4b:s18+s2], $0x80, v1, vm0, $0xb8;
	[tilespmem:$0x16D00] =	vst v63  }
0x4a: {  	s22 =	simm.s32 $0x880;
	v0 =	vadd.s32 v6, v0  }
0x4b: {  	[tilespmem:s22], [sflag:$0x1] =	stream.indirect_vreg.gather [hbm4b:s19+s2], $0x80, v1, vm0, $0xb8;
	[tilespmem:$0x16D00] =	vst v63  }
0x4c: {  	s1 =	simm.s32 $0x1080  }
0x4d: {  	[tilespmem:s1], [sflag:$0x1] =	stream.indirect_vreg.gather [hbm4b:s12+s2], $0x80, v1, vm0, $0xb8;
	[tilespmem:$0x16D00] =	vst v63  }
0x4e: {  	s5 =	simm.s32 $0x1880  }
0x4f: {  	[tilespmem:s5], [sflag:$0x1] =	stream.indirect_vreg.gather [hbm4b:s18+s2], $0x80, v0, vm0, $0xb8;
	[tilespmem:$0x16D00] =	vst v63  }
0x50: {  	s9 =	simm.s32 $0x2080  }
0x51: {  	[tilespmem:s9], [sflag:$0x1] =	stream.indirect_vreg.gather [hbm4b:s19+s2], $0x80, v0, vm0, $0xb8;
	[tilespmem:$0x16D00] =	vst v63  }
0x52: {  	s10 =	simm.s32 $0x2880  }
0x53: {  	[tilespmem:s10], [sflag:$0x1] =	stream.indirect_vreg.gather [hbm4b:s12+s2], $0x80, v0, vm0, $0xb8;
	[tilespmem:$0x16D00] =	vst v63  }
0x54: {  	s15 =	rddreg [dreg:$0x9];
	s22 =	simm.s32 $0x3080  }
0x55: {  	[tilespmem:s22], [sflag:$0x6] =	stream.linear.gather [hbm4b:s15+s2], $0x800, $0x38;
	[tilespmem:$0x16D00] =	vst v63  }
0x56: {  	_ =	swait.ge [sflag:s14], $0x800  }
0x57: {  	[sflag:s14] =	ssyncset.done $0x0  }
0x58: {  	s5 =	simm.s32 $0x3880;
	s1 =	rddreg [dreg:$0xa];
	[sflag:s14] =	ssyncadd.s32 $0xFFFFF800  }
0x59: {  	[tilespmem:s5], [sflag:$0x6] =	stream.linear.gather [hbm4b:s1+s2], $0x800, $0x38;
	[tilespmem:$0x16D00] =	vst v63  }
0x5a: {  	_ =	swait.ge [sflag:s14], $0x800  }
0x5b: {  	[sflag:s14] =	ssyncset.done $0x0  }
0x5c: {  	s10 =	simm.s32 $0x4080;
	s9 =	rddreg [dreg:$0xb];
	[sflag:s14] =	ssyncadd.s32 $0xFFFFF800  }
0x5d: {  	[tilespmem:s10], [sflag:$0x6] =	stream.linear.gather [hbm4b:s9+s2], $0x800, $0x38;
	[tilespmem:$0x16D00] =	vst v63  }
0x5e: {  	_ =	swait.ge [sflag:s14], $0x800  }
0x5f: {  	[sflag:s14] =	ssyncset.done $0x0  }
0x60: {  	s15 =	simm.s32 $0x4880;
	s12 =	rddreg [dreg:$0xc];
	[sflag:s14] =	ssyncadd.s32 $0xFFFFF800  }
0x61: {  	[tilespmem:s15], [sflag:$0x6] =	stream.linear.gather [hbm4b:s12+s2], $0x800, $0x38;
	[tilespmem:$0x16D00] =	vst v63  }
0x62: {  	_ =	swait.ge [sflag:s14], $0x800  }
0x63: {  	[sflag:s14] =	ssyncset.done $0x0  }
0x64: {  	s22 =	rddreg [dreg:$0x5];
	[sflag:s14] =	ssyncadd.s32 $0xFFFFF800  }
0x65: {  	[tilespmem:s0], [sflag:$0x6] =	stream.linear.gather [hbm4b:s22+s2], $0x480, $0x38;
	[tilespmem:$0x16D00] =	vst v63  }
0x66: {  	_ =	swait.ge [sflag:s14], $0x480  }
0x67: {  	[sflag:s14] =	ssyncset.done $0x0  }
0x68: {  	s11 =	simm.s32 $0x40;
	s2 =	simm.s32 $0x0;
	[sflag:s14] =	ssyncadd.s32 $0xFFFFFB80  }
.LBB2_2:
0x69: {  	p0 =	sne.s32 s11, $0x11C0;
	v0 =	vld [tilespmem:s2+$0x6880];
	_ =	sdelay $0x4  }
0x6a: {  	v0 =	vmul.f32 $1.442695020e+00, v0;
	_ =	sdelay $0x1  }
0x6b: {  	(erf) = vpow2.f32 v0;
	_ =	sdelay $0x5  }
.Ltmp2:
0x6c: {  	(pc) =	sbr.rel @p0 .LBB2_2-.Ltmp2, $3  }
0x6d: {  	_ =	sdelay $0x1  }
0x6e: {  	v0 =	vpop (erf)  }
0x6f: {  	[tilespmem:s2+$0x6880] =	vst v0;
	s2 =	sshra.s32 s11, $0x2;
	s11 =	sadd.s32 $0x40, s11  }
0x70: {  	v0 =	vld [tilespmem:s2+$0x6880];
	_ =	sdelay $0x4  }
0x71: {  	v0 =	vmul.f32 $1.442695020e+00, v0;
	_ =	sdelay $0x1  }
0x72: {  	(erf) = vpow2.f32 v0;
	_ =	sdelay $0x8  }
0x73: {  	v0 =	vpop (erf)  }
0x74: {  	[tilespmem:s2+$0x6880] =	vst v0  }
0x75: {  	v61 =	vld [tilespmem:$0x4200];
	_ =	sdelay $0x4  }
0x76: {  	[tilespmem:$0x1F200] =	vst v61;
	v61 =	vld [tilespmem:$0x3A00];
	_ =	sdelay $0x4  }
0x77: {  	[tilespmem:$0x1F250] =	vst v61;
	v61 =	vld [tilespmem:$0x3210];
	_ =	sdelay $0x4  }
0x78: {  	[tilespmem:$0x1F210] =	vst v61;
	v61 =	vld [tilespmem:$0x4210];
	_ =	sdelay $0x4  }
0x79: {  	[tilespmem:$0x1F220] =	vst v61;
	v61 =	vld [tilespmem:$0x3A10];
	_ =	sdelay $0x4  }
0x7a: {  	[tilespmem:$0x1F260] =	vst v61;
	v61 =	vld [tilespmem:$0x3220];
	_ =	sdelay $0x4  }
0x7b: {  	[tilespmem:$0x1F230] =	vst v61;
	v61 =	vld [tilespmem:$0x4220];
	_ =	sdelay $0x4  }
0x7c: {  	[tilespmem:$0x1F240] =	vst v61;
	v61 =	vld [tilespmem:$0x3A20];
	_ =	sdelay $0x4  }
0x7d: {  	[tilespmem:$0x1F270] =	vst v61;
	v61 =	vld [tilespmem:$0x3230];
	_ =	sdelay $0x4  }
0x7e: {  	[tilespmem:$0x1F280] =	vst v61;
	v61 =	vld [tilespmem:$0x4230];
	_ =	sdelay $0x4  }
0x7f: {  	[tilespmem:$0x1F290] =	vst v61;
	v61 =	vld [tilespmem:$0x3A30];
	_ =	sdelay $0x4  }
0x80: {  	[tilespmem:$0x1F2E0] =	vst v61;
	v61 =	vld [tilespmem:$0x3240];
	_ =	sdelay $0x4  }
0x81: {  	[tilespmem:$0x1F2A0] =	vst v61;
	v61 =	vld [tilespmem:$0x4240];
	_ =	sdelay $0x4  }
0x82: {  	[tilespmem:$0x1F2B0] =	vst v61;
	v61 =	vld [tilespmem:$0x3A40];
	_ =	sdelay $0x4  }
0x83: {  	[tilespmem:$0x1F2F0] =	vst v61;
	v61 =	vld [tilespmem:$0x3250];
	_ =	sdelay $0x4  }
0x84: {  	[tilespmem:$0x1F2C0] =	vst v61;
	v61 =	vld [tilespmem:$0x4250];
	_ =	sdelay $0x4  }
0x85: {  	[tilespmem:$0x1F2D0] =	vst v61;
	v61 =	vld [tilespmem:$0x3A50];
	_ =	sdelay $0x4  }
0x86: {  	[tilespmem:$0x1F300] =	vst v61;
	v61 =	vld [tilespmem:$0x3260];
	_ =	sdelay $0x4  }
0x87: {  	[tilespmem:$0x1F310] =	vst v61;
	v61 =	vld [tilespmem:$0x4260];
	_ =	sdelay $0x4  }
0x88: {  	[tilespmem:$0x1F320] =	vst v61;
	v61 =	vld [tilespmem:$0x3A60];
	_ =	sdelay $0x4  }
0x89: {  	[tilespmem:$0x1F370] =	vst v61;
	v61 =	vld [tilespmem:$0x3270];
	_ =	sdelay $0x4  }
0x8a: {  	[tilespmem:$0x1F330] =	vst v61;
	v61 =	vld [tilespmem:$0x4270];
	_ =	sdelay $0x4  }
0x8b: {  	[tilespmem:$0x1F340] =	vst v61;
	v61 =	vld [tilespmem:$0x3A70];
	_ =	sdelay $0x4  }
0x8c: {  	[tilespmem:$0x1F380] =	vst v61;
	v61 =	vld [tilespmem:$0x3280];
	_ =	sdelay $0x4  }
0x8d: {  	[tilespmem:$0x1F350] =	vst v61;
	v61 =	vld [tilespmem:$0x4280];
	_ =	sdelay $0x4  }
0x8e: {  	[tilespmem:$0x1F360] =	vst v61;
	v61 =	vld [tilespmem:$0x3A80];
	_ =	sdelay $0x4  }
0x8f: {  	[tilespmem:$0x1F390] =	vst v61;
	v61 =	vld [tilespmem:$0x3290];
	_ =	sdelay $0x4  }
0x90: {  	[tilespmem:$0x1F3A0] =	vst v61;
	v61 =	vld [tilespmem:$0x4290];
	_ =	sdelay $0x4  }
0x91: {  	[tilespmem:$0x1F3B0] =	vst v61;
	v61 =	vld [tilespmem:$0x3A90];
	_ =	sdelay $0x4  }
0x92: {  	[tilespmem:$0x1F400] =	vst v61;
	v61 =	vld [tilespmem:$0x32A0];
	_ =	sdelay $0x4  }
0x93: {  	[tilespmem:$0x1F3C0] =	vst v61;
	v61 =	vld [tilespmem:$0x42A0];
	_ =	sdelay $0x4  }
0x94: {  	[tilespmem:$0x1F3D0] =	vst v61;
	v61 =	vld [tilespmem:$0x3AA0];
	_ =	sdelay $0x4  }
0x95: {  	[tilespmem:$0x1F410] =	vst v61;
	v61 =	vld [tilespmem:$0x32B0];
	_ =	sdelay $0x4  }
0x96: {  	[tilespmem:$0x1F3E0] =	vst v61;
	v61 =	vld [tilespmem:$0x42B0];
	_ =	sdelay $0x4  }
0x97: {  	[tilespmem:$0x1F3F0] =	vst v61;
	v61 =	vld [tilespmem:$0x3AB0];
	_ =	sdelay $0x4  }
0x98: {  	[tilespmem:$0x1F420] =	vst v61;
	v61 =	vld [tilespmem:$0x32C0];
	_ =	sdelay $0x4  }
0x99: {  	[tilespmem:$0x1F430] =	vst v61;
	v61 =	vld [tilespmem:$0x42C0];
	_ =	sdelay $0x4  }
0x9a: {  	[tilespmem:$0x1F440] =	vst v61;
	v61 =	vld [tilespmem:$0x3AC0];
	_ =	sdelay $0x4  }
0x9b: {  	[tilespmem:$0x1F490] =	vst v61;
	v61 =	vld [tilespmem:$0x32D0];
	_ =	sdelay $0x4  }
0x9c: {  	[tilespmem:$0x1F450] =	vst v61;
	v61 =	vld [tilespmem:$0x42D0];
	_ =	sdelay $0x4  }
0x9d: {  	[tilespmem:$0x1F460] =	vst v61;
	v61 =	vld [tilespmem:$0x3AD0];
	_ =	sdelay $0x4  }
0x9e: {  	[tilespmem:$0x1F4A0] =	vst v61;
	v61 =	vld [tilespmem:$0x32E0];
	_ =	sdelay $0x4  }
0x9f: {  	[tilespmem:$0x1F470] =	vst v61;
	v61 =	vld [tilespmem:$0x42E0];
	_ =	sdelay $0x4  }
0xa0: {  	[tilespmem:$0x1F480] =	vst v61;
	v61 =	vld [tilespmem:$0x3AE0];
	_ =	sdelay $0x4  }
0xa1: {  	[tilespmem:$0x1F4B0] =	vst v61;
	v61 =	vld [tilespmem:$0x32F0];
	_ =	sdelay $0x4  }
0xa2: {  	[tilespmem:$0x1F4C0] =	vst v61;
	v61 =	vld [tilespmem:$0x42F0];
	_ =	sdelay $0x4  }
0xa3: {  	[tilespmem:$0x1F4D0] =	vst v61;
	v61 =	vld [tilespmem:$0x3AF0];
	_ =	sdelay $0x4  }
0xa4: {  	[tilespmem:$0x1F520] =	vst v61;
	v61 =	vld [tilespmem:$0x3300];
	_ =	sdelay $0x4  }
0xa5: {  	[tilespmem:$0x1F4E0] =	vst v61;
	v61 =	vld [tilespmem:$0x4300];
	_ =	sdelay $0x4  }
0xa6: {  	[tilespmem:$0x1F4F0] =	vst v61;
	v61 =	vld [tilespmem:$0x3B00];
	_ =	sdelay $0x4  }
0xa7: {  	[tilespmem:$0x1F530] =	vst v61;
	v61 =	vld [tilespmem:$0x3310];
	_ =	sdelay $0x4  }
0xa8: {  	[tilespmem:$0x1F500] =	vst v61;
	v61 =	vld [tilespmem:$0x4310];
	_ =	sdelay $0x4  }
0xa9: {  	[tilespmem:$0x1F510] =	vst v61;
	v61 =	vld [tilespmem:$0x3B10];
	_ =	sdelay $0x4  }
0xaa: {  	[tilespmem:$0x1F540] =	vst v61;
	v61 =	vld [tilespmem:$0x3320];
	_ =	sdelay $0x4  }
0xab: {  	[tilespmem:$0x1F550] =	vst v61;
	v61 =	vld [tilespmem:$0x4320];
	_ =	sdelay $0x4  }
0xac: {  	[tilespmem:$0x1F560] =	vst v61;
	v61 =	vld [tilespmem:$0x3B20];
	_ =	sdelay $0x4  }
0xad: {  	[tilespmem:$0x1F5B0] =	vst v61;
	v61 =	vld [tilespmem:$0x3330];
	_ =	sdelay $0x4  }
0xae: {  	[tilespmem:$0x1F570] =	vst v61;
	v61 =	vld [tilespmem:$0x4330];
	_ =	sdelay $0x4  }
0xaf: {  	[tilespmem:$0x1F580] =	vst v61;
	v61 =	vld [tilespmem:$0x3B30];
	_ =	sdelay $0x4  }
0xb0: {  	[tilespmem:$0x1F5C0] =	vst v61;
	v61 =	vld [tilespmem:$0x3340];
	_ =	sdelay $0x4  }
0xb1: {  	[tilespmem:$0x1F590] =	vst v61;
	v61 =	vld [tilespmem:$0x4340];
	_ =	sdelay $0x4  }
0xb2: {  	[tilespmem:$0x1F5A0] =	vst v61;
	v61 =	vld [tilespmem:$0x3B40];
	_ =	sdelay $0x4  }
0xb3: {  	[tilespmem:$0x1F5D0] =	vst v61;
	v61 =	vld [tilespmem:$0x3350];
	_ =	sdelay $0x4  }
0xb4: {  	[tilespmem:$0x1F5E0] =	vst v61;
	v61 =	vld [tilespmem:$0x4350];
	_ =	sdelay $0x4  }
0xb5: {  	[tilespmem:$0x1F5F0] =	vst v61;
	v61 =	vld [tilespmem:$0x3B50];
	_ =	sdelay $0x4  }
0xb6: {  	[tilespmem:$0x1F640] =	vst v61;
	v61 =	vld [tilespmem:$0x3360];
	_ =	sdelay $0x4  }
0xb7: {  	[tilespmem:$0x1F600] =	vst v61;
	v61 =	vld [tilespmem:$0x4360];
	_ =	sdelay $0x4  }
0xb8: {  	[tilespmem:$0x1F610] =	vst v61;
	v61 =	vld [tilespmem:$0x3B60];
	_ =	sdelay $0x4  }
0xb9: {  	[tilespmem:$0x1F650] =	vst v61;
	v61 =	vld [tilespmem:$0x3370];
	_ =	sdelay $0x4  }
0xba: {  	[tilespmem:$0x1F620] =	vst v61;
	v61 =	vld [tilespmem:$0x4370];
	_ =	sdelay $0x4  }
0xbb: {  	[tilespmem:$0x1F630] =	vst v61;
	v61 =	vld [tilespmem:$0x3B70];
	_ =	sdelay $0x4  }
0xbc: {  	[tilespmem:$0x1F660] =	vst v61;
	v61 =	vld [tilespmem:$0x3380];
	_ =	sdelay $0x4  }
0xbd: {  	[tilespmem:$0x1F670] =	vst v61;
	v61 =	vld [tilespmem:$0x4380];
	_ =	sdelay $0x4  }
0xbe: {  	[tilespmem:$0x1F680] =	vst v61;
	v61 =	vld [tilespmem:$0x3B80];
	_ =	sdelay $0x4  }
0xbf: {  	[tilespmem:$0x1F6D0] =	vst v61;
	v61 =	vld [tilespmem:$0x3390];
	_ =	sdelay $0x4  }
0xc0: {  	[tilespmem:$0x1F690] =	vst v61;
	v61 =	vld [tilespmem:$0x4390];
	_ =	sdelay $0x4  }
0xc1: {  	[tilespmem:$0x1F6A0] =	vst v61;
	v61 =	vld [tilespmem:$0x3B90];
	_ =	sdelay $0x4  }
0xc2: {  	[tilespmem:$0x1F6E0] =	vst v61;
	v61 =	vld [tilespmem:$0x33A0];
	_ =	sdelay $0x4  }
0xc3: {  	[tilespmem:$0x1F6B0] =	vst v61;
	v61 =	vld [tilespmem:$0x43A0];
	_ =	sdelay $0x4  }
0xc4: {  	[tilespmem:$0x1F6C0] =	vst v61;
	v61 =	vld [tilespmem:$0x3BA0];
	_ =	sdelay $0x4  }
0xc5: {  	[tilespmem:$0x1F6F0] =	vst v61;
	v61 =	vld [tilespmem:$0x33B0];
	_ =	sdelay $0x4  }
0xc6: {  	[tilespmem:$0x1F700] =	vst v61;
	v61 =	vld [tilespmem:$0x43B0];
	_ =	sdelay $0x4  }
0xc7: {  	[tilespmem:$0x1F710] =	vst v61;
	v61 =	vld [tilespmem:$0x3BB0];
	_ =	sdelay $0x4  }
0xc8: {  	[tilespmem:$0x1F760] =	vst v61;
	v61 =	vld [tilespmem:$0x33C0];
	_ =	sdelay $0x4  }
0xc9: {  	[tilespmem:$0x1F720] =	vst v61;
	v61 =	vld [tilespmem:$0x43C0];
	_ =	sdelay $0x4  }
0xca: {  	[tilespmem:$0x1F730] =	vst v61;
	v61 =	vld [tilespmem:$0x3BC0];
	_ =	sdelay $0x4  }
0xcb: {  	[tilespmem:$0x1F770] =	vst v61;
	v61 =	vld [tilespmem:$0x33D0];
	_ =	sdelay $0x4  }
0xcc: {  	[tilespmem:$0x1F740] =	vst v61;
	v61 =	vld [tilespmem:$0x43D0];
	_ =	sdelay $0x4  }
0xcd: {  	[tilespmem:$0x1F750] =	vst v61;
	v61 =	vld [tilespmem:$0x3BD0];
	_ =	sdelay $0x4  }
0xce: {  	[tilespmem:$0x1F780] =	vst v61;
	v61 =	vld [tilespmem:$0x33E0];
	_ =	sdelay $0x4  }
0xcf: {  	[tilespmem:$0x1F790] =	vst v61;
	v61 =	vld [tilespmem:$0x43E0];
	_ =	sdelay $0x4  }
0xd0: {  	[tilespmem:$0x1F7A0] =	vst v61;
	v61 =	vld [tilespmem:$0x3BE0];
	_ =	sdelay $0x4  }
0xd1: {  	[tilespmem:$0x1F7F0] =	vst v61;
	v61 =	vld [tilespmem:$0x33F0];
	_ =	sdelay $0x4  }
0xd2: {  	[tilespmem:$0x1F7B0] =	vst v61;
	v61 =	vld [tilespmem:$0x43F0];
	_ =	sdelay $0x4  }
0xd3: {  	[tilespmem:$0x1F7C0] =	vst v61;
	v61 =	vld [tilespmem:$0x3BF0];
	_ =	sdelay $0x4  }
0xd4: {  	[tilespmem:$0x1F800] =	vst v61;
	v61 =	vld [tilespmem:$0x3400];
	_ =	sdelay $0x4  }
0xd5: {  	[tilespmem:$0x1F7D0] =	vst v61;
	v61 =	vld [tilespmem:$0x4400];
	_ =	sdelay $0x4  }
0xd6: {  	[tilespmem:$0x1F7E0] =	vst v61;
	v61 =	vld [tilespmem:$0x3C00];
	_ =	sdelay $0x4  }
0xd7: {  	[tilespmem:$0x1F810] =	vst v61;
	v61 =	vld [tilespmem:$0x3410];
	_ =	sdelay $0x4  }
0xd8: {  	[tilespmem:$0x1F820] =	vst v61;
	v61 =	vld [tilespmem:$0x4410];
	_ =	sdelay $0x4  }
0xd9: {  	[tilespmem:$0x1F830] =	vst v61;
	v61 =	vld [tilespmem:$0x3C10];
	_ =	sdelay $0x4  }
0xda: {  	[tilespmem:$0x1F880] =	vst v61;
	v61 =	vld [tilespmem:$0x3420];
	_ =	sdelay $0x4  }
0xdb: {  	[tilespmem:$0x1F840] =	vst v61;
	v61 =	vld [tilespmem:$0x4420];
	_ =	sdelay $0x4  }
0xdc: {  	[tilespmem:$0x1F850] =	vst v61;
	v61 =	vld [tilespmem:$0x3C20];
	_ =	sdelay $0x4  }
0xdd: {  	[tilespmem:$0x1F890] =	vst v61;
	v61 =	vld [tilespmem:$0x3430];
	_ =	sdelay $0x4  }
0xde: {  	[tilespmem:$0x1F860] =	vst v61;
	v61 =	vld [tilespmem:$0x4430];
	_ =	sdelay $0x4  }
0xdf: {  	[tilespmem:$0x1F870] =	vst v61;
	v61 =	vld [tilespmem:$0x3C30];
	_ =	sdelay $0x4  }
0xe0: {  	[tilespmem:$0x1F8A0] =	vst v61;
	v61 =	vld [tilespmem:$0x3440];
	_ =	sdelay $0x4  }
0xe1: {  	[tilespmem:$0x1F8B0] =	vst v61;
	v61 =	vld [tilespmem:$0x4440];
	_ =	sdelay $0x4  }
0xe2: {  	[tilespmem:$0x1F8C0] =	vst v61;
	v61 =	vld [tilespmem:$0x3C40];
	_ =	sdelay $0x4  }
0xe3: {  	[tilespmem:$0x1F910] =	vst v61;
	v61 =	vld [tilespmem:$0x3450];
	_ =	sdelay $0x4  }
0xe4: {  	[tilespmem:$0x1F8D0] =	vst v61;
	v61 =	vld [tilespmem:$0x4450];
	_ =	sdelay $0x4  }
0xe5: {  	[tilespmem:$0x1F8E0] =	vst v61;
	v61 =	vld [tilespmem:$0x3C50];
	_ =	sdelay $0x4  }
0xe6: {  	[tilespmem:$0x1F920] =	vst v61;
	v61 =	vld [tilespmem:$0x3460];
	_ =	sdelay $0x4  }
0xe7: {  	[tilespmem:$0x1F8F0] =	vst v61;
	v61 =	vld [tilespmem:$0x4460];
	_ =	sdelay $0x4  }
0xe8: {  	[tilespmem:$0x1F900] =	vst v61;
	v61 =	vld [tilespmem:$0x3C60];
	_ =	sdelay $0x4  }
0xe9: {  	[tilespmem:$0x1F930] =	vst v61;
	v61 =	vld [tilespmem:$0x3470];
	_ =	sdelay $0x4  }
0xea: {  	[tilespmem:$0x1F940] =	vst v61;
	v61 =	vld [tilespmem:$0x4470];
	_ =	sdelay $0x4  }
0xeb: {  	[tilespmem:$0x1F950] =	vst v61;
	v61 =	vld [tilespmem:$0x3C70];
	_ =	sdelay $0x4  }
0xec: {  	[tilespmem:$0x1F9A0] =	vst v61;
	v61 =	vld [tilespmem:$0x3480];
	_ =	sdelay $0x4  }
0xed: {  	[tilespmem:$0x1F960] =	vst v61;
	v61 =	vld [tilespmem:$0x4480];
	_ =	sdelay $0x4  }
0xee: {  	[tilespmem:$0x1F970] =	vst v61;
	v61 =	vld [tilespmem:$0x3C80];
	_ =	sdelay $0x4  }
0xef: {  	[tilespmem:$0x1F9B0] =	vst v61;
	v61 =	vld [tilespmem:$0x3490];
	_ =	sdelay $0x4  }
0xf0: {  	[tilespmem:$0x1F980] =	vst v61;
	v61 =	vld [tilespmem:$0x4490];
	_ =	sdelay $0x4  }
0xf1: {  	[tilespmem:$0x1F990] =	vst v61;
	v61 =	vld [tilespmem:$0x3C90];
	_ =	sdelay $0x4  }
0xf2: {  	[tilespmem:$0x1F9C0] =	vst v61;
	v61 =	vld [tilespmem:$0x34A0];
	_ =	sdelay $0x2  }
0xf3: {  	v0 =	vld [tilespmem:$0x3080]  }
0xf4: {  	v1 =	vld [tilespmem:$0x4080]  }
0xf5: {  	[tilespmem:$0x1F9D0] =	vst v61;
	v61 =	vld [tilespmem:$0x44A0]  }
0xf6: {  	v2 =	vld [tilespmem:$0x3880]  }
0xf7: {  	v4 =	vld [tilespmem:$0x3090]  }
0xf8: {  	v5 =	vld [tilespmem:$0x4090]  }
0xf9: {  	v6 =	vld [tilespmem:$0x30A0]  }
0xfa: {  	[tilespmem:$0x1F9E0] =	vst v61;
	v61 =	vld [tilespmem:$0x3CA0]  }
0xfb: {  	v7 =	vld [tilespmem:$0x40A0]  }
0xfc: {  	v8 =	vld [tilespmem:$0x3890]  }
0xfd: {  	v9 =	vld [tilespmem:$0x38A0]  }
0xfe: {  	v13 =	vld [tilespmem:$0x38B0]  }
0xff: {  	[tilespmem:$0x1FA30] =	vst v61;
	v61 =	vld [tilespmem:$0x34B0]  }
0x100: {  	v10 =	vld [tilespmem:$0x38D0]  }
0x101: {  	v22 =	vld [tilespmem:$0x38E0]  }
0x102: {  	v11 =	vld [tilespmem:$0x30F0]  }
0x103: {  	v12 =	vld [tilespmem:$0x40F0]  }
0x104: {  	[tilespmem:$0x1F9F0] =	vst v61;
	v61 =	vld [tilespmem:$0x44B0]  }
0x105: {  	v17 =	vld [tilespmem:$0x38F0]  }
0x106: {  	v14 =	vld [tilespmem:$0x3100]  }
0x107: {  	v15 =	vld [tilespmem:$0x4100]  }
0x108: {  	v18 =	vld [tilespmem:$0x3900]  }
0x109: {  	[tilespmem:$0x1FA00] =	vst v61;
	v61 =	vld [tilespmem:$0x3CB0]  }
0x10a: {  	v19 =	vld [tilespmem:$0x3110]  }
0x10b: {  	v16 =	vld [tilespmem:$0x4110]  }
0x10c: {  	v31 =	vld [tilespmem:$0x3910]  }
0x10d: {  	v21 =	vld [tilespmem:$0x3120]  }
0x10e: {  	[tilespmem:$0x1FA40] =	vst v61;
	v61 =	vld [tilespmem:$0x34C0]  }
0x10f: {  	v20 =	vld [tilespmem:$0x4120]  }
0x110: {  	v25 =	vld [tilespmem:$0x3920]  }
0x111: {  	v23 =	vld [tilespmem:$0x3130]  }
0x112: {  	v24 =	vld [tilespmem:$0x4130]  }
0x113: {  	[tilespmem:$0x1FA10] =	vst v61;
	v61 =	vld [tilespmem:$0x44C0]  }
0x114: {  	v26 =	vld [tilespmem:$0x3930]  }
0x115: {  	v27 =	vld [tilespmem:$0x3140]  }
0x116: {  	v28 =	vld [tilespmem:$0x4140]  }
0x117: {  	v40 =	vld [tilespmem:$0x3940]  }
0x118: {  	[tilespmem:$0x1FA20] =	vst v61;
	v61 =	vld [tilespmem:$0x3CC0]  }
0x119: {  	v29 =	vld [tilespmem:$0x3150]  }
0x11a: {  	v30 =	vld [tilespmem:$0x4150]  }
0x11b: {  	v37 =	vld [tilespmem:$0x3950]  }
0x11c: {  	v32 =	vld [tilespmem:$0x3160]  }
0x11d: {  	[tilespmem:$0x1FA50] =	vst v61;
	v61 =	vld [tilespmem:$0x34D0]  }
0x11e: {  	v33 =	vld [tilespmem:$0x4160]  }
0x11f: {  	v34 =	vld [tilespmem:$0x3960]  }
0x120: {  	v35 =	vld [tilespmem:$0x3170]  }
0x121: {  	v36 =	vld [tilespmem:$0x4170]  }
0x122: {  	[tilespmem:$0x1FA60] =	vst v61;
	v61 =	vld [tilespmem:$0x44D0]  }
0x123: {  	v49 =	vld [tilespmem:$0x3970]  }
0x124: {  	v39 =	vld [tilespmem:$0x3180]  }
0x125: {  	v38 =	vld [tilespmem:$0x4180]  }
0x126: {  	v45 =	vld [tilespmem:$0x3980]  }
0x127: {  	[tilespmem:$0x1FA70] =	vst v61;
	v61 =	vld [tilespmem:$0x3CD0]  }
0x128: {  	v41 =	vld [tilespmem:$0x3190]  }
0x129: {  	v42 =	vld [tilespmem:$0x4190]  }
0x12a: {  	v46 =	vld [tilespmem:$0x3990]  }
0x12b: {  	v43 =	vld [tilespmem:$0x31A0]  }
0x12c: {  	[tilespmem:$0x1FAC0] =	vst v61;
	v61 =	vld [tilespmem:$0x34E0]  }
0x12d: {  	v44 =	vld [tilespmem:$0x41A0]  }
0x12e: {  	v58 =	vld [tilespmem:$0x39A0]  }
0x12f: {  	v47 =	vld [tilespmem:$0x31B0]  }
0x130: {  	v48 =	vld [tilespmem:$0x41B0]  }
0x131: {  	[tilespmem:$0x1FA80] =	vst v61;
	v61 =	vld [tilespmem:$0x44E0]  }
0x132: {  	v53 =	vld [tilespmem:$0x39B0]  }
0x133: {  	v50 =	vld [tilespmem:$0x31C0]  }
0x134: {  	v51 =	vld [tilespmem:$0x41C0]  }
0x135: {  	v54 =	vld [tilespmem:$0x39C0]  }
0x136: {  	[tilespmem:$0x1FA90] =	vst v61;
	v61 =	vld [tilespmem:$0x3CE0]  }
0x137: {  	v55 =	vld [tilespmem:$0x31D0]  }
0x138: {  	v52 =	vld [tilespmem:$0x41D0];
	v0 =	vshll.u32 v0, $0x10;
	v1 =	vshll.u32 v1, $0x8  }
0x139: {  	v56 =	vld [tilespmem:$0x39D0];
	v0 =	vadd.s32 v0, v1  }
0x13a: {  	v57 =	vld [tilespmem:$0x31E0];
	v1 =	vshll.u32 v4, $0x10;
	v0 =	vadd.s32 v2, v0;
	v2 =	vshll.u32 v5, $0x8  }
0x13b: {  	v4 =	vshll.u32 v7, $0x8;
	v1 =	vadd.s32 v1, v2;
	v2 =	vshll.u32 v6, $0x10;
	[tilespmem:$0x1FAD0] =	vst v61;
	v61 =	vld [tilespmem:$0x34F0]  }
0x13c: {  	[tilespmem:$0x5080] =	vst v0;
	v0 =	vadd.s32 v8, v1;
	v1 =	vadd.s32 v2, v4;
	v2 =	vld [tilespmem:$0x30C0]  }
0x13d: {  	[tilespmem:$0x5090] =	vst v0;
	v0 =	vadd.s32 v9, v1;
	v1 =	vld [tilespmem:$0x40B0]  }
0x13e: {  	[tilespmem:$0x50A0] =	vst v0;
	v0 =	vld [tilespmem:$0x30B0]  }
0x13f: {  	v4 =	vld [tilespmem:$0x40C0]  }
0x140: {  	[tilespmem:$0x1FAA0] =	vst v61;
	v61 =	vld [tilespmem:$0x44F0]  }
0x141: {  	v5 =	vld [tilespmem:$0x30D0]  }
0x142: {  	v6 =	vld [tilespmem:$0x40D0]  }
0x143: {  	v9 =	vld [tilespmem:$0x38C0];
	v1 =	vshll.u32 v1, $0x8;
	v0 =	vshll.u32 v0, $0x10  }
0x144: {  	v0 =	vadd.s32 v0, v1;
	v1 =	vshll.u32 v2, $0x10;
	v2 =	vshll.u32 v4, $0x8;
	v4 =	vld [tilespmem:$0x3520]  }
0x145: {  	[tilespmem:$0x1FAB0] =	vst v61;
	v61 =	vld [tilespmem:$0x3CF0]  }
0x146: {  	v1 =	vadd.s32 v1, v2;
	v2 =	vld [tilespmem:$0x4520]  }
0x147: {  	v59 =	vld [tilespmem:$0x39E0]  }
0x148: {  	v7 =	vld [tilespmem:$0x30E0]  }
0x149: {  	v8 =	vld [tilespmem:$0x40E0];
	[tilespmem:$0x1FB30] =	vst v4  }
0x14a: {  	[tilespmem:$0x1FAE0] =	vst v61;
	v61 =	vld [tilespmem:$0x3500]  }
0x14b: {  	v4 =	vshll.u32 v5, $0x10;
	v5 =	vshll.u32 v6, $0x8;
	[tilespmem:$0x1FB40] =	vst v2;
	v2 =	vadd.s32 v9, v1;
	v1 =	vld [tilespmem:$0x3D20]  }
0x14c: {  	v13 =	vadd.s32 v13, v0;
	v0 =	vadd.s32 v4, v5;
	v5 =	vld [tilespmem:$0x3530]  }
0x14d: {  	v60 =	vld [tilespmem:$0x41F0]  }
0x14e: {  	v62 =	vld [tilespmem:$0x39F0];
	[tilespmem:$0x1F1E0] =	vst v56  }
0x14f: {  	[tilespmem:$0x1FAF0] =	vst v61;
	v61 =	vld [tilespmem:$0x4500]  }
0x150: {  	v63 =	vld [tilespmem:$0x3200];
	v4 =	vshll.u32 v8, $0x8;
	[tilespmem:$0x1FB70] =	vst v1;
	v1 =	vshll.u32 v7, $0x10  }
0x151: {  	v56 =	vld [tilespmem:$0x41E0];
	[tilespmem:$0x1FB80] =	vst v5;
	v5 =	vshll.u32 v12, $0x8;
	v1 =	vadd.s32 v1, v4;
	v4 =	vshll.u32 v11, $0x10  }
0x152: {  	v4 =	vadd.s32 v4, v5;
	v5 =	vld [tilespmem:$0x3D30]  }
0x153: {  	v12 =	vadd.s32 v22, v1;
	v22 =	vld [tilespmem:$0x3D40]  }
0x154: {  	v0 =	vadd.s32 v10, v0;
	v10 =	vshll.u32 v14, $0x10;
	v11 =	vshll.u32 v15, $0x8;
	[tilespmem:$0x1FB00] =	vst v61;
	v61 =	vld [tilespmem:$0x3D00]  }
0x155: {  	[tilespmem:$0x1F1F0] =	vst v59;
	v59 =	vld [tilespmem:$0x31F0];
	v1 =	vadd.s32 v10, v11  }
0x156: {  	v1 =	vadd.s32 v18, v1;
	v18 =	vld [tilespmem:$0x4540]  }
0x157: {  	[tilespmem:$0x1FBE0] =	vst v5;
	v5 =	vadd.s32 v17, v4;
	v4 =	vld [tilespmem:$0x3540]  }
0x158: {  	[tilespmem:$0x1FBF0] =	vst v22;
	v22 =	vshll.u32 v29, $0x10;
	v29 =	vld [tilespmem:$0x3D60]  }
0x159: {  	[tilespmem:$0x1FB50] =	vst v61;
	v61 =	vld [tilespmem:$0x3510]  }
0x15a: {  	v9 =	vld [tilespmem:$0x4530]  }
0x15b: {  	v14 =	vshll.u32 v24, $0x8;
	v24 =	vld [tilespmem:$0x3560];
	[tilespmem:$0x1FBB0] =	vst v18  }
0x15c: {  	v18 =	vld [tilespmem:$0x4550];
	[tilespmem:$0x1FBA0] =	vst v4  }
0x15d: {  	[tilespmem:$0x1FC70] =	vst v29;
	v29 =	vld [tilespmem:$0x1F1E0]  }
0x15e: {  	v17 =	vshll.u32 v16, $0x8;
	v4 =	vshll.u32 v19, $0x10;
	[tilespmem:$0x1FB10] =	vst v61;
	v61 =	vld [tilespmem:$0x4510]  }
0x15f: {  	v19 =	vshll.u32 v21, $0x10;
	v21 =	vshll.u32 v20, $0x8;
	v4 =	vadd.s32 v4, v17;
	v17 =	vld [tilespmem:$0x3550]  }
0x160: {  	v6 =	vadd.s32 v19, v21;
	v21 =	vld [tilespmem:$0x3D50]  }
0x161: {  	v16 =	vadd.s32 v31, v4;
	v7 =	vadd.s32 v25, v6;
	v25 =	vshll.u32 v32, $0x10;
	v32 =	vld [tilespmem:$0x3570]  }
0x162: {  	v31 =	vshll.u32 v36, $0x8;
	v36 =	vshll.u32 v41, $0x10;
	v41 =	vshll.u32 v43, $0x10;
	v43 =	vld [tilespmem:$0x4580]  }
0x163: {  	v20 =	vshll.u32 v28, $0x8;
	v19 =	vshll.u32 v27, $0x10;
	[tilespmem:$0x1FB20] =	vst v61;
	v61 =	vld [tilespmem:$0x3D10]  }
0x164: {  	v27 =	vld [tilespmem:$0x4560];
	v6 =	vadd.s32 v19, v20  }
0x165: {  	[tilespmem:$0x1FBD0] =	vst v18;
	v18 =	vadd.s32 v40, v6;
	v40 =	vld [tilespmem:$0x3580]  }
0x166: {  	[tilespmem:$0x1FC30] =	vst v32;
	v32 =	vld [tilespmem:$0x3DA0]  }
0x167: {  	[tilespmem:$0x1FC60] =	vst v43;
	v43 =	vld [tilespmem:$0x3DB0]  }
0x168: {  	[tilespmem:$0x1FB60] =	vst v61;
	v61 =	vshll.u32 v23, $0x10;
	v23 =	vshll.u32 v30, $0x8;
	v30 =	vshll.u32 v35, $0x10;
	v35 =	vld [tilespmem:$0x4570]  }
0x169: {  	v4 =	vadd.s32 v61, v14;
	v8 =	vadd.s32 v22, v23;
	v61 =	vld [tilespmem:$0x35A0]  }
0x16a: {  	[tilespmem:$0x1FB90] =	vst v9;
	v9 =	vadd.s32 v37, v8;
	v8 =	vadd.s32 v30, v31;
	v30 =	vld [tilespmem:$0x1F1F0]  }
0x16b: {  	v4 =	vadd.s32 v26, v4;
	v37 =	vshll.u32 v42, $0x8;
	v20 =	vadd.s32 v49, v8;
	v49 =	vld [tilespmem:$0x3590]  }
0x16c: {  	v26 =	vshll.u32 v33, $0x8;
	v33 =	vshll.u32 v39, $0x10;
	v39 =	vadd.s32 v36, v37;
	v36 =	vld [tilespmem:$0x1F210]  }
0x16d: {  	v28 =	vadd.s32 v25, v26;
	v37 =	vld [tilespmem:$0x1F220]  }
0x16e: {  	v6 =	vadd.s32 v34, v28;
	v34 =	vshll.u32 v38, $0x8;
	v38 =	vld [tilespmem:$0x3D70]  }
0x16f: {  	v8 =	vadd.s32 v46, v39;
	v46 =	vld [tilespmem:$0x3D80]  }
0x170: {  	[tilespmem:$0x1FC10] =	vst v24;
	v28 =	vld [tilespmem:$0x45A0]  }
0x171: {  	[tilespmem:$0x1FBC0] =	vst v17;
	v39 =	vld [tilespmem:$0x1F230]  }
0x172: {  	[tilespmem:$0x1FC00] =	vst v21;
	v10 =	vadd.s32 v33, v34;
	v34 =	vld [tilespmem:$0x1F200]  }
0x173: {  	v42 =	vshll.u32 v44, $0x8;
	[tilespmem:$0x1FC40] =	vst v35;
	v35 =	vld [tilespmem:$0x35B0]  }
0x174: {  	[tilespmem:$0x1FC20] =	vst v27;
	v11 =	vadd.s32 v45, v10;
	v45 =	vshll.u32 v48, $0x8;
	v48 =	vshll.u32 v51, $0x8;
	v51 =	vld [tilespmem:$0x4590]  }
0x175: {  	[tilespmem:$0x1FC50] =	vst v40;
	v44 =	vshll.u32 v47, $0x10;
	v10 =	vadd.s32 v41, v42;
	v41 =	vld [tilespmem:$0x1F240]  }
0x176: {  	[tilespmem:$0x1FD10] =	vst v32;
	v14 =	vadd.s32 v44, v45;
	v44 =	vld [tilespmem:$0x1F250]  }
0x177: {  	[tilespmem:$0x1FD20] =	vst v43;
	v47 =	vshll.u32 v50, $0x10;
	v45 =	vld [tilespmem:$0x1F260]  }
0x178: {  	[tilespmem:$0x1FCC0] =	vst v61;
	v50 =	vadd.s32 v47, v48;
	v47 =	vld [tilespmem:$0x35C0]  }
0x179: {  	v48 =	vld [tilespmem:$0x1F270];
	[tilespmem:$0x1FCA0] =	vst v49  }
0x17a: {  	v15 =	vadd.s32 v53, v14;
	v53 =	vshll.u32 v55, $0x10;
	v55 =	vld [tilespmem:$0x3D90];
	[tilespmem:$0x1FC80] =	vst v38  }
0x17b: {  	v49 =	vld [tilespmem:$0x1F280];
	[tilespmem:$0x1FC90] =	vst v46  }
0x17c: {  	v26 =	vadd.s32 v58, v10;
	v10 =	vadd.s32 v54, v50;
	v54 =	vshll.u32 v52, $0x8;
	[tilespmem:$0x1FCD0] =	vst v28;
	v38 =	vld [tilespmem:$0x45B0]  }
0x17d: {  	v14 =	vadd.s32 v53, v54;
	v54 =	vld [tilespmem:$0x3DC0];
	[tilespmem:$0x1FCE0] =	vst v35  }
0x17e: {  	[tilespmem:$0x1FCB0] =	vst v51;
	v51 =	vld [tilespmem:$0x45C0]  }
0x17f: {  	v50 =	vld [tilespmem:$0x1F290];
	[tilespmem:$0x1FD30] =	vst v47  }
0x180: {  	v57 =	vshll.u32 v57, $0x10;
	v58 =	vshll.u32 v56, $0x8;
	v52 =	vld [tilespmem:$0x1F2A0];
	[tilespmem:$0x1FD00] =	vst v55  }
0x181: {  	v17 =	vadd.s32 v57, v58;
	v57 =	vld [tilespmem:$0x1F2D0];
	[tilespmem:$0x1FCF0] =	vst v38  }
0x182: {  	v53 =	vld [tilespmem:$0x1F2B0];
	[tilespmem:$0x1FD90] =	vst v54  }
0x183: {  	v55 =	vld [tilespmem:$0x1F2C0];
	[tilespmem:$0x1FD40] =	vst v51  }
0x184: {  	v24 =	vshll.u32 v59, $0x10;
	v59 =	vld [tilespmem:$0x35D0]  }
0x185: {  	v25 =	vshll.u32 v60, $0x8;
	v60 =	vld [tilespmem:$0x1F2E0]  }
0x186: {  	v61 =	vld [tilespmem:$0x1F2F0]  }
0x187: {  	v33 =	vshll.u32 v63, $0x10;
	v63 =	vld [tilespmem:$0x45D0]  }
0x188: {  	v31 =	vadd.s32 v24, v25;
	v25 =	vld [tilespmem:$0x1F300]  }
0x189: {  	v27 =	vld [tilespmem:$0x1F310]  }
0x18a: {  	v28 =	vadd.s32 v29, v14;
	v29 =	vld [tilespmem:$0x1F320]  }
0x18b: {  	v19 =	vadd.s32 v30, v17;
	v30 =	vld [tilespmem:$0x3DD0]  }
0x18c: {  	v14 =	vadd.s32 v62, v31;
	v31 =	vld [tilespmem:$0x1F330]  }
0x18d: {  	v32 =	vld [tilespmem:$0x1F340]  }
0x18e: {  	v21 =	vshll.u32 v34, $0x8;
	v35 =	vld [tilespmem:$0x35E0]  }
0x18f: {  	v17 =	vadd.s32 v33, v21;
	v21 =	vshll.u32 v36, $0x10;
	v36 =	vld [tilespmem:$0x1F350]  }
0x190: {  	v40 =	vshll.u32 v39, $0x10;
	v42 =	vshll.u32 v41, $0x8;
	v38 =	vld [tilespmem:$0x1F360]  }
0x191: {  	v46 =	vadd.s32 v40, v42;
	v40 =	vld [tilespmem:$0x45E0]  }
0x192: {  	v41 =	vld [tilespmem:$0x1F370]  }
0x193: {  	v22 =	vshll.u32 v37, $0x8;
	v42 =	vld [tilespmem:$0x1F380]  }
0x194: {  	v21 =	vadd.s32 v21, v22;
	v33 =	vadd.s32 v44, v17;
	v44 =	vld [tilespmem:$0x3DE0]  }
0x195: {  	v22 =	vadd.s32 v45, v21;
	v45 =	vld [tilespmem:$0x1F390]  }
0x196: {  	v17 =	vadd.s32 v48, v46;
	v46 =	vld [tilespmem:$0x1F3A0]  }
0x197: {  	v47 =	vld [tilespmem:$0x1F3B0]  }
0x198: {  	v48 =	vld [tilespmem:$0x35F0]  }
0x199: {  	v21 =	vshll.u32 v49, $0x10;
	v49 =	vld [tilespmem:$0x1F3C0]  }
0x19a: {  	v23 =	vshll.u32 v50, $0x8;
	v50 =	vld [tilespmem:$0x1F3D0]  }
0x19b: {  	v51 =	vld [tilespmem:$0x45F0]  }
0x19c: {  	v21 =	vadd.s32 v21, v23;
	v23 =	vshll.u32 v52, $0x10;
	v52 =	vld [tilespmem:$0x1F3E0]  }
0x19d: {  	v24 =	vshll.u32 v53, $0x8;
	v53 =	vld [tilespmem:$0x1F3F0]  }
0x19e: {  	v58 =	vshll.u32 v57, $0x8;
	v57 =	vld [tilespmem:$0x1F410]  }
0x19f: {  	[tilespmem:$0x50F0] =	vst v5;
	v5 =	vld [tilespmem:$0x1F4B0]  }
0x1a0: {  	[tilespmem:$0x5130] =	vst v4;
	v4 =	vld [tilespmem:$0x1F540]  }
0x1a1: {  	[tilespmem:$0x5150] =	vst v9;
	v9 =	vld [tilespmem:$0x1F5B0]  }
0x1a2: {  	[tilespmem:$0x5110] =	vst v16;
	v16 =	vld [tilespmem:$0x1F5D0]  }
0x1a3: {  	[tilespmem:$0x5140] =	vst v18;
	v18 =	vld [tilespmem:$0x1F5E0]  }
0x1a4: {  	[tilespmem:$0x51A0] =	vst v26;
	v26 =	vld [tilespmem:$0x3660]  }
0x1a5: {  	[tilespmem:$0x51D0] =	vst v28;
	v28 =	vld [tilespmem:$0x1F6B0]  }
0x1a6: {  	[tilespmem:$0x5200] =	vst v33;
	v33 =	vld [tilespmem:$0x1F770]  }
0x1a7: {  	[tilespmem:$0x51F0] =	vst v14;
	v14 =	vld [tilespmem:$0x3690]  }
0x1a8: {  	v56 =	vshll.u32 v55, $0x10;
	v55 =	vld [tilespmem:$0x3DF0]  }
0x1a9: {  	v62 =	vadd.s32 v56, v58;
	v56 =	vld [tilespmem:$0x1F400]  }
0x1aa: {  	[tilespmem:$0x1FD50] =	vst v59;
	v59 =	vld [tilespmem:$0x3600]  }
0x1ab: {  	v23 =	vadd.s32 v23, v24;
	v34 =	vadd.s32 v60, v21;
	v60 =	vld [tilespmem:$0x1F420]  }
0x1ac: {  	v24 =	vadd.s32 v61, v23;
	v61 =	vld [tilespmem:$0x1F430]  }
0x1ad: {  	v21 =	vadd.s32 v25, v62;
	v62 =	vld [tilespmem:$0x1F440]  }
0x1ae: {  	[tilespmem:$0x1FD60] =	vst v63;
	v63 =	vld [tilespmem:$0x4600]  }
0x1af: {  	v39 =	vshll.u32 v38, $0x8;
	v38 =	vld [tilespmem:$0x1F460]  }
0x1b0: {  	[tilespmem:$0x1FD80] =	vst v40;
	v40 =	vld [tilespmem:$0x1F470]  }
0x1b1: {  	[tilespmem:$0x1FDB0] =	vst v44;
	v44 =	vld [tilespmem:$0x1F4D0]  }
0x1b2: {  	v25 =	vshll.u32 v29, $0x8;
	v29 =	vshll.u32 v47, $0x8;
	v47 =	vld [tilespmem:$0x3620]  }
0x1b3: {  	[tilespmem:$0x1FDC0] =	vst v48;
	v48 =	vld [tilespmem:$0x1F500]  }
0x1b4: {  	[tilespmem:$0x1FDA0] =	vst v30;
	v30 =	vshll.u32 v50, $0x8;
	v50 =	vld [tilespmem:$0x4620]  }
0x1b5: {  	[tilespmem:$0x1FDD0] =	vst v51;
	v51 =	vld [tilespmem:$0x1F520]  }
0x1b6: {  	v37 =	vshll.u32 v36, $0x10;
	v54 =	vshll.u32 v53, $0x8;
	v53 =	vld [tilespmem:$0x1F560]  }
0x1b7: {  	v43 =	vadd.s32 v37, v39;
	v37 =	vld [tilespmem:$0x1F450]  }
0x1b8: {  	v23 =	vshll.u32 v27, $0x10;
	v39 =	vld [tilespmem:$0x3E00]  }
0x1b9: {  	v23 =	vadd.s32 v23, v25;
	[tilespmem:$0x1FE10] =	vst v55;
	v55 =	vld [tilespmem:$0x1F570]  }
0x1ba: {  	v27 =	vshll.u32 v32, $0x8;
	[tilespmem:$0x1FD70] =	vst v35;
	v25 =	vshll.u32 v31, $0x10;
	v35 =	vadd.s32 v41, v23;
	v41 =	vld [tilespmem:$0x1F480]  }
0x1bb: {  	v25 =	vadd.s32 v25, v27;
	v23 =	vshll.u32 v46, $0x10;
	v46 =	vld [tilespmem:$0x1F4F0]  }
0x1bc: {  	v27 =	vadd.s32 v42, v25;
	v42 =	vld [tilespmem:$0x3610]  }
0x1bd: {  	v25 =	vadd.s32 v45, v43;
	v43 =	vld [tilespmem:$0x1F490]  }
0x1be: {  	v23 =	vadd.s32 v23, v29;
	v29 =	vshll.u32 v49, $0x10;
	v49 =	vld [tilespmem:$0x1F510]  }
0x1bf: {  	v29 =	vadd.s32 v29, v30;
	v30 =	vshll.u32 v52, $0x10;
	v52 =	vld [tilespmem:$0x3E20]  }
0x1c0: {  	v36 =	vadd.s32 v56, v23;
	v56 =	vld [tilespmem:$0x1F580]  }
0x1c1: {  	[tilespmem:$0x50B0] =	vst v13;
	v58 =	vadd.s32 v30, v54;
	v54 =	vld [tilespmem:$0x3630]  }
0x1c2: {  	[tilespmem:$0x50C0] =	vst v2;
	v31 =	vadd.s32 v57, v29;
	v13 =	vshll.u32 v61, $0x10;
	v23 =	vshll.u32 v62, $0x8;
	v57 =	vld [tilespmem:$0x1F590]  }
0x1c3: {  	[tilespmem:$0x1FDE0] =	vst v59;
	v59 =	vld [tilespmem:$0x1F5A0];
	v2 =	vadd.s32 v13, v23  }
0x1c4: {  	v13 =	vshll.u32 v37, $0x10;
	v37 =	vadd.s32 v43, v2;
	v2 =	vld [tilespmem:$0x1F4A0]  }
0x1c5: {  	[tilespmem:$0x1FDF0] =	vst v63;
	v63 =	vld [tilespmem:$0x3E30]  }
0x1c6: {  	[tilespmem:$0x1FE50] =	vst v50;
	v50 =	vld [tilespmem:$0x3650]  }
0x1c7: {  	v23 =	vshll.u32 v38, $0x8;
	v38 =	vld [tilespmem:$0x1F600]  }
0x1c8: {  	[tilespmem:$0x50D0] =	vst v0;
	v0 =	vadd.s32 v13, v23;
	v13 =	vshll.u32 v40, $0x10;
	v23 =	vshll.u32 v41, $0x8;
	v41 =	vld [tilespmem:$0x1F610]  }
0x1c9: {  	v43 =	vld [tilespmem:$0x3E40];
	v2 =	vadd.s32 v2, v0;
	v0 =	vadd.s32 v13, v23  }
0x1ca: {  	v0 =	vadd.s32 v5, v0;
	v5 =	vld [tilespmem:$0x1F4C0]  }
0x1cb: {  	[tilespmem:$0x1FE70] =	vst v52;
	v52 =	vld [tilespmem:$0x1F650]  }
0x1cc: {  	[tilespmem:$0x1FE60] =	vst v54;
	v54 =	vld [tilespmem:$0x1F660]  }
0x1cd: {  	v29 =	vadd.s32 v60, v58;
	v58 =	vshll.u32 v57, $0x10;
	v57 =	vld [tilespmem:$0x1F680]  }
0x1ce: {  	[tilespmem:$0x50E0] =	vst v12;
	v23 =	vld [tilespmem:$0x1F5F0]  }
0x1cf: {  	[tilespmem:$0x5100] =	vst v1;
	v12 =	vshll.u32 v44, $0x8;
	v62 =	vshll.u32 v59, $0x8;
	v59 =	vld [tilespmem:$0x3E50];
	v5 =	vshll.u32 v5, $0x10  }
0x1d0: {  	[tilespmem:$0x5120] =	vst v7;
	v1 =	vadd.s32 v5, v12;
	v5 =	vld [tilespmem:$0x1F4E0]  }
0x1d1: {  	[tilespmem:$0x1FE20] =	vst v39;
	v39 =	vshll.u32 v38, $0x10;
	v38 =	vld [tilespmem:$0x1F6C0]  }
0x1d2: {  	[tilespmem:$0x1FE00] =	vst v42;
	v42 =	vshll.u32 v41, $0x8;
	v7 =	vadd.s32 v51, v1;
	v1 =	vld [tilespmem:$0x1F530]  }
0x1d3: {  	[tilespmem:$0x5170] =	vst v20;
	v20 =	vshll.u32 v18, $0x10;
	v44 =	vadd.s32 v39, v42;
	v42 =	vld [tilespmem:$0x1F790];
	v30 =	vshll.u32 v23, $0x8  }
0x1d4: {  	v32 =	vadd.s32 v20, v30;
	v20 =	vld [tilespmem:$0x1F6A0]  }
0x1d5: {  	v12 =	vshll.u32 v46, $0x8;
	v46 =	vld [tilespmem:$0x1F620];
	v5 =	vshll.u32 v5, $0x10  }
0x1d6: {  	v13 =	vshll.u32 v49, $0x8;
	v5 =	vadd.s32 v5, v12;
	v12 =	vshll.u32 v48, $0x10;
	v48 =	vld [tilespmem:$0x1F630]  }
0x1d7: {  	[tilespmem:$0x5180] =	vst v11;
	v11 =	vadd.s32 v52, v44;
	v52 =	vld [tilespmem:$0x1F6F0];
	v5 =	vadd.s32 v1, v5;
	v1 =	vadd.s32 v12, v13  }
0x1d8: {  	v1 =	vadd.s32 v4, v1;
	v4 =	vld [tilespmem:$0x1F550]  }
0x1d9: {  	[tilespmem:$0x52E0] =	vst v0;
	v0 =	vld [tilespmem:$0x1F910]  }
0x1da: {  	v51 =	vld [tilespmem:$0x1F640]  }
0x1db: {  	[tilespmem:$0x1FE40] =	vst v47;
	v23 =	vshll.u32 v20, $0x8;
	v20 =	vld [tilespmem:$0x1F750];
	v47 =	vshll.u32 v46, $0x10;
	v49 =	vshll.u32 v48, $0x8  }
0x1dc: {  	v12 =	vshll.u32 v53, $0x8;
	v48 =	vld [tilespmem:$0x1F6D0];
	v53 =	vadd.s32 v47, v49  }
0x1dd: {  	[tilespmem:$0x5190] =	vst v8;
	v4 =	vshll.u32 v4, $0x10;
	v8 =	vadd.s32 v54, v53;
	v53 =	vld [tilespmem:$0x1F700]  }
0x1de: {  	v4 =	vadd.s32 v4, v12;
	v12 =	vshll.u32 v55, $0x10;
	v55 =	vld [tilespmem:$0x1F670]  }
0x1df: {  	v9 =	vadd.s32 v9, v4;
	v4 =	vld [tilespmem:$0x1F5C0]  }
0x1e0: {  	v47 =	vld [tilespmem:$0x4660]  }
0x1e1: {  	v49 =	vld [tilespmem:$0x1F6E0]  }
0x1e2: {  	v13 =	vshll.u32 v56, $0x8;
	v54 =	vshll.u32 v53, $0x10;
	v53 =	vld [tilespmem:$0x4680]  }
0x1e3: {  	v12 =	vadd.s32 v12, v13;
	v56 =	vshll.u32 v55, $0x10;
	v55 =	vld [tilespmem:$0x1F710]  }
0x1e4: {  	v40 =	vadd.s32 v4, v12;
	v4 =	vadd.s32 v58, v62;
	v12 =	vadd.s32 v51, v32;
	v51 =	vld [tilespmem:$0x3E60]  }
0x1e5: {  	v58 =	vshll.u32 v57, $0x8;
	v4 =	vadd.s32 v16, v4;
	v16 =	vld [tilespmem:$0x1F690]  }
0x1e6: {  	[tilespmem:$0x1FE80] =	vst v63;
	v63 =	vadd.s32 v56, v58;
	v58 =	vld [tilespmem:$0x1F720]  }
0x1e7: {  	v44 =	vadd.s32 v48, v63;
	v63 =	vld [tilespmem:$0x1F730]  }
0x1e8: {  	[tilespmem:$0x51B0] =	vst v15;
	v39 =	vshll.u32 v38, $0x8;
	v32 =	vshll.u32 v28, $0x10;
	v57 =	vld [tilespmem:$0x3670]  }
0x1e9: {  	[tilespmem:$0x1FEA0] =	vst v50;
	v50 =	vadd.s32 v32, v39;
	v32 =	vld [tilespmem:$0x1F760]  }
0x1ea: {  	[tilespmem:$0x51C0] =	vst v10;
	v46 =	vadd.s32 v52, v50;
	v50 =	vld [tilespmem:$0x1F7A0];
	v56 =	vshll.u32 v55, $0x8;
	v18 =	vshll.u32 v16, $0x10  }
0x1eb: {  	[tilespmem:$0x1FE90] =	vst v43;
	v15 =	vadd.s32 v54, v56;
	v54 =	vld [tilespmem:$0x1F7B0];
	v13 =	vadd.s32 v18, v23  }
0x1ec: {  	[tilespmem:$0x1FEF0] =	vst v59;
	v59 =	vshll.u32 v58, $0x10;
	v10 =	vshll.u32 v63, $0x8;
	v43 =	vadd.s32 v49, v13;
	v13 =	vld [tilespmem:$0x4670]  }
0x1ed: {  	[tilespmem:$0x51E0] =	vst v19;
	v19 =	vadd.s32 v59, v10;
	v59 =	vld [tilespmem:$0x1F7D0]  }
0x1ee: {  	v10 =	vld [tilespmem:$0x1F7E0]  }
0x1ef: {  	v56 =	vld [tilespmem:$0x1F7C0]  }
0x1f0: {  	v16 =	vld [tilespmem:$0x1F740]  }
0x1f1: {  	[tilespmem:$0x1FEC0] =	vst v47;
	v47 =	vadd.s32 v32, v15;
	v15 =	vld [tilespmem:$0x1F7F0]  }
0x1f2: {  	[tilespmem:$0x1FF00] =	vst v51;
	v23 =	vshll.u32 v20, $0x8;
	v20 =	vld [tilespmem:$0x1F820]  }
0x1f3: {  	v51 =	vadd.s32 v33, v19;
	v19 =	vld [tilespmem:$0x1F810];
	[tilespmem:$0x1FEE0] =	vst v13;
	v63 =	vshll.u32 v59, $0x10;
	v13 =	vshll.u32 v10, $0x8  }
0x1f4: {  	[tilespmem:$0x5220] =	vst v17;
	v17 =	vadd.s32 v63, v13;
	v63 =	vld [tilespmem:$0x1F8B0]  }
0x1f5: {  	v52 =	vshll.u32 v50, $0x8;
	v49 =	vshll.u32 v42, $0x10;
	v13 =	vld [tilespmem:$0x1F8C0]  }
0x1f6: {  	[tilespmem:$0x5210] =	vst v22;
	v22 =	vadd.s32 v49, v52;
	v18 =	vshll.u32 v16, $0x10;
	v16 =	vld [tilespmem:$0x1F800]  }
0x1f7: {  	v52 =	vadd.s32 v15, v22;
	v22 =	vld [tilespmem:$0x1F830]  }
0x1f8: {  	[tilespmem:$0x1FF40] =	vst v14;
	v38 =	vadd.s32 v18, v23;
	v18 =	vld [tilespmem:$0x4690]  }
0x1f9: {  	[tilespmem:$0x1FED0] =	vst v57;
	v55 =	vshll.u32 v54, $0x10;
	v57 =	vshll.u32 v56, $0x8;
	v54 =	vadd.s32 v19, v17;
	v17 =	vld [tilespmem:$0x1F8D0]  }
0x1fa: {  	[tilespmem:$0x5240] =	vst v24;
	v24 =	vadd.s32 v55, v57;
	v19 =	vld [tilespmem:$0x1F8E0];
	v10 =	vshll.u32 v63, $0x10;
	v14 =	vshll.u32 v13, $0x8  }
0x1fb: {  	[tilespmem:$0x1FF30] =	vst v53;
	v53 =	vadd.s32 v16, v24;
	v16 =	vadd.s32 v10, v14  }
0x1fc: {  	[tilespmem:$0x1FEB0] =	vst v26;
	v63 =	vadd.s32 v0, v16;
	v0 =	vld [tilespmem:$0x1F920]  }
0x1fd: {  	[tilespmem:$0x5250] =	vst v21;
	v21 =	vshll.u32 v20, $0x10;
	v23 =	vshll.u32 v22, $0x8  }
0x1fe: {  	[tilespmem:$0x5230] =	vst v34;
	v26 =	vadd.s32 v21, v23;
	v21 =	vld [tilespmem:$0x1F8F0]  }
0x1ff: {  	[tilespmem:$0x1FF50] =	vst v18;
	v23 =	vld [tilespmem:$0x1F900];
	v18 =	vshll.u32 v17, $0x10;
	v20 =	vshll.u32 v19, $0x8  }
0x200: {  	v34 =	vld [tilespmem:$0x1F850];
	[tilespmem:$0x52D0] =	vst v2;
	v2 =	vadd.s32 v18, v20  }
0x201: {  	v19 =	vadd.s32 v0, v2;
	v0 =	vld [tilespmem:$0x1F930];
	_ =	sdelay $0x2  }
0x202: {  	v22 =	vshll.u32 v21, $0x10;
	v24 =	vshll.u32 v23, $0x8  }
0x203: {  	[tilespmem:$0x5260] =	vst v35;
	v35 =	vshll.u32 v34, $0x8;
	v55 =	vld [tilespmem:$0x1F880];
	v34 =	vadd.s32 v22, v24  }
0x204: {  	v2 =	vadd.s32 v0, v34;
	v0 =	vld [tilespmem:$0x1F940];
	_ =	sdelay $0x1  }
0x205: {  	v28 =	vld [tilespmem:$0x3E70]  }
0x206: {  	v32 =	vld [tilespmem:$0x1F840]  }
0x207: {  	v56 =	vld [tilespmem:$0x1F890]  }
0x208: {  	v55 =	vadd.s32 v55, v26;
	v26 =	vshll.u32 v0, $0x10;
	v0 =	vld [tilespmem:$0x1F950];
	_ =	sdelay $0x2  }
0x209: {  	[tilespmem:$0x5270] =	vst v27;
	v33 =	vshll.u32 v32, $0x10  }
0x20a: {  	[tilespmem:$0x1FF10] =	vst v28;
	v28 =	vld [tilespmem:$0x3E90];
	v27 =	vadd.s32 v33, v35  }
0x20b: {  	v56 =	vadd.s32 v56, v27;
	v27 =	vshll.u32 v0, $0x8;
	v0 =	vld [tilespmem:$0x1F960];
	_ =	sdelay $0x4  }
0x20c: {  	[tilespmem:$0x1FF90] =	vst v28;
	v28 =	vshll.u32 v0, $0x10;
	v0 =	vld [tilespmem:$0x1F970];
	_ =	sdelay $0x4  }
0x20d: {  	[tilespmem:$0x52B0] =	vst v29;
	v29 =	vshll.u32 v0, $0x8;
	v0 =	vld [tilespmem:$0x1F980]  }
0x20e: {  	v39 =	vld [tilespmem:$0x3680];
	_ =	sdelay $0x1  }
0x20f: {  	v58 =	vld [tilespmem:$0x3E80]  }
0x210: {  	v41 =	vld [tilespmem:$0x1F780]  }
0x211: {  	[tilespmem:$0x52A0] =	vst v31;
	v31 =	vshll.u32 v0, $0x10;
	v0 =	vld [tilespmem:$0x1F990]  }
0x212: {  	[tilespmem:$0x1FF20] =	vst v39;
	v39 =	vld [tilespmem:$0x1F860]  }
0x213: {  	v42 =	vld [tilespmem:$0x1F870]  }
0x214: {  	[tilespmem:$0x1FF80] =	vst v58;
	v58 =	vld [tilespmem:$0x3EA0]  }
0x215: {  	v59 =	vld [tilespmem:$0x1F8A0]  }
0x216: {  	v32 =	vshll.u32 v0, $0x8;
	v0 =	vld [tilespmem:$0x1F9A0];
	_ =	sdelay $0x2  }
0x217: {  	v48 =	vadd.s32 v41, v38;
	v41 =	vshll.u32 v39, $0x10;
	v49 =	vshll.u32 v42, $0x8  }
0x218: {  	[tilespmem:$0x5300] =	vst v5;
	v15 =	vld [tilespmem:$0x36B0];
	v57 =	vadd.s32 v41, v49;
	v5 =	vadd.s32 v26, v27  }
0x219: {  	[tilespmem:$0x1FFA0] =	vst v58;
	v58 =	vadd.s32 v59, v57;
	v59 =	vadd.s32 v0, v5;
	v0 =	vld [tilespmem:$0x1F9B0];
	_ =	sdelay $0x3  }
0x21a: {  	[tilespmem:$0x5310] =	vst v1;
	v1 =	vadd.s32 v28, v29  }
0x21b: {  	[tilespmem:$0x1FFB0] =	vst v15;
	v15 =	vadd.s32 v0, v1;
	v0 =	vld [tilespmem:$0x1F9C0];
	_ =	sdelay $0x3  }
0x21c: {  	v33 =	vadd.s32 v31, v32  }
0x21d: {  	v21 =	vadd.s32 v0, v33;
	v0 =	vld [tilespmem:$0x1F9D0];
	_ =	sdelay $0x3  }
0x21e: {  	v50 =	vld [tilespmem:$0x46A0]  }
0x21f: {  	v42 =	vshll.u32 v0, $0x10;
	v0 =	vld [tilespmem:$0x1F9E0];
	_ =	sdelay $0x4  }
0x220: {  	[tilespmem:$0x1FF70] =	vst v50;
	v50 =	vshll.u32 v0, $0x8;
	v0 =	vld [tilespmem:$0x1F9F0];
	_ =	sdelay $0x4  }
0x221: {  	[tilespmem:$0x5160] =	vst v6;
	v6 =	vshll.u32 v0, $0x10;
	v0 =	vld [tilespmem:$0x1FA00];
	_ =	sdelay $0x4  }
0x222: {  	[tilespmem:$0x52F0] =	vst v7;
	v7 =	vshll.u32 v0, $0x8;
	v0 =	vld [tilespmem:$0x1FA10];
	_ =	sdelay $0x4  }
0x223: {  	v10 =	vshll.u32 v0, $0x10;
	v0 =	vld [tilespmem:$0x1FA20];
	_ =	sdelay $0x4  }
0x224: {  	v13 =	vshll.u32 v0, $0x8;
	v0 =	vld [tilespmem:$0x1FA30];
	_ =	sdelay $0x3  }
0x225: {  	[tilespmem:$0x5340] =	vst v4;
	v4 =	vadd.s32 v42, v50  }
0x226: {  	v4 =	vadd.s32 v0, v4;
	v0 =	vld [tilespmem:$0x1FA40];
	_ =	sdelay $0x3  }
0x227: {  	[tilespmem:$0x5320] =	vst v9;
	v9 =	vadd.s32 v6, v7  }
0x228: {  	v17 =	vadd.s32 v0, v9;
	v0 =	vld [tilespmem:$0x1FA50];
	_ =	sdelay $0x3  }
0x229: {  	v14 =	vadd.s32 v10, v13  }
0x22a: {  	v20 =	vadd.s32 v0, v14;
	v0 =	vld [tilespmem:$0x1FA60];
	_ =	sdelay $0x4  }
0x22b: {  	v16 =	vshll.u32 v0, $0x10;
	v0 =	vld [tilespmem:$0x1FA70];
	_ =	sdelay $0x4  }
0x22c: {  	v18 =	vshll.u32 v0, $0x8;
	v0 =	vld [tilespmem:$0x1FA80];
	_ =	sdelay $0x4  }
0x22d: {  	v22 =	vshll.u32 v0, $0x10;
	v0 =	vld [tilespmem:$0x1FA90];
	_ =	sdelay $0x4  }
0x22e: {  	v23 =	vshll.u32 v0, $0x8;
	v0 =	vld [tilespmem:$0x1FAA0];
	_ =	sdelay $0x3  }
0x22f: {  	[tilespmem:$0x5280] =	vst v25;
	v25 =	vld [tilespmem:$0x3EB0]  }
0x230: {  	v24 =	vshll.u32 v0, $0x10;
	v0 =	vld [tilespmem:$0x1FAB0];
	_ =	sdelay $0x4  }
0x231: {  	[tilespmem:$0x1FFC0] =	vst v25;
	v25 =	vshll.u32 v0, $0x8;
	v0 =	vld [tilespmem:$0x1FAC0];
	_ =	sdelay $0x3  }
0x232: {  	[tilespmem:$0x5370] =	vst v8;
	v8 =	vadd.s32 v16, v18  }
0x233: {  	v14 =	vadd.s32 v0, v8;
	v0 =	vld [tilespmem:$0x1FAD0];
	_ =	sdelay $0x3  }
0x234: {  	v9 =	vadd.s32 v22, v23  }
0x235: {  	v16 =	vadd.s32 v0, v9;
	v0 =	vld [tilespmem:$0x1FAE0];
	_ =	sdelay $0x3  }
0x236: {  	v26 =	vadd.s32 v24, v25  }
0x237: {  	v18 =	vadd.s32 v0, v26;
	v0 =	vld [tilespmem:$0x1FAF0];
	_ =	sdelay $0x4  }
0x238: {  	v27 =	vshll.u32 v0, $0x10;
	v0 =	vld [tilespmem:$0x1FB00];
	_ =	sdelay $0x4  }
0x239: {  	v28 =	vshll.u32 v0, $0x8;
	v0 =	vld [tilespmem:$0x1FB10];
	_ =	sdelay $0x4  }
0x23a: {  	v29 =	vshll.u32 v0, $0x10;
	v0 =	vld [tilespmem:$0x1FB20];
	_ =	sdelay $0x4  }
0x23b: {  	v31 =	vshll.u32 v0, $0x8;
	v0 =	vld [tilespmem:$0x1FB30];
	_ =	sdelay $0x4  }
0x23c: {  	v32 =	vshll.u32 v0, $0x10;
	v0 =	vld [tilespmem:$0x1FB40];
	_ =	sdelay $0x4  }
0x23d: {  	v33 =	vshll.u32 v0, $0x8;
	v0 =	vld [tilespmem:$0x1FB50];
	_ =	sdelay $0x3  }
0x23e: {  	v8 =	vadd.s32 v27, v28  }
0x23f: {  	v10 =	vadd.s32 v0, v8;
	v0 =	vld [tilespmem:$0x1FB60];
	_ =	sdelay $0x3  }
0x240: {  	v9 =	vadd.s32 v29, v31  }
0x241: {  	v13 =	vadd.s32 v0, v9;
	v0 =	vld [tilespmem:$0x1FB70];
	_ =	sdelay $0x3  }
0x242: {  	v6 =	vadd.s32 v32, v33  }
0x243: {  	v22 =	vadd.s32 v0, v6;
	v0 =	vld [tilespmem:$0x1FB80];
	_ =	sdelay $0x4  }
0x244: {  	v7 =	vshll.u32 v0, $0x10;
	v0 =	vld [tilespmem:$0x1FB90];
	_ =	sdelay $0x4  }
0x245: {  	[tilespmem:$0x5350] =	vst v12;
	v12 =	vshll.u32 v0, $0x8;
	v0 =	vld [tilespmem:$0x1FBA0];
	_ =	sdelay $0x4  }
0x246: {  	v23 =	vshll.u32 v0, $0x10;
	v0 =	vld [tilespmem:$0x1FBB0];
	_ =	sdelay $0x4  }
0x247: {  	v24 =	vshll.u32 v0, $0x8;
	v0 =	vld [tilespmem:$0x1FBC0];
	_ =	sdelay $0x4  }
0x248: {  	v25 =	vshll.u32 v0, $0x10;
	v0 =	vld [tilespmem:$0x1FBD0];
	_ =	sdelay $0x4  }
0x249: {  	v26 =	vshll.u32 v0, $0x8;
	v0 =	vld [tilespmem:$0x1FBE0];
	_ =	sdelay $0x3  }
0x24a: {  	v9 =	vadd.s32 v7, v12  }
0x24b: {  	v1 =	vadd.s32 v0, v9;
	v0 =	vld [tilespmem:$0x1FBF0];
	_ =	sdelay $0x3  }
0x24c: {  	[tilespmem:$0x5360] =	vst v11;
	v11 =	vadd.s32 v23, v24  }
0x24d: {  	v8 =	vadd.s32 v0, v11;
	v0 =	vld [tilespmem:$0x1FC00];
	_ =	sdelay $0x3  }
0x24e: {  	v27 =	vadd.s32 v25, v26  }
0x24f: {  	v11 =	vadd.s32 v0, v27;
	v0 =	vld [tilespmem:$0x1FC10];
	_ =	sdelay $0x4  }
0x250: {  	v28 =	vshll.u32 v0, $0x10;
	v0 =	vld [tilespmem:$0x1FC20];
	_ =	sdelay $0x4  }
0x251: {  	v29 =	vshll.u32 v0, $0x8;
	v0 =	vld [tilespmem:$0x1FC30];
	_ =	sdelay $0x4  }
0x252: {  	v31 =	vshll.u32 v0, $0x10;
	v0 =	vld [tilespmem:$0x1FC40];
	_ =	sdelay $0x1  }
0x253: {  	[tilespmem:$0x5460] =	vst v2;
	v2 =	vld [tilespmem:$0x1FC70];
	_ =	sdelay $0x2  }
0x254: {  	v32 =	vshll.u32 v0, $0x8;
	v0 =	vld [tilespmem:$0x1FC50]  }
0x255: {  	v9 =	vadd.s32 v28, v29  }
0x256: {  	v5 =	vadd.s32 v2, v9;
	v2 =	vld [tilespmem:$0x1FC80];
	_ =	sdelay $0x2  }
0x257: {  	v33 =	vshll.u32 v0, $0x10;
	v0 =	vld [tilespmem:$0x1FC60]  }
0x258: {  	v12 =	vadd.s32 v31, v32  }
0x259: {  	v7 =	vadd.s32 v2, v12;
	v2 =	vld [tilespmem:$0x1FC90];
	_ =	sdelay $0x2  }
0x25a: {  	v0 =	vshll.u32 v0, $0x8  }
0x25b: {  	v0 =	vadd.s32 v33, v0  }
0x25c: {  	[tilespmem:$0x5450] =	vst v19;
	v19 =	vadd.s32 v2, v0;
	v2 =	vld [tilespmem:$0x1FCB0];
	_ =	sdelay $0x4  }
0x25d: {  	[tilespmem:$0x5470] =	vst v59;
	v59 =	vshll.u32 v2, $0x8;
	v2 =	vld [tilespmem:$0x1FCC0];
	_ =	sdelay $0x4  }
0x25e: {  	v6 =	vshll.u32 v2, $0x10;
	v2 =	vld [tilespmem:$0x1FCD0];
	_ =	sdelay $0x4  }
0x25f: {  	v23 =	vshll.u32 v2, $0x8;
	v2 =	vld [tilespmem:$0x1FCE0];
	_ =	sdelay $0x4  }
0x260: {  	v24 =	vshll.u32 v2, $0x10;
	v2 =	vld [tilespmem:$0x1FCF0];
	_ =	sdelay $0x2  }
0x261: {  	v0 =	vld [tilespmem:$0x1FCA0];
	_ =	sdelay $0x1  }
0x262: {  	v25 =	vshll.u32 v2, $0x8;
	v2 =	vld [tilespmem:$0x1FD00];
	_ =	sdelay $0x2  }
0x263: {  	v0 =	vshll.u32 v0, $0x10  }
0x264: {  	v0 =	vadd.s32 v0, v59  }
0x265: {  	v2 =	vadd.s32 v2, v0;
	v0 =	vld [tilespmem:$0x1FD10];
	_ =	sdelay $0x3  }
0x266: {  	v9 =	vadd.s32 v6, v23  }
0x267: {  	[tilespmem:$0x54A0] =	vst v4;
	v4 =	vadd.s32 v0, v9;
	v0 =	vld [tilespmem:$0x1FD20];
	_ =	sdelay $0x3  }
0x268: {  	v26 =	vadd.s32 v24, v25  }
0x269: {  	v6 =	vadd.s32 v0, v26;
	v0 =	vld [tilespmem:$0x1FD30];
	_ =	sdelay $0x4  }
0x26a: {  	v27 =	vshll.u32 v0, $0x10;
	v0 =	vld [tilespmem:$0x1FD40];
	_ =	sdelay $0x4  }
0x26b: {  	[tilespmem:$0x54B0] =	vst v17;
	v17 =	vshll.u32 v0, $0x8;
	v0 =	vld [tilespmem:$0x1FD50];
	_ =	sdelay $0x4  }
0x26c: {  	[tilespmem:$0x54C0] =	vst v20;
	v20 =	vshll.u32 v0, $0x10;
	v0 =	vld [tilespmem:$0x1FD60];
	_ =	sdelay $0x4  }
0x26d: {  	[tilespmem:$0x5490] =	vst v21;
	v21 =	vshll.u32 v0, $0x8;
	v0 =	vld [tilespmem:$0x1FD70];
	_ =	sdelay $0x4  }
0x26e: {  	[tilespmem:$0x54D0] =	vst v14;
	v14 =	vshll.u32 v0, $0x10;
	v0 =	vld [tilespmem:$0x1FD80];
	_ =	sdelay $0x3  }
0x26f: {  	v45 =	vld [tilespmem:$0x3E10]  }
0x270: {  	v12 =	vadd.s32 v20, v21;
	v20 =	vshll.u32 v0, $0x8;
	v0 =	vld [tilespmem:$0x1FD90]  }
0x271: {  	v61 =	vld [tilespmem:$0x4610]  }
0x272: {  	[tilespmem:$0x5290] =	vst v36;
	v36 =	vld [tilespmem:$0x36D0]  }
0x273: {  	v60 =	vld [tilespmem:$0x4630]  }
0x274: {  	[tilespmem:$0x1FE30] =	vst v45;
	v45 =	vld [tilespmem:$0x4640];
	v9 =	vadd.s32 v27, v17  }
0x275: {  	v9 =	vadd.s32 v0, v9;
	v0 =	vld [tilespmem:$0x1FDA0]  }
0x276: {  	[tilespmem:$0x52C0] =	vst v37;
	v37 =	vld [tilespmem:$0x3ED0]  }
0x277: {  	v30 =	vld [tilespmem:$0x4650]  }
0x278: {  	v62 =	vld [tilespmem:$0x3640]  }
0x279: {  	[tilespmem:$0x5330] =	vst v40;
	v40 =	vld [tilespmem:$0x36E0]  }
0x27a: {  	[tilespmem:$0x54E0] =	vst v16;
	v16 =	vadd.s32 v0, v12;
	v0 =	vld [tilespmem:$0x1FDB0]  }
0x27b: {  	[tilespmem:$0x5380] =	vst v44;
	v44 =	vld [tilespmem:$0x46F0]  }
0x27c: {  	[tilespmem:$0x53A0] =	vst v46;
	v46 =	vld [tilespmem:$0x3700]  }
0x27d: {  	[tilespmem:$0x53B0] =	vst v47;
	v47 =	vld [tilespmem:$0x3F00]  }
0x27e: {  	[tilespmem:$0x5390] =	vst v43;
	v43 =	vld [tilespmem:$0x3EF0];
	v23 =	vadd.s32 v14, v20  }
0x27f: {  	[tilespmem:$0x54F0] =	vst v18;
	v18 =	vadd.s32 v0, v23;
	v0 =	vld [tilespmem:$0x1FDC0]  }
0x280: {  	[tilespmem:$0x53C0] =	vst v51;
	v51 =	vld [tilespmem:$0x3710]  }
0x281: {  	v35 =	vld [tilespmem:$0x46C0]  }
0x282: {  	[tilespmem:$0x53E0] =	vst v52;
	v52 =	vld [tilespmem:$0x4710]  }
0x283: {  	v38 =	vld [tilespmem:$0x36A0]  }
0x284: {  	[tilespmem:$0x5480] =	vst v15;
	v15 =	vshll.u32 v0, $0x10;
	v0 =	vld [tilespmem:$0x1FDD0]  }
0x285: {  	v39 =	vld [tilespmem:$0x46D0]  }
0x286: {  	[tilespmem:$0x5520] =	vst v22;
	v22 =	vld [tilespmem:$0x1FE10]  }
0x287: {  	v49 =	vld [tilespmem:$0x36C0]  }
0x288: {  	v17 =	vld [tilespmem:$0x1FDE0]  }
0x289: {  	v20 =	vld [tilespmem:$0x1FDF0];
	v0 =	vshll.u32 v0, $0x8  }
0x28a: {  	v21 =	vld [tilespmem:$0x1FE00];
	v0 =	vadd.s32 v15, v0  }
0x28b: {  	v22 =	vadd.s32 v22, v0;
	v0 =	vld [tilespmem:$0x1FE20]  }
0x28c: {  	[tilespmem:$0x5530] =	vst v1;
	v1 =	vld [tilespmem:$0x1FE30]  }
0x28d: {  	v41 =	vld [tilespmem:$0x46E0];
	[tilespmem:$0x53D0] =	vst v48  }
0x28e: {  	v48 =	vld [tilespmem:$0x3F10];
	[tilespmem:$0x5500] =	vst v10;
	v10 =	vshll.u32 v17, $0x10;
	v12 =	vshll.u32 v20, $0x8  }
0x28f: {  	[tilespmem:$0x5400] =	vst v54;
	v54 =	vld [tilespmem:$0x3F20];
	v17 =	vshll.u32 v61, $0x8;
	v10 =	vadd.s32 v10, v12;
	v12 =	vshll.u32 v21, $0x10  }
0x290: {  	[tilespmem:$0x5420] =	vst v56;
	v56 =	vld [tilespmem:$0x3730];
	v10 =	vadd.s32 v0, v10;
	v0 =	vadd.s32 v12, v17  }
0x291: {  	[tilespmem:$0x5510] =	vst v13;
	v13 =	vadd.s32 v1, v0;
	v0 =	vld [tilespmem:$0x1FE40]  }
0x292: {  	[tilespmem:$0x53F0] =	vst v53;
	v53 =	vld [tilespmem:$0x3720]  }
0x293: {  	v57 =	vld [tilespmem:$0x46B0]  }
0x294: {  	[tilespmem:$0x1FF60] =	vst v38;
	v38 =	vld [tilespmem:$0x3EE0]  }
0x295: {  	[tilespmem:$0x5410] =	vst v55;
	v55 =	vld [tilespmem:$0x4720]  }
0x296: {  	v1 =	vshll.u32 v0, $0x10;
	v0 =	vld [tilespmem:$0x1FE50]  }
0x297: {  	[tilespmem:$0x5430] =	vst v58;
	v58 =	vld [tilespmem:$0x3F30]  }
0x298: {  	[tilespmem:$0x5440] =	vst v63;
	v63 =	vld [tilespmem:$0x4730]  }
0x299: {  	[tilespmem:$0x5560] =	vst v5;
	v5 =	vld [tilespmem:$0x1FE70]  }
0x29a: {  	v34 =	vld [tilespmem:$0x3EC0]  }
0x29b: {  	v42 =	vld [tilespmem:$0x36F0];
	v0 =	vshll.u32 v0, $0x8  }
0x29c: {  	v0 =	vadd.s32 v1, v0;
	v1 =	vld [tilespmem:$0x1FE60]  }
0x29d: {  	v50 =	vld [tilespmem:$0x4700]  }
0x29e: {  	v15 =	vshll.u32 v62, $0x10;
	v62 =	vadd.s32 v5, v0;
	v0 =	vld [tilespmem:$0x1FE80]  }
0x29f: {  	v5 =	vld [tilespmem:$0x1FE90]  }
0x2a0: {  	v29 =	vld [tilespmem:$0x3750]  }
0x2a1: {  	v28 =	vld [tilespmem:$0x4750];
	v14 =	vshll.u32 v60, $0x8;
	v1 =	vshll.u32 v1, $0x10  }
0x2a2: {  	v32 =	vld [tilespmem:$0x4740];
	v17 =	vshll.u32 v45, $0x8;
	v1 =	vadd.s32 v1, v14  }
0x2a3: {  	v31 =	vld [tilespmem:$0x3F50];
	v1 =	vadd.s32 v0, v1;
	v0 =	vadd.s32 v15, v17  }
0x2a4: {  	[tilespmem:$0x5570] =	vst v7;
	v7 =	vadd.s32 v5, v0;
	v0 =	vld [tilespmem:$0x1FEA0]  }
0x2a5: {  	v33 =	vld [tilespmem:$0x3740]  }
0x2a6: {  	v59 =	vld [tilespmem:$0x3F40]  }
0x2a7: {  	v25 =	vld [tilespmem:$0x4760]  }
0x2a8: {  	v24 =	vld [tilespmem:$0x3770]  }
0x2a9: {  	[tilespmem:$0x55A0] =	vst v4;
	v4 =	vld [tilespmem:$0x1FEF0];
	v5 =	vshll.u32 v30, $0x8;
	v0 =	vshll.u32 v0, $0x10  }
0x2aa: {  	[tilespmem:$0x5550] =	vst v11;
	v11 =	vadd.s32 v0, v5;
	v0 =	vld [tilespmem:$0x1FEB0]  }
0x2ab: {  	v5 =	vld [tilespmem:$0x1FEC0]  }
0x2ac: {  	v26 =	vld [tilespmem:$0x3F60]  }
0x2ad: {  	v27 =	vld [tilespmem:$0x3760]  }
0x2ae: {  	v61 =	vld [tilespmem:$0x3F70]  }
0x2af: {  	v60 =	vld [tilespmem:$0x3F80]  }
0x2b0: {  	[tilespmem:$0x5540] =	vst v8;
	v20 =	vld [tilespmem:$0x4780];
	v0 =	vshll.u32 v0, $0x10;
	v8 =	vshll.u32 v5, $0x8  }
0x2b1: {  	[tilespmem:$0x5590] =	vst v2;
	v2 =	vadd.s32 v0, v8;
	v0 =	vld [tilespmem:$0x1FED0]  }
0x2b2: {  	v21 =	vld [tilespmem:$0x3780]  }
0x2b3: {  	v5 =	vld [tilespmem:$0x1FF00]  }
0x2b4: {  	[tilespmem:$0x55D0] =	vst v16;
	v16 =	vld [tilespmem:$0x1FF60]  }
0x2b5: {  	v23 =	vld [tilespmem:$0x4770]  }
0x2b6: {  	[tilespmem:$0x5580] =	vst v19;
	v19 =	vshll.u32 v0, $0x10;
	v0 =	vld [tilespmem:$0x1FEE0]  }
0x2b7: {  	[tilespmem:$0x55E0] =	vst v18;
	v18 =	vld [tilespmem:$0x1FF80]  }
0x2b8: {  	v4 =	vadd.s32 v4, v11;
	v11 =	vadd.s32 v5, v2;
	v2 =	vld [tilespmem:$0x1FF10]  }
0x2b9: {  	[tilespmem:$0x55F0] =	vst v22;
	v22 =	vld [tilespmem:$0x1FFA0]  }
0x2ba: {  	v45 =	vld [tilespmem:$0x3790]  }
0x2bb: {  	v12 =	vld [tilespmem:$0x47A0];
	v0 =	vshll.u32 v0, $0x8  }
0x2bc: {  	v0 =	vadd.s32 v19, v0;
	v19 =	vld [tilespmem:$0x1FF70]  }
0x2bd: {  	v0 =	vadd.s32 v2, v0;
	v2 =	vld [tilespmem:$0x1FF20]  }
0x2be: {  	[tilespmem:$0x5620] =	vst v62;
	v62 =	vld [tilespmem:$0x1FFC0]  }
0x2bf: {  	v14 =	vld [tilespmem:$0x37A0]  }
0x2c0: {  	v15 =	vld [tilespmem:$0x4790]  }
0x2c1: {  	v16 =	vshll.u32 v16, $0x10;
	v17 =	vld [tilespmem:$0x3FA0];
	v19 =	vshll.u32 v19, $0x8  }
0x2c2: {  	[tilespmem:$0x55B0] =	vst v6;
	v6 =	vshll.u32 v2, $0x10;
	v2 =	vld [tilespmem:$0x1FF30];
	v16 =	vadd.s32 v16, v19  }
0x2c3: {  	v16 =	vadd.s32 v22, v16;
	v22 =	vld [tilespmem:$0x1FFB0]  }
0x2c4: {  	v30 =	vld [tilespmem:$0x3F90]  }
0x2c5: {  	v5 =	vld [tilespmem:$0x37B0]  }
0x2c6: {  	[tilespmem:$0x56A0] =	vst v16;
	v16 =	vld [tilespmem:$0x3800]  }
0x2c7: {  	v8 =	vshll.u32 v2, $0x8;
	v2 =	vld [tilespmem:$0x1FF40]  }
0x2c8: {  	v6 =	vadd.s32 v6, v8;
	v19 =	vshll.u32 v22, $0x10;
	v22 =	vshll.u32 v57, $0x8;
	v57 =	vld [tilespmem:$0x47C0]  }
0x2c9: {  	v6 =	vadd.s32 v18, v6;
	v18 =	vld [tilespmem:$0x1FF90]  }
0x2ca: {  	[tilespmem:$0x5600] =	vst v10;
	v10 =	vadd.s32 v19, v22;
	v19 =	vshll.u32 v49, $0x10;
	v49 =	vshll.u32 v35, $0x8;
	v35 =	vld [tilespmem:$0x3FC0]  }
0x2cb: {  	v22 =	vld [tilespmem:$0x47D0]  }
0x2cc: {  	v40 =	vshll.u32 v40, $0x10;
	[tilespmem:$0x5610] =	vst v13;
	v13 =	vadd.s32 v19, v49;
	v19 =	vshll.u32 v36, $0x10;
	v36 =	vld [tilespmem:$0x37D0]  }
0x2cd: {  	v41 =	vshll.u32 v41, $0x8;
	v49 =	vshll.u32 v39, $0x8;
	v10 =	vadd.s32 v62, v10;
	v39 =	vld [tilespmem:$0x37E0]  }
0x2ce: {  	v62 =	vshll.u32 v42, $0x10;
	v19 =	vadd.s32 v19, v49;
	v49 =	vadd.s32 v40, v41;
	v40 =	vld [tilespmem:$0x47E0]  }
0x2cf: {  	v42 =	vshll.u32 v44, $0x8;
	v44 =	vshll.u32 v46, $0x10;
	v46 =	vshll.u32 v50, $0x8;
	v41 =	vld [tilespmem:$0x47F0]  }
0x2d0: {  	[tilespmem:$0x5650] =	vst v4;
	v50 =	vshll.u32 v51, $0x10;
	v51 =	vshll.u32 v52, $0x8;
	v4 =	vadd.s32 v62, v42;
	v42 =	vld [tilespmem:$0x3FF0]  }
0x2d1: {  	[tilespmem:$0x55C0] =	vst v9;
	v52 =	vadd.s32 v50, v51;
	v50 =	vshll.u32 v29, $0x10;
	v29 =	vld [tilespmem:$0x4000]  }
0x2d2: {  	v53 =	vshll.u32 v53, $0x10;
	v55 =	vshll.u32 v55, $0x8;
	[tilespmem:$0x5630] =	vst v1;
	v51 =	vshll.u32 v27, $0x10;
	v27 =	vld [tilespmem:$0x3810]  }
0x2d3: {  	v28 =	vshll.u32 v28, $0x8;
	[tilespmem:$0x5640] =	vst v7;
	v62 =	vadd.s32 v53, v55;
	v55 =	vshll.u32 v24, $0x10;
	v24 =	vld [tilespmem:$0x4010]  }
0x2d4: {  	v32 =	vshll.u32 v32, $0x8;
	v25 =	vshll.u32 v25, $0x8;
	[tilespmem:$0x5660] =	vst v11;
	v13 =	vadd.s32 v34, v13;
	v34 =	vld [tilespmem:$0x4030]  }
0x2d5: {  	v20 =	vshll.u32 v20, $0x8;
	v23 =	vshll.u32 v23, $0x8;
	[tilespmem:$0x5670] =	vst v0;
	v9 =	vshll.u32 v2, $0x10;
	v2 =	vld [tilespmem:$0x1FF50]  }
0x2d6: {  	v12 =	vshll.u32 v12, $0x8;
	v15 =	vshll.u32 v15, $0x8;
	[tilespmem:$0x5680] =	vst v6;
	v1 =	vadd.s32 v37, v19;
	v37 =	vld [tilespmem:$0x3FD0]  }
0x2d7: {  	v5 =	vshll.u32 v5, $0x10;
	[tilespmem:$0x56B0] =	vst v10;
	v7 =	vadd.s32 v38, v49;
	v4 =	vadd.s32 v43, v4;
	v19 =	vld [tilespmem:$0x3FE0]  }
0x2d8: {  	v49 =	vadd.s32 v44, v46;
	v38 =	vld [tilespmem:$0x37F0];
	v46 =	vshll.u32 v56, $0x10;
	v6 =	vadd.s32 v48, v52;
	[tilespmem:$0x56C0] =	vst v13  }
0x2d9: {  	v53 =	vadd.s32 v51, v25;
	v56 =	vshll.u32 v21, $0x10;
	v44 =	vld [tilespmem:$0x4040];
	v0 =	vadd.s32 v47, v49;
	[tilespmem:$0x56D0] =	vst v1  }
0x2da: {  	v47 =	vshll.u32 v63, $0x8;
	v49 =	vshll.u32 v33, $0x10;
	v33 =	vld [tilespmem:$0x4800];
	v1 =	vadd.s32 v50, v28;
	[tilespmem:$0x56E0] =	vst v7  }
0x2db: {  	[tilespmem:$0x56F0] =	vst v4;
	v4 =	vadd.s32 v26, v53;
	v63 =	vld [tilespmem:$0x4820];
	v28 =	vshll.u32 v14, $0x10;
	v50 =	vshll.u32 v16, $0x10  }
0x2dc: {  	v26 =	vld [tilespmem:$0x4020];
	v11 =	vadd.s32 v46, v47;
	v1 =	vadd.s32 v31, v1;
	[tilespmem:$0x5700] =	vst v0;
	v0 =	vadd.s32 v55, v23  }
0x2dd: {  	[tilespmem:$0x5710] =	vst v6;
	v31 =	vadd.s32 v28, v12;
	v47 =	vld [tilespmem:$0x3850];
	v48 =	vadd.s32 v58, v11;
	v11 =	vadd.s32 v49, v32  }
0x2de: {  	[tilespmem:$0x5760] =	vst v4;
	v58 =	vld [tilespmem:$0x3820];
	v0 =	vadd.s32 v61, v0;
	v4 =	vadd.s32 v17, v31;
	v39 =	vshll.u32 v39, $0x10  }
0x2df: {  	[tilespmem:$0x5750] =	vst v1;
	v52 =	vadd.s32 v59, v11;
	v59 =	vadd.s32 v56, v20;
	v8 =	vshll.u32 v2, $0x8;
	v2 =	vld [tilespmem:$0x47B0]  }
0x2e0: {  	[tilespmem:$0x5730] =	vst v48;
	v43 =	vshll.u32 v40, $0x8;
	v6 =	vadd.s32 v60, v59;
	v9 =	vadd.s32 v9, v8;
	v8 =	vld [tilespmem:$0x3FB0]  }
0x2e1: {  	v46 =	vshll.u32 v41, $0x8;
	[tilespmem:$0x5780] =	vst v6;
	v6 =	vadd.s32 v39, v43;
	v9 =	vadd.s32 v18, v9;
	v18 =	vld [tilespmem:$0x37C0]  }
0x2e2: {  	v55 =	vld [tilespmem:$0x3860];
	[tilespmem:$0x57A0] =	vst v4;
	v53 =	vshll.u32 v27, $0x10;
	v51 =	vshll.u32 v33, $0x8;
	v4 =	vadd.s32 v19, v6  }
0x2e3: {  	v32 =	vld [tilespmem:$0x4830];
	[tilespmem:$0x5690] =	vst v9;
	v9 =	vadd.s32 v54, v62;
	v62 =	vshll.u32 v45, $0x10;
	v45 =	vshll.u32 v38, $0x10  }
0x2e4: {  	v49 =	vld [tilespmem:$0x4850];
	[tilespmem:$0x5770] =	vst v0;
	v56 =	vshll.u32 v58, $0x10;
	v25 =	vadd.s32 v62, v15;
	v2 =	vshll.u32 v2, $0x8  }
0x2e5: {  	v54 =	vld [tilespmem:$0x4810];
	[tilespmem:$0x5720] =	vst v9;
	v48 =	vadd.s32 v45, v46;
	v9 =	vadd.s32 v30, v25;
	v1 =	vadd.s32 v5, v2  }
0x2e6: {  	[tilespmem:$0x5740] =	vst v52;
	v30 =	vld [tilespmem:$0x3830];
	v5 =	vshll.u32 v57, $0x8;
	v2 =	vshll.u32 v18, $0x10;
	v1 =	vadd.s32 v8, v1  }
0x2e7: {  	v57 =	vshll.u32 v63, $0x8;
	v2 =	vadd.s32 v2, v5;
	v5 =	vld [tilespmem:$0x3840];
	[tilespmem:$0x57B0] =	vst v1;
	v1 =	vadd.s32 v42, v48  }
0x2e8: {  	[tilespmem:$0x57E0] =	vst v4;
	v0 =	vadd.s32 v35, v2;
	v2 =	vshll.u32 v36, $0x10;
	v35 =	vshll.u32 v22, $0x8;
	v36 =	vld [tilespmem:$0x4840]  }
0x2e9: {  	v61 =	vld [tilespmem:$0x4870];
	v60 =	vshll.u32 v32, $0x8;
	v4 =	vadd.s32 v56, v57;
	[tilespmem:$0x57F0] =	vst v1;
	v2 =	vadd.s32 v2, v35  }
0x2ea: {  	v52 =	vld [tilespmem:$0x4050];
	v54 =	vshll.u32 v54, $0x8;
	[tilespmem:$0x57C0] =	vst v0;
	v0 =	vadd.s32 v50, v51;
	v2 =	vadd.s32 v37, v2  }
0x2eb: {  	v58 =	vld [tilespmem:$0x4860];
	v1 =	vadd.s32 v26, v4;
	v4 =	vshll.u32 v30, $0x10;
	v0 =	vadd.s32 v29, v0;
	[tilespmem:$0x57D0] =	vst v2  }
0x2ec: {  	v59 =	vld [tilespmem:$0x3870];
	v2 =	vadd.s32 v53, v54;
	[tilespmem:$0x5800] =	vst v0;
	v0 =	vadd.s32 v4, v60  }
0x2ed: {  	v62 =	vld [tilespmem:$0x4060];
	[tilespmem:$0x5790] =	vst v9;
	v2 =	vadd.s32 v24, v2;
	v4 =	vshll.u32 v5, $0x10;
	v5 =	vshll.u32 v36, $0x8  }
0x2ee: {  	v63 =	vld [tilespmem:$0x4070];
	[tilespmem:$0x5810] =	vst v2;
	v2 =	vadd.s32 v4, v5;
	v4 =	vshll.u32 v47, $0x10;
	v5 =	vshll.u32 v49, $0x8  }
0x2ef: {  	[tilespmem:$0x5820] =	vst v1;
	v0 =	vadd.s32 v34, v0;
	v1 =	vadd.s32 v44, v2;
	v2 =	vadd.s32 v4, v5  }
0x2f0: {  	[tilespmem:$0x5830] =	vst v0;
	v4 =	vshll.u32 v58, $0x8;
	v0 =	vadd.s32 v52, v2;
	v2 =	vshll.u32 v55, $0x10  }
0x2f1: {  	[tilespmem:$0x5840] =	vst v1;
	v1 =	vadd.s32 v2, v4;
	v2 =	vshll.u32 v59, $0x10;
	v4 =	vshll.u32 v61, $0x8  }
0x2f2: {  	[tilespmem:$0x5850] =	vst v0;
	v0 =	vadd.s32 v62, v1;
	v1 =	vadd.s32 v2, v4  }
0x2f3: {  	[tilespmem:$0x5860] =	vst v0;
	v0 =	vadd.s32 v63, v1  }
0x2f4: {  	s11 =	simm.s32 $0x0;
	s2 =	simm.s32 $0x40;
	[tilespmem:$0x5870] =	vst v0  }
.LBB2_4:
0x2f5: {  	p0 =	sne.s32 s2, $0x1FC0;
	[tilespmem:s11+$0x6080] =	vst v3;
	s11 =	smov.u32 s2;
	s2 =	sadd.s32 $0x40, s2  }
.Ltmp3:
0x2f6: {  	(pc) =	sbr.rel @p0 .LBB2_4-.Ltmp3, $2  }
0x2f7: {  	_ =	sdelay $0x2  }
0x2f8: {  	s11 =	sshra.s32 s11, $0x2  }
0x2f9: {  	[tilespmem:s11+$0x6080] =	vst v3;
	s5 =	simm.s32 $0x1  }
0x2fa: {  	_ =	swait.ge [sflag:s5], $0x3000  }
0x2fb: {  	s14 =	simm.s32 $0x0;
	[sflag:s5] =	ssyncset.done $0x0  }
0x2fc: {  	s11 =	simm.s32 $0x6;
	s2 =	rddreg [dreg:$0xd];
	[sflag:s5] =	ssyncadd.s32 $0xFFFFD000  }
0x2fd: {  	[hbm4b:s2+s14] =	stream.linear.scatter [tilespmem:s31], [sflag:$0x6], $0x3000, $0x38;
	[tilespmem:$0x16D00] =	vst v63  }
0x2fe: {  	_ =	swait.ge [sflag:s11], $0x3000  }
0x2ff: {  	[sflag:s11] =	ssyncset.done $0x0  }
0x300: {  	[sflag:s11] =	ssyncadd.s32 $0xFFFFD000  }
0x301: {  	v0 =	vld [tilespmem:$0x10];
	_ =	sdelay $0x3  }
0x302: {  	v5 =	vld [tilespmem:$0x1FFD0]  }
0x303: {  	v1 =	vshrl.u32 v0, $0x3  }
0x304: {  	v6 =	vld [tilespmem:$0x1FFE0];
	v1 =	vmul.u32 $0x30, v1  }
0x305: {  	v0 =	vand.u32 $0x7, v0  }
0x306: {  	v0 =	vor.u32 v0, v1  }
0x307: {  	v1 =	vperm.xlane v0, v5  }
0x308: {  	v7 =	vld [tilespmem:$0x1FFF0]  }
0x309: {  	v1 =	vadd.s32 v6, v1;
	_ =	sdelay $0x3  }
0x30a: {  	v0 =	vperm.xlane v0, v7  }
0x30b: {  	[tilespmem:s31], [sflag:$0x1] =	stream.indirect_vreg.gather [hbm4b:s18+s14], $0x80, v1, vm0, $0xb8;
	[tilespmem:$0x16D00] =	vst v63  }
0x30c: {  	s12 =	simm.s32 $0x880;
	v0 =	vadd.s32 v6, v0  }
0x30d: {  	[tilespmem:s12], [sflag:$0x1] =	stream.indirect_vreg.gather [hbm4b:s19+s14], $0x80, v1, vm0, $0xb8;
	[tilespmem:$0x16D00] =	vst v63  }
0x30e: {  	s9 =	simm.s32 $0x1080;
	s22 =	rddreg [dreg:$0x8]  }
0x30f: {  	[tilespmem:s9], [sflag:$0x1] =	stream.indirect_vreg.gather [hbm4b:s22+s14], $0x80, v1, vm0, $0xb8;
	[tilespmem:$0x16D00] =	vst v63  }
0x310: {  	s10 =	simm.s32 $0x1880  }
0x311: {  	[tilespmem:s10], [sflag:$0x1] =	stream.indirect_vreg.gather [hbm4b:s18+s14], $0x80, v0, vm0, $0xb8;
	[tilespmem:$0x16D00] =	vst v63  }
0x312: {  	s15 =	simm.s32 $0x2080  }
0x313: {  	[tilespmem:s15], [sflag:$0x1] =	stream.indirect_vreg.gather [hbm4b:s19+s14], $0x80, v0, vm0, $0xb8;
	[tilespmem:$0x16D00] =	vst v63  }
0x314: {  	s1 =	simm.s32 $0x2880  }
0x315: {  	[tilespmem:s1], [sflag:$0x1] =	stream.indirect_vreg.gather [hbm4b:s22+s14], $0x80, v0, vm0, $0xb8;
	[tilespmem:$0x16D00] =	vst v63  }
0x316: {  	_ =	swait.ge [sflag:s5], $0x3000  }
0x317: {  	[sflag:s5] =	ssyncset.done $0x0  }
0x318: {  	s2 =	rddreg [dreg:$0xe];
	[sflag:s5] =	ssyncadd.s32 $0xFFFFD000  }
0x319: {  	[hbm4b:s2+s14] =	stream.linear.scatter [tilespmem:s31], [sflag:$0x6], $0x3000, $0x38;
	[tilespmem:$0x16D00] =	vst v63  }
0x31a: {  	_ =	swait.ge [sflag:s11], $0x3000  }
0x31b: {  	[sflag:s11] =	ssyncset.done $0x0  }
0x31c: {  	[sflag:s11] =	ssyncadd.s32 $0xFFFFD000  }
0x31d: {  	v0 =	vld [tilespmem:$0x20];
	_ =	sdelay $0x4  }
0x31e: {  	v1 =	vshrl.u32 v0, $0x3  }
0x31f: {  	v1 =	vmul.u32 $0x30, v1  }
0x320: {  	v0 =	vand.u32 $0x7, v0  }
0x321: {  	v0 =	vor.u32 v0, v1  }
0x322: {  	v1 =	vperm.xlane v0, v5;
	_ =	sdelay $0x1  }
0x323: {  	v1 =	vadd.s32 v6, v1;
	_ =	sdelay $0x3  }
0x324: {  	v0 =	vperm.xlane v0, v7  }
0x325: {  	[tilespmem:s31], [sflag:$0x1] =	stream.indirect_vreg.gather [hbm4b:s18+s14], $0x80, v1, vm0, $0xb8;
	[tilespmem:$0x16D00] =	vst v63  }
0x326: {  	v0 =	vadd.s32 v6, v0  }
0x327: {  	[tilespmem:s12], [sflag:$0x1] =	stream.indirect_vreg.gather [hbm4b:s19+s14], $0x80, v1, vm0, $0xb8;
	[tilespmem:$0x16D00] =	vst v63  }
0x328: {  	_ = 	snop  }
0x329: {  	[tilespmem:s9], [sflag:$0x1] =	stream.indirect_vreg.gather [hbm4b:s22+s14], $0x80, v1, vm0, $0xb8;
	[tilespmem:$0x16D00] =	vst v63  }
0x32a: {  	_ = 	snop  }
0x32b: {  	[tilespmem:s10], [sflag:$0x1] =	stream.indirect_vreg.gather [hbm4b:s18+s14], $0x80, v0, vm0, $0xb8;
	[tilespmem:$0x16D00] =	vst v63  }
0x32c: {  	_ = 	snop  }
0x32d: {  	[tilespmem:s15], [sflag:$0x1] =	stream.indirect_vreg.gather [hbm4b:s19+s14], $0x80, v0, vm0, $0xb8;
	[tilespmem:$0x16D00] =	vst v63  }
0x32e: {  	_ = 	snop  }
0x32f: {  	[tilespmem:s1], [sflag:$0x1] =	stream.indirect_vreg.gather [hbm4b:s22+s14], $0x80, v0, vm0, $0xb8;
	[tilespmem:$0x16D00] =	vst v63  }
0x330: {  	_ =	swait.ge [sflag:s5], $0x3000  }
0x331: {  	[sflag:s5] =	ssyncset.done $0x0  }
0x332: {  	s2 =	rddreg [dreg:$0xf];
	[sflag:s5] =	ssyncadd.s32 $0xFFFFD000  }
0x333: {  	[hbm4b:s2+s14] =	stream.linear.scatter [tilespmem:s31], [sflag:$0x6], $0x3000, $0x38;
	[tilespmem:$0x16D00] =	vst v63  }
0x334: {  	_ =	swait.ge [sflag:s11], $0x3000  }
0x335: {  	[sflag:s11] =	ssyncset.done $0x0  }
0x336: {  	[sflag:s11] =	ssyncadd.s32 $0xFFFFD000  }
0x337: {  	v0 =	vld [tilespmem:$0x30];
	_ =	sdelay $0x4  }
0x338: {  	v1 =	vshrl.u32 v0, $0x3  }
0x339: {  	v1 =	vmul.u32 $0x30, v1  }
0x33a: {  	v0 =	vand.u32 $0x7, v0  }
0x33b: {  	v0 =	vor.u32 v0, v1  }
0x33c: {  	v1 =	vperm.xlane v0, v5;
	_ =	sdelay $0x1  }
0x33d: {  	v1 =	vadd.s32 v6, v1;
	_ =	sdelay $0x3  }
0x33e: {  	v0 =	vperm.xlane v0, v7  }
0x33f: {  	[tilespmem:s31], [sflag:$0x1] =	stream.indirect_vreg.gather [hbm4b:s18+s14], $0x80, v1, vm0, $0xb8;
	[tilespmem:$0x16D00] =	vst v63  }
0x340: {  	v0 =	vadd.s32 v6, v0  }
0x341: {  	[tilespmem:s12], [sflag:$0x1] =	stream.indirect_vreg.gather [hbm4b:s19+s14], $0x80, v1, vm0, $0xb8;
	[tilespmem:$0x16D00] =	vst v63  }
0x342: {  	_ = 	snop  }
0x343: {  	[tilespmem:s9], [sflag:$0x1] =	stream.indirect_vreg.gather [hbm4b:s22+s14], $0x80, v1, vm0, $0xb8;
	[tilespmem:$0x16D00] =	vst v63  }
0x344: {  	_ = 	snop  }
0x345: {  	[tilespmem:s10], [sflag:$0x1] =	stream.indirect_vreg.gather [hbm4b:s18+s14], $0x80, v0, vm0, $0xb8;
	[tilespmem:$0x16D00] =	vst v63  }
0x346: {  	_ = 	snop  }
0x347: {  	[tilespmem:s15], [sflag:$0x1] =	stream.indirect_vreg.gather [hbm4b:s19+s14], $0x80, v0, vm0, $0xb8;
	[tilespmem:$0x16D00] =	vst v63  }
0x348: {  	_ = 	snop  }
0x349: {  	[tilespmem:s1], [sflag:$0x1] =	stream.indirect_vreg.gather [hbm4b:s22+s14], $0x80, v0, vm0, $0xb8;
	[tilespmem:$0x16D00] =	vst v63  }
0x34a: {  	_ =	swait.ge [sflag:s5], $0x3000  }
0x34b: {  	[sflag:s5] =	ssyncset.done $0x0  }
0x34c: {  	s22 =	rddreg [dreg:$0x10];
	[sflag:s5] =	ssyncadd.s32 $0xFFFFD000  }
0x34d: {  	[hbm4b:s22+s14] =	stream.linear.scatter [tilespmem:s31], [sflag:$0x6], $0x3000, $0x38;
	[tilespmem:$0x16D00] =	vst v63  }
0x34e: {  	_ =	swait.ge [sflag:s11], $0x3000  }
0x34f: {  	s15 =	sld [smem:$0x7F8]  }
.Ltmp4:
0x350: {  	s1 =	sld [smem:$0x7F9];
	(pc) =	sbr.rel .LBB2_6-.Ltmp4, $4  }
0x351: {  	s5 =	sld [smem:$0x7FA]  }
0x352: {  	s9 =	sld [smem:$0x7FB]  }
0x353: {  	[sflag:s11] =	ssyncset.done $0x0;
	s10 =	sld [smem:$0x7FC]  }
0x354: {  	s22 =	sld [smem:$0x7FD];
	[sflag:s11] =	ssyncadd.s32 $0xFFFFD000  }
.LBB2_13:
0x355: {  	s14 =	sadd.s32 $0x1, s14  }
0x356: {  	p0 =	sne.s32 s14, $0xC  }
.Ltmp5:
0x357: {  	_ = 	snop;
	(pc) =	sbr.rel @!p0 .LBB2_14-.Ltmp5, $1  }
0x358: {  	_ =	sdelay $0x3  }
.LBB2_6:
0x359: {  	s11 =	sand.u32 $0x1, s14  }
0x35a: {  	p0 =	seq.s32 s11, $0x1  }
.Ltmp6:
0x35b: {  	_ = 	snop;
	(pc) =	sbr.rel @p0 .LBB2_10-.Ltmp6, $2  }
0x35c: {  	_ =	sdelay $0x2  }
0x35d: {  	s2 =	sadd.s32 s21, s14  }
0x35e: {  	p0 =	slt.u32 s14, $0x2  }
0x35f: {  	s12 =	simm.s32 @!p0 $0x4  }
0x360: {  	_ =	swait.ge @!p0 [sflag:s12], $0x1000  }
0x361: {  	[sflag:s12] =	ssyncset.done @!p0 $0x0  }
0x362: {  	s18 =	rddreg [dreg:$0x11];
	[sflag:s12] =	ssyncadd.s32 @!p0 $0xFFFFF000  }
0x363: {  	[spmem:s20] =	stream.linear.scatter [tilespmem:s6], [sflag:$0x2], $0x800, $0x38;
	[tilespmem:$0x16D00] =	vst v63  }
0x364: {  	s19 =	rddreg [dreg:$0x12]  }
0x365: {  	[spmem:s18] =	stream.linear.scatter [tilespmem:s6], [sflag:$0x2], $0x800, $0x38;
	[tilespmem:$0x16D00] =	vst v63  }
0x366: {  	s25 =	rddreg [dreg:$0x13]  }
0x367: {  	[spmem:s19] =	stream.linear.scatter [tilespmem:s6], [sflag:$0x2], $0x800, $0x38;
	[tilespmem:$0x16D00] =	vst v63  }
0x368: {  	s18 =	rddreg [dreg:$0x15]  }
0x369: {  	[spmem:s25] =	stream.linear.scatter [tilespmem:s6], [sflag:$0x2], $0x800, $0x38;
	[tilespmem:$0x16D00] =	vst v63  }
0x36a: {  	s19 =	rddreg [dreg:$0x16]  }
0x36b: {  	[spmem:s18] =	stream.linear.scatter [tilespmem:s6], [sflag:$0x2], $0x800, $0x38;
	[tilespmem:$0x16D00] =	vst v63  }
0x36c: {  	s25 =	rddreg [dreg:$0x17]  }
0x36d: {  	[spmem:s19] =	stream.linear.scatter [tilespmem:s6], [sflag:$0x2], $0x800, $0x38;
	[tilespmem:$0x16D00] =	vst v63  }
0x36e: {  	s18 =	rddreg [dreg:$0x18]  }
0x36f: {  	[spmem:s25] =	stream.linear.scatter [tilespmem:s6], [sflag:$0x2], $0x800, $0x38;
	[tilespmem:$0x16D00] =	vst v63  }
0x370: {  	s19 =	rddreg [dreg:$0x19]  }
0x371: {  	[spmem:s18] =	stream.linear.scatter [tilespmem:s6], [sflag:$0x2], $0x800, $0x38;
	[tilespmem:$0x16D00] =	vst v63  }
0x372: {  	s25 =	rddreg [dreg:$0x1a]  }
0x373: {  	[spmem:s19] =	stream.linear.scatter [tilespmem:s6], [sflag:$0x2], $0x800, $0x38;
	[tilespmem:$0x16D00] =	vst v63  }
0x374: {  	s18 =	rddreg [dreg:$0x1b]  }
0x375: {  	[spmem:s25] =	stream.linear.scatter [tilespmem:s6], [sflag:$0x2], $0x800, $0x38;
	[tilespmem:$0x16D00] =	vst v63  }
0x376: {  	s19 =	rddreg [dreg:$0x1c]  }
0x377: {  	[spmem:s18] =	stream.linear.scatter [tilespmem:s6], [sflag:$0x2], $0x800, $0x38;
	[tilespmem:$0x16D00] =	vst v63  }
0x378: {  	s25 =	rddreg [dreg:$0x1d]  }
0x379: {  	[spmem:s19] =	stream.linear.scatter [tilespmem:s6], [sflag:$0x2], $0x800, $0x38;
	[tilespmem:$0x16D00] =	vst v63  }
0x37a: {  	s18 =	rddreg [dreg:$0x1e]  }
0x37b: {  	[spmem:s25] =	stream.linear.scatter [tilespmem:s6], [sflag:$0x2], $0x800, $0x38;
	[tilespmem:$0x16D00] =	vst v63  }
0x37c: {  	s19 =	rddreg [dreg:$0x1f]  }
0x37d: {  	[spmem:s18] =	stream.linear.scatter [tilespmem:s6], [sflag:$0x2], $0x800, $0x38;
	[tilespmem:$0x16D00] =	vst v63  }
0x37e: {  	s25 =	sld [smem:$0x7F4]  }
0x37f: {  	[spmem:s19] =	stream.linear.scatter [tilespmem:s6], [sflag:$0x2], $0x800, $0x38;
	[tilespmem:$0x16D00] =	vst v63  }
0x380: {  	s12 =	simm.s32 $0x0  }
0x381: {  	[spmem:s25] =	stream.linear.scatter [tilespmem:s6], [sflag:$0x2], $0x800, $0x38;
	[tilespmem:$0x16D00] =	vst v63  }
0x382: {  	v1 =	vld [tilespmem:s12+$0x4880];
	_ =	sdelay $0x1  }
0x383: {  	s18 =	smul.u32 $0x30, s2;
	_ =	sdelay $0x1  }
0x384: {  	v0 =	vmov s18  }
0x385: {  	s18 =	simm.s32 $0x10;
	v1 =	vadd.s32 v0, v1  }
0x386: {  	v4 =	vld [tilespmem:s18+$0x4880];
	_ =	sdelay $0x3  }
0x387: {  	v2 =	vld.idx.msk [tilespmem:v1+s0+$0x0], $0xffff  }
0x388: {  	v1 =	vadd.s32 v0, v4  }
0x389: {  	s19 =	simm.s32 $0x20;
	s25 =	simm.s32 $0xC0  }
.LBB2_8:
0x38a: {  	p0 =	sne.s32 s25, $0x1FC0;
	v4 =	vld [tilespmem:s19+$0x4880];
	_ =	sdelay $0x1  }
.Ltmp7:
0x38b: {  	[tilespmem:s12+$0x5880] =	vst v2;
	s12 =	smov.u32 s18;
	s18 =	smov.u32 s19;
	(pc) =	sbr.rel @p0 .LBB2_8-.Ltmp7, $3  }
0x38c: {  	v2 =	vld.idx.msk [tilespmem:v1+s0+$0x0], $0xffff;
	_ =	sdelay $0x1  }
0x38d: {  	v1 =	vadd.s32 v0, v4  }
0x38e: {  	s19 =	sshra.s32 s25, $0x2;
	s25 =	sadd.s32 $0x40, s25  }
0x38f: {  	v4 =	vld [tilespmem:s19+$0x4880];
	_ =	sdelay $0x2  }
0x390: {  	[tilespmem:s12+$0x5880] =	vst v2  }
0x391: {  	v1 =	vld.idx.msk [tilespmem:v1+s0+$0x0], $0xffff  }
0x392: {  	v0 =	vadd.s32 v0, v4;
	_ =	sdelay $0x3  }
0x393: {  	[tilespmem:s18+$0x5880] =	vst v1  }
0x394: {  	v0 =	vld.idx.msk [tilespmem:v0+s0+$0x0], $0xffff;
	_ =	sdelay $0x4  }
0x395: {  	[tilespmem:s19+$0x5880] =	vst v0  }
0x396: {  	_ =	swait.ge [sflag:s8], $0x800  }
0x397: {  	[sflag:s8] =	ssyncset.done $0x0  }
0x398: {  	[sflag:s8] =	ssyncadd.s32 $0xFFFFF800  }
0x399: {  	_ =	swait.ge [sflag:s8], $0x800  }
0x39a: {  	[sflag:s8] =	ssyncset.done $0x0  }
0x39b: {  	[sflag:s8] =	ssyncadd.s32 $0xFFFFF800  }
0x39c: {  	_ =	swait.ge [sflag:s8], $0x800  }
0x39d: {  	[sflag:s8] =	ssyncset.done $0x0  }
0x39e: {  	[sflag:s8] =	ssyncadd.s32 $0xFFFFF800  }
0x39f: {  	_ =	swait.ge [sflag:s8], $0x800  }
0x3a0: {  	[sflag:s8] =	ssyncset.done $0x0  }
0x3a1: {  	[sflag:s8] =	ssyncadd.s32 $0xFFFFF800  }
0x3a2: {  	_ =	swait.ge [sflag:s8], $0x800  }
0x3a3: {  	[sflag:s8] =	ssyncset.done $0x0  }
0x3a4: {  	[sflag:s8] =	ssyncadd.s32 $0xFFFFF800  }
0x3a5: {  	_ =	swait.ge [sflag:s8], $0x800  }
0x3a6: {  	[sflag:s8] =	ssyncset.done $0x0  }
0x3a7: {  	[sflag:s8] =	ssyncadd.s32 $0xFFFFF800  }
0x3a8: {  	_ =	swait.ge [sflag:s8], $0x800  }
0x3a9: {  	[sflag:s8] =	ssyncset.done $0x0  }
0x3aa: {  	[sflag:s8] =	ssyncadd.s32 $0xFFFFF800  }
0x3ab: {  	_ =	swait.ge [sflag:s8], $0x800  }
0x3ac: {  	[sflag:s8] =	ssyncset.done $0x0  }
0x3ad: {  	[sflag:s8] =	ssyncadd.s32 $0xFFFFF800  }
0x3ae: {  	_ =	swait.ge [sflag:s8], $0x800  }
0x3af: {  	[sflag:s8] =	ssyncset.done $0x0  }
0x3b0: {  	[sflag:s8] =	ssyncadd.s32 $0xFFFFF800  }
0x3b1: {  	_ =	swait.ge [sflag:s8], $0x800  }
0x3b2: {  	[sflag:s8] =	ssyncset.done $0x0  }
0x3b3: {  	[sflag:s8] =	ssyncadd.s32 $0xFFFFF800  }
0x3b4: {  	_ =	swait.ge [sflag:s8], $0x800  }
0x3b5: {  	[sflag:s8] =	ssyncset.done $0x0  }
0x3b6: {  	[sflag:s8] =	ssyncadd.s32 $0xFFFFF800  }
0x3b7: {  	_ =	swait.ge [sflag:s8], $0x800  }
0x3b8: {  	[sflag:s8] =	ssyncset.done $0x0  }
0x3b9: {  	[sflag:s8] =	ssyncadd.s32 $0xFFFFF800  }
0x3ba: {  	_ =	swait.ge [sflag:s8], $0x800  }
0x3bb: {  	[sflag:s8] =	ssyncset.done $0x0  }
0x3bc: {  	[sflag:s8] =	ssyncadd.s32 $0xFFFFF800  }
0x3bd: {  	_ =	swait.ge [sflag:s8], $0x800  }
0x3be: {  	[sflag:s8] =	ssyncset.done $0x0  }
0x3bf: {  	[sflag:s8] =	ssyncadd.s32 $0xFFFFF800  }
0x3c0: {  	_ =	swait.ge [sflag:s8], $0x800  }
0x3c1: {  	[sflag:s8] =	ssyncset.done $0x0  }
0x3c2: {  	[sflag:s8] =	ssyncadd.s32 $0xFFFFF800  }
0x3c3: {  	_ =	swait.ge [sflag:s8], $0x800  }
0x3c4: {  	[sflag:s8] =	ssyncset.done $0x0  }
0x3c5: {  	[sflag:s8] =	ssyncadd.s32 $0xFFFFF800  }
0x3c6: {  	s25 =	simm.s32 $0x5880;
	s19 =	simm.s32 $0x5080;
	[bflag:$0x0] =	sbarrier.arrive $0xFFFF  }
0x3c7: {  	[spmem:s3] =	stream.indirect.scatter.add.f32 [tilespmem:s25], [sflag:$0x3], $0x1, s19, s31, $0xb8;
	[tilespmem:$0x16D00] =	vst v63  }
0x3c8: {  	s19 =	simm.s32 $0x5100;
	s25 =	simm.s32 $0x5900  }
0x3c9: {  	[spmem:s3] =	stream.indirect.scatter.add.f32 [tilespmem:s25], [sflag:$0x3], $0x1, s19, s31, $0xb8;
	[tilespmem:$0x16D00] =	vst v63  }
0x3ca: {  	s19 =	simm.s32 $0x5180;
	s25 =	simm.s32 $0x5980  }
0x3cb: {  	[spmem:s3] =	stream.indirect.scatter.add.f32 [tilespmem:s25], [sflag:$0x3], $0x1, s19, s31, $0xb8;
	[tilespmem:$0x16D00] =	vst v63  }
0x3cc: {  	s19 =	simm.s32 $0x5200;
	s25 =	simm.s32 $0x5A00  }
0x3cd: {  	[spmem:s3] =	stream.indirect.scatter.add.f32 [tilespmem:s25], [sflag:$0x3], $0x1, s19, s31, $0xb8;
	[tilespmem:$0x16D00] =	vst v63  }
0x3ce: {  	s19 =	simm.s32 $0x5280;
	s25 =	simm.s32 $0x5A80  }
0x3cf: {  	[spmem:s3] =	stream.indirect.scatter.add.f32 [tilespmem:s25], [sflag:$0x3], $0x1, s19, s31, $0xb8;
	[tilespmem:$0x16D00] =	vst v63  }
0x3d0: {  	s19 =	simm.s32 $0x5300;
	s25 =	simm.s32 $0x5B00  }
0x3d1: {  	[spmem:s3] =	stream.indirect.scatter.add.f32 [tilespmem:s25], [sflag:$0x3], $0x1, s19, s31, $0xb8;
	[tilespmem:$0x16D00] =	vst v63  }
0x3d2: {  	s19 =	simm.s32 $0x5380;
	s25 =	simm.s32 $0x5B80  }
0x3d3: {  	[spmem:s3] =	stream.indirect.scatter.add.f32 [tilespmem:s25], [sflag:$0x3], $0x1, s19, s31, $0xb8;
	[tilespmem:$0x16D00] =	vst v63  }
0x3d4: {  	s19 =	simm.s32 $0x5400;
	s25 =	simm.s32 $0x5C00  }
0x3d5: {  	[spmem:s3] =	stream.indirect.scatter.add.f32 [tilespmem:s25], [sflag:$0x3], $0x1, s19, s31, $0xb8;
	[tilespmem:$0x16D00] =	vst v63  }
0x3d6: {  	s19 =	simm.s32 $0x5480;
	s25 =	simm.s32 $0x5C80  }
0x3d7: {  	[spmem:s3] =	stream.indirect.scatter.add.f32 [tilespmem:s25], [sflag:$0x3], $0x1, s19, s31, $0xb8;
	[tilespmem:$0x16D00] =	vst v63  }
0x3d8: {  	s19 =	simm.s32 $0x5500;
	s25 =	simm.s32 $0x5D00  }
0x3d9: {  	[spmem:s3] =	stream.indirect.scatter.add.f32 [tilespmem:s25], [sflag:$0x3], $0x1, s19, s31, $0xb8;
	[tilespmem:$0x16D00] =	vst v63  }
0x3da: {  	s19 =	simm.s32 $0x5580;
	s25 =	simm.s32 $0x5D80  }
0x3db: {  	[spmem:s3] =	stream.indirect.scatter.add.f32 [tilespmem:s25], [sflag:$0x3], $0x1, s19, s31, $0xb8;
	[tilespmem:$0x16D00] =	vst v63  }
0x3dc: {  	s19 =	simm.s32 $0x5600;
	s25 =	simm.s32 $0x5E00  }
0x3dd: {  	[spmem:s3] =	stream.indirect.scatter.add.f32 [tilespmem:s25], [sflag:$0x3], $0x1, s19, s31, $0xb8;
	[tilespmem:$0x16D00] =	vst v63  }
0x3de: {  	s19 =	simm.s32 $0x5680;
	s25 =	simm.s32 $0x5E80  }
0x3df: {  	[spmem:s3] =	stream.indirect.scatter.add.f32 [tilespmem:s25], [sflag:$0x3], $0x1, s19, s31, $0xb8;
	[tilespmem:$0x16D00] =	vst v63  }
0x3e0: {  	s19 =	simm.s32 $0x5700;
	s25 =	simm.s32 $0x5F00  }
0x3e1: {  	[spmem:s3] =	stream.indirect.scatter.add.f32 [tilespmem:s25], [sflag:$0x3], $0x1, s19, s31, $0xb8;
	[tilespmem:$0x16D00] =	vst v63  }
0x3e2: {  	s19 =	simm.s32 $0x5780;
	s25 =	simm.s32 $0x5F80  }
0x3e3: {  	[spmem:s3] =	stream.indirect.scatter.add.f32 [tilespmem:s25], [sflag:$0x3], $0x1, s19, s31, $0xb8;
	[tilespmem:$0x16D00] =	vst v63  }
0x3e4: {  	s19 =	simm.s32 $0x5800;
	s25 =	simm.s32 $0x6000  }
0x3e5: {  	[spmem:s3] =	stream.indirect.scatter.add.f32 [tilespmem:s25], [sflag:$0x3], $0x1, s19, s31, $0xb8;
	[tilespmem:$0x16D00] =	vst v63  }
0x3e6: {  	_ =	swait.ge [sflag:s13], $0x80  }
0x3e7: {  	[sflag:s13] =	ssyncset.done $0x0  }
0x3e8: {  	[sflag:s13] =	ssyncadd.s32 $0xFFFFFF80  }
0x3e9: {  	_ =	swait.ge [sflag:s13], $0x80  }
0x3ea: {  	[sflag:s13] =	ssyncset.done $0x0  }
0x3eb: {  	[sflag:s13] =	ssyncadd.s32 $0xFFFFFF80  }
0x3ec: {  	_ =	swait.ge [sflag:s13], $0x80  }
0x3ed: {  	[sflag:s13] =	ssyncset.done $0x0  }
0x3ee: {  	[sflag:s13] =	ssyncadd.s32 $0xFFFFFF80  }
0x3ef: {  	_ =	swait.ge [sflag:s13], $0x80  }
0x3f0: {  	[sflag:s13] =	ssyncset.done $0x0  }
0x3f1: {  	[sflag:s13] =	ssyncadd.s32 $0xFFFFFF80  }
0x3f2: {  	_ =	swait.ge [sflag:s13], $0x80  }
0x3f3: {  	[sflag:s13] =	ssyncset.done $0x0  }
0x3f4: {  	[sflag:s13] =	ssyncadd.s32 $0xFFFFFF80  }
0x3f5: {  	_ =	swait.ge [sflag:s13], $0x80  }
0x3f6: {  	[sflag:s13] =	ssyncset.done $0x0  }
0x3f7: {  	[sflag:s13] =	ssyncadd.s32 $0xFFFFFF80  }
0x3f8: {  	_ =	swait.ge [sflag:s13], $0x80  }
0x3f9: {  	[sflag:s13] =	ssyncset.done $0x0  }
0x3fa: {  	[sflag:s13] =	ssyncadd.s32 $0xFFFFFF80  }
0x3fb: {  	_ =	swait.ge [sflag:s13], $0x80  }
0x3fc: {  	[sflag:s13] =	ssyncset.done $0x0  }
0x3fd: {  	[sflag:s13] =	ssyncadd.s32 $0xFFFFFF80  }
0x3fe: {  	_ =	swait.ge [sflag:s13], $0x80  }
0x3ff: {  	[sflag:s13] =	ssyncset.done $0x0  }
0x400: {  	[sflag:s13] =	ssyncadd.s32 $0xFFFFFF80  }
0x401: {  	_ =	swait.ge [sflag:s13], $0x80  }
0x402: {  	[sflag:s13] =	ssyncset.done $0x0  }
0x403: {  	[sflag:s13] =	ssyncadd.s32 $0xFFFFFF80  }
0x404: {  	_ =	swait.ge [sflag:s13], $0x80  }
0x405: {  	[sflag:s13] =	ssyncset.done $0x0  }
0x406: {  	[sflag:s13] =	ssyncadd.s32 $0xFFFFFF80  }
0x407: {  	_ =	swait.ge [sflag:s13], $0x80  }
0x408: {  	[sflag:s13] =	ssyncset.done $0x0  }
0x409: {  	[sflag:s13] =	ssyncadd.s32 $0xFFFFFF80  }
0x40a: {  	_ =	swait.ge [sflag:s13], $0x80  }
0x40b: {  	[sflag:s13] =	ssyncset.done $0x0  }
0x40c: {  	[sflag:s13] =	ssyncadd.s32 $0xFFFFFF80  }
0x40d: {  	_ =	swait.ge [sflag:s13], $0x80  }
0x40e: {  	[sflag:s13] =	ssyncset.done $0x0  }
0x40f: {  	[sflag:s13] =	ssyncadd.s32 $0xFFFFFF80  }
0x410: {  	_ =	swait.ge [sflag:s13], $0x80  }
0x411: {  	[sflag:s13] =	ssyncset.done $0x0  }
0x412: {  	p0 =	seq.s32 s11, $0x0;
	s18 =	sshll.u32 s2, $0x13;
	[sflag:s13] =	ssyncadd.s32 $0xFFFFFF80  }
.Ltmp8:
0x413: {  	s12 =	sor.u32 s17, s18;
	_ =	swait.ge [sflag:s13], $0x80;
	(pc) =	sbr.rel @p0 .LBB2_13-.Ltmp8, $4  }
0x414: {  	s12 =	sshrl.u32 s12, $0x3;
	s25 =	stileid.u32;
	[sflag:s13] =	ssyncset.done $0x0  }
0x415: {  	s12 =	sadd.s32 s7, s12;
	s19 =	sshll.u32 s25, $0x6;
	[sflag:s13] =	ssyncadd.s32 $0xFFFFFF80  }
0x416: {  	s18 =	sor.u32 $0x1C04, s19;
	s19 =	sshrl.u32 s20, $0x3;
	[bflag:$0x0] =	sbarrier.arrive $0xFFFF  }
0x417: {  	[hbm:s12], [sflag:s18] =	dma.local [spmem:s19], $0x1000  }
.LBB2_10:
0x418: {  	p0 =	slt.u32 s14, $0x2  }
0x419: {  	s11 =	simm.s32 @!p0 $0x5  }
0x41a: {  	_ =	swait.ge @!p0 [sflag:s11], $0x1000  }
0x41b: {  	[sflag:s11] =	ssyncset.done @!p0 $0x0  }
0x41c: {  	s12 =	sld [smem:$0x7F5];
	[sflag:s11] =	ssyncadd.s32 @!p0 $0xFFFFF000  }
0x41d: {  	[spmem:s16] =	stream.linear.scatter [tilespmem:s6], [sflag:$0x2], $0x800, $0x38;
	[tilespmem:$0x16D00] =	vst v63  }
0x41e: {  	s18 =	sld [smem:$0x7F6]  }
0x41f: {  	[spmem:s12] =	stream.linear.scatter [tilespmem:s6], [sflag:$0x2], $0x800, $0x38;
	[tilespmem:$0x16D00] =	vst v63  }
0x420: {  	s19 =	sld [smem:$0x7F7]  }
0x421: {  	[spmem:s18] =	stream.linear.scatter [tilespmem:s6], [sflag:$0x2], $0x800, $0x38;
	[tilespmem:$0x16D00] =	vst v63  }
0x422: {  	_ = 	snop  }
0x423: {  	[spmem:s19] =	stream.linear.scatter [tilespmem:s6], [sflag:$0x2], $0x800, $0x38;
	[tilespmem:$0x16D00] =	vst v63  }
0x424: {  	_ = 	snop  }
0x425: {  	[spmem:s15] =	stream.linear.scatter [tilespmem:s6], [sflag:$0x2], $0x800, $0x38;
	[tilespmem:$0x16D00] =	vst v63  }
0x426: {  	_ = 	snop  }
0x427: {  	[spmem:s1] =	stream.linear.scatter [tilespmem:s6], [sflag:$0x2], $0x800, $0x38;
	[tilespmem:$0x16D00] =	vst v63  }
0x428: {  	_ = 	snop  }
0x429: {  	[spmem:s5] =	stream.linear.scatter [tilespmem:s6], [sflag:$0x2], $0x800, $0x38;
	[tilespmem:$0x16D00] =	vst v63  }
0x42a: {  	_ = 	snop  }
0x42b: {  	[spmem:s9] =	stream.linear.scatter [tilespmem:s6], [sflag:$0x2], $0x800, $0x38;
	[tilespmem:$0x16D00] =	vst v63  }
0x42c: {  	_ = 	snop  }
0x42d: {  	[spmem:s10] =	stream.linear.scatter [tilespmem:s6], [sflag:$0x2], $0x800, $0x38;
	[tilespmem:$0x16D00] =	vst v63  }
0x42e: {  	_ = 	snop  }
0x42f: {  	[spmem:s22] =	stream.linear.scatter [tilespmem:s6], [sflag:$0x2], $0x800, $0x38;
	[tilespmem:$0x16D00] =	vst v63  }
0x430: {  	_ = 	snop  }
0x431: {  	[spmem:s23] =	stream.linear.scatter [tilespmem:s6], [sflag:$0x2], $0x800, $0x38;
	[tilespmem:$0x16D00] =	vst v63  }
0x432: {  	_ = 	snop  }
0x433: {  	[spmem:s24] =	stream.linear.scatter [tilespmem:s6], [sflag:$0x2], $0x800, $0x38;
	[tilespmem:$0x16D00] =	vst v63  }
0x434: {  	_ = 	snop  }
0x435: {  	[spmem:s26] =	stream.linear.scatter [tilespmem:s6], [sflag:$0x2], $0x800, $0x38;
	[tilespmem:$0x16D00] =	vst v63  }
0x436: {  	_ = 	snop  }
0x437: {  	[spmem:s28] =	stream.linear.scatter [tilespmem:s6], [sflag:$0x2], $0x800, $0x38;
	[tilespmem:$0x16D00] =	vst v63  }
0x438: {  	_ = 	snop  }
0x439: {  	[spmem:s29] =	stream.linear.scatter [tilespmem:s6], [sflag:$0x2], $0x800, $0x38;
	[tilespmem:$0x16D00] =	vst v63  }
0x43a: {  	s11 =	simm.s32 $0x0  }
0x43b: {  	[spmem:s30] =	stream.linear.scatter [tilespmem:s6], [sflag:$0x2], $0x800, $0x38;
	[tilespmem:$0x16D00] =	vst v63  }
0x43c: {  	v1 =	vld [tilespmem:s11+$0x4880];
	_ =	sdelay $0x1  }
0x43d: {  	s12 =	smul.u32 $0x30, s2;
	_ =	sdelay $0x1  }
0x43e: {  	v0 =	vmov s12  }
0x43f: {  	s12 =	simm.s32 $0x10;
	v1 =	vadd.s32 v0, v1  }
0x440: {  	v4 =	vld [tilespmem:s12+$0x4880];
	_ =	sdelay $0x3  }
0x441: {  	v2 =	vld.idx.msk [tilespmem:v1+s0+$0x0], $0xffff  }
0x442: {  	v1 =	vadd.s32 v0, v4  }
0x443: {  	s18 =	simm.s32 $0x20;
	s19 =	simm.s32 $0xC0  }
.LBB2_11:
0x444: {  	p0 =	sne.s32 s19, $0x1FC0;
	v4 =	vld [tilespmem:s18+$0x4880];
	_ =	sdelay $0x1  }
.Ltmp9:
0x445: {  	[tilespmem:s11+$0x5880] =	vst v2;
	s11 =	smov.u32 s12;
	s12 =	smov.u32 s18;
	(pc) =	sbr.rel @p0 .LBB2_11-.Ltmp9, $3  }
0x446: {  	v2 =	vld.idx.msk [tilespmem:v1+s0+$0x0], $0xffff;
	_ =	sdelay $0x1  }
0x447: {  	v1 =	vadd.s32 v0, v4  }
0x448: {  	s18 =	sshra.s32 s19, $0x2;
	s19 =	sadd.s32 $0x40, s19  }
0x449: {  	v4 =	vld [tilespmem:s18+$0x4880];
	_ =	sdelay $0x2  }
0x44a: {  	[tilespmem:s11+$0x5880] =	vst v2  }
0x44b: {  	v1 =	vld.idx.msk [tilespmem:v1+s0+$0x0], $0xffff  }
0x44c: {  	v0 =	vadd.s32 v0, v4;
	_ =	sdelay $0x3  }
0x44d: {  	[tilespmem:s12+$0x5880] =	vst v1  }
0x44e: {  	v0 =	vld.idx.msk [tilespmem:v0+s0+$0x0], $0xffff;
	_ =	sdelay $0x4  }
0x44f: {  	[tilespmem:s18+$0x5880] =	vst v0  }
0x450: {  	_ =	swait.ge [sflag:s8], $0x800  }
0x451: {  	[sflag:s8] =	ssyncset.done $0x0  }
0x452: {  	[sflag:s8] =	ssyncadd.s32 $0xFFFFF800  }
0x453: {  	_ =	swait.ge [sflag:s8], $0x800  }
0x454: {  	[sflag:s8] =	ssyncset.done $0x0  }
0x455: {  	[sflag:s8] =	ssyncadd.s32 $0xFFFFF800  }
0x456: {  	_ =	swait.ge [sflag:s8], $0x800  }
0x457: {  	[sflag:s8] =	ssyncset.done $0x0  }
0x458: {  	[sflag:s8] =	ssyncadd.s32 $0xFFFFF800  }
0x459: {  	_ =	swait.ge [sflag:s8], $0x800  }
0x45a: {  	[sflag:s8] =	ssyncset.done $0x0  }
0x45b: {  	[sflag:s8] =	ssyncadd.s32 $0xFFFFF800  }
0x45c: {  	_ =	swait.ge [sflag:s8], $0x800  }
0x45d: {  	[sflag:s8] =	ssyncset.done $0x0  }
0x45e: {  	[sflag:s8] =	ssyncadd.s32 $0xFFFFF800  }
0x45f: {  	_ =	swait.ge [sflag:s8], $0x800  }
0x460: {  	[sflag:s8] =	ssyncset.done $0x0  }
0x461: {  	[sflag:s8] =	ssyncadd.s32 $0xFFFFF800  }
0x462: {  	_ =	swait.ge [sflag:s8], $0x800  }
0x463: {  	[sflag:s8] =	ssyncset.done $0x0  }
0x464: {  	[sflag:s8] =	ssyncadd.s32 $0xFFFFF800  }
0x465: {  	_ =	swait.ge [sflag:s8], $0x800  }
0x466: {  	[sflag:s8] =	ssyncset.done $0x0  }
0x467: {  	[sflag:s8] =	ssyncadd.s32 $0xFFFFF800  }
0x468: {  	_ =	swait.ge [sflag:s8], $0x800  }
0x469: {  	[sflag:s8] =	ssyncset.done $0x0  }
0x46a: {  	[sflag:s8] =	ssyncadd.s32 $0xFFFFF800  }
0x46b: {  	_ =	swait.ge [sflag:s8], $0x800  }
0x46c: {  	[sflag:s8] =	ssyncset.done $0x0  }
0x46d: {  	[sflag:s8] =	ssyncadd.s32 $0xFFFFF800  }
0x46e: {  	_ =	swait.ge [sflag:s8], $0x800  }
0x46f: {  	[sflag:s8] =	ssyncset.done $0x0  }
0x470: {  	[sflag:s8] =	ssyncadd.s32 $0xFFFFF800  }
0x471: {  	_ =	swait.ge [sflag:s8], $0x800  }
0x472: {  	[sflag:s8] =	ssyncset.done $0x0  }
0x473: {  	[sflag:s8] =	ssyncadd.s32 $0xFFFFF800  }
0x474: {  	_ =	swait.ge [sflag:s8], $0x800  }
0x475: {  	[sflag:s8] =	ssyncset.done $0x0  }
0x476: {  	[sflag:s8] =	ssyncadd.s32 $0xFFFFF800  }
0x477: {  	_ =	swait.ge [sflag:s8], $0x800  }
0x478: {  	[sflag:s8] =	ssyncset.done $0x0  }
0x479: {  	[sflag:s8] =	ssyncadd.s32 $0xFFFFF800  }
0x47a: {  	_ =	swait.ge [sflag:s8], $0x800  }
0x47b: {  	[sflag:s8] =	ssyncset.done $0x0  }
0x47c: {  	[sflag:s8] =	ssyncadd.s32 $0xFFFFF800  }
0x47d: {  	_ =	swait.ge [sflag:s8], $0x800  }
0x47e: {  	[sflag:s8] =	ssyncset.done $0x0  }
0x47f: {  	[sflag:s8] =	ssyncadd.s32 $0xFFFFF800  }
0x480: {  	s19 =	simm.s32 $0x5880;
	s18 =	simm.s32 $0x5080;
	[bflag:$0x0] =	sbarrier.arrive $0xFFFF  }
0x481: {  	[spmem:s4] =	stream.indirect.scatter.add.f32 [tilespmem:s19], [sflag:$0x3], $0x1, s18, s31, $0xb8;
	[tilespmem:$0x16D00] =	vst v63  }
0x482: {  	s18 =	simm.s32 $0x5100;
	s19 =	simm.s32 $0x5900  }
0x483: {  	[spmem:s4] =	stream.indirect.scatter.add.f32 [tilespmem:s19], [sflag:$0x3], $0x1, s18, s31, $0xb8;
	[tilespmem:$0x16D00] =	vst v63  }
0x484: {  	s18 =	simm.s32 $0x5180;
	s19 =	simm.s32 $0x5980  }
0x485: {  	[spmem:s4] =	stream.indirect.scatter.add.f32 [tilespmem:s19], [sflag:$0x3], $0x1, s18, s31, $0xb8;
	[tilespmem:$0x16D00] =	vst v63  }
0x486: {  	s18 =	simm.s32 $0x5200;
	s19 =	simm.s32 $0x5A00  }
0x487: {  	[spmem:s4] =	stream.indirect.scatter.add.f32 [tilespmem:s19], [sflag:$0x3], $0x1, s18, s31, $0xb8;
	[tilespmem:$0x16D00] =	vst v63  }
0x488: {  	s18 =	simm.s32 $0x5280;
	s19 =	simm.s32 $0x5A80  }
0x489: {  	[spmem:s4] =	stream.indirect.scatter.add.f32 [tilespmem:s19], [sflag:$0x3], $0x1, s18, s31, $0xb8;
	[tilespmem:$0x16D00] =	vst v63  }
0x48a: {  	s18 =	simm.s32 $0x5300;
	s19 =	simm.s32 $0x5B00  }
0x48b: {  	[spmem:s4] =	stream.indirect.scatter.add.f32 [tilespmem:s19], [sflag:$0x3], $0x1, s18, s31, $0xb8;
	[tilespmem:$0x16D00] =	vst v63  }
0x48c: {  	s18 =	simm.s32 $0x5380;
	s19 =	simm.s32 $0x5B80  }
0x48d: {  	[spmem:s4] =	stream.indirect.scatter.add.f32 [tilespmem:s19], [sflag:$0x3], $0x1, s18, s31, $0xb8;
	[tilespmem:$0x16D00] =	vst v63  }
0x48e: {  	s18 =	simm.s32 $0x5400;
	s19 =	simm.s32 $0x5C00  }
0x48f: {  	[spmem:s4] =	stream.indirect.scatter.add.f32 [tilespmem:s19], [sflag:$0x3], $0x1, s18, s31, $0xb8;
	[tilespmem:$0x16D00] =	vst v63  }
0x490: {  	s18 =	simm.s32 $0x5480;
	s19 =	simm.s32 $0x5C80  }
0x491: {  	[spmem:s4] =	stream.indirect.scatter.add.f32 [tilespmem:s19], [sflag:$0x3], $0x1, s18, s31, $0xb8;
	[tilespmem:$0x16D00] =	vst v63  }
0x492: {  	s18 =	simm.s32 $0x5500;
	s19 =	simm.s32 $0x5D00  }
0x493: {  	[spmem:s4] =	stream.indirect.scatter.add.f32 [tilespmem:s19], [sflag:$0x3], $0x1, s18, s31, $0xb8;
	[tilespmem:$0x16D00] =	vst v63  }
0x494: {  	s18 =	simm.s32 $0x5580;
	s19 =	simm.s32 $0x5D80  }
0x495: {  	[spmem:s4] =	stream.indirect.scatter.add.f32 [tilespmem:s19], [sflag:$0x3], $0x1, s18, s31, $0xb8;
	[tilespmem:$0x16D00] =	vst v63  }
0x496: {  	s18 =	simm.s32 $0x5600;
	s19 =	simm.s32 $0x5E00  }
0x497: {  	[spmem:s4] =	stream.indirect.scatter.add.f32 [tilespmem:s19], [sflag:$0x3], $0x1, s18, s31, $0xb8;
	[tilespmem:$0x16D00] =	vst v63  }
0x498: {  	s18 =	simm.s32 $0x5680;
	s19 =	simm.s32 $0x5E80  }
0x499: {  	[spmem:s4] =	stream.indirect.scatter.add.f32 [tilespmem:s19], [sflag:$0x3], $0x1, s18, s31, $0xb8;
	[tilespmem:$0x16D00] =	vst v63  }
0x49a: {  	s18 =	simm.s32 $0x5700;
	s19 =	simm.s32 $0x5F00  }
0x49b: {  	[spmem:s4] =	stream.indirect.scatter.add.f32 [tilespmem:s19], [sflag:$0x3], $0x1, s18, s31, $0xb8;
	[tilespmem:$0x16D00] =	vst v63  }
0x49c: {  	s18 =	simm.s32 $0x5780;
	s19 =	simm.s32 $0x5F80  }
0x49d: {  	[spmem:s4] =	stream.indirect.scatter.add.f32 [tilespmem:s19], [sflag:$0x3], $0x1, s18, s31, $0xb8;
	[tilespmem:$0x16D00] =	vst v63  }
0x49e: {  	s18 =	simm.s32 $0x5800;
	s19 =	simm.s32 $0x6000  }
0x49f: {  	[spmem:s4] =	stream.indirect.scatter.add.f32 [tilespmem:s19], [sflag:$0x3], $0x1, s18, s31, $0xb8;
	[tilespmem:$0x16D00] =	vst v63  }
0x4a0: {  	_ =	swait.ge [sflag:s13], $0x80  }
0x4a1: {  	[sflag:s13] =	ssyncset.done $0x0  }
0x4a2: {  	[sflag:s13] =	ssyncadd.s32 $0xFFFFFF80  }
0x4a3: {  	_ =	swait.ge [sflag:s13], $0x80  }
0x4a4: {  	[sflag:s13] =	ssyncset.done $0x0  }
0x4a5: {  	[sflag:s13] =	ssyncadd.s32 $0xFFFFFF80  }
0x4a6: {  	_ =	swait.ge [sflag:s13], $0x80  }
0x4a7: {  	[sflag:s13] =	ssyncset.done $0x0  }
0x4a8: {  	[sflag:s13] =	ssyncadd.s32 $0xFFFFFF80  }
0x4a9: {  	_ =	swait.ge [sflag:s13], $0x80  }
0x4aa: {  	[sflag:s13] =	ssyncset.done $0x0  }
0x4ab: {  	[sflag:s13] =	ssyncadd.s32 $0xFFFFFF80  }
0x4ac: {  	_ =	swait.ge [sflag:s13], $0x80  }
0x4ad: {  	[sflag:s13] =	ssyncset.done $0x0  }
0x4ae: {  	[sflag:s13] =	ssyncadd.s32 $0xFFFFFF80  }
0x4af: {  	_ =	swait.ge [sflag:s13], $0x80  }
0x4b0: {  	[sflag:s13] =	ssyncset.done $0x0  }
0x4b1: {  	[sflag:s13] =	ssyncadd.s32 $0xFFFFFF80  }
0x4b2: {  	_ =	swait.ge [sflag:s13], $0x80  }
0x4b3: {  	[sflag:s13] =	ssyncset.done $0x0  }
0x4b4: {  	[sflag:s13] =	ssyncadd.s32 $0xFFFFFF80  }
0x4b5: {  	_ =	swait.ge [sflag:s13], $0x80  }
0x4b6: {  	[sflag:s13] =	ssyncset.done $0x0  }
0x4b7: {  	[sflag:s13] =	ssyncadd.s32 $0xFFFFFF80  }
0x4b8: {  	_ =	swait.ge [sflag:s13], $0x80  }
0x4b9: {  	[sflag:s13] =	ssyncset.done $0x0  }
0x4ba: {  	[sflag:s13] =	ssyncadd.s32 $0xFFFFFF80  }
0x4bb: {  	_ =	swait.ge [sflag:s13], $0x80  }
0x4bc: {  	[sflag:s13] =	ssyncset.done $0x0  }
0x4bd: {  	[sflag:s13] =	ssyncadd.s32 $0xFFFFFF80  }
0x4be: {  	_ =	swait.ge [sflag:s13], $0x80  }
0x4bf: {  	[sflag:s13] =	ssyncset.done $0x0  }
0x4c0: {  	[sflag:s13] =	ssyncadd.s32 $0xFFFFFF80  }
0x4c1: {  	_ =	swait.ge [sflag:s13], $0x80  }
0x4c2: {  	[sflag:s13] =	ssyncset.done $0x0  }
0x4c3: {  	[sflag:s13] =	ssyncadd.s32 $0xFFFFFF80  }
0x4c4: {  	_ =	swait.ge [sflag:s13], $0x80  }
0x4c5: {  	[sflag:s13] =	ssyncset.done $0x0  }
0x4c6: {  	[sflag:s13] =	ssyncadd.s32 $0xFFFFFF80  }
0x4c7: {  	_ =	swait.ge [sflag:s13], $0x80  }
0x4c8: {  	[sflag:s13] =	ssyncset.done $0x0  }
0x4c9: {  	[sflag:s13] =	ssyncadd.s32 $0xFFFFFF80  }
0x4ca: {  	_ =	swait.ge [sflag:s13], $0x80  }
0x4cb: {  	[sflag:s13] =	ssyncset.done $0x0  }
0x4cc: {  	s2 =	sshll.u32 s2, $0x13;
	[sflag:s13] =	ssyncadd.s32 $0xFFFFFF80  }
.Ltmp10:
0x4cd: {  	s2 =	sor.u32 s17, s2;
	_ =	swait.ge [sflag:s13], $0x80;
	(pc) =	sbr.rel .LBB2_13-.Ltmp10, $4  }
0x4ce: {  	s2 =	sshrl.u32 s2, $0x3;
	[sflag:s13] =	ssyncset.done $0x0  }
0x4cf: {  	s2 =	sadd.s32 s7, s2;
	s18 =	sshll.u32 s25, $0x6;
	[sflag:s13] =	ssyncadd.s32 $0xFFFFFF80  }
0x4d0: {  	s19 =	sshrl.u32 s16, $0x3;
	s11 =	sor.u32 $0x1C05, s18;
	[bflag:$0x0] =	sbarrier.arrive $0xFFFF  }
0x4d1: {  	[hbm:s2], [sflag:s11] =	dma.local [spmem:s19], $0x1000  }
.LBB2_15:
0x4d2: {  	_ =	sfence.sel $0x180000  }
0x4d3: {  	[bflag:$0x0] =	sbarrier.arrive $0xFFFF  }
0x4d4: {  	_ =	strace $0x90000047  }
0x4d5: {  	[bflag:$0x2] =	sbarrier.arrive $0xFFFF  }
0x4d6: {  	p0 =	sne.s32 s25, $0x0;
	s0 =	rddreg [dreg:$0x4]  }
0x4d7: {  	s0 =	sadd.s32 @!p0 $0x100000, s0  }
0x4d8: {  	[sflag:s0] =	ssyncadd.tile.s32 @!p0 $0x1;
	_ =	shalt  }
.Lfunc_end2:
_tile_overlayer_lowered:
.L_overlay_start_2:
0x4d9: {  	(tag) =	ssettag $0x2  }
0x4da: {  	s0 =	rddreg [dreg:$0x0];
	s2 =	stileid.u32  }
0x4db: {  	s1 =	rddreg [dreg:$0x1];
	p0 =	sne.s32 s2, $0x0  }
0x4dc: {  	s3 =	rddreg [dreg:$0x2];
	[bflag:$0x3] =	sbarrier.arrive $0xFFFF;
	s2 =	simm.s32 @!p0 $0x1C06  }
0x4dd: {  	[timem:s3], [sflag:s2] =	dma.local @!p0 [hbm:s0], s1  }
0x4de: {  	s0 =	simm.s32 @!p0 $0x6  }
0x4df: {  	_ =	swait.ge @!p0 [sflag:s0], s1  }
0x4e0: {  	s1 =	ssub.s32 @!p0 $0x0, s1;
	[sflag:s0] =	ssyncset.done @!p0 $0x0  }
0x4e1: {  	[sflag:s0] =	ssyncadd.s32 @!p0 s1  }
0x4e2: {  	[bflag:$0x3] =	sbarrier.arrive $0xFFFF  }
0x4e3: {  	_ =	shalt  }

</sc_bundles>
